<compile_context>
chip_gen: v7x
topology: tpu7x:2x2x1
jax: 0.10.2.dev20260603
libtpu: 0.0.44.dev20260713+nightly
codegen_flags: <defaults>
</compile_context>

<pallas_src>
import functools

import jax
import jax.numpy as jnp
from jax import lax
from jax.experimental import pallas as pl
from jax.experimental.pallas import tpu as pltpu
from jax.experimental.pallas import tpu_sc as plsc

N = 10000
D = 128
NC = 2
NS = 16
CHUNK = 128
CH = 40
CH0 = 40
CH1 = 2 * CH - CH0
CHMAX = max(CH0, CH1)
TOTAL_CHUNKS = NS * (CH0 + CH1)
EP = TOTAL_CHUNKS * CHUNK
ACC_ROWS = 10240
ZROWS = ACC_ROWS // NS
DROWS = ZROWS


@functools.lru_cache(maxsize=None)
def _sc_kernels():
    mesh = plsc.VectorSubcoreMesh(core_axis_name="c", subcore_axis_name="s",
                                  num_cores=NC, num_subcores=NS)

    @functools.partial(
        pl.kernel,
        out_type=jax.ShapeDtypeStruct((NC, ACC_ROWS, 16), jnp.float32),
        mesh=mesh,
        scratch_types=[
            pltpu.VMEM((CH, CHUNK), jnp.int32),
            pltpu.VMEM((CHUNK, 16), jnp.float32),
            pltpu.VMEM_SHARED((ACC_ROWS, 16), jnp.float32),
        ],
    )
    def sc_degree(dst_hbm, ones_hbm, zeros_hbm, out_hbm, dst_v, ones_v, acc):
        c = lax.axis_index("c")
        s = lax.axis_index("s")
        pltpu.sync_copy(zeros_hbm, acc.at[pl.ds(s * ZROWS, ZROWS)])
        pltpu.sync_copy(ones_hbm, ones_v)
        pltpu.sync_copy(dst_hbm.at[c, s], dst_v)
        plsc.subcore_barrier()

        def body(j, carry):
            pltpu.sync_copy(ones_v, acc.at[dst_v.at[j]], add=True)
            return carry

        lax.fori_loop(0, CH, body, 0)
        plsc.subcore_barrier()
        pltpu.sync_copy(acc.at[pl.ds(s * DROWS, DROWS)],
                        out_hbm.at[c, pl.ds(s * DROWS, DROWS)])

    NB = 2

    @functools.partial(
        pl.kernel,
        out_type=jax.ShapeDtypeStruct((NC, ACC_ROWS, D), jnp.float32),
        mesh=mesh,
        scratch_types=[
            pltpu.VMEM((CHMAX, CHUNK), jnp.int32),
            pltpu.VMEM((CHMAX, CHUNK), jnp.int32),
            pltpu.VMEM((CHUNK, D), jnp.float32),
            pltpu.VMEM((CHUNK, D), jnp.float32),
            pltpu.VMEM_SHARED((ACC_ROWS, D), jnp.float32),
            pltpu.SemaphoreType.DMA,
            pltpu.SemaphoreType.DMA,
        ],
    )
    def sc_aggregate(g_hbm, src_hbm, dst_hbm, zeros_hbm, out_hbm,
                     src_v, dst_v, buf0, buf1, acc, sem0, sem1):
        c = lax.axis_index("c")
        s = lax.axis_index("s")
        pltpu.sync_copy(zeros_hbm, acc.at[pl.ds(s * ZROWS, ZROWS)])
        pltpu.sync_copy(src_hbm.at[c, s], src_v)
        pltpu.sync_copy(dst_hbm.at[c, s], dst_v)
        plsc.subcore_barrier()

        bufs = (buf0, buf1)
        UNROLL = 8

        def body(i, carry):
            j = i * UNROLL
            sdesc = None
            for k in range(UNROLL):
                pltpu.async_copy(
                    g_hbm.at[src_v.at[j + k]], bufs[k % 2], sem0).wait()
                if sdesc is not None:
                    sdesc.wait()
                sdesc = pltpu.async_copy(
                    bufs[k % 2], acc.at[dst_v.at[j + k]], sem1, add=True)
            sdesc.wait()
            return carry

        lax.fori_loop(0, CH // UNROLL, body, 0)
        plsc.subcore_barrier()
        pltpu.sync_copy(acc.at[pl.ds(s * DROWS, DROWS)],
                        out_hbm.at[c, pl.ds(s * DROWS, DROWS)])

    return sc_degree, sc_aggregate



BR = 1000
NRB = N // BR


def _dinv_block(degp_ref):
    deg = degp_ref[0, :, 0:1] + degp_ref[1, :, 0:1] + 1.0
    return lax.rsqrt(deg)


def _pre_body(h_ref, w_ref, degp_ref, g_ref):
    mm = jnp.dot(h_ref[...], w_ref[...], preferred_element_type=jnp.float32)
    g_ref[...] = _dinv_block(degp_ref) * mm


_pre = pl.pallas_call(
    _pre_body,
    grid=(NRB,),
    in_specs=[
        pl.BlockSpec((BR, D), lambda i: (i, 0)),
        pl.BlockSpec((D, D), lambda i: (0, 0)),
        pl.BlockSpec((NC, BR, 16), lambda i: (0, i, 0)),
    ],
    out_specs=pl.BlockSpec((BR, D), lambda i: (i, 0)),
    out_shape=jax.ShapeDtypeStruct((N, D), jnp.float32),
)


def _post_body(accp_ref, g_ref, b_ref, degp_ref, o_ref, *, relu):
    dinv = _dinv_block(degp_ref)
    v = dinv * (accp_ref[0] + accp_ref[1] + g_ref[...]) + b_ref[...]
    o_ref[...] = jnp.maximum(v, 0.0) if relu else v


def _make_post(relu):
    return pl.pallas_call(
        functools.partial(_post_body, relu=relu),
        grid=(NRB,),
        in_specs=[
            pl.BlockSpec((NC, BR, D), lambda i: (0, i, 0)),
            pl.BlockSpec((BR, D), lambda i: (i, 0)),
            pl.BlockSpec((1, D), lambda i: (0, 0)),
            pl.BlockSpec((NC, BR, 16), lambda i: (0, i, 0)),
        ],
        out_specs=pl.BlockSpec((BR, D), lambda i: (i, 0)),
        out_shape=jax.ShapeDtypeStruct((N, D), jnp.float32),
    )


_post_relu = _make_post(True)
_post_lin = _make_post(False)


def _acca_body(h_ref, wd1_ref, a_ref):
    @pl.when(pl.program_id(0) == 0)
    def _init():
        a_ref[...] = jnp.zeros_like(a_ref)

    a_ref[...] += lax.dot_general(
        h_ref[...], wd1_ref[...], (((0,), (0,)), ((), ())),
        preferred_element_type=jnp.float32)


_acca = pl.pallas_call(
    _acca_body,
    grid=(NRB,),
    in_specs=[
        pl.BlockSpec((BR, D), lambda i: (i, 0)),
        pl.BlockSpec((BR, D), lambda i: (i, 0)),
    ],
    out_specs=pl.BlockSpec((D, D), lambda i: (0, 0)),
    out_shape=jax.ShapeDtypeStruct((D, D), jnp.float32),
)


def _t_body(a_ref, bd1_ref, wd2_ref, bd2_ref, t_ref):
    u = jnp.maximum(a_ref[...] + bd1_ref[...], 0.0)
    t_ref[...] = jnp.dot(u, wd2_ref[...],
                         preferred_element_type=jnp.float32) + bd2_ref[...]


_tker = pl.pallas_call(
    _t_body,
    out_shape=jax.ShapeDtypeStruct((D, D), jnp.float32),
)


def _x_body(h_ref, t_ref, x_ref):
    x_ref[...] = jnp.dot(h_ref[...], t_ref[...],
                         preferred_element_type=jnp.float32)


_xker = pl.pallas_call(
    _x_body,
    grid=(NRB,),
    in_specs=[
        pl.BlockSpec((BR, D), lambda i: (i, 0)),
        pl.BlockSpec((D, D), lambda i: (0, 0)),
    ],
    out_specs=pl.BlockSpec((BR, D), lambda i: (i, 0)),
    out_shape=jax.ShapeDtypeStruct((N, D), jnp.float32),
)


SBR = 1000
SBC = 1024
NSR = N // SBR
NSC = -(-N // SBC)


def _s_body(hsr_ref, hsc_ref, o_ref):
    logits = lax.dot_general(
        hsr_ref[...], hsc_ref[...], (((1,), (1,)), ((), ())),
        preferred_element_type=jnp.float32)
    o_ref[...] = jax.nn.sigmoid(logits)


_sker = pl.pallas_call(
    _s_body,
    grid=(NSR, NSC),
    in_specs=[
        pl.BlockSpec((SBR, D), lambda i, j: (i, 0)),
        pl.BlockSpec((SBC, D), lambda i, j: (j, 0)),
    ],
    out_specs=pl.BlockSpec((SBR, SBC), lambda i, j: (i, j)),
    out_shape=jax.ShapeDtypeStruct((N, N), jnp.float32),
)



def kernel(x, edge_index, We1, be1, We2, be2, Wd1, bd1, Wd2, bd2,
           Ws1, bs1, Ws2, bs2):
    src = edge_index[0].astype(jnp.int32)
    dst = edge_index[1].astype(jnp.int32)
    pad = EP - src.shape[0]
    src_p = jnp.concatenate([src, jnp.zeros((pad,), jnp.int32)])
    dst_p = jnp.concatenate([dst, jnp.full((pad,), N, jnp.int32)])
    src_p = src_p.reshape(TOTAL_CHUNKS, CHUNK)
    dst_p = dst_p.reshape(TOTAL_CHUNKS, CHUNK)
    dst_deg = dst_p.reshape(NC, NS, CH, CHUNK)

    src4 = src_p.reshape(NC, NS, CH, CHUNK)
    dst4 = dst_p.reshape(NC, NS, CH, CHUNK)
    zeros_d = jnp.zeros((ZROWS, D), jnp.float32)
    zeros_16 = jnp.zeros((ZROWS, 16), jnp.float32)
    ones_16 = jnp.ones((CHUNK, 16), jnp.float32)
    be1r, be2r = be1.reshape(1, D), be2.reshape(1, D)
    bs1r, bs2r = bs1.reshape(1, D), bs2.reshape(1, D)

    _sc_degree, _sc_aggregate = _sc_kernels()
    degp = _sc_degree(dst_deg, ones_16, zeros_16)

    g1 = _pre(x, We1, degp)
    p1 = _sc_aggregate(g1, src4, dst4, zeros_d)
    h1 = _post_relu(p1, g1, be1r, degp)
    g2 = _pre(h1, We2, degp)
    p2 = _sc_aggregate(g2, src4, dst4, zeros_d)
    h = _post_lin(p2, g2, be2r, degp)

    a = _acca(h, Wd1)
    t = _tker(a, bd1.reshape(1, D), Wd2, bd2.reshape(1, D))
    x_ = _xker(h, t)

    g3 = _pre(h, Ws1, degp)
    p3 = _sc_aggregate(g3, src4, dst4, zeros_d)
    h3 = _post_relu(p3, g3, bs1r, degp)
    g4 = _pre(h3, Ws2, degp)
    p4 = _sc_aggregate(g4, src4, dst4, zeros_d)
    hs = _post_lin(p4, g4, bs2r, degp)

    s_ = _sker(hs, hs)
    return (x_, s_)

# --- scband reference (transcript-rebuilt; emitter-appended) ---
"""Pipeline reference for scband-fiad-base-68874095559388 (READ-ONLY COPY).

The authoritative reference and input builder live on the scoring server;
editing this copy changes nothing except your own understanding.
"""

import jax, jax.numpy as jnp
import numpy as np

N_NODES = 10000
IN_DIM = 128
HID_DIM = 128
N_EDGES = 160000


def gcn_conv(x, edge_index, W, b):
    # PyG GCNConv with add_self_loops=True and symmetric normalization.
    N = x.shape[0]
    loop = jnp.arange(N, dtype=edge_index.dtype)
    src = jnp.concatenate([edge_index[0], loop])
    dst = jnp.concatenate([edge_index[1], loop])
    deg = jnp.zeros((N,), x.dtype).at[dst].add(1.0)
    dinv = jnp.where(deg > 0, 1.0 / jnp.sqrt(deg), 0.0)
    norm = dinv[src] * dinv[dst]
    h = x @ W
    msg = h[src] * norm[:, None]
    out = jnp.zeros((N, W.shape[1]), x.dtype).at[dst].add(msg)
    return out + b


def setup_inputs(seed: int = 0) -> dict:
    key = jax.random.key(seed)
    ks = jax.random.split(key, 16)
    x = jax.random.normal(ks[0], (N_NODES, IN_DIM), dtype=jnp.float32)
    edge_index = jax.random.randint(ks[1], (2, N_EDGES), 0, N_NODES, dtype=jnp.int64)
    s = 0.05
    # shared encoder: 2 GCN layers (in->hid, hid->hid)
    We1 = jax.random.normal(ks[2], (IN_DIM, HID_DIM), jnp.float32) * s
    be1 = jnp.zeros((HID_DIM,), jnp.float32)
    We2 = jax.random.normal(ks[3], (HID_DIM, HID_DIM), jnp.float32) * s
    be2 = jnp.zeros((HID_DIM,), jnp.float32)
    # attr decoder: Linear(num_nodes -> hid), ReLU, Linear(hid -> in_dim)
    Wd1 = jax.random.normal(ks[4], (N_NODES, HID_DIM), jnp.float32) * s
    bd1 = jnp.zeros((HID_DIM,), jnp.float32)
    Wd2 = jax.random.normal(ks[5], (HID_DIM, IN_DIM), jnp.float32) * s
    bd2 = jnp.zeros((IN_DIM,), jnp.float32)
    # struct decoder: 2 GCN layers (hid->hid, hid->hid)
    Ws1 = jax.random.normal(ks[6], (HID_DIM, HID_DIM), jnp.float32) * s
    bs1 = jnp.zeros((HID_DIM,), jnp.float32)
    Ws2 = jax.random.normal(ks[7], (HID_DIM, HID_DIM), jnp.float32) * s
    bs2 = jnp.zeros((HID_DIM,), jnp.float32)
    return {"x": x, "edge_index": edge_index,
            "We1": We1, "be1": be1, "We2": We2, "be2": be2,
            "Wd1": Wd1, "bd1": bd1, "Wd2": Wd2, "bd2": bd2,
            "Ws1": Ws1, "bs1": bs1, "Ws2": Ws2, "bs2": bs2}


def reference(x, edge_index, We1, be1, We2, be2, Wd1, bd1, Wd2, bd2, Ws1, bs1, Ws2, bs2):
    # shared encoder (PyG BasicGNN: act between layers, none after last; dropout=0 at eval)
    h = gcn_conv(x, edge_index, We1, be1)
    h = jax.nn.relu(h)
    h = gcn_conv(h, edge_index, We2, be2)
    # attr decoder on h.T: Linear(N->hid), ReLU, Linear(hid->in_dim)
    t = jax.nn.relu(h.T @ Wd1 + bd1)
    t = t @ Wd2 + bd2  # [hid, in_dim]
    x_ = h @ t  # [N, in_dim]
    # struct decoder
    hs = gcn_conv(h, edge_index, Ws1, bs1)
    hs = jax.nn.relu(hs)
    hs = gcn_conv(hs, edge_index, Ws2, bs2)
    s_ = jax.nn.sigmoid(hs @ hs.T)  # [N, N]
    return (x_, s_)

if __name__ == "__main__":
    import jax
    _d = setup_inputs()
    print(jax.jit(kernel)(*tuple(_d.values())))

</pallas_src>

<mosaic_0001>
#map = affine_map<(d0, d1) -> (0, 0)>
#map1 = affine_map<(d0, d1) -> (0, 0, 0, 0)>
#map2 = affine_map<(d0, d1) -> (0, 0, 0)>
module attributes {stable_mosaic.version = 14 : i64} {
  func.func @sc_aggregate(%arg0: i32, %arg1: i32, %arg2: memref<10000x128xf32, #tpu.memory_space<hbm>>, %arg3: memref<2x16x40x128xi32, #tpu.memory_space<hbm>>, %arg4: memref<2x16x40x128xi32, #tpu.memory_space<hbm>>, %arg5: memref<640x128xf32, #tpu.memory_space<hbm>>, %arg6: memref<2x10240x128xf32, #tpu.memory_space<hbm>>, %arg7: memref<40x128xi32, #tpu.memory_space<vmem>>, %arg8: memref<40x128xi32, #tpu.memory_space<vmem>>, %arg9: memref<128x128xf32, #tpu.memory_space<vmem>>, %arg10: memref<128x128xf32, #tpu.memory_space<vmem>>, %arg11: memref<10240x128xf32, #tpu.memory_space<vmem_shared>>, %arg12: memref<!tpu.dma_semaphore, #tpu.memory_space<semaphore_mem>>, %arg13: memref<!tpu.dma_semaphore, #tpu.memory_space<semaphore_mem>>) attributes {dimension_semantics = [#tpu.dimension_semantics<core_parallel>, #tpu.dimension_semantics<subcore_parallel>], iteration_bounds = array<i64: 2, 16>, scalar_prefetch = 0 : i64, scratch_operands = 7 : i64, tpu.core_type = #tpu.core_type<sc_vector_subcore>, window_params = [{transform_indices = #map}, {transform_indices = #map1}, {transform_indices = #map1}, {transform_indices = #map}, {transform_indices = #map2}]} {
    %mul3A = arith.constant 640 : i32
    %mul3A_0 = arith.muli %arg1, %mul3A : i32
    "tpu.region"() ({
      %run_scoped3A = tpu.sem_alloc : memref<!tpu.dma_semaphore, #tpu.memory_space<semaphore_mem>>
      %dma_start3A = arith.constant 0 : i32
      %dma_start3A_11 = tpu.memref_slice %arg11[%mul3A_0, %dma_start3A] : memref<10240x128xf32, #tpu.memory_space<vmem_shared>> -> memref<640x128xf32, #tpu.memory_space<vmem_shared>>
      tpu.enqueue_dma source(%arg5 : memref<640x128xf32, #tpu.memory_space<hbm>>) target(%dma_start3A_11 : memref<640x128xf32, #tpu.memory_space<vmem_shared>>) target_semaphore(%run_scoped3A : memref<!tpu.dma_semaphore, #tpu.memory_space<semaphore_mem>>)
      %dma_wait3A = arith.constant 0 : i32
      %dma_wait3A_12 = tpu.memref_slice %arg11[%mul3A_0, %dma_wait3A] : memref<10240x128xf32, #tpu.memory_space<vmem_shared>> -> memref<640x128xf32, #tpu.memory_space<vmem_shared>>
      tpu.wait_dma2 semaphore(%run_scoped3A : memref<!tpu.dma_semaphore, #tpu.memory_space<semaphore_mem>>) src(%arg5 : memref<640x128xf32, #tpu.memory_space<hbm>>) dst(%dma_wait3A_12 : memref<640x128xf32, #tpu.memory_space<vmem_shared>>)
      tpu.yield
    }) : () -> ()
    "tpu.region"() ({
      %run_scoped3A = tpu.sem_alloc : memref<!tpu.dma_semaphore, #tpu.memory_space<semaphore_mem>>
      %dma_start3A = arith.constant 0 : i32
      %dma_start3A_11 = arith.constant 0 : i32
      %dma_start3A_12 = tpu.memref_slice %arg3[%arg0, %arg1, %dma_start3A, %dma_start3A_11] : memref<2x16x40x128xi32, #tpu.memory_space<hbm>> -> memref<1x1x40x128xi32, #tpu.memory_space<hbm>>
      %dma_start3A_13 = tpu.memref_squeeze %dma_start3A_12 : memref<1x1x40x128xi32, #tpu.memory_space<hbm>> -> memref<40x128xi32, #tpu.memory_space<hbm>>
      %dma_start3A_14 = arith.constant 0 : i32
      %dma_start3A_15 = arith.constant 0 : i32
      %dma_start3A_16 = tpu.memref_slice %arg3[%arg0, %arg1, %dma_start3A_14, %dma_start3A_15] : memref<2x16x40x128xi32, #tpu.memory_space<hbm>> -> memref<1x1x40x128xi32, #tpu.memory_space<hbm>>
      %dma_start3A_17 = tpu.memref_squeeze %dma_start3A_16 : memref<1x1x40x128xi32, #tpu.memory_space<hbm>> -> memref<40x128xi32, #tpu.memory_space<hbm>>
      tpu.enqueue_dma source(%dma_start3A_17 : memref<40x128xi32, #tpu.memory_space<hbm>>) target(%arg7 : memref<40x128xi32, #tpu.memory_space<vmem>>) target_semaphore(%run_scoped3A : memref<!tpu.dma_semaphore, #tpu.memory_space<semaphore_mem>>)
      %dma_wait3A = arith.constant 0 : i32
      %dma_wait3A_18 = arith.constant 0 : i32
      %dma_wait3A_19 = tpu.memref_slice %arg3[%arg0, %arg1, %dma_wait3A, %dma_wait3A_18] : memref<2x16x40x128xi32, #tpu.memory_space<hbm>> -> memref<1x1x40x128xi32, #tpu.memory_space<hbm>>
      %dma_wait3A_20 = tpu.memref_squeeze %dma_wait3A_19 : memref<1x1x40x128xi32, #tpu.memory_space<hbm>> -> memref<40x128xi32, #tpu.memory_space<hbm>>
      %dma_wait3A_21 = arith.constant 0 : i32
      %dma_wait3A_22 = arith.constant 0 : i32
      %dma_wait3A_23 = tpu.memref_slice %arg3[%arg0, %arg1, %dma_wait3A_21, %dma_wait3A_22] : memref<2x16x40x128xi32, #tpu.memory_space<hbm>> -> memref<1x1x40x128xi32, #tpu.memory_space<hbm>>
      %dma_wait3A_24 = tpu.memref_squeeze %dma_wait3A_23 : memref<1x1x40x128xi32, #tpu.memory_space<hbm>> -> memref<40x128xi32, #tpu.memory_space<hbm>>
      tpu.wait_dma2 semaphore(%run_scoped3A : memref<!tpu.dma_semaphore, #tpu.memory_space<semaphore_mem>>) src(%dma_wait3A_24 : memref<40x128xi32, #tpu.memory_space<hbm>>) dst(%arg7 : memref<40x128xi32, #tpu.memory_space<vmem>>)
      tpu.yield
    }) : () -> ()
    "tpu.region"() ({
      %run_scoped3A = tpu.sem_alloc : memref<!tpu.dma_semaphore, #tpu.memory_space<semaphore_mem>>
      %dma_start3A = arith.constant 0 : i32
      %dma_start3A_11 = arith.constant 0 : i32
      %dma_start3A_12 = tpu.memref_slice %arg4[%arg0, %arg1, %dma_start3A, %dma_start3A_11] : memref<2x16x40x128xi32, #tpu.memory_space<hbm>> -> memref<1x1x40x128xi32, #tpu.memory_space<hbm>>
      %dma_start3A_13 = tpu.memref_squeeze %dma_start3A_12 : memref<1x1x40x128xi32, #tpu.memory_space<hbm>> -> memref<40x128xi32, #tpu.memory_space<hbm>>
      %dma_start3A_14 = arith.constant 0 : i32
      %dma_start3A_15 = arith.constant 0 : i32
      %dma_start3A_16 = tpu.memref_slice %arg4[%arg0, %arg1, %dma_start3A_14, %dma_start3A_15] : memref<2x16x40x128xi32, #tpu.memory_space<hbm>> -> memref<1x1x40x128xi32, #tpu.memory_space<hbm>>
      %dma_start3A_17 = tpu.memref_squeeze %dma_start3A_16 : memref<1x1x40x128xi32, #tpu.memory_space<hbm>> -> memref<40x128xi32, #tpu.memory_space<hbm>>
      tpu.enqueue_dma source(%dma_start3A_17 : memref<40x128xi32, #tpu.memory_space<hbm>>) target(%arg8 : memref<40x128xi32, #tpu.memory_space<vmem>>) target_semaphore(%run_scoped3A : memref<!tpu.dma_semaphore, #tpu.memory_space<semaphore_mem>>)
      %dma_wait3A = arith.constant 0 : i32
      %dma_wait3A_18 = arith.constant 0 : i32
      %dma_wait3A_19 = tpu.memref_slice %arg4[%arg0, %arg1, %dma_wait3A, %dma_wait3A_18] : memref<2x16x40x128xi32, #tpu.memory_space<hbm>> -> memref<1x1x40x128xi32, #tpu.memory_space<hbm>>
      %dma_wait3A_20 = tpu.memref_squeeze %dma_wait3A_19 : memref<1x1x40x128xi32, #tpu.memory_space<hbm>> -> memref<40x128xi32, #tpu.memory_space<hbm>>
      %dma_wait3A_21 = arith.constant 0 : i32
      %dma_wait3A_22 = arith.constant 0 : i32
      %dma_wait3A_23 = tpu.memref_slice %arg4[%arg0, %arg1, %dma_wait3A_21, %dma_wait3A_22] : memref<2x16x40x128xi32, #tpu.memory_space<hbm>> -> memref<1x1x40x128xi32, #tpu.memory_space<hbm>>
      %dma_wait3A_24 = tpu.memref_squeeze %dma_wait3A_23 : memref<1x1x40x128xi32, #tpu.memory_space<hbm>> -> memref<40x128xi32, #tpu.memory_space<hbm>>
      tpu.wait_dma2 semaphore(%run_scoped3A : memref<!tpu.dma_semaphore, #tpu.memory_space<semaphore_mem>>) src(%dma_wait3A_24 : memref<40x128xi32, #tpu.memory_space<hbm>>) dst(%arg8 : memref<40x128xi32, #tpu.memory_space<vmem>>)
      tpu.yield
    }) : () -> ()
    %barrier3A = arith.constant 0 : index
    tpu.barrier barrier_id(%barrier3A)
    %scan3A = arith.constant 0 : i32
    %scan3A_1 = arith.constant 0 : i32
    %scan3A_2 = arith.constant 5 : i32
    %scan3A_3 = arith.addi %scan3A_1, %scan3A_2 : i32
    %scan3A_4 = arith.constant 1 : i32
    scf.for %scan3A_11 = %scan3A_1 to %scan3A_3 step %scan3A_4  : i32 {
      %mul3A_12 = arith.constant 8 : i32
      %mul3A_13 = arith.muli %scan3A_11, %mul3A_12 : i32
      %add3A = arith.constant 0 : i32
      %add3A_14 = arith.addi %mul3A_13, %add3A : i32
      %dma_start3A = arith.constant 0 : i32
      %dma_start3A_15 = tpu.memref_slice %arg7[%add3A_14, %dma_start3A] : memref<40x128xi32, #tpu.memory_space<vmem>> -> memref<1x128xi32, #tpu.memory_space<vmem>>
      %dma_start3A_16 = tpu.memref_squeeze %dma_start3A_15 : memref<1x128xi32, #tpu.memory_space<vmem>> -> memref<128xi32, #tpu.memory_space<vmem>>
      %dma_start3A_17 = arith.constant 0 : i32
      %dma_start3A_18 = arith.constant 0 : i32
      %dma_start3A_19 = tpu.memref_slice %arg2[%dma_start3A_17, %dma_start3A_18] : memref<10000x128xf32, #tpu.memory_space<hbm>> -> memref<10000x128xf32, #tpu.memory_space<hbm>>
      tpu.enqueue_indirect_dma source(%dma_start3A_19 : memref<10000x128xf32, #tpu.memory_space<hbm>>) target(%arg9 : memref<128x128xf32, #tpu.memory_space<vmem>>) offsets(%dma_start3A_16 : memref<128xi32, #tpu.memory_space<vmem>>) semaphore(%arg12 : memref<!tpu.dma_semaphore, #tpu.memory_space<semaphore_mem>>)
      %dma_wait3A = arith.constant 0 : i32
      %dma_wait3A_20 = tpu.memref_slice %arg7[%add3A_14, %dma_wait3A] : memref<40x128xi32, #tpu.memory_space<vmem>> -> memref<1x128xi32, #tpu.memory_space<vmem>>
      %dma_wait3A_21 = tpu.memref_squeeze %dma_wait3A_20 : memref<1x128xi32, #tpu.memory_space<vmem>> -> memref<128xi32, #tpu.memory_space<vmem>>
      %dma_wait3A_22 = arith.constant 0 : i32
      %dma_wait3A_23 = arith.constant 0 : i32
      %dma_wait3A_24 = tpu.memref_slice %arg2[%dma_wait3A_22, %dma_wait3A_23] : memref<10000x128xf32, #tpu.memory_space<hbm>> -> memref<10000x128xf32, #tpu.memory_space<hbm>>
      tpu.wait_indirect_dma semaphore(%arg12 : memref<!tpu.dma_semaphore, #tpu.memory_space<semaphore_mem>>) src(%dma_wait3A_24 : memref<10000x128xf32, #tpu.memory_space<hbm>>) dst(%arg9 : memref<128x128xf32, #tpu.memory_space<vmem>>)
      %add3A_25 = arith.constant 0 : i32
      %add3A_26 = arith.addi %mul3A_13, %add3A_25 : i32
      %dma_start3A_27 = arith.constant 0 : i32
      %dma_start3A_28 = tpu.memref_slice %arg8[%add3A_26, %dma_start3A_27] : memref<40x128xi32, #tpu.memory_space<vmem>> -> memref<1x128xi32, #tpu.memory_space<vmem>>
      %dma_start3A_29 = tpu.memref_squeeze %dma_start3A_28 : memref<1x128xi32, #tpu.memory_space<vmem>> -> memref<128xi32, #tpu.memory_space<vmem>>
      %dma_start3A_30 = arith.constant 0 : i32
      %dma_start3A_31 = arith.constant 0 : i32
      %dma_start3A_32 = tpu.memref_slice %arg11[%dma_start3A_30, %dma_start3A_31] : memref<10240x128xf32, #tpu.memory_space<vmem_shared>> -> memref<10240x128xf32, #tpu.memory_space<vmem_shared>>
      tpu.enqueue_indirect_dma source(%arg9 : memref<128x128xf32, #tpu.memory_space<vmem>>) target(%dma_start3A_32 : memref<10240x128xf32, #tpu.memory_space<vmem_shared>>) offsets(%dma_start3A_29 : memref<128xi32, #tpu.memory_space<vmem>>) semaphore(%arg13 : memref<!tpu.dma_semaphore, #tpu.memory_space<semaphore_mem>>) {add = true}
      %add3A_33 = arith.constant 1 : i32
      %add3A_34 = arith.addi %mul3A_13, %add3A_33 : i32
      %dma_start3A_35 = arith.constant 0 : i32
      %dma_start3A_36 = tpu.memref_slice %arg7[%add3A_34, %dma_start3A_35] : memref<40x128xi32, #tpu.memory_space<vmem>> -> memref<1x128xi32, #tpu.memory_space<vmem>>
      %dma_start3A_37 = tpu.memref_squeeze %dma_start3A_36 : memref<1x128xi32, #tpu.memory_space<vmem>> -> memref<128xi32, #tpu.memory_space<vmem>>
      %dma_start3A_38 = arith.constant 0 : i32
      %dma_start3A_39 = arith.constant 0 : i32
      %dma_start3A_40 = tpu.memref_slice %arg2[%dma_start3A_38, %dma_start3A_39] : memref<10000x128xf32, #tpu.memory_space<hbm>> -> memref<10000x128xf32, #tpu.memory_space<hbm>>
      tpu.enqueue_indirect_dma source(%dma_start3A_40 : memref<10000x128xf32, #tpu.memory_space<hbm>>) target(%arg10 : memref<128x128xf32, #tpu.memory_space<vmem>>) offsets(%dma_start3A_37 : memref<128xi32, #tpu.memory_space<vmem>>) semaphore(%arg12 : memref<!tpu.dma_semaphore, #tpu.memory_space<semaphore_mem>>)
      %dma_wait3A_41 = arith.constant 0 : i32
      %dma_wait3A_42 = tpu.memref_slice %arg7[%add3A_34, %dma_wait3A_41] : memref<40x128xi32, #tpu.memory_space<vmem>> -> memref<1x128xi32, #tpu.memory_space<vmem>>
      %dma_wait3A_43 = tpu.memref_squeeze %dma_wait3A_42 : memref<1x128xi32, #tpu.memory_space<vmem>> -> memref<128xi32, #tpu.memory_space<vmem>>
      %dma_wait3A_44 = arith.constant 0 : i32
      %dma_wait3A_45 = arith.constant 0 : i32
      %dma_wait3A_46 = tpu.memref_slice %arg2[%dma_wait3A_44, %dma_wait3A_45] : memref<10000x128xf32, #tpu.memory_space<hbm>> -> memref<10000x128xf32, #tpu.memory_space<hbm>>
      tpu.wait_indirect_dma semaphore(%arg12 : memref<!tpu.dma_semaphore, #tpu.memory_space<semaphore_mem>>) src(%dma_wait3A_46 : memref<10000x128xf32, #tpu.memory_space<hbm>>) dst(%arg10 : memref<128x128xf32, #tpu.memory_space<vmem>>)
      %dma_wait3A_47 = arith.constant 0 : i32
      %dma_wait3A_48 = tpu.memref_slice %arg8[%add3A_26, %dma_wait3A_47] : memref<40x128xi32, #tpu.memory_space<vmem>> -> memref<1x128xi32, #tpu.memory_space<vmem>>
      %dma_wait3A_49 = tpu.memref_squeeze %dma_wait3A_48 : memref<1x128xi32, #tpu.memory_space<vmem>> -> memref<128xi32, #tpu.memory_space<vmem>>
      %dma_wait3A_50 = arith.constant 0 : i32
      %dma_wait3A_51 = arith.constant 0 : i32
      %dma_wait3A_52 = tpu.memref_slice %arg11[%dma_wait3A_50, %dma_wait3A_51] : memref<10240x128xf32, #tpu.memory_space<vmem_shared>> -> memref<10240x128xf32, #tpu.memory_space<vmem_shared>>
      tpu.wait_indirect_dma semaphore(%arg13 : memref<!tpu.dma_semaphore, #tpu.memory_space<semaphore_mem>>) src(%arg9 : memref<128x128xf32, #tpu.memory_space<vmem>>) dst(%dma_wait3A_52 : memref<10240x128xf32, #tpu.memory_space<vmem_shared>>)
      %add3A_53 = arith.constant 1 : i32
      %add3A_54 = arith.addi %mul3A_13, %add3A_53 : i32
      %dma_start3A_55 = arith.constant 0 : i32
      %dma_start3A_56 = tpu.memref_slice %arg8[%add3A_54, %dma_start3A_55] : memref<40x128xi32, #tpu.memory_space<vmem>> -> memref<1x128xi32, #tpu.memory_space<vmem>>
      %dma_start3A_57 = tpu.memref_squeeze %dma_start3A_56 : memref<1x128xi32, #tpu.memory_space<vmem>> -> memref<128xi32, #tpu.memory_space<vmem>>
      %dma_start3A_58 = arith.constant 0 : i32
      %dma_start3A_59 = arith.constant 0 : i32
      %dma_start3A_60 = tpu.memref_slice %arg11[%dma_start3A_58, %dma_start3A_59] : memref<10240x128xf32, #tpu.memory_space<vmem_shared>> -> memref<10240x128xf32, #tpu.memory_space<vmem_shared>>
      tpu.enqueue_indirect_dma source(%arg10 : memref<128x128xf32, #tpu.memory_space<vmem>>) target(%dma_start3A_60 : memref<10240x128xf32, #tpu.memory_space<vmem_shared>>) offsets(%dma_start3A_57 : memref<128xi32, #tpu.memory_space<vmem>>) semaphore(%arg13 : memref<!tpu.dma_semaphore, #tpu.memory_space<semaphore_mem>>) {add = true}
      %add3A_61 = arith.constant 2 : i32
      %add3A_62 = arith.addi %mul3A_13, %add3A_61 : i32
      %dma_start3A_63 = arith.constant 0 : i32
      %dma_start3A_64 = tpu.memref_slice %arg7[%add3A_62, %dma_start3A_63] : memref<40x128xi32, #tpu.memory_space<vmem>> -> memref<1x128xi32, #tpu.memory_space<vmem>>
      %dma_start3A_65 = tpu.memref_squeeze %dma_start3A_64 : memref<1x128xi32, #tpu.memory_space<vmem>> -> memref<128xi32, #tpu.memory_space<vmem>>
      %dma_start3A_66 = arith.constant 0 : i32
      %dma_start3A_67 = arith.constant 0 : i32
      %dma_start3A_68 = tpu.memref_slice %arg2[%dma_start3A_66, %dma_start3A_67] : memref<10000x128xf32, #tpu.memory_space<hbm>> -> memref<10000x128xf32, #tpu.memory_space<hbm>>
      tpu.enqueue_indirect_dma source(%dma_start3A_68 : memref<10000x128xf32, #tpu.memory_space<hbm>>) target(%arg9 : memref<128x128xf32, #tpu.memory_space<vmem>>) offsets(%dma_start3A_65 : memref<128xi32, #tpu.memory_space<vmem>>) semaphore(%arg12 : memref<!tpu.dma_semaphore, #tpu.memory_space<semaphore_mem>>)
      %dma_wait3A_69 = arith.constant 0 : i32
      %dma_wait3A_70 = tpu.memref_slice %arg7[%add3A_62, %dma_wait3A_69] : memref<40x128xi32, #tpu.memory_space<vmem>> -> memref<1x128xi32, #tpu.memory_space<vmem>>
      %dma_wait3A_71 = tpu.memref_squeeze %dma_wait3A_70 : memref<1x128xi32, #tpu.memory_space<vmem>> -> memref<128xi32, #tpu.memory_space<vmem>>
      %dma_wait3A_72 = arith.constant 0 : i32
      %dma_wait3A_73 = arith.constant 0 : i32
      %dma_wait3A_74 = tpu.memref_slice %arg2[%dma_wait3A_72, %dma_wait3A_73] : memref<10000x128xf32, #tpu.memory_space<hbm>> -> memref<10000x128xf32, #tpu.memory_space<hbm>>
      tpu.wait_indirect_dma semaphore(%arg12 : memref<!tpu.dma_semaphore, #tpu.memory_space<semaphore_mem>>) src(%dma_wait3A_74 : memref<10000x128xf32, #tpu.memory_space<hbm>>) dst(%arg9 : memref<128x128xf32, #tpu.memory_space<vmem>>)
      %dma_wait3A_75 = arith.constant 0 : i32
      %dma_wait3A_76 = tpu.memref_slice %arg8[%add3A_54, %dma_wait3A_75] : memref<40x128xi32, #tpu.memory_space<vmem>> -> memref<1x128xi32, #tpu.memory_space<vmem>>
      %dma_wait3A_77 = tpu.memref_squeeze %dma_wait3A_76 : memref<1x128xi32, #tpu.memory_space<vmem>> -> memref<128xi32, #tpu.memory_space<vmem>>
      %dma_wait3A_78 = arith.constant 0 : i32
      %dma_wait3A_79 = arith.constant 0 : i32
      %dma_wait3A_80 = tpu.memref_slice %arg11[%dma_wait3A_78, %dma_wait3A_79] : memref<10240x128xf32, #tpu.memory_space<vmem_shared>> -> memref<10240x128xf32, #tpu.memory_space<vmem_shared>>
      tpu.wait_indirect_dma semaphore(%arg13 : memref<!tpu.dma_semaphore, #tpu.memory_space<semaphore_mem>>) src(%arg10 : memref<128x128xf32, #tpu.memory_space<vmem>>) dst(%dma_wait3A_80 : memref<10240x128xf32, #tpu.memory_space<vmem_shared>>)
      %add3A_81 = arith.constant 2 : i32
      %add3A_82 = arith.addi %mul3A_13, %add3A_81 : i32
      %dma_start3A_83 = arith.constant 0 : i32
      %dma_start3A_84 = tpu.memref_slice %arg8[%add3A_82, %dma_start3A_83] : memref<40x128xi32, #tpu.memory_space<vmem>> -> memref<1x128xi32, #tpu.memory_space<vmem>>
      %dma_start3A_85 = tpu.memref_squeeze %dma_start3A_84 : memref<1x128xi32, #tpu.memory_space<vmem>> -> memref<128xi32, #tpu.memory_space<vmem>>
      %dma_start3A_86 = arith.constant 0 : i32
      %dma_start3A_87 = arith.constant 0 : i32
      %dma_start3A_88 = tpu.memref_slice %arg11[%dma_start3A_86, %dma_start3A_87] : memref<10240x128xf32, #tpu.memory_space<vmem_shared>> -> memref<10240x128xf32, #tpu.memory_space<vmem_shared>>
      tpu.enqueue_indirect_dma source(%arg9 : memref<128x128xf32, #tpu.memory_space<vmem>>) target(%dma_start3A_88 : memref<10240x128xf32, #tpu.memory_space<vmem_shared>>) offsets(%dma_start3A_85 : memref<128xi32, #tpu.memory_space<vmem>>) semaphore(%arg13 : memref<!tpu.dma_semaphore, #tpu.memory_space<semaphore_mem>>) {add = true}
      %add3A_89 = arith.constant 3 : i32
      %add3A_90 = arith.addi %mul3A_13, %add3A_89 : i32
      %dma_start3A_91 = arith.constant 0 : i32
      %dma_start3A_92 = tpu.memref_slice %arg7[%add3A_90, %dma_start3A_91] : memref<40x128xi32, #tpu.memory_space<vmem>> -> memref<1x128xi32, #tpu.memory_space<vmem>>
      %dma_start3A_93 = tpu.memref_squeeze %dma_start3A_92 : memref<1x128xi32, #tpu.memory_space<vmem>> -> memref<128xi32, #tpu.memory_space<vmem>>
      %dma_start3A_94 = arith.constant 0 : i32
      %dma_start3A_95 = arith.constant 0 : i32
      %dma_start3A_96 = tpu.memref_slice %arg2[%dma_start3A_94, %dma_start3A_95] : memref<10000x128xf32, #tpu.memory_space<hbm>> -> memref<10000x128xf32, #tpu.memory_space<hbm>>
      tpu.enqueue_indirect_dma source(%dma_start3A_96 : memref<10000x128xf32, #tpu.memory_space<hbm>>) target(%arg10 : memref<128x128xf32, #tpu.memory_space<vmem>>) offsets(%dma_start3A_93 : memref<128xi32, #tpu.memory_space<vmem>>) semaphore(%arg12 : memref<!tpu.dma_semaphore, #tpu.memory_space<semaphore_mem>>)
      %dma_wait3A_97 = arith.constant 0 : i32
      %dma_wait3A_98 = tpu.memref_slice %arg7[%add3A_90, %dma_wait3A_97] : memref<40x128xi32, #tpu.memory_space<vmem>> -> memref<1x128xi32, #tpu.memory_space<vmem>>
      %dma_wait3A_99 = tpu.memref_squeeze %dma_wait3A_98 : memref<1x128xi32, #tpu.memory_space<vmem>> -> memref<128xi32, #tpu.memory_space<vmem>>
      %dma_wait3A_100 = arith.constant 0 : i32
      %dma_wait3A_101 = arith.constant 0 : i32
      %dma_wait3A_102 = tpu.memref_slice %arg2[%dma_wait3A_100, %dma_wait3A_101] : memref<10000x128xf32, #tpu.memory_space<hbm>> -> memref<10000x128xf32, #tpu.memory_space<hbm>>
      tpu.wait_indirect_dma semaphore(%arg12 : memref<!tpu.dma_semaphore, #tpu.memory_space<semaphore_mem>>) src(%dma_wait3A_102 : memref<10000x128xf32, #tpu.memory_space<hbm>>) dst(%arg10 : memref<128x128xf32, #tpu.memory_space<vmem>>)
      %dma_wait3A_103 = arith.constant 0 : i32
      %dma_wait3A_104 = tpu.memref_slice %arg8[%add3A_82, %dma_wait3A_103] : memref<40x128xi32, #tpu.memory_space<vmem>> -> memref<1x128xi32, #tpu.memory_space<vmem>>
      %dma_wait3A_105 = tpu.memref_squeeze %dma_wait3A_104 : memref<1x128xi32, #tpu.memory_space<vmem>> -> memref<128xi32, #tpu.memory_space<vmem>>
      %dma_wait3A_106 = arith.constant 0 : i32
      %dma_wait3A_107 = arith.constant 0 : i32
      %dma_wait3A_108 = tpu.memref_slice %arg11[%dma_wait3A_106, %dma_wait3A_107] : memref<10240x128xf32, #tpu.memory_space<vmem_shared>> -> memref<10240x128xf32, #tpu.memory_space<vmem_shared>>
      tpu.wait_indirect_dma semaphore(%arg13 : memref<!tpu.dma_semaphore, #tpu.memory_space<semaphore_mem>>) src(%arg9 : memref<128x128xf32, #tpu.memory_space<vmem>>) dst(%dma_wait3A_108 : memref<10240x128xf32, #tpu.memory_space<vmem_shared>>)
      %add3A_109 = arith.constant 3 : i32
      %add3A_110 = arith.addi %mul3A_13, %add3A_109 : i32
      %dma_start3A_111 = arith.constant 0 : i32
      %dma_start3A_112 = tpu.memref_slice %arg8[%add3A_110, %dma_start3A_111] : memref<40x128xi32, #tpu.memory_space<vmem>> -> memref<1x128xi32, #tpu.memory_space<vmem>>
      %dma_start3A_113 = tpu.memref_squeeze %dma_start3A_112 : memref<1x128xi32, #tpu.memory_space<vmem>> -> memref<128xi32, #tpu.memory_space<vmem>>
      %dma_start3A_114 = arith.constant 0 : i32
      %dma_start3A_115 = arith.constant 0 : i32
      %dma_start3A_116 = tpu.memref_slice %arg11[%dma_start3A_114, %dma_start3A_115] : memref<10240x128xf32, #tpu.memory_space<vmem_shared>> -> memref<10240x128xf32, #tpu.memory_space<vmem_shared>>
      tpu.enqueue_indirect_dma source(%arg10 : memref<128x128xf32, #tpu.memory_space<vmem>>) target(%dma_start3A_116 : memref<10240x128xf32, #tpu.memory_space<vmem_shared>>) offsets(%dma_start3A_113 : memref<128xi32, #tpu.memory_space<vmem>>) semaphore(%arg13 : memref<!tpu.dma_semaphore, #tpu.memory_space<semaphore_mem>>) {add = true}
      %add3A_117 = arith.constant 4 : i32
      %add3A_118 = arith.addi %mul3A_13, %add3A_117 : i32
      %dma_start3A_119 = arith.constant 0 : i32
      %dma_start3A_120 = tpu.memref_slice %arg7[%add3A_118, %dma_start3A_119] : memref<40x128xi32, #tpu.memory_space<vmem>> -> memref<1x128xi32, #tpu.memory_space<vmem>>
      %dma_start3A_121 = tpu.memref_squeeze %dma_start3A_120 : memref<1x128xi32, #tpu.memory_space<vmem>> -> memref<128xi32, #tpu.memory_space<vmem>>
      %dma_start3A_122 = arith.constant 0 : i32
      %dma_start3A_123 = arith.constant 0 : i32
      %dma_start3A_124 = tpu.memref_slice %arg2[%dma_start3A_122, %dma_start3A_123] : memref<10000x128xf32, #tpu.memory_space<hbm>> -> memref<10000x128xf32, #tpu.memory_space<hbm>>
      tpu.enqueue_indirect_dma source(%dma_start3A_124 : memref<10000x128xf32, #tpu.memory_space<hbm>>) target(%arg9 : memref<128x128xf32, #tpu.memory_space<vmem>>) offsets(%dma_start3A_121 : memref<128xi32, #tpu.memory_space<vmem>>) semaphore(%arg12 : memref<!tpu.dma_semaphore, #tpu.memory_space<semaphore_mem>>)
      %dma_wait3A_125 = arith.constant 0 : i32
      %dma_wait3A_126 = tpu.memref_slice %arg7[%add3A_118, %dma_wait3A_125] : memref<40x128xi32, #tpu.memory_space<vmem>> -> memref<1x128xi32, #tpu.memory_space<vmem>>
      %dma_wait3A_127 = tpu.memref_squeeze %dma_wait3A_126 : memref<1x128xi32, #tpu.memory_space<vmem>> -> memref<128xi32, #tpu.memory_space<vmem>>
      %dma_wait3A_128 = arith.constant 0 : i32
      %dma_wait3A_129 = arith.constant 0 : i32
      %dma_wait3A_130 = tpu.memref_slice %arg2[%dma_wait3A_128, %dma_wait3A_129] : memref<10000x128xf32, #tpu.memory_space<hbm>> -> memref<10000x128xf32, #tpu.memory_space<hbm>>
      tpu.wait_indirect_dma semaphore(%arg12 : memref<!tpu.dma_semaphore, #tpu.memory_space<semaphore_mem>>) src(%dma_wait3A_130 : memref<10000x128xf32, #tpu.memory_space<hbm>>) dst(%arg9 : memref<128x128xf32, #tpu.memory_space<vmem>>)
      %dma_wait3A_131 = arith.constant 0 : i32
      %dma_wait3A_132 = tpu.memref_slice %arg8[%add3A_110, %dma_wait3A_131] : memref<40x128xi32, #tpu.memory_space<vmem>> -> memref<1x128xi32, #tpu.memory_space<vmem>>
      %dma_wait3A_133 = tpu.memref_squeeze %dma_wait3A_132 : memref<1x128xi32, #tpu.memory_space<vmem>> -> memref<128xi32, #tpu.memory_space<vmem>>
      %dma_wait3A_134 = arith.constant 0 : i32
      %dma_wait3A_135 = arith.constant 0 : i32
      %dma_wait3A_136 = tpu.memref_slice %arg11[%dma_wait3A_134, %dma_wait3A_135] : memref<10240x128xf32, #tpu.memory_space<vmem_shared>> -> memref<10240x128xf32, #tpu.memory_space<vmem_shared>>
      tpu.wait_indirect_dma semaphore(%arg13 : memref<!tpu.dma_semaphore, #tpu.memory_space<semaphore_mem>>) src(%arg10 : memref<128x128xf32, #tpu.memory_space<vmem>>) dst(%dma_wait3A_136 : memref<10240x128xf32, #tpu.memory_space<vmem_shared>>)
      %add3A_137 = arith.constant 4 : i32
      %add3A_138 = arith.addi %mul3A_13, %add3A_137 : i32
      %dma_start3A_139 = arith.constant 0 : i32
      %dma_start3A_140 = tpu.memref_slice %arg8[%add3A_138, %dma_start3A_139] : memref<40x128xi32, #tpu.memory_space<vmem>> -> memref<1x128xi32, #tpu.memory_space<vmem>>
      %dma_start3A_141 = tpu.memref_squeeze %dma_start3A_140 : memref<1x128xi32, #tpu.memory_space<vmem>> -> memref<128xi32, #tpu.memory_space<vmem>>
      %dma_start3A_142 = arith.constant 0 : i32
      %dma_start3A_143 = arith.constant 0 : i32
      %dma_start3A_144 = tpu.memref_slice %arg11[%dma_start3A_142, %dma_start3A_143] : memref<10240x128xf32, #tpu.memory_space<vmem_shared>> -> memref<10240x128xf32, #tpu.memory_space<vmem_shared>>
      tpu.enqueue_indirect_dma source(%arg9 : memref<128x128xf32, #tpu.memory_space<vmem>>) target(%dma_start3A_144 : memref<10240x128xf32, #tpu.memory_space<vmem_shared>>) offsets(%dma_start3A_141 : memref<128xi32, #tpu.memory_space<vmem>>) semaphore(%arg13 : memref<!tpu.dma_semaphore, #tpu.memory_space<semaphore_mem>>) {add = true}
      %add3A_145 = arith.constant 5 : i32
      %add3A_146 = arith.addi %mul3A_13, %add3A_145 : i32
      %dma_start3A_147 = arith.constant 0 : i32
      %dma_start3A_148 = tpu.memref_slice %arg7[%add3A_146, %dma_start3A_147] : memref<40x128xi32, #tpu.memory_space<vmem>> -> memref<1x128xi32, #tpu.memory_space<vmem>>
      %dma_start3A_149 = tpu.memref_squeeze %dma_start3A_148 : memref<1x128xi32, #tpu.memory_space<vmem>> -> memref<128xi32, #tpu.memory_space<vmem>>
      %dma_start3A_150 = arith.constant 0 : i32
      %dma_start3A_151 = arith.constant 0 : i32
      %dma_start3A_152 = tpu.memref_slice %arg2[%dma_start3A_150, %dma_start3A_151] : memref<10000x128xf32, #tpu.memory_space<hbm>> -> memref<10000x128xf32, #tpu.memory_space<hbm>>
      tpu.enqueue_indirect_dma source(%dma_start3A_152 : memref<10000x128xf32, #tpu.memory_space<hbm>>) target(%arg10 : memref<128x128xf32, #tpu.memory_space<vmem>>) offsets(%dma_start3A_149 : memref<128xi32, #tpu.memory_space<vmem>>) semaphore(%arg12 : memref<!tpu.dma_semaphore, #tpu.memory_space<semaphore_mem>>)
      %dma_wait3A_153 = arith.constant 0 : i32
      %dma_wait3A_154 = tpu.memref_slice %arg7[%add3A_146, %dma_wait3A_153] : memref<40x128xi32, #tpu.memory_space<vmem>> -> memref<1x128xi32, #tpu.memory_space<vmem>>
      %dma_wait3A_155 = tpu.memref_squeeze %dma_wait3A_154 : memref<1x128xi32, #tpu.memory_space<vmem>> -> memref<128xi32, #tpu.memory_space<vmem>>
      %dma_wait3A_156 = arith.constant 0 : i32
      %dma_wait3A_157 = arith.constant 0 : i32
      %dma_wait3A_158 = tpu.memref_slice %arg2[%dma_wait3A_156, %dma_wait3A_157] : memref<10000x128xf32, #tpu.memory_space<hbm>> -> memref<10000x128xf32, #tpu.memory_space<hbm>>
      tpu.wait_indirect_dma semaphore(%arg12 : memref<!tpu.dma_semaphore, #tpu.memory_space<semaphore_mem>>) src(%dma_wait3A_158 : memref<10000x128xf32, #tpu.memory_space<hbm>>) dst(%arg10 : memref<128x128xf32, #tpu.memory_space<vmem>>)
      %dma_wait3A_159 = arith.constant 0 : i32
      %dma_wait3A_160 = tpu.memref_slice %arg8[%add3A_138, %dma_wait3A_159] : memref<40x128xi32, #tpu.memory_space<vmem>> -> memref<1x128xi32, #tpu.memory_space<vmem>>
      %dma_wait3A_161 = tpu.memref_squeeze %dma_wait3A_160 : memref<1x128xi32, #tpu.memory_space<vmem>> -> memref<128xi32, #tpu.memory_space<vmem>>
      %dma_wait3A_162 = arith.constant 0 : i32
      %dma_wait3A_163 = arith.constant 0 : i32
      %dma_wait3A_164 = tpu.memref_slice %arg11[%dma_wait3A_162, %dma_wait3A_163] : memref<10240x128xf32, #tpu.memory_space<vmem_shared>> -> memref<10240x128xf32, #tpu.memory_space<vmem_shared>>
      tpu.wait_indirect_dma semaphore(%arg13 : memref<!tpu.dma_semaphore, #tpu.memory_space<semaphore_mem>>) src(%arg9 : memref<128x128xf32, #tpu.memory_space<vmem>>) dst(%dma_wait3A_164 : memref<10240x128xf32, #tpu.memory_space<vmem_shared>>)
      %add3A_165 = arith.constant 5 : i32
      %add3A_166 = arith.addi %mul3A_13, %add3A_165 : i32
      %dma_start3A_167 = arith.constant 0 : i32
      %dma_start3A_168 = tpu.memref_slice %arg8[%add3A_166, %dma_start3A_167] : memref<40x128xi32, #tpu.memory_space<vmem>> -> memref<1x128xi32, #tpu.memory_space<vmem>>
      %dma_start3A_169 = tpu.memref_squeeze %dma_start3A_168 : memref<1x128xi32, #tpu.memory_space<vmem>> -> memref<128xi32, #tpu.memory_space<vmem>>
      %dma_start3A_170 = arith.constant 0 : i32
      %dma_start3A_171 = arith.constant 0 : i32
      %dma_start3A_172 = tpu.memref_slice %arg11[%dma_start3A_170, %dma_start3A_171] : memref<10240x128xf32, #tpu.memory_space<vmem_shared>> -> memref<10240x128xf32, #tpu.memory_space<vmem_shared>>
      tpu.enqueue_indirect_dma source(%arg10 : memref<128x128xf32, #tpu.memory_space<vmem>>) target(%dma_start3A_172 : memref<10240x128xf32, #tpu.memory_space<vmem_shared>>) offsets(%dma_start3A_169 : memref<128xi32, #tpu.memory_space<vmem>>) semaphore(%arg13 : memref<!tpu.dma_semaphore, #tpu.memory_space<semaphore_mem>>) {add = true}
      %add3A_173 = arith.constant 6 : i32
      %add3A_174 = arith.addi %mul3A_13, %add3A_173 : i32
      %dma_start3A_175 = arith.constant 0 : i32
      %dma_start3A_176 = tpu.memref_slice %arg7[%add3A_174, %dma_start3A_175] : memref<40x128xi32, #tpu.memory_space<vmem>> -> memref<1x128xi32, #tpu.memory_space<vmem>>
      %dma_start3A_177 = tpu.memref_squeeze %dma_start3A_176 : memref<1x128xi32, #tpu.memory_space<vmem>> -> memref<128xi32, #tpu.memory_space<vmem>>
      %dma_start3A_178 = arith.constant 0 : i32
      %dma_start3A_179 = arith.constant 0 : i32
      %dma_start3A_180 = tpu.memref_slice %arg2[%dma_start3A_178, %dma_start3A_179] : memref<10000x128xf32, #tpu.memory_space<hbm>> -> memref<10000x128xf32, #tpu.memory_space<hbm>>
      tpu.enqueue_indirect_dma source(%dma_start3A_180 : memref<10000x128xf32, #tpu.memory_space<hbm>>) target(%arg9 : memref<128x128xf32, #tpu.memory_space<vmem>>) offsets(%dma_start3A_177 : memref<128xi32, #tpu.memory_space<vmem>>) semaphore(%arg12 : memref<!tpu.dma_semaphore, #tpu.memory_space<semaphore_mem>>)
      %dma_wait3A_181 = arith.constant 0 : i32
      %dma_wait3A_182 = tpu.memref_slice %arg7[%add3A_174, %dma_wait3A_181] : memref<40x128xi32, #tpu.memory_space<vmem>> -> memref<1x128xi32, #tpu.memory_space<vmem>>
      %dma_wait3A_183 = tpu.memref_squeeze %dma_wait3A_182 : memref<1x128xi32, #tpu.memory_space<vmem>> -> memref<128xi32, #tpu.memory_space<vmem>>
      %dma_wait3A_184 = arith.constant 0 : i32
      %dma_wait3A_185 = arith.constant 0 : i32
      %dma_wait3A_186 = tpu.memref_slice %arg2[%dma_wait3A_184, %dma_wait3A_185] : memref<10000x128xf32, #tpu.memory_space<hbm>> -> memref<10000x128xf32, #tpu.memory_space<hbm>>
      tpu.wait_indirect_dma semaphore(%arg12 : memref<!tpu.dma_semaphore, #tpu.memory_space<semaphore_mem>>) src(%dma_wait3A_186 : memref<10000x128xf32, #tpu.memory_space<hbm>>) dst(%arg9 : memref<128x128xf32, #tpu.memory_space<vmem>>)
      %dma_wait3A_187 = arith.constant 0 : i32
      %dma_wait3A_188 = tpu.memref_slice %arg8[%add3A_166, %dma_wait3A_187] : memref<40x128xi32, #tpu.memory_space<vmem>> -> memref<1x128xi32, #tpu.memory_space<vmem>>
      %dma_wait3A_189 = tpu.memref_squeeze %dma_wait3A_188 : memref<1x128xi32, #tpu.memory_space<vmem>> -> memref<128xi32, #tpu.memory_space<vmem>>
      %dma_wait3A_190 = arith.constant 0 : i32
      %dma_wait3A_191 = arith.constant 0 : i32
      %dma_wait3A_192 = tpu.memref_slice %arg11[%dma_wait3A_190, %dma_wait3A_191] : memref<10240x128xf32, #tpu.memory_space<vmem_shared>> -> memref<10240x128xf32, #tpu.memory_space<vmem_shared>>
      tpu.wait_indirect_dma semaphore(%arg13 : memref<!tpu.dma_semaphore, #tpu.memory_space<semaphore_mem>>) src(%arg10 : memref<128x128xf32, #tpu.memory_space<vmem>>) dst(%dma_wait3A_192 : memref<10240x128xf32, #tpu.memory_space<vmem_shared>>)
      %add3A_193 = arith.constant 6 : i32
      %add3A_194 = arith.addi %mul3A_13, %add3A_193 : i32
      %dma_start3A_195 = arith.constant 0 : i32
      %dma_start3A_196 = tpu.memref_slice %arg8[%add3A_194, %dma_start3A_195] : memref<40x128xi32, #tpu.memory_space<vmem>> -> memref<1x128xi32, #tpu.memory_space<vmem>>
      %dma_start3A_197 = tpu.memref_squeeze %dma_start3A_196 : memref<1x128xi32, #tpu.memory_space<vmem>> -> memref<128xi32, #tpu.memory_space<vmem>>
      %dma_start3A_198 = arith.constant 0 : i32
      %dma_start3A_199 = arith.constant 0 : i32
      %dma_start3A_200 = tpu.memref_slice %arg11[%dma_start3A_198, %dma_start3A_199] : memref<10240x128xf32, #tpu.memory_space<vmem_shared>> -> memref<10240x128xf32, #tpu.memory_space<vmem_shared>>
      tpu.enqueue_indirect_dma source(%arg9 : memref<128x128xf32, #tpu.memory_space<vmem>>) target(%dma_start3A_200 : memref<10240x128xf32, #tpu.memory_space<vmem_shared>>) offsets(%dma_start3A_197 : memref<128xi32, #tpu.memory_space<vmem>>) semaphore(%arg13 : memref<!tpu.dma_semaphore, #tpu.memory_space<semaphore_mem>>) {add = true}
      %add3A_201 = arith.constant 7 : i32
      %add3A_202 = arith.addi %mul3A_13, %add3A_201 : i32
      %dma_start3A_203 = arith.constant 0 : i32
      %dma_start3A_204 = tpu.memref_slice %arg7[%add3A_202, %dma_start3A_203] : memref<40x128xi32, #tpu.memory_space<vmem>> -> memref<1x128xi32, #tpu.memory_space<vmem>>
      %dma_start3A_205 = tpu.memref_squeeze %dma_start3A_204 : memref<1x128xi32, #tpu.memory_space<vmem>> -> memref<128xi32, #tpu.memory_space<vmem>>
      %dma_start3A_206 = arith.constant 0 : i32
      %dma_start3A_207 = arith.constant 0 : i32
      %dma_start3A_208 = tpu.memref_slice %arg2[%dma_start3A_206, %dma_start3A_207] : memref<10000x128xf32, #tpu.memory_space<hbm>> -> memref<10000x128xf32, #tpu.memory_space<hbm>>
      tpu.enqueue_indirect_dma source(%dma_start3A_208 : memref<10000x128xf32, #tpu.memory_space<hbm>>) target(%arg10 : memref<128x128xf32, #tpu.memory_space<vmem>>) offsets(%dma_start3A_205 : memref<128xi32, #tpu.memory_space<vmem>>) semaphore(%arg12 : memref<!tpu.dma_semaphore, #tpu.memory_space<semaphore_mem>>)
      %dma_wait3A_209 = arith.constant 0 : i32
      %dma_wait3A_210 = tpu.memref_slice %arg7[%add3A_202, %dma_wait3A_209] : memref<40x128xi32, #tpu.memory_space<vmem>> -> memref<1x128xi32, #tpu.memory_space<vmem>>
      %dma_wait3A_211 = tpu.memref_squeeze %dma_wait3A_210 : memref<1x128xi32, #tpu.memory_space<vmem>> -> memref<128xi32, #tpu.memory_space<vmem>>
      %dma_wait3A_212 = arith.constant 0 : i32
      %dma_wait3A_213 = arith.constant 0 : i32
      %dma_wait3A_214 = tpu.memref_slice %arg2[%dma_wait3A_212, %dma_wait3A_213] : memref<10000x128xf32, #tpu.memory_space<hbm>> -> memref<10000x128xf32, #tpu.memory_space<hbm>>
      tpu.wait_indirect_dma semaphore(%arg12 : memref<!tpu.dma_semaphore, #tpu.memory_space<semaphore_mem>>) src(%dma_wait3A_214 : memref<10000x128xf32, #tpu.memory_space<hbm>>) dst(%arg10 : memref<128x128xf32, #tpu.memory_space<vmem>>)
      %dma_wait3A_215 = arith.constant 0 : i32
      %dma_wait3A_216 = tpu.memref_slice %arg8[%add3A_194, %dma_wait3A_215] : memref<40x128xi32, #tpu.memory_space<vmem>> -> memref<1x128xi32, #tpu.memory_space<vmem>>
      %dma_wait3A_217 = tpu.memref_squeeze %dma_wait3A_216 : memref<1x128xi32, #tpu.memory_space<vmem>> -> memref<128xi32, #tpu.memory_space<vmem>>
      %dma_wait3A_218 = arith.constant 0 : i32
      %dma_wait3A_219 = arith.constant 0 : i32
      %dma_wait3A_220 = tpu.memref_slice %arg11[%dma_wait3A_218, %dma_wait3A_219] : memref<10240x128xf32, #tpu.memory_space<vmem_shared>> -> memref<10240x128xf32, #tpu.memory_space<vmem_shared>>
      tpu.wait_indirect_dma semaphore(%arg13 : memref<!tpu.dma_semaphore, #tpu.memory_space<semaphore_mem>>) src(%arg9 : memref<128x128xf32, #tpu.memory_space<vmem>>) dst(%dma_wait3A_220 : memref<10240x128xf32, #tpu.memory_space<vmem_shared>>)
      %add3A_221 = arith.constant 7 : i32
      %add3A_222 = arith.addi %mul3A_13, %add3A_221 : i32
      %dma_start3A_223 = arith.constant 0 : i32
      %dma_start3A_224 = tpu.memref_slice %arg8[%add3A_222, %dma_start3A_223] : memref<40x128xi32, #tpu.memory_space<vmem>> -> memref<1x128xi32, #tpu.memory_space<vmem>>
      %dma_start3A_225 = tpu.memref_squeeze %dma_start3A_224 : memref<1x128xi32, #tpu.memory_space<vmem>> -> memref<128xi32, #tpu.memory_space<vmem>>
      %dma_start3A_226 = arith.constant 0 : i32
      %dma_start3A_227 = arith.constant 0 : i32
      %dma_start3A_228 = tpu.memref_slice %arg11[%dma_start3A_226, %dma_start3A_227] : memref<10240x128xf32, #tpu.memory_space<vmem_shared>> -> memref<10240x128xf32, #tpu.memory_space<vmem_shared>>
      tpu.enqueue_indirect_dma source(%arg10 : memref<128x128xf32, #tpu.memory_space<vmem>>) target(%dma_start3A_228 : memref<10240x128xf32, #tpu.memory_space<vmem_shared>>) offsets(%dma_start3A_225 : memref<128xi32, #tpu.memory_space<vmem>>) semaphore(%arg13 : memref<!tpu.dma_semaphore, #tpu.memory_space<semaphore_mem>>) {add = true}
      %dma_wait3A_229 = arith.constant 0 : i32
      %dma_wait3A_230 = tpu.memref_slice %arg8[%add3A_222, %dma_wait3A_229] : memref<40x128xi32, #tpu.memory_space<vmem>> -> memref<1x128xi32, #tpu.memory_space<vmem>>
      %dma_wait3A_231 = tpu.memref_squeeze %dma_wait3A_230 : memref<1x128xi32, #tpu.memory_space<vmem>> -> memref<128xi32, #tpu.memory_space<vmem>>
      %dma_wait3A_232 = arith.constant 0 : i32
      %dma_wait3A_233 = arith.constant 0 : i32
      %dma_wait3A_234 = tpu.memref_slice %arg11[%dma_wait3A_232, %dma_wait3A_233] : memref<10240x128xf32, #tpu.memory_space<vmem_shared>> -> memref<10240x128xf32, #tpu.memory_space<vmem_shared>>
      tpu.wait_indirect_dma semaphore(%arg13 : memref<!tpu.dma_semaphore, #tpu.memory_space<semaphore_mem>>) src(%arg10 : memref<128x128xf32, #tpu.memory_space<vmem>>) dst(%dma_wait3A_234 : memref<10240x128xf32, #tpu.memory_space<vmem_shared>>)
    }
    %scan3A_5 = arith.constant 5 : i32
    %barrier3A_6 = arith.constant 0 : index
    tpu.barrier barrier_id(%barrier3A_6)
    %mul3A_7 = arith.constant 640 : i32
    %mul3A_8 = arith.muli %arg1, %mul3A_7 : i32
    %mul3A_9 = arith.constant 640 : i32
    %mul3A_10 = arith.muli %arg1, %mul3A_9 : i32
    "tpu.region"() ({
      %run_scoped3A = tpu.sem_alloc : memref<!tpu.dma_semaphore, #tpu.memory_space<semaphore_mem>>
      %dma_start3A = arith.constant 0 : i32
      %dma_start3A_11 = tpu.memref_slice %arg6[%arg0, %mul3A_10, %dma_start3A] : memref<2x10240x128xf32, #tpu.memory_space<hbm>> -> memref<1x640x128xf32, #tpu.memory_space<hbm>>
      %dma_start3A_12 = tpu.memref_squeeze %dma_start3A_11 : memref<1x640x128xf32, #tpu.memory_space<hbm>> -> memref<640x128xf32, #tpu.memory_space<hbm>>
      %dma_start3A_13 = arith.constant 0 : i32
      %dma_start3A_14 = tpu.memref_slice %arg11[%mul3A_8, %dma_start3A_13] : memref<10240x128xf32, #tpu.memory_space<vmem_shared>> -> memref<640x128xf32, #tpu.memory_space<vmem_shared>>
      tpu.enqueue_dma source(%dma_start3A_14 : memref<640x128xf32, #tpu.memory_space<vmem_shared>>) target(%dma_start3A_12 : memref<640x128xf32, #tpu.memory_space<hbm>>) target_semaphore(%run_scoped3A : memref<!tpu.dma_semaphore, #tpu.memory_space<semaphore_mem>>)
      %dma_wait3A = arith.constant 0 : i32
      %dma_wait3A_15 = tpu.memref_slice %arg6[%arg0, %mul3A_10, %dma_wait3A] : memref<2x10240x128xf32, #tpu.memory_space<hbm>> -> memref<1x640x128xf32, #tpu.memory_space<hbm>>
      %dma_wait3A_16 = tpu.memref_squeeze %dma_wait3A_15 : memref<1x640x128xf32, #tpu.memory_space<hbm>> -> memref<640x128xf32, #tpu.memory_space<hbm>>
      %dma_wait3A_17 = arith.constant 0 : i32
      %dma_wait3A_18 = tpu.memref_slice %arg11[%mul3A_8, %dma_wait3A_17] : memref<10240x128xf32, #tpu.memory_space<vmem_shared>> -> memref<640x128xf32, #tpu.memory_space<vmem_shared>>
      tpu.wait_dma2 semaphore(%run_scoped3A : memref<!tpu.dma_semaphore, #tpu.memory_space<semaphore_mem>>) src(%dma_wait3A_18 : memref<640x128xf32, #tpu.memory_space<vmem_shared>>) dst(%dma_wait3A_16 : memref<640x128xf32, #tpu.memory_space<hbm>>)
      tpu.yield
    }) : () -> ()
    return
  }
}

#map = affine_map<(d0, d1) -> (0, 0, 0, 0)>
#map1 = affine_map<(d0, d1) -> (0, 0)>
#map2 = affine_map<(d0, d1) -> (0, 0, 0)>
module attributes {stable_mosaic.version = 14 : i64} {
  func.func @sc_degree(%arg0: i32, %arg1: i32, %arg2: memref<2x16x40x128xi32, #tpu.memory_space<hbm>>, %arg3: memref<128x16xf32, #tpu.memory_space<hbm>>, %arg4: memref<640x16xf32, #tpu.memory_space<hbm>>, %arg5: memref<2x10240x16xf32, #tpu.memory_space<hbm>>, %arg6: memref<40x128xi32, #tpu.memory_space<vmem>>, %arg7: memref<128x16xf32, #tpu.memory_space<vmem>>, %arg8: memref<10240x16xf32, #tpu.memory_space<vmem_shared>>) attributes {dimension_semantics = [#tpu.dimension_semantics<core_parallel>, #tpu.dimension_semantics<subcore_parallel>], iteration_bounds = array<i64: 2, 16>, scalar_prefetch = 0 : i64, scratch_operands = 3 : i64, tpu.core_type = #tpu.core_type<sc_vector_subcore>, window_params = [{transform_indices = #map}, {transform_indices = #map1}, {transform_indices = #map1}, {transform_indices = #map2}]} {
    %mul3A = arith.constant 640 : i32
    %mul3A_0 = arith.muli %arg1, %mul3A : i32
    "tpu.region"() ({
      %run_scoped3A = tpu.sem_alloc : memref<!tpu.dma_semaphore, #tpu.memory_space<semaphore_mem>>
      %dma_start3A = arith.constant 0 : i32
      %dma_start3A_11 = tpu.memref_slice %arg8[%mul3A_0, %dma_start3A] : memref<10240x16xf32, #tpu.memory_space<vmem_shared>> -> memref<640x16xf32, #tpu.memory_space<vmem_shared>>
      tpu.enqueue_dma source(%arg4 : memref<640x16xf32, #tpu.memory_space<hbm>>) target(%dma_start3A_11 : memref<640x16xf32, #tpu.memory_space<vmem_shared>>) target_semaphore(%run_scoped3A : memref<!tpu.dma_semaphore, #tpu.memory_space<semaphore_mem>>)
      %dma_wait3A = arith.constant 0 : i32
      %dma_wait3A_12 = tpu.memref_slice %arg8[%mul3A_0, %dma_wait3A] : memref<10240x16xf32, #tpu.memory_space<vmem_shared>> -> memref<640x16xf32, #tpu.memory_space<vmem_shared>>
      tpu.wait_dma2 semaphore(%run_scoped3A : memref<!tpu.dma_semaphore, #tpu.memory_space<semaphore_mem>>) src(%arg4 : memref<640x16xf32, #tpu.memory_space<hbm>>) dst(%dma_wait3A_12 : memref<640x16xf32, #tpu.memory_space<vmem_shared>>)
      tpu.yield
    }) : () -> ()
    "tpu.region"() ({
      %run_scoped3A = tpu.sem_alloc : memref<!tpu.dma_semaphore, #tpu.memory_space<semaphore_mem>>
      tpu.enqueue_dma source(%arg3 : memref<128x16xf32, #tpu.memory_space<hbm>>) target(%arg7 : memref<128x16xf32, #tpu.memory_space<vmem>>) target_semaphore(%run_scoped3A : memref<!tpu.dma_semaphore, #tpu.memory_space<semaphore_mem>>)
      tpu.wait_dma2 semaphore(%run_scoped3A : memref<!tpu.dma_semaphore, #tpu.memory_space<semaphore_mem>>) src(%arg3 : memref<128x16xf32, #tpu.memory_space<hbm>>) dst(%arg7 : memref<128x16xf32, #tpu.memory_space<vmem>>)
      tpu.yield
    }) : () -> ()
    "tpu.region"() ({
      %run_scoped3A = tpu.sem_alloc : memref<!tpu.dma_semaphore, #tpu.memory_space<semaphore_mem>>
      %dma_start3A = arith.constant 0 : i32
      %dma_start3A_11 = arith.constant 0 : i32
      %dma_start3A_12 = tpu.memref_slice %arg2[%arg0, %arg1, %dma_start3A, %dma_start3A_11] : memref<2x16x40x128xi32, #tpu.memory_space<hbm>> -> memref<1x1x40x128xi32, #tpu.memory_space<hbm>>
      %dma_start3A_13 = tpu.memref_squeeze %dma_start3A_12 : memref<1x1x40x128xi32, #tpu.memory_space<hbm>> -> memref<40x128xi32, #tpu.memory_space<hbm>>
      %dma_start3A_14 = arith.constant 0 : i32
      %dma_start3A_15 = arith.constant 0 : i32
      %dma_start3A_16 = tpu.memref_slice %arg2[%arg0, %arg1, %dma_start3A_14, %dma_start3A_15] : memref<2x16x40x128xi32, #tpu.memory_space<hbm>> -> memref<1x1x40x128xi32, #tpu.memory_space<hbm>>
      %dma_start3A_17 = tpu.memref_squeeze %dma_start3A_16 : memref<1x1x40x128xi32, #tpu.memory_space<hbm>> -> memref<40x128xi32, #tpu.memory_space<hbm>>
      tpu.enqueue_dma source(%dma_start3A_17 : memref<40x128xi32, #tpu.memory_space<hbm>>) target(%arg6 : memref<40x128xi32, #tpu.memory_space<vmem>>) target_semaphore(%run_scoped3A : memref<!tpu.dma_semaphore, #tpu.memory_space<semaphore_mem>>)
      %dma_wait3A = arith.constant 0 : i32
      %dma_wait3A_18 = arith.constant 0 : i32
      %dma_wait3A_19 = tpu.memref_slice %arg2[%arg0, %arg1, %dma_wait3A, %dma_wait3A_18] : memref<2x16x40x128xi32, #tpu.memory_space<hbm>> -> memref<1x1x40x128xi32, #tpu.memory_space<hbm>>
      %dma_wait3A_20 = tpu.memref_squeeze %dma_wait3A_19 : memref<1x1x40x128xi32, #tpu.memory_space<hbm>> -> memref<40x128xi32, #tpu.memory_space<hbm>>
      %dma_wait3A_21 = arith.constant 0 : i32
      %dma_wait3A_22 = arith.constant 0 : i32
      %dma_wait3A_23 = tpu.memref_slice %arg2[%arg0, %arg1, %dma_wait3A_21, %dma_wait3A_22] : memref<2x16x40x128xi32, #tpu.memory_space<hbm>> -> memref<1x1x40x128xi32, #tpu.memory_space<hbm>>
      %dma_wait3A_24 = tpu.memref_squeeze %dma_wait3A_23 : memref<1x1x40x128xi32, #tpu.memory_space<hbm>> -> memref<40x128xi32, #tpu.memory_space<hbm>>
      tpu.wait_dma2 semaphore(%run_scoped3A : memref<!tpu.dma_semaphore, #tpu.memory_space<semaphore_mem>>) src(%dma_wait3A_24 : memref<40x128xi32, #tpu.memory_space<hbm>>) dst(%arg6 : memref<40x128xi32, #tpu.memory_space<vmem>>)
      tpu.yield
    }) : () -> ()
    %barrier3A = arith.constant 0 : index
    tpu.barrier barrier_id(%barrier3A)
    %scan3A = arith.constant 0 : i32
    %scan3A_1 = arith.constant 0 : i32
    %scan3A_2 = arith.constant 40 : i32
    %scan3A_3 = arith.addi %scan3A_1, %scan3A_2 : i32
    %scan3A_4 = arith.constant 1 : i32
    scf.for %scan3A_11 = %scan3A_1 to %scan3A_3 step %scan3A_4  : i32 {
      "tpu.region"() ({
        %run_scoped3A = tpu.sem_alloc : memref<!tpu.dma_semaphore, #tpu.memory_space<semaphore_mem>>
        %dma_start3A = arith.constant 0 : i32
        %dma_start3A_12 = tpu.memref_slice %arg6[%scan3A_11, %dma_start3A] : memref<40x128xi32, #tpu.memory_space<vmem>> -> memref<1x128xi32, #tpu.memory_space<vmem>>
        %dma_start3A_13 = tpu.memref_squeeze %dma_start3A_12 : memref<1x128xi32, #tpu.memory_space<vmem>> -> memref<128xi32, #tpu.memory_space<vmem>>
        %dma_start3A_14 = arith.constant 0 : i32
        %dma_start3A_15 = arith.constant 0 : i32
        %dma_start3A_16 = tpu.memref_slice %arg8[%dma_start3A_14, %dma_start3A_15] : memref<10240x16xf32, #tpu.memory_space<vmem_shared>> -> memref<10240x16xf32, #tpu.memory_space<vmem_shared>>
        tpu.enqueue_indirect_dma source(%arg7 : memref<128x16xf32, #tpu.memory_space<vmem>>) target(%dma_start3A_16 : memref<10240x16xf32, #tpu.memory_space<vmem_shared>>) offsets(%dma_start3A_13 : memref<128xi32, #tpu.memory_space<vmem>>) semaphore(%run_scoped3A : memref<!tpu.dma_semaphore, #tpu.memory_space<semaphore_mem>>) {add = true}
        %dma_wait3A = arith.constant 0 : i32
        %dma_wait3A_17 = tpu.memref_slice %arg6[%scan3A_11, %dma_wait3A] : memref<40x128xi32, #tpu.memory_space<vmem>> -> memref<1x128xi32, #tpu.memory_space<vmem>>
        %dma_wait3A_18 = tpu.memref_squeeze %dma_wait3A_17 : memref<1x128xi32, #tpu.memory_space<vmem>> -> memref<128xi32, #tpu.memory_space<vmem>>
        %dma_wait3A_19 = arith.constant 0 : i32
        %dma_wait3A_20 = arith.constant 0 : i32
        %dma_wait3A_21 = tpu.memref_slice %arg8[%dma_wait3A_19, %dma_wait3A_20] : memref<10240x16xf32, #tpu.memory_space<vmem_shared>> -> memref<10240x16xf32, #tpu.memory_space<vmem_shared>>
        tpu.wait_indirect_dma semaphore(%run_scoped3A : memref<!tpu.dma_semaphore, #tpu.memory_space<semaphore_mem>>) src(%arg7 : memref<128x16xf32, #tpu.memory_space<vmem>>) dst(%dma_wait3A_21 : memref<10240x16xf32, #tpu.memory_space<vmem_shared>>)
        tpu.yield
      }) : () -> ()
    }
    %scan3A_5 = arith.constant 40 : i32
    %barrier3A_6 = arith.constant 0 : index
    tpu.barrier barrier_id(%barrier3A_6)
    %mul3A_7 = arith.constant 640 : i32
    %mul3A_8 = arith.muli %arg1, %mul3A_7 : i32
    %mul3A_9 = arith.constant 640 : i32
    %mul3A_10 = arith.muli %arg1, %mul3A_9 : i32
    "tpu.region"() ({
      %run_scoped3A = tpu.sem_alloc : memref<!tpu.dma_semaphore, #tpu.memory_space<semaphore_mem>>
      %dma_start3A = arith.constant 0 : i32
      %dma_start3A_11 = tpu.memref_slice %arg5[%arg0, %mul3A_10, %dma_start3A] : memref<2x10240x16xf32, #tpu.memory_space<hbm>> -> memref<1x640x16xf32, #tpu.memory_space<hbm>>
      %dma_start3A_12 = tpu.memref_squeeze %dma_start3A_11 : memref<1x640x16xf32, #tpu.memory_space<hbm>> -> memref<640x16xf32, #tpu.memory_space<hbm>>
      %dma_start3A_13 = arith.constant 0 : i32
      %dma_start3A_14 = tpu.memref_slice %arg8[%mul3A_8, %dma_start3A_13] : memref<10240x16xf32, #tpu.memory_space<vmem_shared>> -> memref<640x16xf32, #tpu.memory_space<vmem_shared>>
      tpu.enqueue_dma source(%dma_start3A_14 : memref<640x16xf32, #tpu.memory_space<vmem_shared>>) target(%dma_start3A_12 : memref<640x16xf32, #tpu.memory_space<hbm>>) target_semaphore(%run_scoped3A : memref<!tpu.dma_semaphore, #tpu.memory_space<semaphore_mem>>)
      %dma_wait3A = arith.constant 0 : i32
      %dma_wait3A_15 = tpu.memref_slice %arg5[%arg0, %mul3A_10, %dma_wait3A] : memref<2x10240x16xf32, #tpu.memory_space<hbm>> -> memref<1x640x16xf32, #tpu.memory_space<hbm>>
      %dma_wait3A_16 = tpu.memref_squeeze %dma_wait3A_15 : memref<1x640x16xf32, #tpu.memory_space<hbm>> -> memref<640x16xf32, #tpu.memory_space<hbm>>
      %dma_wait3A_17 = arith.constant 0 : i32
      %dma_wait3A_18 = tpu.memref_slice %arg8[%mul3A_8, %dma_wait3A_17] : memref<10240x16xf32, #tpu.memory_space<vmem_shared>> -> memref<640x16xf32, #tpu.memory_space<vmem_shared>>
      tpu.wait_dma2 semaphore(%run_scoped3A : memref<!tpu.dma_semaphore, #tpu.memory_space<semaphore_mem>>) src(%dma_wait3A_18 : memref<640x16xf32, #tpu.memory_space<vmem_shared>>) dst(%dma_wait3A_16 : memref<640x16xf32, #tpu.memory_space<hbm>>)
      tpu.yield
    }) : () -> ()
    return
  }
}

#map = affine_map<(d0, d1) -> (0, 0)>
#map1 = affine_map<(d0, d1) -> (0, 0, 0, 0)>
#map2 = affine_map<(d0, d1) -> (0, 0, 0)>
module attributes {stable_mosaic.version = 14 : i64} {
  func.func @sc_aggregate(%arg0: i32, %arg1: i32, %arg2: memref<10000x128xf32, #tpu.memory_space<hbm>>, %arg3: memref<2x16x40x128xi32, #tpu.memory_space<hbm>>, %arg4: memref<2x16x40x128xi32, #tpu.memory_space<hbm>>, %arg5: memref<640x128xf32, #tpu.memory_space<hbm>>, %arg6: memref<2x10240x128xf32, #tpu.memory_space<hbm>>, %arg7: memref<40x128xi32, #tpu.memory_space<vmem>>, %arg8: memref<40x128xi32, #tpu.memory_space<vmem>>, %arg9: memref<128x128xf32, #tpu.memory_space<vmem>>, %arg10: memref<128x128xf32, #tpu.memory_space<vmem>>, %arg11: memref<10240x128xf32, #tpu.memory_space<vmem_shared>>, %arg12: memref<!tpu.dma_semaphore, #tpu.memory_space<semaphore_mem>>, %arg13: memref<!tpu.dma_semaphore, #tpu.memory_space<semaphore_mem>>) attributes {dimension_semantics = [#tpu.dimension_semantics<core_parallel>, #tpu.dimension_semantics<subcore_parallel>], iteration_bounds = array<i64: 2, 16>, scalar_prefetch = 0 : i64, scratch_operands = 7 : i64, tpu.core_type = #tpu.core_type<sc_vector_subcore>, window_params = [{transform_indices = #map}, {transform_indices = #map1}, {transform_indices = #map1}, {transform_indices = #map}, {transform_indices = #map2}]} {
    %mul3A = arith.constant 640 : i32
    %mul3A_0 = arith.muli %arg1, %mul3A : i32
    "tpu.region"() ({
      %run_scoped3A = tpu.sem_alloc : memref<!tpu.dma_semaphore, #tpu.memory_space<semaphore_mem>>
      %dma_start3A = arith.constant 0 : i32
      %dma_start3A_11 = tpu.memref_slice %arg11[%mul3A_0, %dma_start3A] : memref<10240x128xf32, #tpu.memory_space<vmem_shared>> -> memref<640x128xf32, #tpu.memory_space<vmem_shared>>
      tpu.enqueue_dma source(%arg5 : memref<640x128xf32, #tpu.memory_space<hbm>>) target(%dma_start3A_11 : memref<640x128xf32, #tpu.memory_space<vmem_shared>>) target_semaphore(%run_scoped3A : memref<!tpu.dma_semaphore, #tpu.memory_space<semaphore_mem>>)
      %dma_wait3A = arith.constant 0 : i32
      %dma_wait3A_12 = tpu.memref_slice %arg11[%mul3A_0, %dma_wait3A] : memref<10240x128xf32, #tpu.memory_space<vmem_shared>> -> memref<640x128xf32, #tpu.memory_space<vmem_shared>>
      tpu.wait_dma2 semaphore(%run_scoped3A : memref<!tpu.dma_semaphore, #tpu.memory_space<semaphore_mem>>) src(%arg5 : memref<640x128xf32, #tpu.memory_space<hbm>>) dst(%dma_wait3A_12 : memref<640x128xf32, #tpu.memory_space<vmem_shared>>)
      tpu.yield
    }) : () -> ()
    "tpu.region"() ({
      %run_scoped3A = tpu.sem_alloc : memref<!tpu.dma_semaphore, #tpu.memory_space<semaphore_mem>>
      %dma_start3A = arith.constant 0 : i32
      %dma_start3A_11 = arith.constant 0 : i32
      %dma_start3A_12 = tpu.memref_slice %arg3[%arg0, %arg1, %dma_start3A, %dma_start3A_11] : memref<2x16x40x128xi32, #tpu.memory_space<hbm>> -> memref<1x1x40x128xi32, #tpu.memory_space<hbm>>
      %dma_start3A_13 = tpu.memref_squeeze %dma_start3A_12 : memref<1x1x40x128xi32, #tpu.memory_space<hbm>> -> memref<40x128xi32, #tpu.memory_space<hbm>>
      %dma_start3A_14 = arith.constant 0 : i32
      %dma_start3A_15 = arith.constant 0 : i32
      %dma_start3A_16 = tpu.memref_slice %arg3[%arg0, %arg1, %dma_start3A_14, %dma_start3A_15] : memref<2x16x40x128xi32, #tpu.memory_space<hbm>> -> memref<1x1x40x128xi32, #tpu.memory_space<hbm>>
      %dma_start3A_17 = tpu.memref_squeeze %dma_start3A_16 : memref<1x1x40x128xi32, #tpu.memory_space<hbm>> -> memref<40x128xi32, #tpu.memory_space<hbm>>
      tpu.enqueue_dma source(%dma_start3A_17 : memref<40x128xi32, #tpu.memory_space<hbm>>) target(%arg7 : memref<40x128xi32, #tpu.memory_space<vmem>>) target_semaphore(%run_scoped3A : memref<!tpu.dma_semaphore, #tpu.memory_space<semaphore_mem>>)
      %dma_wait3A = arith.constant 0 : i32
      %dma_wait3A_18 = arith.constant 0 : i32
      %dma_wait3A_19 = tpu.memref_slice %arg3[%arg0, %arg1, %dma_wait3A, %dma_wait3A_18] : memref<2x16x40x128xi32, #tpu.memory_space<hbm>> -> memref<1x1x40x128xi32, #tpu.memory_space<hbm>>
      %dma_wait3A_20 = tpu.memref_squeeze %dma_wait3A_19 : memref<1x1x40x128xi32, #tpu.memory_space<hbm>> -> memref<40x128xi32, #tpu.memory_space<hbm>>
      %dma_wait3A_21 = arith.constant 0 : i32
      %dma_wait3A_22 = arith.constant 0 : i32
      %dma_wait3A_23 = tpu.memref_slice %arg3[%arg0, %arg1, %dma_wait3A_21, %dma_wait3A_22] : memref<2x16x40x128xi32, #tpu.memory_space<hbm>> -> memref<1x1x40x128xi32, #tpu.memory_space<hbm>>
      %dma_wait3A_24 = tpu.memref_squeeze %dma_wait3A_23 : memref<1x1x40x128xi32, #tpu.memory_space<hbm>> -> memref<40x128xi32, #tpu.memory_space<hbm>>
      tpu.wait_dma2 semaphore(%run_scoped3A : memref<!tpu.dma_semaphore, #tpu.memory_space<semaphore_mem>>) src(%dma_wait3A_24 : memref<40x128xi32, #tpu.memory_space<hbm>>) dst(%arg7 : memref<40x128xi32, #tpu.memory_space<vmem>>)
      tpu.yield
    }) : () -> ()
    "tpu.region"() ({
      %run_scoped3A = tpu.sem_alloc : memref<!tpu.dma_semaphore, #tpu.memory_space<semaphore_mem>>
      %dma_start3A = arith.constant 0 : i32
      %dma_start3A_11 = arith.constant 0 : i32
      %dma_start3A_12 = tpu.memref_slice %arg4[%arg0, %arg1, %dma_start3A, %dma_start3A_11] : memref<2x16x40x128xi32, #tpu.memory_space<hbm>> -> memref<1x1x40x128xi32, #tpu.memory_space<hbm>>
      %dma_start3A_13 = tpu.memref_squeeze %dma_start3A_12 : memref<1x1x40x128xi32, #tpu.memory_space<hbm>> -> memref<40x128xi32, #tpu.memory_space<hbm>>
      %dma_start3A_14 = arith.constant 0 : i32
      %dma_start3A_15 = arith.constant 0 : i32
      %dma_start3A_16 = tpu.memref_slice %arg4[%arg0, %arg1, %dma_start3A_14, %dma_start3A_15] : memref<2x16x40x128xi32, #tpu.memory_space<hbm>> -> memref<1x1x40x128xi32, #tpu.memory_space<hbm>>
      %dma_start3A_17 = tpu.memref_squeeze %dma_start3A_16 : memref<1x1x40x128xi32, #tpu.memory_space<hbm>> -> memref<40x128xi32, #tpu.memory_space<hbm>>
      tpu.enqueue_dma source(%dma_start3A_17 : memref<40x128xi32, #tpu.memory_space<hbm>>) target(%arg8 : memref<40x128xi32, #tpu.memory_space<vmem>>) target_semaphore(%run_scoped3A : memref<!tpu.dma_semaphore, #tpu.memory_space<semaphore_mem>>)
      %dma_wait3A = arith.constant 0 : i32
      %dma_wait3A_18 = arith.constant 0 : i32
      %dma_wait3A_19 = tpu.memref_slice %arg4[%arg0, %arg1, %dma_wait3A, %dma_wait3A_18] : memref<2x16x40x128xi32, #tpu.memory_space<hbm>> -> memref<1x1x40x128xi32, #tpu.memory_space<hbm>>
      %dma_wait3A_20 = tpu.memref_squeeze %dma_wait3A_19 : memref<1x1x40x128xi32, #tpu.memory_space<hbm>> -> memref<40x128xi32, #tpu.memory_space<hbm>>
      %dma_wait3A_21 = arith.constant 0 : i32
      %dma_wait3A_22 = arith.constant 0 : i32
      %dma_wait3A_23 = tpu.memref_slice %arg4[%arg0, %arg1, %dma_wait3A_21, %dma_wait3A_22] : memref<2x16x40x128xi32, #tpu.memory_space<hbm>> -> memref<1x1x40x128xi32, #tpu.memory_space<hbm>>
      %dma_wait3A_24 = tpu.memref_squeeze %dma_wait3A_23 : memref<1x1x40x128xi32, #tpu.memory_space<hbm>> -> memref<40x128xi32, #tpu.memory_space<hbm>>
      tpu.wait_dma2 semaphore(%run_scoped3A : memref<!tpu.dma_semaphore, #tpu.memory_space<semaphore_mem>>) src(%dma_wait3A_24 : memref<40x128xi32, #tpu.memory_space<hbm>>) dst(%arg8 : memref<40x128xi32, #tpu.memory_space<vmem>>)
      tpu.yield
    }) : () -> ()
    %barrier3A = arith.constant 0 : index
    tpu.barrier barrier_id(%barrier3A)
    %scan3A = arith.constant 0 : i32
    %scan3A_1 = arith.constant 0 : i32
    %scan3A_2 = arith.constant 5 : i32
    %scan3A_3 = arith.addi %scan3A_1, %scan3A_2 : i32
    %scan3A_4 = arith.constant 1 : i32
    scf.for %scan3A_11 = %scan3A_1 to %scan3A_3 step %scan3A_4  : i32 {
      %mul3A_12 = arith.constant 8 : i32
      %mul3A_13 = arith.muli %scan3A_11, %mul3A_12 : i32
      %add3A = arith.constant 0 : i32
      %add3A_14 = arith.addi %mul3A_13, %add3A : i32
      %dma_start3A = arith.constant 0 : i32
      %dma_start3A_15 = tpu.memref_slice %arg7[%add3A_14, %dma_start3A] : memref<40x128xi32, #tpu.memory_space<vmem>> -> memref<1x128xi32, #tpu.memory_space<vmem>>
      %dma_start3A_16 = tpu.memref_squeeze %dma_start3A_15 : memref<1x128xi32, #tpu.memory_space<vmem>> -> memref<128xi32, #tpu.memory_space<vmem>>
      %dma_start3A_17 = arith.constant 0 : i32
      %dma_start3A_18 = arith.constant 0 : i32
      %dma_start3A_19 = tpu.memref_slice %arg2[%dma_start3A_17, %dma_start3A_18] : memref<10000x128xf32, #tpu.memory_space<hbm>> -> memref<10000x128xf32, #tpu.memory_space<hbm>>
      tpu.enqueue_indirect_dma source(%dma_start3A_19 : memref<10000x128xf32, #tpu.memory_space<hbm>>) target(%arg9 : memref<128x128xf32, #tpu.memory_space<vmem>>) offsets(%dma_start3A_16 : memref<128xi32, #tpu.memory_space<vmem>>) semaphore(%arg12 : memref<!tpu.dma_semaphore, #tpu.memory_space<semaphore_mem>>)
      %dma_wait3A = arith.constant 0 : i32
      %dma_wait3A_20 = tpu.memref_slice %arg7[%add3A_14, %dma_wait3A] : memref<40x128xi32, #tpu.memory_space<vmem>> -> memref<1x128xi32, #tpu.memory_space<vmem>>
      %dma_wait3A_21 = tpu.memref_squeeze %dma_wait3A_20 : memref<1x128xi32, #tpu.memory_space<vmem>> -> memref<128xi32, #tpu.memory_space<vmem>>
      %dma_wait3A_22 = arith.constant 0 : i32
      %dma_wait3A_23 = arith.constant 0 : i32
      %dma_wait3A_24 = tpu.memref_slice %arg2[%dma_wait3A_22, %dma_wait3A_23] : memref<10000x128xf32, #tpu.memory_space<hbm>> -> memref<10000x128xf32, #tpu.memory_space<hbm>>
      tpu.wait_indirect_dma semaphore(%arg12 : memref<!tpu.dma_semaphore, #tpu.memory_space<semaphore_mem>>) src(%dma_wait3A_24 : memref<10000x128xf32, #tpu.memory_space<hbm>>) dst(%arg9 : memref<128x128xf32, #tpu.memory_space<vmem>>)
      %add3A_25 = arith.constant 0 : i32
      %add3A_26 = arith.addi %mul3A_13, %add3A_25 : i32
      %dma_start3A_27 = arith.constant 0 : i32
      %dma_start3A_28 = tpu.memref_slice %arg8[%add3A_26, %dma_start3A_27] : memref<40x128xi32, #tpu.memory_space<vmem>> -> memref<1x128xi32, #tpu.memory_space<vmem>>
      %dma_start3A_29 = tpu.memref_squeeze %dma_start3A_28 : memref<1x128xi32, #tpu.memory_space<vmem>> -> memref<128xi32, #tpu.memory_space<vmem>>
      %dma_start3A_30 = arith.constant 0 : i32
      %dma_start3A_31 = arith.constant 0 : i32
      %dma_start3A_32 = tpu.memref_slice %arg11[%dma_start3A_30, %dma_start3A_31] : memref<10240x128xf32, #tpu.memory_space<vmem_shared>> -> memref<10240x128xf32, #tpu.memory_space<vmem_shared>>
      tpu.enqueue_indirect_dma source(%arg9 : memref<128x128xf32, #tpu.memory_space<vmem>>) target(%dma_start3A_32 : memref<10240x128xf32, #tpu.memory_space<vmem_shared>>) offsets(%dma_start3A_29 : memref<128xi32, #tpu.memory_space<vmem>>) semaphore(%arg13 : memref<!tpu.dma_semaphore, #tpu.memory_space<semaphore_mem>>) {add = true}
      %add3A_33 = arith.constant 1 : i32
      %add3A_34 = arith.addi %mul3A_13, %add3A_33 : i32
      %dma_start3A_35 = arith.constant 0 : i32
      %dma_start3A_36 = tpu.memref_slice %arg7[%add3A_34, %dma_start3A_35] : memref<40x128xi32, #tpu.memory_space<vmem>> -> memref<1x128xi32, #tpu.memory_space<vmem>>
      %dma_start3A_37 = tpu.memref_squeeze %dma_start3A_36 : memref<1x128xi32, #tpu.memory_space<vmem>> -> memref<128xi32, #tpu.memory_space<vmem>>
      %dma_start3A_38 = arith.constant 0 : i32
      %dma_start3A_39 = arith.constant 0 : i32
      %dma_start3A_40 = tpu.memref_slice %arg2[%dma_start3A_38, %dma_start3A_39] : memref<10000x128xf32, #tpu.memory_space<hbm>> -> memref<10000x128xf32, #tpu.memory_space<hbm>>
      tpu.enqueue_indirect_dma source(%dma_start3A_40 : memref<10000x128xf32, #tpu.memory_space<hbm>>) target(%arg10 : memref<128x128xf32, #tpu.memory_space<vmem>>) offsets(%dma_start3A_37 : memref<128xi32, #tpu.memory_space<vmem>>) semaphore(%arg12 : memref<!tpu.dma_semaphore, #tpu.memory_space<semaphore_mem>>)
      %dma_wait3A_41 = arith.constant 0 : i32
      %dma_wait3A_42 = tpu.memref_slice %arg7[%add3A_34, %dma_wait3A_41] : memref<40x128xi32, #tpu.memory_space<vmem>> -> memref<1x128xi32, #tpu.memory_space<vmem>>
      %dma_wait3A_43 = tpu.memref_squeeze %dma_wait3A_42 : memref<1x128xi32, #tpu.memory_space<vmem>> -> memref<128xi32, #tpu.memory_space<vmem>>
      %dma_wait3A_44 = arith.constant 0 : i32
      %dma_wait3A_45 = arith.constant 0 : i32
      %dma_wait3A_46 = tpu.memref_slice %arg2[%dma_wait3A_44, %dma_wait3A_45] : memref<10000x128xf32, #tpu.memory_space<hbm>> -> memref<10000x128xf32, #tpu.memory_space<hbm>>
      tpu.wait_indirect_dma semaphore(%arg12 : memref<!tpu.dma_semaphore, #tpu.memory_space<semaphore_mem>>) src(%dma_wait3A_46 : memref<10000x128xf32, #tpu.memory_space<hbm>>) dst(%arg10 : memref<128x128xf32, #tpu.memory_space<vmem>>)
      %dma_wait3A_47 = arith.constant 0 : i32
      %dma_wait3A_48 = tpu.memref_slice %arg8[%add3A_26, %dma_wait3A_47] : memref<40x128xi32, #tpu.memory_space<vmem>> -> memref<1x128xi32, #tpu.memory_space<vmem>>
      %dma_wait3A_49 = tpu.memref_squeeze %dma_wait3A_48 : memref<1x128xi32, #tpu.memory_space<vmem>> -> memref<128xi32, #tpu.memory_space<vmem>>
      %dma_wait3A_50 = arith.constant 0 : i32
      %dma_wait3A_51 = arith.constant 0 : i32
      %dma_wait3A_52 = tpu.memref_slice %arg11[%dma_wait3A_50, %dma_wait3A_51] : memref<10240x128xf32, #tpu.memory_space<vmem_shared>> -> memref<10240x128xf32, #tpu.memory_space<vmem_shared>>
      tpu.wait_indirect_dma semaphore(%arg13 : memref<!tpu.dma_semaphore, #tpu.memory_space<semaphore_mem>>) src(%arg9 : memref<128x128xf32, #tpu.memory_space<vmem>>) dst(%dma_wait3A_52 : memref<10240x128xf32, #tpu.memory_space<vmem_shared>>)
      %add3A_53 = arith.constant 1 : i32
      %add3A_54 = arith.addi %mul3A_13, %add3A_53 : i32
      %dma_start3A_55 = arith.constant 0 : i32
      %dma_start3A_56 = tpu.memref_slice %arg8[%add3A_54, %dma_start3A_55] : memref<40x128xi32, #tpu.memory_space<vmem>> -> memref<1x128xi32, #tpu.memory_space<vmem>>
      %dma_start3A_57 = tpu.memref_squeeze %dma_start3A_56 : memref<1x128xi32, #tpu.memory_space<vmem>> -> memref<128xi32, #tpu.memory_space<vmem>>
      %dma_start3A_58 = arith.constant 0 : i32
      %dma_start3A_59 = arith.constant 0 : i32
      %dma_start3A_60 = tpu.memref_slice %arg11[%dma_start3A_58, %dma_start3A_59] : memref<10240x128xf32, #tpu.memory_space<vmem_shared>> -> memref<10240x128xf32, #tpu.memory_space<vmem_shared>>
      tpu.enqueue_indirect_dma source(%arg10 : memref<128x128xf32, #tpu.memory_space<vmem>>) target(%dma_start3A_60 : memref<10240x128xf32, #tpu.memory_space<vmem_shared>>) offsets(%dma_start3A_57 : memref<128xi32, #tpu.memory_space<vmem>>) semaphore(%arg13 : memref<!tpu.dma_semaphore, #tpu.memory_space<semaphore_mem>>) {add = true}
      %add3A_61 = arith.constant 2 : i32
      %add3A_62 = arith.addi %mul3A_13, %add3A_61 : i32
      %dma_start3A_63 = arith.constant 0 : i32
      %dma_start3A_64 = tpu.memref_slice %arg7[%add3A_62, %dma_start3A_63] : memref<40x128xi32, #tpu.memory_space<vmem>> -> memref<1x128xi32, #tpu.memory_space<vmem>>
      %dma_start3A_65 = tpu.memref_squeeze %dma_start3A_64 : memref<1x128xi32, #tpu.memory_space<vmem>> -> memref<128xi32, #tpu.memory_space<vmem>>
      %dma_start3A_66 = arith.constant 0 : i32
      %dma_start3A_67 = arith.constant 0 : i32
      %dma_start3A_68 = tpu.memref_slice %arg2[%dma_start3A_66, %dma_start3A_67] : memref<10000x128xf32, #tpu.memory_space<hbm>> -> memref<10000x128xf32, #tpu.memory_space<hbm>>
      tpu.enqueue_indirect_dma source(%dma_start3A_68 : memref<10000x128xf32, #tpu.memory_space<hbm>>) target(%arg9 : memref<128x128xf32, #tpu.memory_space<vmem>>) offsets(%dma_start3A_65 : memref<128xi32, #tpu.memory_space<vmem>>) semaphore(%arg12 : memref<!tpu.dma_semaphore, #tpu.memory_space<semaphore_mem>>)
      %dma_wait3A_69 = arith.constant 0 : i32
      %dma_wait3A_70 = tpu.memref_slice %arg7[%add3A_62, %dma_wait3A_69] : memref<40x128xi32, #tpu.memory_space<vmem>> -> memref<1x128xi32, #tpu.memory_space<vmem>>
      %dma_wait3A_71 = tpu.memref_squeeze %dma_wait3A_70 : memref<1x128xi32, #tpu.memory_space<vmem>> -> memref<128xi32, #tpu.memory_space<vmem>>
      %dma_wait3A_72 = arith.constant 0 : i32
      %dma_wait3A_73 = arith.constant 0 : i32
      %dma_wait3A_74 = tpu.memref_slice %arg2[%dma_wait3A_72, %dma_wait3A_73] : memref<10000x128xf32, #tpu.memory_space<hbm>> -> memref<10000x128xf32, #tpu.memory_space<hbm>>
      tpu.wait_indirect_dma semaphore(%arg12 : memref<!tpu.dma_semaphore, #tpu.memory_space<semaphore_mem>>) src(%dma_wait3A_74 : memref<10000x128xf32, #tpu.memory_space<hbm>>) dst(%arg9 : memref<128x128xf32, #tpu.memory_space<vmem>>)
      %dma_wait3A_75 = arith.constant 0 : i32
      %dma_wait3A_76 = tpu.memref_slice %arg8[%add3A_54, %dma_wait3A_75] : memref<40x128xi32, #tpu.memory_space<vmem>> -> memref<1x128xi32, #tpu.memory_space<vmem>>
      %dma_wait3A_77 = tpu.memref_squeeze %dma_wait3A_76 : memref<1x128xi32, #tpu.memory_space<vmem>> -> memref<128xi32, #tpu.memory_space<vmem>>
      %dma_wait3A_78 = arith.constant 0 : i32
      %dma_wait3A_79 = arith.constant 0 : i32
      %dma_wait3A_80 = tpu.memref_slice %arg11[%dma_wait3A_78, %dma_wait3A_79] : memref<10240x128xf32, #tpu.memory_space<vmem_shared>> -> memref<10240x128xf32, #tpu.memory_space<vmem_shared>>
      tpu.wait_indirect_dma semaphore(%arg13 : memref<!tpu.dma_semaphore, #tpu.memory_space<semaphore_mem>>) src(%arg10 : memref<128x128xf32, #tpu.memory_space<vmem>>) dst(%dma_wait3A_80 : memref<10240x128xf32, #tpu.memory_space<vmem_shared>>)
      %add3A_81 = arith.constant 2 : i32
      %add3A_82 = arith.addi %mul3A_13, %add3A_81 : i32
      %dma_start3A_83 = arith.constant 0 : i32
      %dma_start3A_84 = tpu.memref_slice %arg8[%add3A_82, %dma_start3A_83] : memref<40x128xi32, #tpu.memory_space<vmem>> -> memref<1x128xi32, #tpu.memory_space<vmem>>
      %dma_start3A_85 = tpu.memref_squeeze %dma_start3A_84 : memref<1x128xi32, #tpu.memory_space<vmem>> -> memref<128xi32, #tpu.memory_space<vmem>>
      %dma_start3A_86 = arith.constant 0 : i32
      %dma_start3A_87 = arith.constant 0 : i32
      %dma_start3A_88 = tpu.memref_slice %arg11[%dma_start3A_86, %dma_start3A_87] : memref<10240x128xf32, #tpu.memory_space<vmem_shared>> -> memref<10240x128xf32, #tpu.memory_space<vmem_shared>>
      tpu.enqueue_indirect_dma source(%arg9 : memref<128x128xf32, #tpu.memory_space<vmem>>) target(%dma_start3A_88 : memref<10240x128xf32, #tpu.memory_space<vmem_shared>>) offsets(%dma_start3A_85 : memref<128xi32, #tpu.memory_space<vmem>>) semaphore(%arg13 : memref<!tpu.dma_semaphore, #tpu.memory_space<semaphore_mem>>) {add = true}
      %add3A_89 = arith.constant 3 : i32
      %add3A_90 = arith.addi %mul3A_13, %add3A_89 : i32
      %dma_start3A_91 = arith.constant 0 : i32
      %dma_start3A_92 = tpu.memref_slice %arg7[%add3A_90, %dma_start3A_91] : memref<40x128xi32, #tpu.memory_space<vmem>> -> memref<1x128xi32, #tpu.memory_space<vmem>>
      %dma_start3A_93 = tpu.memref_squeeze %dma_start3A_92 : memref<1x128xi32, #tpu.memory_space<vmem>> -> memref<128xi32, #tpu.memory_space<vmem>>
      %dma_start3A_94 = arith.constant 0 : i32
      %dma_start3A_95 = arith.constant 0 : i32
      %dma_start3A_96 = tpu.memref_slice %arg2[%dma_start3A_94, %dma_start3A_95] : memref<10000x128xf32, #tpu.memory_space<hbm>> -> memref<10000x128xf32, #tpu.memory_space<hbm>>
      tpu.enqueue_indirect_dma source(%dma_start3A_96 : memref<10000x128xf32, #tpu.memory_space<hbm>>) target(%arg10 : memref<128x128xf32, #tpu.memory_space<vmem>>) offsets(%dma_start3A_93 : memref<128xi32, #tpu.memory_space<vmem>>) semaphore(%arg12 : memref<!tpu.dma_semaphore, #tpu.memory_space<semaphore_mem>>)
      %dma_wait3A_97 = arith.constant 0 : i32
      %dma_wait3A_98 = tpu.memref_slice %arg7[%add3A_90, %dma_wait3A_97] : memref<40x128xi32, #tpu.memory_space<vmem>> -> memref<1x128xi32, #tpu.memory_space<vmem>>
      %dma_wait3A_99 = tpu.memref_squeeze %dma_wait3A_98 : memref<1x128xi32, #tpu.memory_space<vmem>> -> memref<128xi32, #tpu.memory_space<vmem>>
      %dma_wait3A_100 = arith.constant 0 : i32
      %dma_wait3A_101 = arith.constant 0 : i32
      %dma_wait3A_102 = tpu.memref_slice %arg2[%dma_wait3A_100, %dma_wait3A_101] : memref<10000x128xf32, #tpu.memory_space<hbm>> -> memref<10000x128xf32, #tpu.memory_space<hbm>>
      tpu.wait_indirect_dma semaphore(%arg12 : memref<!tpu.dma_semaphore, #tpu.memory_space<semaphore_mem>>) src(%dma_wait3A_102 : memref<10000x128xf32, #tpu.memory_space<hbm>>) dst(%arg10 : memref<128x128xf32, #tpu.memory_space<vmem>>)
      %dma_wait3A_103 = arith.constant 0 : i32
      %dma_wait3A_104 = tpu.memref_slice %arg8[%add3A_82, %dma_wait3A_103] : memref<40x128xi32, #tpu.memory_space<vmem>> -> memref<1x128xi32, #tpu.memory_space<vmem>>
      %dma_wait3A_105 = tpu.memref_squeeze %dma_wait3A_104 : memref<1x128xi32, #tpu.memory_space<vmem>> -> memref<128xi32, #tpu.memory_space<vmem>>
      %dma_wait3A_106 = arith.constant 0 : i32
      %dma_wait3A_107 = arith.constant 0 : i32
      %dma_wait3A_108 = tpu.memref_slice %arg11[%dma_wait3A_106, %dma_wait3A_107] : memref<10240x128xf32, #tpu.memory_space<vmem_shared>> -> memref<10240x128xf32, #tpu.memory_space<vmem_shared>>
      tpu.wait_indirect_dma semaphore(%arg13 : memref<!tpu.dma_semaphore, #tpu.memory_space<semaphore_mem>>) src(%arg9 : memref<128x128xf32, #tpu.memory_space<vmem>>) dst(%dma_wait3A_108 : memref<10240x128xf32, #tpu.memory_space<vmem_shared>>)
      %add3A_109 = arith.constant 3 : i32
      %add3A_110 = arith.addi %mul3A_13, %add3A_109 : i32
      %dma_start3A_111 = arith.constant 0 : i32
      %dma_start3A_112 = tpu.memref_slice %arg8[%add3A_110, %dma_start3A_111] : memref<40x128xi32, #tpu.memory_space<vmem>> -> memref<1x128xi32, #tpu.memory_space<vmem>>
      %dma_start3A_113 = tpu.memref_squeeze %dma_start3A_112 : memref<1x128xi32, #tpu.memory_space<vmem>> -> memref<128xi32, #tpu.memory_space<vmem>>
      %dma_start3A_114 = arith.constant 0 : i32
      %dma_start3A_115 = arith.constant 0 : i32
      %dma_start3A_116 = tpu.memref_slice %arg11[%dma_start3A_114, %dma_start3A_115] : memref<10240x128xf32, #tpu.memory_space<vmem_shared>> -> memref<10240x128xf32, #tpu.memory_space<vmem_shared>>
      tpu.enqueue_indirect_dma source(%arg10 : memref<128x128xf32, #tpu.memory_space<vmem>>) target(%dma_start3A_116 : memref<10240x128xf32, #tpu.memory_space<vmem_shared>>) offsets(%dma_start3A_113 : memref<128xi32, #tpu.memory_space<vmem>>) semaphore(%arg13 : memref<!tpu.dma_semaphore, #tpu.memory_space<semaphore_mem>>) {add = true}
      %add3A_117 = arith.constant 4 : i32
      %add3A_118 = arith.addi %mul3A_13, %add3A_117 : i32
      %dma_start3A_119 = arith.constant 0 : i32
      %dma_start3A_120 = tpu.memref_slice %arg7[%add3A_118, %dma_start3A_119] : memref<40x128xi32, #tpu.memory_space<vmem>> -> memref<1x128xi32, #tpu.memory_space<vmem>>
      %dma_start3A_121 = tpu.memref_squeeze %dma_start3A_120 : memref<1x128xi32, #tpu.memory_space<vmem>> -> memref<128xi32, #tpu.memory_space<vmem>>
      %dma_start3A_122 = arith.constant 0 : i32
      %dma_start3A_123 = arith.constant 0 : i32
      %dma_start3A_124 = tpu.memref_slice %arg2[%dma_start3A_122, %dma_start3A_123] : memref<10000x128xf32, #tpu.memory_space<hbm>> -> memref<10000x128xf32, #tpu.memory_space<hbm>>
      tpu.enqueue_indirect_dma source(%dma_start3A_124 : memref<10000x128xf32, #tpu.memory_space<hbm>>) target(%arg9 : memref<128x128xf32, #tpu.memory_space<vmem>>) offsets(%dma_start3A_121 : memref<128xi32, #tpu.memory_space<vmem>>) semaphore(%arg12 : memref<!tpu.dma_semaphore, #tpu.memory_space<semaphore_mem>>)
      %dma_wait3A_125 = arith.constant 0 : i32
      %dma_wait3A_126 = tpu.memref_slice %arg7[%add3A_118, %dma_wait3A_125] : memref<40x128xi32, #tpu.memory_space<vmem>> -> memref<1x128xi32, #tpu.memory_space<vmem>>
      %dma_wait3A_127 = tpu.memref_squeeze %dma_wait3A_126 : memref<1x128xi32, #tpu.memory_space<vmem>> -> memref<128xi32, #tpu.memory_space<vmem>>
      %dma_wait3A_128 = arith.constant 0 : i32
      %dma_wait3A_129 = arith.constant 0 : i32
      %dma_wait3A_130 = tpu.memref_slice %arg2[%dma_wait3A_128, %dma_wait3A_129] : memref<10000x128xf32, #tpu.memory_space<hbm>> -> memref<10000x128xf32, #tpu.memory_space<hbm>>
      tpu.wait_indirect_dma semaphore(%arg12 : memref<!tpu.dma_semaphore, #tpu.memory_space<semaphore_mem>>) src(%dma_wait3A_130 : memref<10000x128xf32, #tpu.memory_space<hbm>>) dst(%arg9 : memref<128x128xf32, #tpu.memory_space<vmem>>)
      %dma_wait3A_131 = arith.constant 0 : i32
      %dma_wait3A_132 = tpu.memref_slice %arg8[%add3A_110, %dma_wait3A_131] : memref<40x128xi32, #tpu.memory_space<vmem>> -> memref<1x128xi32, #tpu.memory_space<vmem>>
      %dma_wait3A_133 = tpu.memref_squeeze %dma_wait3A_132 : memref<1x128xi32, #tpu.memory_space<vmem>> -> memref<128xi32, #tpu.memory_space<vmem>>
      %dma_wait3A_134 = arith.constant 0 : i32
      %dma_wait3A_135 = arith.constant 0 : i32
      %dma_wait3A_136 = tpu.memref_slice %arg11[%dma_wait3A_134, %dma_wait3A_135] : memref<10240x128xf32, #tpu.memory_space<vmem_shared>> -> memref<10240x128xf32, #tpu.memory_space<vmem_shared>>
      tpu.wait_indirect_dma semaphore(%arg13 : memref<!tpu.dma_semaphore, #tpu.memory_space<semaphore_mem>>) src(%arg10 : memref<128x128xf32, #tpu.memory_space<vmem>>) dst(%dma_wait3A_136 : memref<10240x128xf32, #tpu.memory_space<vmem_shared>>)
      %add3A_137 = arith.constant 4 : i32
      %add3A_138 = arith.addi %mul3A_13, %add3A_137 : i32
      %dma_start3A_139 = arith.constant 0 : i32
      %dma_start3A_140 = tpu.memref_slice %arg8[%add3A_138, %dma_start3A_139] : memref<40x128xi32, #tpu.memory_space<vmem>> -> memref<1x128xi32, #tpu.memory_space<vmem>>
      %dma_start3A_141 = tpu.memref_squeeze %dma_start3A_140 : memref<1x128xi32, #tpu.memory_space<vmem>> -> memref<128xi32, #tpu.memory_space<vmem>>
      %dma_start3A_142 = arith.constant 0 : i32
      %dma_start3A_143 = arith.constant 0 : i32
      %dma_start3A_144 = tpu.memref_slice %arg11[%dma_start3A_142, %dma_start3A_143] : memref<10240x128xf32, #tpu.memory_space<vmem_shared>> -> memref<10240x128xf32, #tpu.memory_space<vmem_shared>>
      tpu.enqueue_indirect_dma source(%arg9 : memref<128x128xf32, #tpu.memory_space<vmem>>) target(%dma_start3A_144 : memref<10240x128xf32, #tpu.memory_space<vmem_shared>>) offsets(%dma_start3A_141 : memref<128xi32, #tpu.memory_space<vmem>>) semaphore(%arg13 : memref<!tpu.dma_semaphore, #tpu.memory_space<semaphore_mem>>) {add = true}
      %add3A_145 = arith.constant 5 : i32
      %add3A_146 = arith.addi %mul3A_13, %add3A_145 : i32
      %dma_start3A_147 = arith.constant 0 : i32
      %dma_start3A_148 = tpu.memref_slice %arg7[%add3A_146, %dma_start3A_147] : memref<40x128xi32, #tpu.memory_space<vmem>> -> memref<1x128xi32, #tpu.memory_space<vmem>>
      %dma_start3A_149 = tpu.memref_squeeze %dma_start3A_148 : memref<1x128xi32, #tpu.memory_space<vmem>> -> memref<128xi32, #tpu.memory_space<vmem>>
      %dma_start3A_150 = arith.constant 0 : i32
      %dma_start3A_151 = arith.constant 0 : i32
      %dma_start3A_152 = tpu.memref_slice %arg2[%dma_start3A_150, %dma_start3A_151] : memref<10000x128xf32, #tpu.memory_space<hbm>> -> memref<10000x128xf32, #tpu.memory_space<hbm>>
      tpu.enqueue_indirect_dma source(%dma_start3A_152 : memref<10000x128xf32, #tpu.memory_space<hbm>>) target(%arg10 : memref<128x128xf32, #tpu.memory_space<vmem>>) offsets(%dma_start3A_149 : memref<128xi32, #tpu.memory_space<vmem>>) semaphore(%arg12 : memref<!tpu.dma_semaphore, #tpu.memory_space<semaphore_mem>>)
      %dma_wait3A_153 = arith.constant 0 : i32
      %dma_wait3A_154 = tpu.memref_slice %arg7[%add3A_146, %dma_wait3A_153] : memref<40x128xi32, #tpu.memory_space<vmem>> -> memref<1x128xi32, #tpu.memory_space<vmem>>
      %dma_wait3A_155 = tpu.memref_squeeze %dma_wait3A_154 : memref<1x128xi32, #tpu.memory_space<vmem>> -> memref<128xi32, #tpu.memory_space<vmem>>
      %dma_wait3A_156 = arith.constant 0 : i32
      %dma_wait3A_157 = arith.constant 0 : i32
      %dma_wait3A_158 = tpu.memref_slice %arg2[%dma_wait3A_156, %dma_wait3A_157] : memref<10000x128xf32, #tpu.memory_space<hbm>> -> memref<10000x128xf32, #tpu.memory_space<hbm>>
      tpu.wait_indirect_dma semaphore(%arg12 : memref<!tpu.dma_semaphore, #tpu.memory_space<semaphore_mem>>) src(%dma_wait3A_158 : memref<10000x128xf32, #tpu.memory_space<hbm>>) dst(%arg10 : memref<128x128xf32, #tpu.memory_space<vmem>>)
      %dma_wait3A_159 = arith.constant 0 : i32
      %dma_wait3A_160 = tpu.memref_slice %arg8[%add3A_138, %dma_wait3A_159] : memref<40x128xi32, #tpu.memory_space<vmem>> -> memref<1x128xi32, #tpu.memory_space<vmem>>
      %dma_wait3A_161 = tpu.memref_squeeze %dma_wait3A_160 : memref<1x128xi32, #tpu.memory_space<vmem>> -> memref<128xi32, #tpu.memory_space<vmem>>
      %dma_wait3A_162 = arith.constant 0 : i32
      %dma_wait3A_163 = arith.constant 0 : i32
      %dma_wait3A_164 = tpu.memref_slice %arg11[%dma_wait3A_162, %dma_wait3A_163] : memref<10240x128xf32, #tpu.memory_space<vmem_shared>> -> memref<10240x128xf32, #tpu.memory_space<vmem_shared>>
      tpu.wait_indirect_dma semaphore(%arg13 : memref<!tpu.dma_semaphore, #tpu.memory_space<semaphore_mem>>) src(%arg9 : memref<128x128xf32, #tpu.memory_space<vmem>>) dst(%dma_wait3A_164 : memref<10240x128xf32, #tpu.memory_space<vmem_shared>>)
      %add3A_165 = arith.constant 5 : i32
      %add3A_166 = arith.addi %mul3A_13, %add3A_165 : i32
      %dma_start3A_167 = arith.constant 0 : i32
      %dma_start3A_168 = tpu.memref_slice %arg8[%add3A_166, %dma_start3A_167] : memref<40x128xi32, #tpu.memory_space<vmem>> -> memref<1x128xi32, #tpu.memory_space<vmem>>
      %dma_start3A_169 = tpu.memref_squeeze %dma_start3A_168 : memref<1x128xi32, #tpu.memory_space<vmem>> -> memref<128xi32, #tpu.memory_space<vmem>>
      %dma_start3A_170 = arith.constant 0 : i32
      %dma_start3A_171 = arith.constant 0 : i32
      %dma_start3A_172 = tpu.memref_slice %arg11[%dma_start3A_170, %dma_start3A_171] : memref<10240x128xf32, #tpu.memory_space<vmem_shared>> -> memref<10240x128xf32, #tpu.memory_space<vmem_shared>>
      tpu.enqueue_indirect_dma source(%arg10 : memref<128x128xf32, #tpu.memory_space<vmem>>) target(%dma_start3A_172 : memref<10240x128xf32, #tpu.memory_space<vmem_shared>>) offsets(%dma_start3A_169 : memref<128xi32, #tpu.memory_space<vmem>>) semaphore(%arg13 : memref<!tpu.dma_semaphore, #tpu.memory_space<semaphore_mem>>) {add = true}
      %add3A_173 = arith.constant 6 : i32
      %add3A_174 = arith.addi %mul3A_13, %add3A_173 : i32
      %dma_start3A_175 = arith.constant 0 : i32
      %dma_start3A_176 = tpu.memref_slice %arg7[%add3A_174, %dma_start3A_175] : memref<40x128xi32, #tpu.memory_space<vmem>> -> memref<1x128xi32, #tpu.memory_space<vmem>>
      %dma_start3A_177 = tpu.memref_squeeze %dma_start3A_176 : memref<1x128xi32, #tpu.memory_space<vmem>> -> memref<128xi32, #tpu.memory_space<vmem>>
      %dma_start3A_178 = arith.constant 0 : i32
      %dma_start3A_179 = arith.constant 0 : i32
      %dma_start3A_180 = tpu.memref_slice %arg2[%dma_start3A_178, %dma_start3A_179] : memref<10000x128xf32, #tpu.memory_space<hbm>> -> memref<10000x128xf32, #tpu.memory_space<hbm>>
      tpu.enqueue_indirect_dma source(%dma_start3A_180 : memref<10000x128xf32, #tpu.memory_space<hbm>>) target(%arg9 : memref<128x128xf32, #tpu.memory_space<vmem>>) offsets(%dma_start3A_177 : memref<128xi32, #tpu.memory_space<vmem>>) semaphore(%arg12 : memref<!tpu.dma_semaphore, #tpu.memory_space<semaphore_mem>>)
      %dma_wait3A_181 = arith.constant 0 : i32
      %dma_wait3A_182 = tpu.memref_slice %arg7[%add3A_174, %dma_wait3A_181] : memref<40x128xi32, #tpu.memory_space<vmem>> -> memref<1x128xi32, #tpu.memory_space<vmem>>
      %dma_wait3A_183 = tpu.memref_squeeze %dma_wait3A_182 : memref<1x128xi32, #tpu.memory_space<vmem>> -> memref<128xi32, #tpu.memory_space<vmem>>
      %dma_wait3A_184 = arith.constant 0 : i32
      %dma_wait3A_185 = arith.constant 0 : i32
      %dma_wait3A_186 = tpu.memref_slice %arg2[%dma_wait3A_184, %dma_wait3A_185] : memref<10000x128xf32, #tpu.memory_space<hbm>> -> memref<10000x128xf32, #tpu.memory_space<hbm>>
      tpu.wait_indirect_dma semaphore(%arg12 : memref<!tpu.dma_semaphore, #tpu.memory_space<semaphore_mem>>) src(%dma_wait3A_186 : memref<10000x128xf32, #tpu.memory_space<hbm>>) dst(%arg9 : memref<128x128xf32, #tpu.memory_space<vmem>>)
      %dma_wait3A_187 = arith.constant 0 : i32
      %dma_wait3A_188 = tpu.memref_slice %arg8[%add3A_166, %dma_wait3A_187] : memref<40x128xi32, #tpu.memory_space<vmem>> -> memref<1x128xi32, #tpu.memory_space<vmem>>
      %dma_wait3A_189 = tpu.memref_squeeze %dma_wait3A_188 : memref<1x128xi32, #tpu.memory_space<vmem>> -> memref<128xi32, #tpu.memory_space<vmem>>
      %dma_wait3A_190 = arith.constant 0 : i32
      %dma_wait3A_191 = arith.constant 0 : i32
      %dma_wait3A_192 = tpu.memref_slice %arg11[%dma_wait3A_190, %dma_wait3A_191] : memref<10240x128xf32, #tpu.memory_space<vmem_shared>> -> memref<10240x128xf32, #tpu.memory_space<vmem_shared>>
      tpu.wait_indirect_dma semaphore(%arg13 : memref<!tpu.dma_semaphore, #tpu.memory_space<semaphore_mem>>) src(%arg10 : memref<128x128xf32, #tpu.memory_space<vmem>>) dst(%dma_wait3A_192 : memref<10240x128xf32, #tpu.memory_space<vmem_shared>>)
      %add3A_193 = arith.constant 6 : i32
      %add3A_194 = arith.addi %mul3A_13, %add3A_193 : i32
      %dma_start3A_195 = arith.constant 0 : i32
      %dma_start3A_196 = tpu.memref_slice %arg8[%add3A_194, %dma_start3A_195] : memref<40x128xi32, #tpu.memory_space<vmem>> -> memref<1x128xi32, #tpu.memory_space<vmem>>
      %dma_start3A_197 = tpu.memref_squeeze %dma_start3A_196 : memref<1x128xi32, #tpu.memory_space<vmem>> -> memref<128xi32, #tpu.memory_space<vmem>>
      %dma_start3A_198 = arith.constant 0 : i32
      %dma_start3A_199 = arith.constant 0 : i32
      %dma_start3A_200 = tpu.memref_slice %arg11[%dma_start3A_198, %dma_start3A_199] : memref<10240x128xf32, #tpu.memory_space<vmem_shared>> -> memref<10240x128xf32, #tpu.memory_space<vmem_shared>>
      tpu.enqueue_indirect_dma source(%arg9 : memref<128x128xf32, #tpu.memory_space<vmem>>) target(%dma_start3A_200 : memref<10240x128xf32, #tpu.memory_space<vmem_shared>>) offsets(%dma_start3A_197 : memref<128xi32, #tpu.memory_space<vmem>>) semaphore(%arg13 : memref<!tpu.dma_semaphore, #tpu.memory_space<semaphore_mem>>) {add = true}
      %add3A_201 = arith.constant 7 : i32
      %add3A_202 = arith.addi %mul3A_13, %add3A_201 : i32
      %dma_start3A_203 = arith.constant 0 : i32
      %dma_start3A_204 = tpu.memref_slice %arg7[%add3A_202, %dma_start3A_203] : memref<40x128xi32, #tpu.memory_space<vmem>> -> memref<1x128xi32, #tpu.memory_space<vmem>>
      %dma_start3A_205 = tpu.memref_squeeze %dma_start3A_204 : memref<1x128xi32, #tpu.memory_space<vmem>> -> memref<128xi32, #tpu.memory_space<vmem>>
      %dma_start3A_206 = arith.constant 0 : i32
      %dma_start3A_207 = arith.constant 0 : i32
      %dma_start3A_208 = tpu.memref_slice %arg2[%dma_start3A_206, %dma_start3A_207] : memref<10000x128xf32, #tpu.memory_space<hbm>> -> memref<10000x128xf32, #tpu.memory_space<hbm>>
      tpu.enqueue_indirect_dma source(%dma_start3A_208 : memref<10000x128xf32, #tpu.memory_space<hbm>>) target(%arg10 : memref<128x128xf32, #tpu.memory_space<vmem>>) offsets(%dma_start3A_205 : memref<128xi32, #tpu.memory_space<vmem>>) semaphore(%arg12 : memref<!tpu.dma_semaphore, #tpu.memory_space<semaphore_mem>>)
      %dma_wait3A_209 = arith.constant 0 : i32
      %dma_wait3A_210 = tpu.memref_slice %arg7[%add3A_202, %dma_wait3A_209] : memref<40x128xi32, #tpu.memory_space<vmem>> -> memref<1x128xi32, #tpu.memory_space<vmem>>
      %dma_wait3A_211 = tpu.memref_squeeze %dma_wait3A_210 : memref<1x128xi32, #tpu.memory_space<vmem>> -> memref<128xi32, #tpu.memory_space<vmem>>
      %dma_wait3A_212 = arith.constant 0 : i32
      %dma_wait3A_213 = arith.constant 0 : i32
      %dma_wait3A_214 = tpu.memref_slice %arg2[%dma_wait3A_212, %dma_wait3A_213] : memref<10000x128xf32, #tpu.memory_space<hbm>> -> memref<10000x128xf32, #tpu.memory_space<hbm>>
      tpu.wait_indirect_dma semaphore(%arg12 : memref<!tpu.dma_semaphore, #tpu.memory_space<semaphore_mem>>) src(%dma_wait3A_214 : memref<10000x128xf32, #tpu.memory_space<hbm>>) dst(%arg10 : memref<128x128xf32, #tpu.memory_space<vmem>>)
      %dma_wait3A_215 = arith.constant 0 : i32
      %dma_wait3A_216 = tpu.memref_slice %arg8[%add3A_194, %dma_wait3A_215] : memref<40x128xi32, #tpu.memory_space<vmem>> -> memref<1x128xi32, #tpu.memory_space<vmem>>
      %dma_wait3A_217 = tpu.memref_squeeze %dma_wait3A_216 : memref<1x128xi32, #tpu.memory_space<vmem>> -> memref<128xi32, #tpu.memory_space<vmem>>
      %dma_wait3A_218 = arith.constant 0 : i32
      %dma_wait3A_219 = arith.constant 0 : i32
      %dma_wait3A_220 = tpu.memref_slice %arg11[%dma_wait3A_218, %dma_wait3A_219] : memref<10240x128xf32, #tpu.memory_space<vmem_shared>> -> memref<10240x128xf32, #tpu.memory_space<vmem_shared>>
      tpu.wait_indirect_dma semaphore(%arg13 : memref<!tpu.dma_semaphore, #tpu.memory_space<semaphore_mem>>) src(%arg9 : memref<128x128xf32, #tpu.memory_space<vmem>>) dst(%dma_wait3A_220 : memref<10240x128xf32, #tpu.memory_space<vmem_shared>>)
      %add3A_221 = arith.constant 7 : i32
      %add3A_222 = arith.addi %mul3A_13, %add3A_221 : i32
      %dma_start3A_223 = arith.constant 0 : i32
      %dma_start3A_224 = tpu.memref_slice %arg8[%add3A_222, %dma_start3A_223] : memref<40x128xi32, #tpu.memory_space<vmem>> -> memref<1x128xi32, #tpu.memory_space<vmem>>
      %dma_start3A_225 = tpu.memref_squeeze %dma_start3A_224 : memref<1x128xi32, #tpu.memory_space<vmem>> -> memref<128xi32, #tpu.memory_space<vmem>>
      %dma_start3A_226 = arith.constant 0 : i32
      %dma_start3A_227 = arith.constant 0 : i32
      %dma_start3A_228 = tpu.memref_slice %arg11[%dma_start3A_226, %dma_start3A_227] : memref<10240x128xf32, #tpu.memory_space<vmem_shared>> -> memref<10240x128xf32, #tpu.memory_space<vmem_shared>>
      tpu.enqueue_indirect_dma source(%arg10 : memref<128x128xf32, #tpu.memory_space<vmem>>) target(%dma_start3A_228 : memref<10240x128xf32, #tpu.memory_space<vmem_shared>>) offsets(%dma_start3A_225 : memref<128xi32, #tpu.memory_space<vmem>>) semaphore(%arg13 : memref<!tpu.dma_semaphore, #tpu.memory_space<semaphore_mem>>) {add = true}
      %dma_wait3A_229 = arith.constant 0 : i32
      %dma_wait3A_230 = tpu.memref_slice %arg8[%add3A_222, %dma_wait3A_229] : memref<40x128xi32, #tpu.memory_space<vmem>> -> memref<1x128xi32, #tpu.memory_space<vmem>>
      %dma_wait3A_231 = tpu.memref_squeeze %dma_wait3A_230 : memref<1x128xi32, #tpu.memory_space<vmem>> -> memref<128xi32, #tpu.memory_space<vmem>>
      %dma_wait3A_232 = arith.constant 0 : i32
      %dma_wait3A_233 = arith.constant 0 : i32
      %dma_wait3A_234 = tpu.memref_slice %arg11[%dma_wait3A_232, %dma_wait3A_233] : memref<10240x128xf32, #tpu.memory_space<vmem_shared>> -> memref<10240x128xf32, #tpu.memory_space<vmem_shared>>
      tpu.wait_indirect_dma semaphore(%arg13 : memref<!tpu.dma_semaphore, #tpu.memory_space<semaphore_mem>>) src(%arg10 : memref<128x128xf32, #tpu.memory_space<vmem>>) dst(%dma_wait3A_234 : memref<10240x128xf32, #tpu.memory_space<vmem_shared>>)
    }
    %scan3A_5 = arith.constant 5 : i32
    %barrier3A_6 = arith.constant 0 : index
    tpu.barrier barrier_id(%barrier3A_6)
    %mul3A_7 = arith.constant 640 : i32
    %mul3A_8 = arith.muli %arg1, %mul3A_7 : i32
    %mul3A_9 = arith.constant 640 : i32
    %mul3A_10 = arith.muli %arg1, %mul3A_9 : i32
    "tpu.region"() ({
      %run_scoped3A = tpu.sem_alloc : memref<!tpu.dma_semaphore, #tpu.memory_space<semaphore_mem>>
      %dma_start3A = arith.constant 0 : i32
      %dma_start3A_11 = tpu.memref_slice %arg6[%arg0, %mul3A_10, %dma_start3A] : memref<2x10240x128xf32, #tpu.memory_space<hbm>> -> memref<1x640x128xf32, #tpu.memory_space<hbm>>
      %dma_start3A_12 = tpu.memref_squeeze %dma_start3A_11 : memref<1x640x128xf32, #tpu.memory_space<hbm>> -> memref<640x128xf32, #tpu.memory_space<hbm>>
      %dma_start3A_13 = arith.constant 0 : i32
      %dma_start3A_14 = tpu.memref_slice %arg11[%mul3A_8, %dma_start3A_13] : memref<10240x128xf32, #tpu.memory_space<vmem_shared>> -> memref<640x128xf32, #tpu.memory_space<vmem_shared>>
      tpu.enqueue_dma source(%dma_start3A_14 : memref<640x128xf32, #tpu.memory_space<vmem_shared>>) target(%dma_start3A_12 : memref<640x128xf32, #tpu.memory_space<hbm>>) target_semaphore(%run_scoped3A : memref<!tpu.dma_semaphore, #tpu.memory_space<semaphore_mem>>)
      %dma_wait3A = arith.constant 0 : i32
      %dma_wait3A_15 = tpu.memref_slice %arg6[%arg0, %mul3A_10, %dma_wait3A] : memref<2x10240x128xf32, #tpu.memory_space<hbm>> -> memref<1x640x128xf32, #tpu.memory_space<hbm>>
      %dma_wait3A_16 = tpu.memref_squeeze %dma_wait3A_15 : memref<1x640x128xf32, #tpu.memory_space<hbm>> -> memref<640x128xf32, #tpu.memory_space<hbm>>
      %dma_wait3A_17 = arith.constant 0 : i32
      %dma_wait3A_18 = tpu.memref_slice %arg11[%mul3A_8, %dma_wait3A_17] : memref<10240x128xf32, #tpu.memory_space<vmem_shared>> -> memref<640x128xf32, #tpu.memory_space<vmem_shared>>
      tpu.wait_dma2 semaphore(%run_scoped3A : memref<!tpu.dma_semaphore, #tpu.memory_space<semaphore_mem>>) src(%dma_wait3A_18 : memref<640x128xf32, #tpu.memory_space<vmem_shared>>) dst(%dma_wait3A_16 : memref<640x128xf32, #tpu.memory_space<hbm>>)
      tpu.yield
    }) : () -> ()
    return
  }
}

#map = affine_map<(d0, d1) -> (0, 0)>
#map1 = affine_map<(d0, d1) -> (0, 0, 0, 0)>
#map2 = affine_map<(d0, d1) -> (0, 0, 0)>
module attributes {stable_mosaic.version = 14 : i64} {
  func.func @sc_aggregate(%arg0: i32, %arg1: i32, %arg2: memref<10000x128xf32, #tpu.memory_space<hbm>>, %arg3: memref<2x16x40x128xi32, #tpu.memory_space<hbm>>, %arg4: memref<2x16x40x128xi32, #tpu.memory_space<hbm>>, %arg5: memref<640x128xf32, #tpu.memory_space<hbm>>, %arg6: memref<2x10240x128xf32, #tpu.memory_space<hbm>>, %arg7: memref<40x128xi32, #tpu.memory_space<vmem>>, %arg8: memref<40x128xi32, #tpu.memory_space<vmem>>, %arg9: memref<128x128xf32, #tpu.memory_space<vmem>>, %arg10: memref<128x128xf32, #tpu.memory_space<vmem>>, %arg11: memref<10240x128xf32, #tpu.memory_space<vmem_shared>>, %arg12: memref<!tpu.dma_semaphore, #tpu.memory_space<semaphore_mem>>, %arg13: memref<!tpu.dma_semaphore, #tpu.memory_space<semaphore_mem>>) attributes {dimension_semantics = [#tpu.dimension_semantics<core_parallel>, #tpu.dimension_semantics<subcore_parallel>], iteration_bounds = array<i64: 2, 16>, scalar_prefetch = 0 : i64, scratch_operands = 7 : i64, tpu.core_type = #tpu.core_type<sc_vector_subcore>, window_params = [{transform_indices = #map}, {transform_indices = #map1}, {transform_indices = #map1}, {transform_indices = #map}, {transform_indices = #map2}]} {
    %mul3A = arith.constant 640 : i32
    %mul3A_0 = arith.muli %arg1, %mul3A : i32
    "tpu.region"() ({
      %run_scoped3A = tpu.sem_alloc : memref<!tpu.dma_semaphore, #tpu.memory_space<semaphore_mem>>
      %dma_start3A = arith.constant 0 : i32
      %dma_start3A_11 = tpu.memref_slice %arg11[%mul3A_0, %dma_start3A] : memref<10240x128xf32, #tpu.memory_space<vmem_shared>> -> memref<640x128xf32, #tpu.memory_space<vmem_shared>>
      tpu.enqueue_dma source(%arg5 : memref<640x128xf32, #tpu.memory_space<hbm>>) target(%dma_start3A_11 : memref<640x128xf32, #tpu.memory_space<vmem_shared>>) target_semaphore(%run_scoped3A : memref<!tpu.dma_semaphore, #tpu.memory_space<semaphore_mem>>)
      %dma_wait3A = arith.constant 0 : i32
      %dma_wait3A_12 = tpu.memref_slice %arg11[%mul3A_0, %dma_wait3A] : memref<10240x128xf32, #tpu.memory_space<vmem_shared>> -> memref<640x128xf32, #tpu.memory_space<vmem_shared>>
      tpu.wait_dma2 semaphore(%run_scoped3A : memref<!tpu.dma_semaphore, #tpu.memory_space<semaphore_mem>>) src(%arg5 : memref<640x128xf32, #tpu.memory_space<hbm>>) dst(%dma_wait3A_12 : memref<640x128xf32, #tpu.memory_space<vmem_shared>>)
      tpu.yield
    }) : () -> ()
    "tpu.region"() ({
      %run_scoped3A = tpu.sem_alloc : memref<!tpu.dma_semaphore, #tpu.memory_space<semaphore_mem>>
      %dma_start3A = arith.constant 0 : i32
      %dma_start3A_11 = arith.constant 0 : i32
      %dma_start3A_12 = tpu.memref_slice %arg3[%arg0, %arg1, %dma_start3A, %dma_start3A_11] : memref<2x16x40x128xi32, #tpu.memory_space<hbm>> -> memref<1x1x40x128xi32, #tpu.memory_space<hbm>>
      %dma_start3A_13 = tpu.memref_squeeze %dma_start3A_12 : memref<1x1x40x128xi32, #tpu.memory_space<hbm>> -> memref<40x128xi32, #tpu.memory_space<hbm>>
      %dma_start3A_14 = arith.constant 0 : i32
      %dma_start3A_15 = arith.constant 0 : i32
      %dma_start3A_16 = tpu.memref_slice %arg3[%arg0, %arg1, %dma_start3A_14, %dma_start3A_15] : memref<2x16x40x128xi32, #tpu.memory_space<hbm>> -> memref<1x1x40x128xi32, #tpu.memory_space<hbm>>
      %dma_start3A_17 = tpu.memref_squeeze %dma_start3A_16 : memref<1x1x40x128xi32, #tpu.memory_space<hbm>> -> memref<40x128xi32, #tpu.memory_space<hbm>>
      tpu.enqueue_dma source(%dma_start3A_17 : memref<40x128xi32, #tpu.memory_space<hbm>>) target(%arg7 : memref<40x128xi32, #tpu.memory_space<vmem>>) target_semaphore(%run_scoped3A : memref<!tpu.dma_semaphore, #tpu.memory_space<semaphore_mem>>)
      %dma_wait3A = arith.constant 0 : i32
      %dma_wait3A_18 = arith.constant 0 : i32
      %dma_wait3A_19 = tpu.memref_slice %arg3[%arg0, %arg1, %dma_wait3A, %dma_wait3A_18] : memref<2x16x40x128xi32, #tpu.memory_space<hbm>> -> memref<1x1x40x128xi32, #tpu.memory_space<hbm>>
      %dma_wait3A_20 = tpu.memref_squeeze %dma_wait3A_19 : memref<1x1x40x128xi32, #tpu.memory_space<hbm>> -> memref<40x128xi32, #tpu.memory_space<hbm>>
      %dma_wait3A_21 = arith.constant 0 : i32
      %dma_wait3A_22 = arith.constant 0 : i32
      %dma_wait3A_23 = tpu.memref_slice %arg3[%arg0, %arg1, %dma_wait3A_21, %dma_wait3A_22] : memref<2x16x40x128xi32, #tpu.memory_space<hbm>> -> memref<1x1x40x128xi32, #tpu.memory_space<hbm>>
      %dma_wait3A_24 = tpu.memref_squeeze %dma_wait3A_23 : memref<1x1x40x128xi32, #tpu.memory_space<hbm>> -> memref<40x128xi32, #tpu.memory_space<hbm>>
      tpu.wait_dma2 semaphore(%run_scoped3A : memref<!tpu.dma_semaphore, #tpu.memory_space<semaphore_mem>>) src(%dma_wait3A_24 : memref<40x128xi32, #tpu.memory_space<hbm>>) dst(%arg7 : memref<40x128xi32, #tpu.memory_space<vmem>>)
      tpu.yield
    }) : () -> ()
    "tpu.region"() ({
      %run_scoped3A = tpu.sem_alloc : memref<!tpu.dma_semaphore, #tpu.memory_space<semaphore_mem>>
      %dma_start3A = arith.constant 0 : i32
      %dma_start3A_11 = arith.constant 0 : i32
      %dma_start3A_12 = tpu.memref_slice %arg4[%arg0, %arg1, %dma_start3A, %dma_start3A_11] : memref<2x16x40x128xi32, #tpu.memory_space<hbm>> -> memref<1x1x40x128xi32, #tpu.memory_space<hbm>>
      %dma_start3A_13 = tpu.memref_squeeze %dma_start3A_12 : memref<1x1x40x128xi32, #tpu.memory_space<hbm>> -> memref<40x128xi32, #tpu.memory_space<hbm>>
      %dma_start3A_14 = arith.constant 0 : i32
      %dma_start3A_15 = arith.constant 0 : i32
      %dma_start3A_16 = tpu.memref_slice %arg4[%arg0, %arg1, %dma_start3A_14, %dma_start3A_15] : memref<2x16x40x128xi32, #tpu.memory_space<hbm>> -> memref<1x1x40x128xi32, #tpu.memory_space<hbm>>
      %dma_start3A_17 = tpu.memref_squeeze %dma_start3A_16 : memref<1x1x40x128xi32, #tpu.memory_space<hbm>> -> memref<40x128xi32, #tpu.memory_space<hbm>>
      tpu.enqueue_dma source(%dma_start3A_17 : memref<40x128xi32, #tpu.memory_space<hbm>>) target(%arg8 : memref<40x128xi32, #tpu.memory_space<vmem>>) target_semaphore(%run_scoped3A : memref<!tpu.dma_semaphore, #tpu.memory_space<semaphore_mem>>)
      %dma_wait3A = arith.constant 0 : i32
      %dma_wait3A_18 = arith.constant 0 : i32
      %dma_wait3A_19 = tpu.memref_slice %arg4[%arg0, %arg1, %dma_wait3A, %dma_wait3A_18] : memref<2x16x40x128xi32, #tpu.memory_space<hbm>> -> memref<1x1x40x128xi32, #tpu.memory_space<hbm>>
      %dma_wait3A_20 = tpu.memref_squeeze %dma_wait3A_19 : memref<1x1x40x128xi32, #tpu.memory_space<hbm>> -> memref<40x128xi32, #tpu.memory_space<hbm>>
      %dma_wait3A_21 = arith.constant 0 : i32
      %dma_wait3A_22 = arith.constant 0 : i32
      %dma_wait3A_23 = tpu.memref_slice %arg4[%arg0, %arg1, %dma_wait3A_21, %dma_wait3A_22] : memref<2x16x40x128xi32, #tpu.memory_space<hbm>> -> memref<1x1x40x128xi32, #tpu.memory_space<hbm>>
      %dma_wait3A_24 = tpu.memref_squeeze %dma_wait3A_23 : memref<1x1x40x128xi32, #tpu.memory_space<hbm>> -> memref<40x128xi32, #tpu.memory_space<hbm>>
      tpu.wait_dma2 semaphore(%run_scoped3A : memref<!tpu.dma_semaphore, #tpu.memory_space<semaphore_mem>>) src(%dma_wait3A_24 : memref<40x128xi32, #tpu.memory_space<hbm>>) dst(%arg8 : memref<40x128xi32, #tpu.memory_space<vmem>>)
      tpu.yield
    }) : () -> ()
    %barrier3A = arith.constant 0 : index
    tpu.barrier barrier_id(%barrier3A)
    %scan3A = arith.constant 0 : i32
    %scan3A_1 = arith.constant 0 : i32
    %scan3A_2 = arith.constant 5 : i32
    %scan3A_3 = arith.addi %scan3A_1, %scan3A_2 : i32
    %scan3A_4 = arith.constant 1 : i32
    scf.for %scan3A_11 = %scan3A_1 to %scan3A_3 step %scan3A_4  : i32 {
      %mul3A_12 = arith.constant 8 : i32
      %mul3A_13 = arith.muli %scan3A_11, %mul3A_12 : i32
      %add3A = arith.constant 0 : i32
      %add3A_14 = arith.addi %mul3A_13, %add3A : i32
      %dma_start3A = arith.constant 0 : i32
      %dma_start3A_15 = tpu.memref_slice %arg7[%add3A_14, %dma_start3A] : memref<40x128xi32, #tpu.memory_space<vmem>> -> memref<1x128xi32, #tpu.memory_space<vmem>>
      %dma_start3A_16 = tpu.memref_squeeze %dma_start3A_15 : memref<1x128xi32, #tpu.memory_space<vmem>> -> memref<128xi32, #tpu.memory_space<vmem>>
      %dma_start3A_17 = arith.constant 0 : i32
      %dma_start3A_18 = arith.constant 0 : i32
      %dma_start3A_19 = tpu.memref_slice %arg2[%dma_start3A_17, %dma_start3A_18] : memref<10000x128xf32, #tpu.memory_space<hbm>> -> memref<10000x128xf32, #tpu.memory_space<hbm>>
      tpu.enqueue_indirect_dma source(%dma_start3A_19 : memref<10000x128xf32, #tpu.memory_space<hbm>>) target(%arg9 : memref<128x128xf32, #tpu.memory_space<vmem>>) offsets(%dma_start3A_16 : memref<128xi32, #tpu.memory_space<vmem>>) semaphore(%arg12 : memref<!tpu.dma_semaphore, #tpu.memory_space<semaphore_mem>>)
      %dma_wait3A = arith.constant 0 : i32
      %dma_wait3A_20 = tpu.memref_slice %arg7[%add3A_14, %dma_wait3A] : memref<40x128xi32, #tpu.memory_space<vmem>> -> memref<1x128xi32, #tpu.memory_space<vmem>>
      %dma_wait3A_21 = tpu.memref_squeeze %dma_wait3A_20 : memref<1x128xi32, #tpu.memory_space<vmem>> -> memref<128xi32, #tpu.memory_space<vmem>>
      %dma_wait3A_22 = arith.constant 0 : i32
      %dma_wait3A_23 = arith.constant 0 : i32
      %dma_wait3A_24 = tpu.memref_slice %arg2[%dma_wait3A_22, %dma_wait3A_23] : memref<10000x128xf32, #tpu.memory_space<hbm>> -> memref<10000x128xf32, #tpu.memory_space<hbm>>
      tpu.wait_indirect_dma semaphore(%arg12 : memref<!tpu.dma_semaphore, #tpu.memory_space<semaphore_mem>>) src(%dma_wait3A_24 : memref<10000x128xf32, #tpu.memory_space<hbm>>) dst(%arg9 : memref<128x128xf32, #tpu.memory_space<vmem>>)
      %add3A_25 = arith.constant 0 : i32
      %add3A_26 = arith.addi %mul3A_13, %add3A_25 : i32
      %dma_start3A_27 = arith.constant 0 : i32
      %dma_start3A_28 = tpu.memref_slice %arg8[%add3A_26, %dma_start3A_27] : memref<40x128xi32, #tpu.memory_space<vmem>> -> memref<1x128xi32, #tpu.memory_space<vmem>>
      %dma_start3A_29 = tpu.memref_squeeze %dma_start3A_28 : memref<1x128xi32, #tpu.memory_space<vmem>> -> memref<128xi32, #tpu.memory_space<vmem>>
      %dma_start3A_30 = arith.constant 0 : i32
      %dma_start3A_31 = arith.constant 0 : i32
      %dma_start3A_32 = tpu.memref_slice %arg11[%dma_start3A_30, %dma_start3A_31] : memref<10240x128xf32, #tpu.memory_space<vmem_shared>> -> memref<10240x128xf32, #tpu.memory_space<vmem_shared>>
      tpu.enqueue_indirect_dma source(%arg9 : memref<128x128xf32, #tpu.memory_space<vmem>>) target(%dma_start3A_32 : memref<10240x128xf32, #tpu.memory_space<vmem_shared>>) offsets(%dma_start3A_29 : memref<128xi32, #tpu.memory_space<vmem>>) semaphore(%arg13 : memref<!tpu.dma_semaphore, #tpu.memory_space<semaphore_mem>>) {add = true}
      %add3A_33 = arith.constant 1 : i32
      %add3A_34 = arith.addi %mul3A_13, %add3A_33 : i32
      %dma_start3A_35 = arith.constant 0 : i32
      %dma_start3A_36 = tpu.memref_slice %arg7[%add3A_34, %dma_start3A_35] : memref<40x128xi32, #tpu.memory_space<vmem>> -> memref<1x128xi32, #tpu.memory_space<vmem>>
      %dma_start3A_37 = tpu.memref_squeeze %dma_start3A_36 : memref<1x128xi32, #tpu.memory_space<vmem>> -> memref<128xi32, #tpu.memory_space<vmem>>
      %dma_start3A_38 = arith.constant 0 : i32
      %dma_start3A_39 = arith.constant 0 : i32
      %dma_start3A_40 = tpu.memref_slice %arg2[%dma_start3A_38, %dma_start3A_39] : memref<10000x128xf32, #tpu.memory_space<hbm>> -> memref<10000x128xf32, #tpu.memory_space<hbm>>
      tpu.enqueue_indirect_dma source(%dma_start3A_40 : memref<10000x128xf32, #tpu.memory_space<hbm>>) target(%arg10 : memref<128x128xf32, #tpu.memory_space<vmem>>) offsets(%dma_start3A_37 : memref<128xi32, #tpu.memory_space<vmem>>) semaphore(%arg12 : memref<!tpu.dma_semaphore, #tpu.memory_space<semaphore_mem>>)
      %dma_wait3A_41 = arith.constant 0 : i32
      %dma_wait3A_42 = tpu.memref_slice %arg7[%add3A_34, %dma_wait3A_41] : memref<40x128xi32, #tpu.memory_space<vmem>> -> memref<1x128xi32, #tpu.memory_space<vmem>>
      %dma_wait3A_43 = tpu.memref_squeeze %dma_wait3A_42 : memref<1x128xi32, #tpu.memory_space<vmem>> -> memref<128xi32, #tpu.memory_space<vmem>>
      %dma_wait3A_44 = arith.constant 0 : i32
      %dma_wait3A_45 = arith.constant 0 : i32
      %dma_wait3A_46 = tpu.memref_slice %arg2[%dma_wait3A_44, %dma_wait3A_45] : memref<10000x128xf32, #tpu.memory_space<hbm>> -> memref<10000x128xf32, #tpu.memory_space<hbm>>
      tpu.wait_indirect_dma semaphore(%arg12 : memref<!tpu.dma_semaphore, #tpu.memory_space<semaphore_mem>>) src(%dma_wait3A_46 : memref<10000x128xf32, #tpu.memory_space<hbm>>) dst(%arg10 : memref<128x128xf32, #tpu.memory_space<vmem>>)
      %dma_wait3A_47 = arith.constant 0 : i32
      %dma_wait3A_48 = tpu.memref_slice %arg8[%add3A_26, %dma_wait3A_47] : memref<40x128xi32, #tpu.memory_space<vmem>> -> memref<1x128xi32, #tpu.memory_space<vmem>>
      %dma_wait3A_49 = tpu.memref_squeeze %dma_wait3A_48 : memref<1x128xi32, #tpu.memory_space<vmem>> -> memref<128xi32, #tpu.memory_space<vmem>>
      %dma_wait3A_50 = arith.constant 0 : i32
      %dma_wait3A_51 = arith.constant 0 : i32
      %dma_wait3A_52 = tpu.memref_slice %arg11[%dma_wait3A_50, %dma_wait3A_51] : memref<10240x128xf32, #tpu.memory_space<vmem_shared>> -> memref<10240x128xf32, #tpu.memory_space<vmem_shared>>
      tpu.wait_indirect_dma semaphore(%arg13 : memref<!tpu.dma_semaphore, #tpu.memory_space<semaphore_mem>>) src(%arg9 : memref<128x128xf32, #tpu.memory_space<vmem>>) dst(%dma_wait3A_52 : memref<10240x128xf32, #tpu.memory_space<vmem_shared>>)
      %add3A_53 = arith.constant 1 : i32
      %add3A_54 = arith.addi %mul3A_13, %add3A_53 : i32
      %dma_start3A_55 = arith.constant 0 : i32
      %dma_start3A_56 = tpu.memref_slice %arg8[%add3A_54, %dma_start3A_55] : memref<40x128xi32, #tpu.memory_space<vmem>> -> memref<1x128xi32, #tpu.memory_space<vmem>>
      %dma_start3A_57 = tpu.memref_squeeze %dma_start3A_56 : memref<1x128xi32, #tpu.memory_space<vmem>> -> memref<128xi32, #tpu.memory_space<vmem>>
      %dma_start3A_58 = arith.constant 0 : i32
      %dma_start3A_59 = arith.constant 0 : i32
      %dma_start3A_60 = tpu.memref_slice %arg11[%dma_start3A_58, %dma_start3A_59] : memref<10240x128xf32, #tpu.memory_space<vmem_shared>> -> memref<10240x128xf32, #tpu.memory_space<vmem_shared>>
      tpu.enqueue_indirect_dma source(%arg10 : memref<128x128xf32, #tpu.memory_space<vmem>>) target(%dma_start3A_60 : memref<10240x128xf32, #tpu.memory_space<vmem_shared>>) offsets(%dma_start3A_57 : memref<128xi32, #tpu.memory_space<vmem>>) semaphore(%arg13 : memref<!tpu.dma_semaphore, #tpu.memory_space<semaphore_mem>>) {add = true}
      %add3A_61 = arith.constant 2 : i32
      %add3A_62 = arith.addi %mul3A_13, %add3A_61 : i32
      %dma_start3A_63 = arith.constant 0 : i32
      %dma_start3A_64 = tpu.memref_slice %arg7[%add3A_62, %dma_start3A_63] : memref<40x128xi32, #tpu.memory_space<vmem>> -> memref<1x128xi32, #tpu.memory_space<vmem>>
      %dma_start3A_65 = tpu.memref_squeeze %dma_start3A_64 : memref<1x128xi32, #tpu.memory_space<vmem>> -> memref<128xi32, #tpu.memory_space<vmem>>
      %dma_start3A_66 = arith.constant 0 : i32
      %dma_start3A_67 = arith.constant 0 : i32
      %dma_start3A_68 = tpu.memref_slice %arg2[%dma_start3A_66, %dma_start3A_67] : memref<10000x128xf32, #tpu.memory_space<hbm>> -> memref<10000x128xf32, #tpu.memory_space<hbm>>
      tpu.enqueue_indirect_dma source(%dma_start3A_68 : memref<10000x128xf32, #tpu.memory_space<hbm>>) target(%arg9 : memref<128x128xf32, #tpu.memory_space<vmem>>) offsets(%dma_start3A_65 : memref<128xi32, #tpu.memory_space<vmem>>) semaphore(%arg12 : memref<!tpu.dma_semaphore, #tpu.memory_space<semaphore_mem>>)
      %dma_wait3A_69 = arith.constant 0 : i32
      %dma_wait3A_70 = tpu.memref_slice %arg7[%add3A_62, %dma_wait3A_69] : memref<40x128xi32, #tpu.memory_space<vmem>> -> memref<1x128xi32, #tpu.memory_space<vmem>>
      %dma_wait3A_71 = tpu.memref_squeeze %dma_wait3A_70 : memref<1x128xi32, #tpu.memory_space<vmem>> -> memref<128xi32, #tpu.memory_space<vmem>>
      %dma_wait3A_72 = arith.constant 0 : i32
      %dma_wait3A_73 = arith.constant 0 : i32
      %dma_wait3A_74 = tpu.memref_slice %arg2[%dma_wait3A_72, %dma_wait3A_73] : memref<10000x128xf32, #tpu.memory_space<hbm>> -> memref<10000x128xf32, #tpu.memory_space<hbm>>
      tpu.wait_indirect_dma semaphore(%arg12 : memref<!tpu.dma_semaphore, #tpu.memory_space<semaphore_mem>>) src(%dma_wait3A_74 : memref<10000x128xf32, #tpu.memory_space<hbm>>) dst(%arg9 : memref<128x128xf32, #tpu.memory_space<vmem>>)
      %dma_wait3A_75 = arith.constant 0 : i32
      %dma_wait3A_76 = tpu.memref_slice %arg8[%add3A_54, %dma_wait3A_75] : memref<40x128xi32, #tpu.memory_space<vmem>> -> memref<1x128xi32, #tpu.memory_space<vmem>>
      %dma_wait3A_77 = tpu.memref_squeeze %dma_wait3A_76 : memref<1x128xi32, #tpu.memory_space<vmem>> -> memref<128xi32, #tpu.memory_space<vmem>>
      %dma_wait3A_78 = arith.constant 0 : i32
      %dma_wait3A_79 = arith.constant 0 : i32
      %dma_wait3A_80 = tpu.memref_slice %arg11[%dma_wait3A_78, %dma_wait3A_79] : memref<10240x128xf32, #tpu.memory_space<vmem_shared>> -> memref<10240x128xf32, #tpu.memory_space<vmem_shared>>
      tpu.wait_indirect_dma semaphore(%arg13 : memref<!tpu.dma_semaphore, #tpu.memory_space<semaphore_mem>>) src(%arg10 : memref<128x128xf32, #tpu.memory_space<vmem>>) dst(%dma_wait3A_80 : memref<10240x128xf32, #tpu.memory_space<vmem_shared>>)
      %add3A_81 = arith.constant 2 : i32
      %add3A_82 = arith.addi %mul3A_13, %add3A_81 : i32
      %dma_start3A_83 = arith.constant 0 : i32
      %dma_start3A_84 = tpu.memref_slice %arg8[%add3A_82, %dma_start3A_83] : memref<40x128xi32, #tpu.memory_space<vmem>> -> memref<1x128xi32, #tpu.memory_space<vmem>>
      %dma_start3A_85 = tpu.memref_squeeze %dma_start3A_84 : memref<1x128xi32, #tpu.memory_space<vmem>> -> memref<128xi32, #tpu.memory_space<vmem>>
      %dma_start3A_86 = arith.constant 0 : i32
      %dma_start3A_87 = arith.constant 0 : i32
      %dma_start3A_88 = tpu.memref_slice %arg11[%dma_start3A_86, %dma_start3A_87] : memref<10240x128xf32, #tpu.memory_space<vmem_shared>> -> memref<10240x128xf32, #tpu.memory_space<vmem_shared>>
      tpu.enqueue_indirect_dma source(%arg9 : memref<128x128xf32, #tpu.memory_space<vmem>>) target(%dma_start3A_88 : memref<10240x128xf32, #tpu.memory_space<vmem_shared>>) offsets(%dma_start3A_85 : memref<128xi32, #tpu.memory_space<vmem>>) semaphore(%arg13 : memref<!tpu.dma_semaphore, #tpu.memory_space<semaphore_mem>>) {add = true}
      %add3A_89 = arith.constant 3 : i32
      %add3A_90 = arith.addi %mul3A_13, %add3A_89 : i32
      %dma_start3A_91 = arith.constant 0 : i32
      %dma_start3A_92 = tpu.memref_slice %arg7[%add3A_90, %dma_start3A_91] : memref<40x128xi32, #tpu.memory_space<vmem>> -> memref<1x128xi32, #tpu.memory_space<vmem>>
      %dma_start3A_93 = tpu.memref_squeeze %dma_start3A_92 : memref<1x128xi32, #tpu.memory_space<vmem>> -> memref<128xi32, #tpu.memory_space<vmem>>
      %dma_start3A_94 = arith.constant 0 : i32
      %dma_start3A_95 = arith.constant 0 : i32
      %dma_start3A_96 = tpu.memref_slice %arg2[%dma_start3A_94, %dma_start3A_95] : memref<10000x128xf32, #tpu.memory_space<hbm>> -> memref<10000x128xf32, #tpu.memory_space<hbm>>
      tpu.enqueue_indirect_dma source(%dma_start3A_96 : memref<10000x128xf32, #tpu.memory_space<hbm>>) target(%arg10 : memref<128x128xf32, #tpu.memory_space<vmem>>) offsets(%dma_start3A_93 : memref<128xi32, #tpu.memory_space<vmem>>) semaphore(%arg12 : memref<!tpu.dma_semaphore, #tpu.memory_space<semaphore_mem>>)
      %dma_wait3A_97 = arith.constant 0 : i32
      %dma_wait3A_98 = tpu.memref_slice %arg7[%add3A_90, %dma_wait3A_97] : memref<40x128xi32, #tpu.memory_space<vmem>> -> memref<1x128xi32, #tpu.memory_space<vmem>>
      %dma_wait3A_99 = tpu.memref_squeeze %dma_wait3A_98 : memref<1x128xi32, #tpu.memory_space<vmem>> -> memref<128xi32, #tpu.memory_space<vmem>>
      %dma_wait3A_100 = arith.constant 0 : i32
      %dma_wait3A_101 = arith.constant 0 : i32
      %dma_wait3A_102 = tpu.memref_slice %arg2[%dma_wait3A_100, %dma_wait3A_101] : memref<10000x128xf32, #tpu.memory_space<hbm>> -> memref<10000x128xf32, #tpu.memory_space<hbm>>
      tpu.wait_indirect_dma semaphore(%arg12 : memref<!tpu.dma_semaphore, #tpu.memory_space<semaphore_mem>>) src(%dma_wait3A_102 : memref<10000x128xf32, #tpu.memory_space<hbm>>) dst(%arg10 : memref<128x128xf32, #tpu.memory_space<vmem>>)
      %dma_wait3A_103 = arith.constant 0 : i32
      %dma_wait3A_104 = tpu.memref_slice %arg8[%add3A_82, %dma_wait3A_103] : memref<40x128xi32, #tpu.memory_space<vmem>> -> memref<1x128xi32, #tpu.memory_space<vmem>>
      %dma_wait3A_105 = tpu.memref_squeeze %dma_wait3A_104 : memref<1x128xi32, #tpu.memory_space<vmem>> -> memref<128xi32, #tpu.memory_space<vmem>>
      %dma_wait3A_106 = arith.constant 0 : i32
      %dma_wait3A_107 = arith.constant 0 : i32
      %dma_wait3A_108 = tpu.memref_slice %arg11[%dma_wait3A_106, %dma_wait3A_107] : memref<10240x128xf32, #tpu.memory_space<vmem_shared>> -> memref<10240x128xf32, #tpu.memory_space<vmem_shared>>
      tpu.wait_indirect_dma semaphore(%arg13 : memref<!tpu.dma_semaphore, #tpu.memory_space<semaphore_mem>>) src(%arg9 : memref<128x128xf32, #tpu.memory_space<vmem>>) dst(%dma_wait3A_108 : memref<10240x128xf32, #tpu.memory_space<vmem_shared>>)
      %add3A_109 = arith.constant 3 : i32
      %add3A_110 = arith.addi %mul3A_13, %add3A_109 : i32
      %dma_start3A_111 = arith.constant 0 : i32
      %dma_start3A_112 = tpu.memref_slice %arg8[%add3A_110, %dma_start3A_111] : memref<40x128xi32, #tpu.memory_space<vmem>> -> memref<1x128xi32, #tpu.memory_space<vmem>>
      %dma_start3A_113 = tpu.memref_squeeze %dma_start3A_112 : memref<1x128xi32, #tpu.memory_space<vmem>> -> memref<128xi32, #tpu.memory_space<vmem>>
      %dma_start3A_114 = arith.constant 0 : i32
      %dma_start3A_115 = arith.constant 0 : i32
      %dma_start3A_116 = tpu.memref_slice %arg11[%dma_start3A_114, %dma_start3A_115] : memref<10240x128xf32, #tpu.memory_space<vmem_shared>> -> memref<10240x128xf32, #tpu.memory_space<vmem_shared>>
      tpu.enqueue_indirect_dma source(%arg10 : memref<128x128xf32, #tpu.memory_space<vmem>>) target(%dma_start3A_116 : memref<10240x128xf32, #tpu.memory_space<vmem_shared>>) offsets(%dma_start3A_113 : memref<128xi32, #tpu.memory_space<vmem>>) semaphore(%arg13 : memref<!tpu.dma_semaphore, #tpu.memory_space<semaphore_mem>>) {add = true}
      %add3A_117 = arith.constant 4 : i32
      %add3A_118 = arith.addi %mul3A_13, %add3A_117 : i32
      %dma_start3A_119 = arith.constant 0 : i32
      %dma_start3A_120 = tpu.memref_slice %arg7[%add3A_118, %dma_start3A_119] : memref<40x128xi32, #tpu.memory_space<vmem>> -> memref<1x128xi32, #tpu.memory_space<vmem>>
      %dma_start3A_121 = tpu.memref_squeeze %dma_start3A_120 : memref<1x128xi32, #tpu.memory_space<vmem>> -> memref<128xi32, #tpu.memory_space<vmem>>
      %dma_start3A_122 = arith.constant 0 : i32
      %dma_start3A_123 = arith.constant 0 : i32
      %dma_start3A_124 = tpu.memref_slice %arg2[%dma_start3A_122, %dma_start3A_123] : memref<10000x128xf32, #tpu.memory_space<hbm>> -> memref<10000x128xf32, #tpu.memory_space<hbm>>
      tpu.enqueue_indirect_dma source(%dma_start3A_124 : memref<10000x128xf32, #tpu.memory_space<hbm>>) target(%arg9 : memref<128x128xf32, #tpu.memory_space<vmem>>) offsets(%dma_start3A_121 : memref<128xi32, #tpu.memory_space<vmem>>) semaphore(%arg12 : memref<!tpu.dma_semaphore, #tpu.memory_space<semaphore_mem>>)
      %dma_wait3A_125 = arith.constant 0 : i32
      %dma_wait3A_126 = tpu.memref_slice %arg7[%add3A_118, %dma_wait3A_125] : memref<40x128xi32, #tpu.memory_space<vmem>> -> memref<1x128xi32, #tpu.memory_space<vmem>>
      %dma_wait3A_127 = tpu.memref_squeeze %dma_wait3A_126 : memref<1x128xi32, #tpu.memory_space<vmem>> -> memref<128xi32, #tpu.memory_space<vmem>>
      %dma_wait3A_128 = arith.constant 0 : i32
      %dma_wait3A_129 = arith.constant 0 : i32
      %dma_wait3A_130 = tpu.memref_slice %arg2[%dma_wait3A_128, %dma_wait3A_129] : memref<10000x128xf32, #tpu.memory_space<hbm>> -> memref<10000x128xf32, #tpu.memory_space<hbm>>
      tpu.wait_indirect_dma semaphore(%arg12 : memref<!tpu.dma_semaphore, #tpu.memory_space<semaphore_mem>>) src(%dma_wait3A_130 : memref<10000x128xf32, #tpu.memory_space<hbm>>) dst(%arg9 : memref<128x128xf32, #tpu.memory_space<vmem>>)
      %dma_wait3A_131 = arith.constant 0 : i32
      %dma_wait3A_132 = tpu.memref_slice %arg8[%add3A_110, %dma_wait3A_131] : memref<40x128xi32, #tpu.memory_space<vmem>> -> memref<1x128xi32, #tpu.memory_space<vmem>>
      %dma_wait3A_133 = tpu.memref_squeeze %dma_wait3A_132 : memref<1x128xi32, #tpu.memory_space<vmem>> -> memref<128xi32, #tpu.memory_space<vmem>>
      %dma_wait3A_134 = arith.constant 0 : i32
      %dma_wait3A_135 = arith.constant 0 : i32
      %dma_wait3A_136 = tpu.memref_slice %arg11[%dma_wait3A_134, %dma_wait3A_135] : memref<10240x128xf32, #tpu.memory_space<vmem_shared>> -> memref<10240x128xf32, #tpu.memory_space<vmem_shared>>
      tpu.wait_indirect_dma semaphore(%arg13 : memref<!tpu.dma_semaphore, #tpu.memory_space<semaphore_mem>>) src(%arg10 : memref<128x128xf32, #tpu.memory_space<vmem>>) dst(%dma_wait3A_136 : memref<10240x128xf32, #tpu.memory_space<vmem_shared>>)
      %add3A_137 = arith.constant 4 : i32
      %add3A_138 = arith.addi %mul3A_13, %add3A_137 : i32
      %dma_start3A_139 = arith.constant 0 : i32
      %dma_start3A_140 = tpu.memref_slice %arg8[%add3A_138, %dma_start3A_139] : memref<40x128xi32, #tpu.memory_space<vmem>> -> memref<1x128xi32, #tpu.memory_space<vmem>>
      %dma_start3A_141 = tpu.memref_squeeze %dma_start3A_140 : memref<1x128xi32, #tpu.memory_space<vmem>> -> memref<128xi32, #tpu.memory_space<vmem>>
      %dma_start3A_142 = arith.constant 0 : i32
      %dma_start3A_143 = arith.constant 0 : i32
      %dma_start3A_144 = tpu.memref_slice %arg11[%dma_start3A_142, %dma_start3A_143] : memref<10240x128xf32, #tpu.memory_space<vmem_shared>> -> memref<10240x128xf32, #tpu.memory_space<vmem_shared>>
      tpu.enqueue_indirect_dma source(%arg9 : memref<128x128xf32, #tpu.memory_space<vmem>>) target(%dma_start3A_144 : memref<10240x128xf32, #tpu.memory_space<vmem_shared>>) offsets(%dma_start3A_141 : memref<128xi32, #tpu.memory_space<vmem>>) semaphore(%arg13 : memref<!tpu.dma_semaphore, #tpu.memory_space<semaphore_mem>>) {add = true}
      %add3A_145 = arith.constant 5 : i32
      %add3A_146 = arith.addi %mul3A_13, %add3A_145 : i32
      %dma_start3A_147 = arith.constant 0 : i32
      %dma_start3A_148 = tpu.memref_slice %arg7[%add3A_146, %dma_start3A_147] : memref<40x128xi32, #tpu.memory_space<vmem>> -> memref<1x128xi32, #tpu.memory_space<vmem>>
      %dma_start3A_149 = tpu.memref_squeeze %dma_start3A_148 : memref<1x128xi32, #tpu.memory_space<vmem>> -> memref<128xi32, #tpu.memory_space<vmem>>
      %dma_start3A_150 = arith.constant 0 : i32
      %dma_start3A_151 = arith.constant 0 : i32
      %dma_start3A_152 = tpu.memref_slice %arg2[%dma_start3A_150, %dma_start3A_151] : memref<10000x128xf32, #tpu.memory_space<hbm>> -> memref<10000x128xf32, #tpu.memory_space<hbm>>
      tpu.enqueue_indirect_dma source(%dma_start3A_152 : memref<10000x128xf32, #tpu.memory_space<hbm>>) target(%arg10 : memref<128x128xf32, #tpu.memory_space<vmem>>) offsets(%dma_start3A_149 : memref<128xi32, #tpu.memory_space<vmem>>) semaphore(%arg12 : memref<!tpu.dma_semaphore, #tpu.memory_space<semaphore_mem>>)
      %dma_wait3A_153 = arith.constant 0 : i32
      %dma_wait3A_154 = tpu.memref_slice %arg7[%add3A_146, %dma_wait3A_153] : memref<40x128xi32, #tpu.memory_space<vmem>> -> memref<1x128xi32, #tpu.memory_space<vmem>>
      %dma_wait3A_155 = tpu.memref_squeeze %dma_wait3A_154 : memref<1x128xi32, #tpu.memory_space<vmem>> -> memref<128xi32, #tpu.memory_space<vmem>>
      %dma_wait3A_156 = arith.constant 0 : i32
      %dma_wait3A_157 = arith.constant 0 : i32
      %dma_wait3A_158 = tpu.memref_slice %arg2[%dma_wait3A_156, %dma_wait3A_157] : memref<10000x128xf32, #tpu.memory_space<hbm>> -> memref<10000x128xf32, #tpu.memory_space<hbm>>
      tpu.wait_indirect_dma semaphore(%arg12 : memref<!tpu.dma_semaphore, #tpu.memory_space<semaphore_mem>>) src(%dma_wait3A_158 : memref<10000x128xf32, #tpu.memory_space<hbm>>) dst(%arg10 : memref<128x128xf32, #tpu.memory_space<vmem>>)
      %dma_wait3A_159 = arith.constant 0 : i32
      %dma_wait3A_160 = tpu.memref_slice %arg8[%add3A_138, %dma_wait3A_159] : memref<40x128xi32, #tpu.memory_space<vmem>> -> memref<1x128xi32, #tpu.memory_space<vmem>>
      %dma_wait3A_161 = tpu.memref_squeeze %dma_wait3A_160 : memref<1x128xi32, #tpu.memory_space<vmem>> -> memref<128xi32, #tpu.memory_space<vmem>>
      %dma_wait3A_162 = arith.constant 0 : i32
      %dma_wait3A_163 = arith.constant 0 : i32
      %dma_wait3A_164 = tpu.memref_slice %arg11[%dma_wait3A_162, %dma_wait3A_163] : memref<10240x128xf32, #tpu.memory_space<vmem_shared>> -> memref<10240x128xf32, #tpu.memory_space<vmem_shared>>
      tpu.wait_indirect_dma semaphore(%arg13 : memref<!tpu.dma_semaphore, #tpu.memory_space<semaphore_mem>>) src(%arg9 : memref<128x128xf32, #tpu.memory_space<vmem>>) dst(%dma_wait3A_164 : memref<10240x128xf32, #tpu.memory_space<vmem_shared>>)
      %add3A_165 = arith.constant 5 : i32
      %add3A_166 = arith.addi %mul3A_13, %add3A_165 : i32
      %dma_start3A_167 = arith.constant 0 : i32
      %dma_start3A_168 = tpu.memref_slice %arg8[%add3A_166, %dma_start3A_167] : memref<40x128xi32, #tpu.memory_space<vmem>> -> memref<1x128xi32, #tpu.memory_space<vmem>>
      %dma_start3A_169 = tpu.memref_squeeze %dma_start3A_168 : memref<1x128xi32, #tpu.memory_space<vmem>> -> memref<128xi32, #tpu.memory_space<vmem>>
      %dma_start3A_170 = arith.constant 0 : i32
      %dma_start3A_171 = arith.constant 0 : i32
      %dma_start3A_172 = tpu.memref_slice %arg11[%dma_start3A_170, %dma_start3A_171] : memref<10240x128xf32, #tpu.memory_space<vmem_shared>> -> memref<10240x128xf32, #tpu.memory_space<vmem_shared>>
      tpu.enqueue_indirect_dma source(%arg10 : memref<128x128xf32, #tpu.memory_space<vmem>>) target(%dma_start3A_172 : memref<10240x128xf32, #tpu.memory_space<vmem_shared>>) offsets(%dma_start3A_169 : memref<128xi32, #tpu.memory_space<vmem>>) semaphore(%arg13 : memref<!tpu.dma_semaphore, #tpu.memory_space<semaphore_mem>>) {add = true}
      %add3A_173 = arith.constant 6 : i32
      %add3A_174 = arith.addi %mul3A_13, %add3A_173 : i32
      %dma_start3A_175 = arith.constant 0 : i32
      %dma_start3A_176 = tpu.memref_slice %arg7[%add3A_174, %dma_start3A_175] : memref<40x128xi32, #tpu.memory_space<vmem>> -> memref<1x128xi32, #tpu.memory_space<vmem>>
      %dma_start3A_177 = tpu.memref_squeeze %dma_start3A_176 : memref<1x128xi32, #tpu.memory_space<vmem>> -> memref<128xi32, #tpu.memory_space<vmem>>
      %dma_start3A_178 = arith.constant 0 : i32
      %dma_start3A_179 = arith.constant 0 : i32
      %dma_start3A_180 = tpu.memref_slice %arg2[%dma_start3A_178, %dma_start3A_179] : memref<10000x128xf32, #tpu.memory_space<hbm>> -> memref<10000x128xf32, #tpu.memory_space<hbm>>
      tpu.enqueue_indirect_dma source(%dma_start3A_180 : memref<10000x128xf32, #tpu.memory_space<hbm>>) target(%arg9 : memref<128x128xf32, #tpu.memory_space<vmem>>) offsets(%dma_start3A_177 : memref<128xi32, #tpu.memory_space<vmem>>) semaphore(%arg12 : memref<!tpu.dma_semaphore, #tpu.memory_space<semaphore_mem>>)
      %dma_wait3A_181 = arith.constant 0 : i32
      %dma_wait3A_182 = tpu.memref_slice %arg7[%add3A_174, %dma_wait3A_181] : memref<40x128xi32, #tpu.memory_space<vmem>> -> memref<1x128xi32, #tpu.memory_space<vmem>>
      %dma_wait3A_183 = tpu.memref_squeeze %dma_wait3A_182 : memref<1x128xi32, #tpu.memory_space<vmem>> -> memref<128xi32, #tpu.memory_space<vmem>>
      %dma_wait3A_184 = arith.constant 0 : i32
      %dma_wait3A_185 = arith.constant 0 : i32
      %dma_wait3A_186 = tpu.memref_slice %arg2[%dma_wait3A_184, %dma_wait3A_185] : memref<10000x128xf32, #tpu.memory_space<hbm>> -> memref<10000x128xf32, #tpu.memory_space<hbm>>
      tpu.wait_indirect_dma semaphore(%arg12 : memref<!tpu.dma_semaphore, #tpu.memory_space<semaphore_mem>>) src(%dma_wait3A_186 : memref<10000x128xf32, #tpu.memory_space<hbm>>) dst(%arg9 : memref<128x128xf32, #tpu.memory_space<vmem>>)
      %dma_wait3A_187 = arith.constant 0 : i32
      %dma_wait3A_188 = tpu.memref_slice %arg8[%add3A_166, %dma_wait3A_187] : memref<40x128xi32, #tpu.memory_space<vmem>> -> memref<1x128xi32, #tpu.memory_space<vmem>>
      %dma_wait3A_189 = tpu.memref_squeeze %dma_wait3A_188 : memref<1x128xi32, #tpu.memory_space<vmem>> -> memref<128xi32, #tpu.memory_space<vmem>>
      %dma_wait3A_190 = arith.constant 0 : i32
      %dma_wait3A_191 = arith.constant 0 : i32
      %dma_wait3A_192 = tpu.memref_slice %arg11[%dma_wait3A_190, %dma_wait3A_191] : memref<10240x128xf32, #tpu.memory_space<vmem_shared>> -> memref<10240x128xf32, #tpu.memory_space<vmem_shared>>
      tpu.wait_indirect_dma semaphore(%arg13 : memref<!tpu.dma_semaphore, #tpu.memory_space<semaphore_mem>>) src(%arg10 : memref<128x128xf32, #tpu.memory_space<vmem>>) dst(%dma_wait3A_192 : memref<10240x128xf32, #tpu.memory_space<vmem_shared>>)
      %add3A_193 = arith.constant 6 : i32
      %add3A_194 = arith.addi %mul3A_13, %add3A_193 : i32
      %dma_start3A_195 = arith.constant 0 : i32
      %dma_start3A_196 = tpu.memref_slice %arg8[%add3A_194, %dma_start3A_195] : memref<40x128xi32, #tpu.memory_space<vmem>> -> memref<1x128xi32, #tpu.memory_space<vmem>>
      %dma_start3A_197 = tpu.memref_squeeze %dma_start3A_196 : memref<1x128xi32, #tpu.memory_space<vmem>> -> memref<128xi32, #tpu.memory_space<vmem>>
      %dma_start3A_198 = arith.constant 0 : i32
      %dma_start3A_199 = arith.constant 0 : i32
      %dma_start3A_200 = tpu.memref_slice %arg11[%dma_start3A_198, %dma_start3A_199] : memref<10240x128xf32, #tpu.memory_space<vmem_shared>> -> memref<10240x128xf32, #tpu.memory_space<vmem_shared>>
      tpu.enqueue_indirect_dma source(%arg9 : memref<128x128xf32, #tpu.memory_space<vmem>>) target(%dma_start3A_200 : memref<10240x128xf32, #tpu.memory_space<vmem_shared>>) offsets(%dma_start3A_197 : memref<128xi32, #tpu.memory_space<vmem>>) semaphore(%arg13 : memref<!tpu.dma_semaphore, #tpu.memory_space<semaphore_mem>>) {add = true}
      %add3A_201 = arith.constant 7 : i32
      %add3A_202 = arith.addi %mul3A_13, %add3A_201 : i32
      %dma_start3A_203 = arith.constant 0 : i32
      %dma_start3A_204 = tpu.memref_slice %arg7[%add3A_202, %dma_start3A_203] : memref<40x128xi32, #tpu.memory_space<vmem>> -> memref<1x128xi32, #tpu.memory_space<vmem>>
      %dma_start3A_205 = tpu.memref_squeeze %dma_start3A_204 : memref<1x128xi32, #tpu.memory_space<vmem>> -> memref<128xi32, #tpu.memory_space<vmem>>
      %dma_start3A_206 = arith.constant 0 : i32
      %dma_start3A_207 = arith.constant 0 : i32
      %dma_start3A_208 = tpu.memref_slice %arg2[%dma_start3A_206, %dma_start3A_207] : memref<10000x128xf32, #tpu.memory_space<hbm>> -> memref<10000x128xf32, #tpu.memory_space<hbm>>
      tpu.enqueue_indirect_dma source(%dma_start3A_208 : memref<10000x128xf32, #tpu.memory_space<hbm>>) target(%arg10 : memref<128x128xf32, #tpu.memory_space<vmem>>) offsets(%dma_start3A_205 : memref<128xi32, #tpu.memory_space<vmem>>) semaphore(%arg12 : memref<!tpu.dma_semaphore, #tpu.memory_space<semaphore_mem>>)
      %dma_wait3A_209 = arith.constant 0 : i32
      %dma_wait3A_210 = tpu.memref_slice %arg7[%add3A_202, %dma_wait3A_209] : memref<40x128xi32, #tpu.memory_space<vmem>> -> memref<1x128xi32, #tpu.memory_space<vmem>>
      %dma_wait3A_211 = tpu.memref_squeeze %dma_wait3A_210 : memref<1x128xi32, #tpu.memory_space<vmem>> -> memref<128xi32, #tpu.memory_space<vmem>>
      %dma_wait3A_212 = arith.constant 0 : i32
      %dma_wait3A_213 = arith.constant 0 : i32
      %dma_wait3A_214 = tpu.memref_slice %arg2[%dma_wait3A_212, %dma_wait3A_213] : memref<10000x128xf32, #tpu.memory_space<hbm>> -> memref<10000x128xf32, #tpu.memory_space<hbm>>
      tpu.wait_indirect_dma semaphore(%arg12 : memref<!tpu.dma_semaphore, #tpu.memory_space<semaphore_mem>>) src(%dma_wait3A_214 : memref<10000x128xf32, #tpu.memory_space<hbm>>) dst(%arg10 : memref<128x128xf32, #tpu.memory_space<vmem>>)
      %dma_wait3A_215 = arith.constant 0 : i32
      %dma_wait3A_216 = tpu.memref_slice %arg8[%add3A_194, %dma_wait3A_215] : memref<40x128xi32, #tpu.memory_space<vmem>> -> memref<1x128xi32, #tpu.memory_space<vmem>>
      %dma_wait3A_217 = tpu.memref_squeeze %dma_wait3A_216 : memref<1x128xi32, #tpu.memory_space<vmem>> -> memref<128xi32, #tpu.memory_space<vmem>>
      %dma_wait3A_218 = arith.constant 0 : i32
      %dma_wait3A_219 = arith.constant 0 : i32
      %dma_wait3A_220 = tpu.memref_slice %arg11[%dma_wait3A_218, %dma_wait3A_219] : memref<10240x128xf32, #tpu.memory_space<vmem_shared>> -> memref<10240x128xf32, #tpu.memory_space<vmem_shared>>
      tpu.wait_indirect_dma semaphore(%arg13 : memref<!tpu.dma_semaphore, #tpu.memory_space<semaphore_mem>>) src(%arg9 : memref<128x128xf32, #tpu.memory_space<vmem>>) dst(%dma_wait3A_220 : memref<10240x128xf32, #tpu.memory_space<vmem_shared>>)
      %add3A_221 = arith.constant 7 : i32
      %add3A_222 = arith.addi %mul3A_13, %add3A_221 : i32
      %dma_start3A_223 = arith.constant 0 : i32
      %dma_start3A_224 = tpu.memref_slice %arg8[%add3A_222, %dma_start3A_223] : memref<40x128xi32, #tpu.memory_space<vmem>> -> memref<1x128xi32, #tpu.memory_space<vmem>>
      %dma_start3A_225 = tpu.memref_squeeze %dma_start3A_224 : memref<1x128xi32, #tpu.memory_space<vmem>> -> memref<128xi32, #tpu.memory_space<vmem>>
      %dma_start3A_226 = arith.constant 0 : i32
      %dma_start3A_227 = arith.constant 0 : i32
      %dma_start3A_228 = tpu.memref_slice %arg11[%dma_start3A_226, %dma_start3A_227] : memref<10240x128xf32, #tpu.memory_space<vmem_shared>> -> memref<10240x128xf32, #tpu.memory_space<vmem_shared>>
      tpu.enqueue_indirect_dma source(%arg10 : memref<128x128xf32, #tpu.memory_space<vmem>>) target(%dma_start3A_228 : memref<10240x128xf32, #tpu.memory_space<vmem_shared>>) offsets(%dma_start3A_225 : memref<128xi32, #tpu.memory_space<vmem>>) semaphore(%arg13 : memref<!tpu.dma_semaphore, #tpu.memory_space<semaphore_mem>>) {add = true}
      %dma_wait3A_229 = arith.constant 0 : i32
      %dma_wait3A_230 = tpu.memref_slice %arg8[%add3A_222, %dma_wait3A_229] : memref<40x128xi32, #tpu.memory_space<vmem>> -> memref<1x128xi32, #tpu.memory_space<vmem>>
      %dma_wait3A_231 = tpu.memref_squeeze %dma_wait3A_230 : memref<1x128xi32, #tpu.memory_space<vmem>> -> memref<128xi32, #tpu.memory_space<vmem>>
      %dma_wait3A_232 = arith.constant 0 : i32
      %dma_wait3A_233 = arith.constant 0 : i32
      %dma_wait3A_234 = tpu.memref_slice %arg11[%dma_wait3A_232, %dma_wait3A_233] : memref<10240x128xf32, #tpu.memory_space<vmem_shared>> -> memref<10240x128xf32, #tpu.memory_space<vmem_shared>>
      tpu.wait_indirect_dma semaphore(%arg13 : memref<!tpu.dma_semaphore, #tpu.memory_space<semaphore_mem>>) src(%arg10 : memref<128x128xf32, #tpu.memory_space<vmem>>) dst(%dma_wait3A_234 : memref<10240x128xf32, #tpu.memory_space<vmem_shared>>)
    }
    %scan3A_5 = arith.constant 5 : i32
    %barrier3A_6 = arith.constant 0 : index
    tpu.barrier barrier_id(%barrier3A_6)
    %mul3A_7 = arith.constant 640 : i32
    %mul3A_8 = arith.muli %arg1, %mul3A_7 : i32
    %mul3A_9 = arith.constant 640 : i32
    %mul3A_10 = arith.muli %arg1, %mul3A_9 : i32
    "tpu.region"() ({
      %run_scoped3A = tpu.sem_alloc : memref<!tpu.dma_semaphore, #tpu.memory_space<semaphore_mem>>
      %dma_start3A = arith.constant 0 : i32
      %dma_start3A_11 = tpu.memref_slice %arg6[%arg0, %mul3A_10, %dma_start3A] : memref<2x10240x128xf32, #tpu.memory_space<hbm>> -> memref<1x640x128xf32, #tpu.memory_space<hbm>>
      %dma_start3A_12 = tpu.memref_squeeze %dma_start3A_11 : memref<1x640x128xf32, #tpu.memory_space<hbm>> -> memref<640x128xf32, #tpu.memory_space<hbm>>
      %dma_start3A_13 = arith.constant 0 : i32
      %dma_start3A_14 = tpu.memref_slice %arg11[%mul3A_8, %dma_start3A_13] : memref<10240x128xf32, #tpu.memory_space<vmem_shared>> -> memref<640x128xf32, #tpu.memory_space<vmem_shared>>
      tpu.enqueue_dma source(%dma_start3A_14 : memref<640x128xf32, #tpu.memory_space<vmem_shared>>) target(%dma_start3A_12 : memref<640x128xf32, #tpu.memory_space<hbm>>) target_semaphore(%run_scoped3A : memref<!tpu.dma_semaphore, #tpu.memory_space<semaphore_mem>>)
      %dma_wait3A = arith.constant 0 : i32
      %dma_wait3A_15 = tpu.memref_slice %arg6[%arg0, %mul3A_10, %dma_wait3A] : memref<2x10240x128xf32, #tpu.memory_space<hbm>> -> memref<1x640x128xf32, #tpu.memory_space<hbm>>
      %dma_wait3A_16 = tpu.memref_squeeze %dma_wait3A_15 : memref<1x640x128xf32, #tpu.memory_space<hbm>> -> memref<640x128xf32, #tpu.memory_space<hbm>>
      %dma_wait3A_17 = arith.constant 0 : i32
      %dma_wait3A_18 = tpu.memref_slice %arg11[%mul3A_8, %dma_wait3A_17] : memref<10240x128xf32, #tpu.memory_space<vmem_shared>> -> memref<640x128xf32, #tpu.memory_space<vmem_shared>>
      tpu.wait_dma2 semaphore(%run_scoped3A : memref<!tpu.dma_semaphore, #tpu.memory_space<semaphore_mem>>) src(%dma_wait3A_18 : memref<640x128xf32, #tpu.memory_space<vmem_shared>>) dst(%dma_wait3A_16 : memref<640x128xf32, #tpu.memory_space<hbm>>)
      tpu.yield
    }) : () -> ()
    return
  }
}

#map = affine_map<(d0, d1) -> (0, 0)>
#map1 = affine_map<(d0, d1) -> (0, 0, 0, 0)>
#map2 = affine_map<(d0, d1) -> (0, 0, 0)>
module attributes {stable_mosaic.version = 14 : i64} {
  func.func @sc_aggregate(%arg0: i32, %arg1: i32, %arg2: memref<10000x128xf32, #tpu.memory_space<hbm>>, %arg3: memref<2x16x40x128xi32, #tpu.memory_space<hbm>>, %arg4: memref<2x16x40x128xi32, #tpu.memory_space<hbm>>, %arg5: memref<640x128xf32, #tpu.memory_space<hbm>>, %arg6: memref<2x10240x128xf32, #tpu.memory_space<hbm>>, %arg7: memref<40x128xi32, #tpu.memory_space<vmem>>, %arg8: memref<40x128xi32, #tpu.memory_space<vmem>>, %arg9: memref<128x128xf32, #tpu.memory_space<vmem>>, %arg10: memref<128x128xf32, #tpu.memory_space<vmem>>, %arg11: memref<10240x128xf32, #tpu.memory_space<vmem_shared>>, %arg12: memref<!tpu.dma_semaphore, #tpu.memory_space<semaphore_mem>>, %arg13: memref<!tpu.dma_semaphore, #tpu.memory_space<semaphore_mem>>) attributes {dimension_semantics = [#tpu.dimension_semantics<core_parallel>, #tpu.dimension_semantics<subcore_parallel>], iteration_bounds = array<i64: 2, 16>, scalar_prefetch = 0 : i64, scratch_operands = 7 : i64, tpu.core_type = #tpu.core_type<sc_vector_subcore>, window_params = [{transform_indices = #map}, {transform_indices = #map1}, {transform_indices = #map1}, {transform_indices = #map}, {transform_indices = #map2}]} {
    %mul3A = arith.constant 640 : i32
    %mul3A_0 = arith.muli %arg1, %mul3A : i32
    "tpu.region"() ({
      %run_scoped3A = tpu.sem_alloc : memref<!tpu.dma_semaphore, #tpu.memory_space<semaphore_mem>>
      %dma_start3A = arith.constant 0 : i32
      %dma_start3A_11 = tpu.memref_slice %arg11[%mul3A_0, %dma_start3A] : memref<10240x128xf32, #tpu.memory_space<vmem_shared>> -> memref<640x128xf32, #tpu.memory_space<vmem_shared>>
      tpu.enqueue_dma source(%arg5 : memref<640x128xf32, #tpu.memory_space<hbm>>) target(%dma_start3A_11 : memref<640x128xf32, #tpu.memory_space<vmem_shared>>) target_semaphore(%run_scoped3A : memref<!tpu.dma_semaphore, #tpu.memory_space<semaphore_mem>>)
      %dma_wait3A = arith.constant 0 : i32
      %dma_wait3A_12 = tpu.memref_slice %arg11[%mul3A_0, %dma_wait3A] : memref<10240x128xf32, #tpu.memory_space<vmem_shared>> -> memref<640x128xf32, #tpu.memory_space<vmem_shared>>
      tpu.wait_dma2 semaphore(%run_scoped3A : memref<!tpu.dma_semaphore, #tpu.memory_space<semaphore_mem>>) src(%arg5 : memref<640x128xf32, #tpu.memory_space<hbm>>) dst(%dma_wait3A_12 : memref<640x128xf32, #tpu.memory_space<vmem_shared>>)
      tpu.yield
    }) : () -> ()
    "tpu.region"() ({
      %run_scoped3A = tpu.sem_alloc : memref<!tpu.dma_semaphore, #tpu.memory_space<semaphore_mem>>
      %dma_start3A = arith.constant 0 : i32
      %dma_start3A_11 = arith.constant 0 : i32
      %dma_start3A_12 = tpu.memref_slice %arg3[%arg0, %arg1, %dma_start3A, %dma_start3A_11] : memref<2x16x40x128xi32, #tpu.memory_space<hbm>> -> memref<1x1x40x128xi32, #tpu.memory_space<hbm>>
      %dma_start3A_13 = tpu.memref_squeeze %dma_start3A_12 : memref<1x1x40x128xi32, #tpu.memory_space<hbm>> -> memref<40x128xi32, #tpu.memory_space<hbm>>
      %dma_start3A_14 = arith.constant 0 : i32
      %dma_start3A_15 = arith.constant 0 : i32
      %dma_start3A_16 = tpu.memref_slice %arg3[%arg0, %arg1, %dma_start3A_14, %dma_start3A_15] : memref<2x16x40x128xi32, #tpu.memory_space<hbm>> -> memref<1x1x40x128xi32, #tpu.memory_space<hbm>>
      %dma_start3A_17 = tpu.memref_squeeze %dma_start3A_16 : memref<1x1x40x128xi32, #tpu.memory_space<hbm>> -> memref<40x128xi32, #tpu.memory_space<hbm>>
      tpu.enqueue_dma source(%dma_start3A_17 : memref<40x128xi32, #tpu.memory_space<hbm>>) target(%arg7 : memref<40x128xi32, #tpu.memory_space<vmem>>) target_semaphore(%run_scoped3A : memref<!tpu.dma_semaphore, #tpu.memory_space<semaphore_mem>>)
      %dma_wait3A = arith.constant 0 : i32
      %dma_wait3A_18 = arith.constant 0 : i32
      %dma_wait3A_19 = tpu.memref_slice %arg3[%arg0, %arg1, %dma_wait3A, %dma_wait3A_18] : memref<2x16x40x128xi32, #tpu.memory_space<hbm>> -> memref<1x1x40x128xi32, #tpu.memory_space<hbm>>
      %dma_wait3A_20 = tpu.memref_squeeze %dma_wait3A_19 : memref<1x1x40x128xi32, #tpu.memory_space<hbm>> -> memref<40x128xi32, #tpu.memory_space<hbm>>
      %dma_wait3A_21 = arith.constant 0 : i32
      %dma_wait3A_22 = arith.constant 0 : i32
      %dma_wait3A_23 = tpu.memref_slice %arg3[%arg0, %arg1, %dma_wait3A_21, %dma_wait3A_22] : memref<2x16x40x128xi32, #tpu.memory_space<hbm>> -> memref<1x1x40x128xi32, #tpu.memory_space<hbm>>
      %dma_wait3A_24 = tpu.memref_squeeze %dma_wait3A_23 : memref<1x1x40x128xi32, #tpu.memory_space<hbm>> -> memref<40x128xi32, #tpu.memory_space<hbm>>
      tpu.wait_dma2 semaphore(%run_scoped3A : memref<!tpu.dma_semaphore, #tpu.memory_space<semaphore_mem>>) src(%dma_wait3A_24 : memref<40x128xi32, #tpu.memory_space<hbm>>) dst(%arg7 : memref<40x128xi32, #tpu.memory_space<vmem>>)
      tpu.yield
    }) : () -> ()
    "tpu.region"() ({
      %run_scoped3A = tpu.sem_alloc : memref<!tpu.dma_semaphore, #tpu.memory_space<semaphore_mem>>
      %dma_start3A = arith.constant 0 : i32
      %dma_start3A_11 = arith.constant 0 : i32
      %dma_start3A_12 = tpu.memref_slice %arg4[%arg0, %arg1, %dma_start3A, %dma_start3A_11] : memref<2x16x40x128xi32, #tpu.memory_space<hbm>> -> memref<1x1x40x128xi32, #tpu.memory_space<hbm>>
      %dma_start3A_13 = tpu.memref_squeeze %dma_start3A_12 : memref<1x1x40x128xi32, #tpu.memory_space<hbm>> -> memref<40x128xi32, #tpu.memory_space<hbm>>
      %dma_start3A_14 = arith.constant 0 : i32
      %dma_start3A_15 = arith.constant 0 : i32
      %dma_start3A_16 = tpu.memref_slice %arg4[%arg0, %arg1, %dma_start3A_14, %dma_start3A_15] : memref<2x16x40x128xi32, #tpu.memory_space<hbm>> -> memref<1x1x40x128xi32, #tpu.memory_space<hbm>>
      %dma_start3A_17 = tpu.memref_squeeze %dma_start3A_16 : memref<1x1x40x128xi32, #tpu.memory_space<hbm>> -> memref<40x128xi32, #tpu.memory_space<hbm>>
      tpu.enqueue_dma source(%dma_start3A_17 : memref<40x128xi32, #tpu.memory_space<hbm>>) target(%arg8 : memref<40x128xi32, #tpu.memory_space<vmem>>) target_semaphore(%run_scoped3A : memref<!tpu.dma_semaphore, #tpu.memory_space<semaphore_mem>>)
      %dma_wait3A = arith.constant 0 : i32
      %dma_wait3A_18 = arith.constant 0 : i32
      %dma_wait3A_19 = tpu.memref_slice %arg4[%arg0, %arg1, %dma_wait3A, %dma_wait3A_18] : memref<2x16x40x128xi32, #tpu.memory_space<hbm>> -> memref<1x1x40x128xi32, #tpu.memory_space<hbm>>
      %dma_wait3A_20 = tpu.memref_squeeze %dma_wait3A_19 : memref<1x1x40x128xi32, #tpu.memory_space<hbm>> -> memref<40x128xi32, #tpu.memory_space<hbm>>
      %dma_wait3A_21 = arith.constant 0 : i32
      %dma_wait3A_22 = arith.constant 0 : i32
      %dma_wait3A_23 = tpu.memref_slice %arg4[%arg0, %arg1, %dma_wait3A_21, %dma_wait3A_22] : memref<2x16x40x128xi32, #tpu.memory_space<hbm>> -> memref<1x1x40x128xi32, #tpu.memory_space<hbm>>
      %dma_wait3A_24 = tpu.memref_squeeze %dma_wait3A_23 : memref<1x1x40x128xi32, #tpu.memory_space<hbm>> -> memref<40x128xi32, #tpu.memory_space<hbm>>
      tpu.wait_dma2 semaphore(%run_scoped3A : memref<!tpu.dma_semaphore, #tpu.memory_space<semaphore_mem>>) src(%dma_wait3A_24 : memref<40x128xi32, #tpu.memory_space<hbm>>) dst(%arg8 : memref<40x128xi32, #tpu.memory_space<vmem>>)
      tpu.yield
    }) : () -> ()
    %barrier3A = arith.constant 0 : index
    tpu.barrier barrier_id(%barrier3A)
    %scan3A = arith.constant 0 : i32
    %scan3A_1 = arith.constant 0 : i32
    %scan3A_2 = arith.constant 5 : i32
    %scan3A_3 = arith.addi %scan3A_1, %scan3A_2 : i32
    %scan3A_4 = arith.constant 1 : i32
    scf.for %scan3A_11 = %scan3A_1 to %scan3A_3 step %scan3A_4  : i32 {
      %mul3A_12 = arith.constant 8 : i32
      %mul3A_13 = arith.muli %scan3A_11, %mul3A_12 : i32
      %add3A = arith.constant 0 : i32
      %add3A_14 = arith.addi %mul3A_13, %add3A : i32
      %dma_start3A = arith.constant 0 : i32
      %dma_start3A_15 = tpu.memref_slice %arg7[%add3A_14, %dma_start3A] : memref<40x128xi32, #tpu.memory_space<vmem>> -> memref<1x128xi32, #tpu.memory_space<vmem>>
      %dma_start3A_16 = tpu.memref_squeeze %dma_start3A_15 : memref<1x128xi32, #tpu.memory_space<vmem>> -> memref<128xi32, #tpu.memory_space<vmem>>
      %dma_start3A_17 = arith.constant 0 : i32
      %dma_start3A_18 = arith.constant 0 : i32
      %dma_start3A_19 = tpu.memref_slice %arg2[%dma_start3A_17, %dma_start3A_18] : memref<10000x128xf32, #tpu.memory_space<hbm>> -> memref<10000x128xf32, #tpu.memory_space<hbm>>
      tpu.enqueue_indirect_dma source(%dma_start3A_19 : memref<10000x128xf32, #tpu.memory_space<hbm>>) target(%arg9 : memref<128x128xf32, #tpu.memory_space<vmem>>) offsets(%dma_start3A_16 : memref<128xi32, #tpu.memory_space<vmem>>) semaphore(%arg12 : memref<!tpu.dma_semaphore, #tpu.memory_space<semaphore_mem>>)
      %dma_wait3A = arith.constant 0 : i32
      %dma_wait3A_20 = tpu.memref_slice %arg7[%add3A_14, %dma_wait3A] : memref<40x128xi32, #tpu.memory_space<vmem>> -> memref<1x128xi32, #tpu.memory_space<vmem>>
      %dma_wait3A_21 = tpu.memref_squeeze %dma_wait3A_20 : memref<1x128xi32, #tpu.memory_space<vmem>> -> memref<128xi32, #tpu.memory_space<vmem>>
      %dma_wait3A_22 = arith.constant 0 : i32
      %dma_wait3A_23 = arith.constant 0 : i32
      %dma_wait3A_24 = tpu.memref_slice %arg2[%dma_wait3A_22, %dma_wait3A_23] : memref<10000x128xf32, #tpu.memory_space<hbm>> -> memref<10000x128xf32, #tpu.memory_space<hbm>>
      tpu.wait_indirect_dma semaphore(%arg12 : memref<!tpu.dma_semaphore, #tpu.memory_space<semaphore_mem>>) src(%dma_wait3A_24 : memref<10000x128xf32, #tpu.memory_space<hbm>>) dst(%arg9 : memref<128x128xf32, #tpu.memory_space<vmem>>)
      %add3A_25 = arith.constant 0 : i32
      %add3A_26 = arith.addi %mul3A_13, %add3A_25 : i32
      %dma_start3A_27 = arith.constant 0 : i32
      %dma_start3A_28 = tpu.memref_slice %arg8[%add3A_26, %dma_start3A_27] : memref<40x128xi32, #tpu.memory_space<vmem>> -> memref<1x128xi32, #tpu.memory_space<vmem>>
      %dma_start3A_29 = tpu.memref_squeeze %dma_start3A_28 : memref<1x128xi32, #tpu.memory_space<vmem>> -> memref<128xi32, #tpu.memory_space<vmem>>
      %dma_start3A_30 = arith.constant 0 : i32
      %dma_start3A_31 = arith.constant 0 : i32
      %dma_start3A_32 = tpu.memref_slice %arg11[%dma_start3A_30, %dma_start3A_31] : memref<10240x128xf32, #tpu.memory_space<vmem_shared>> -> memref<10240x128xf32, #tpu.memory_space<vmem_shared>>
      tpu.enqueue_indirect_dma source(%arg9 : memref<128x128xf32, #tpu.memory_space<vmem>>) target(%dma_start3A_32 : memref<10240x128xf32, #tpu.memory_space<vmem_shared>>) offsets(%dma_start3A_29 : memref<128xi32, #tpu.memory_space<vmem>>) semaphore(%arg13 : memref<!tpu.dma_semaphore, #tpu.memory_space<semaphore_mem>>) {add = true}
      %add3A_33 = arith.constant 1 : i32
      %add3A_34 = arith.addi %mul3A_13, %add3A_33 : i32
      %dma_start3A_35 = arith.constant 0 : i32
      %dma_start3A_36 = tpu.memref_slice %arg7[%add3A_34, %dma_start3A_35] : memref<40x128xi32, #tpu.memory_space<vmem>> -> memref<1x128xi32, #tpu.memory_space<vmem>>
      %dma_start3A_37 = tpu.memref_squeeze %dma_start3A_36 : memref<1x128xi32, #tpu.memory_space<vmem>> -> memref<128xi32, #tpu.memory_space<vmem>>
      %dma_start3A_38 = arith.constant 0 : i32
      %dma_start3A_39 = arith.constant 0 : i32
      %dma_start3A_40 = tpu.memref_slice %arg2[%dma_start3A_38, %dma_start3A_39] : memref<10000x128xf32, #tpu.memory_space<hbm>> -> memref<10000x128xf32, #tpu.memory_space<hbm>>
      tpu.enqueue_indirect_dma source(%dma_start3A_40 : memref<10000x128xf32, #tpu.memory_space<hbm>>) target(%arg10 : memref<128x128xf32, #tpu.memory_space<vmem>>) offsets(%dma_start3A_37 : memref<128xi32, #tpu.memory_space<vmem>>) semaphore(%arg12 : memref<!tpu.dma_semaphore, #tpu.memory_space<semaphore_mem>>)
      %dma_wait3A_41 = arith.constant 0 : i32
      %dma_wait3A_42 = tpu.memref_slice %arg7[%add3A_34, %dma_wait3A_41] : memref<40x128xi32, #tpu.memory_space<vmem>> -> memref<1x128xi32, #tpu.memory_space<vmem>>
      %dma_wait3A_43 = tpu.memref_squeeze %dma_wait3A_42 : memref<1x128xi32, #tpu.memory_space<vmem>> -> memref<128xi32, #tpu.memory_space<vmem>>
      %dma_wait3A_44 = arith.constant 0 : i32
      %dma_wait3A_45 = arith.constant 0 : i32
      %dma_wait3A_46 = tpu.memref_slice %arg2[%dma_wait3A_44, %dma_wait3A_45] : memref<10000x128xf32, #tpu.memory_space<hbm>> -> memref<10000x128xf32, #tpu.memory_space<hbm>>
      tpu.wait_indirect_dma semaphore(%arg12 : memref<!tpu.dma_semaphore, #tpu.memory_space<semaphore_mem>>) src(%dma_wait3A_46 : memref<10000x128xf32, #tpu.memory_space<hbm>>) dst(%arg10 : memref<128x128xf32, #tpu.memory_space<vmem>>)
      %dma_wait3A_47 = arith.constant 0 : i32
      %dma_wait3A_48 = tpu.memref_slice %arg8[%add3A_26, %dma_wait3A_47] : memref<40x128xi32, #tpu.memory_space<vmem>> -> memref<1x128xi32, #tpu.memory_space<vmem>>
      %dma_wait3A_49 = tpu.memref_squeeze %dma_wait3A_48 : memref<1x128xi32, #tpu.memory_space<vmem>> -> memref<128xi32, #tpu.memory_space<vmem>>
      %dma_wait3A_50 = arith.constant 0 : i32
      %dma_wait3A_51 = arith.constant 0 : i32
      %dma_wait3A_52 = tpu.memref_slice %arg11[%dma_wait3A_50, %dma_wait3A_51] : memref<10240x128xf32, #tpu.memory_space<vmem_shared>> -> memref<10240x128xf32, #tpu.memory_space<vmem_shared>>
      tpu.wait_indirect_dma semaphore(%arg13 : memref<!tpu.dma_semaphore, #tpu.memory_space<semaphore_mem>>) src(%arg9 : memref<128x128xf32, #tpu.memory_space<vmem>>) dst(%dma_wait3A_52 : memref<10240x128xf32, #tpu.memory_space<vmem_shared>>)
      %add3A_53 = arith.constant 1 : i32
      %add3A_54 = arith.addi %mul3A_13, %add3A_53 : i32
      %dma_start3A_55 = arith.constant 0 : i32
      %dma_start3A_56 = tpu.memref_slice %arg8[%add3A_54, %dma_start3A_55] : memref<40x128xi32, #tpu.memory_space<vmem>> -> memref<1x128xi32, #tpu.memory_space<vmem>>
      %dma_start3A_57 = tpu.memref_squeeze %dma_start3A_56 : memref<1x128xi32, #tpu.memory_space<vmem>> -> memref<128xi32, #tpu.memory_space<vmem>>
      %dma_start3A_58 = arith.constant 0 : i32
      %dma_start3A_59 = arith.constant 0 : i32
      %dma_start3A_60 = tpu.memref_slice %arg11[%dma_start3A_58, %dma_start3A_59] : memref<10240x128xf32, #tpu.memory_space<vmem_shared>> -> memref<10240x128xf32, #tpu.memory_space<vmem_shared>>
      tpu.enqueue_indirect_dma source(%arg10 : memref<128x128xf32, #tpu.memory_space<vmem>>) target(%dma_start3A_60 : memref<10240x128xf32, #tpu.memory_space<vmem_shared>>) offsets(%dma_start3A_57 : memref<128xi32, #tpu.memory_space<vmem>>) semaphore(%arg13 : memref<!tpu.dma_semaphore, #tpu.memory_space<semaphore_mem>>) {add = true}
      %add3A_61 = arith.constant 2 : i32
      %add3A_62 = arith.addi %mul3A_13, %add3A_61 : i32
      %dma_start3A_63 = arith.constant 0 : i32
      %dma_start3A_64 = tpu.memref_slice %arg7[%add3A_62, %dma_start3A_63] : memref<40x128xi32, #tpu.memory_space<vmem>> -> memref<1x128xi32, #tpu.memory_space<vmem>>
      %dma_start3A_65 = tpu.memref_squeeze %dma_start3A_64 : memref<1x128xi32, #tpu.memory_space<vmem>> -> memref<128xi32, #tpu.memory_space<vmem>>
      %dma_start3A_66 = arith.constant 0 : i32
      %dma_start3A_67 = arith.constant 0 : i32
      %dma_start3A_68 = tpu.memref_slice %arg2[%dma_start3A_66, %dma_start3A_67] : memref<10000x128xf32, #tpu.memory_space<hbm>> -> memref<10000x128xf32, #tpu.memory_space<hbm>>
      tpu.enqueue_indirect_dma source(%dma_start3A_68 : memref<10000x128xf32, #tpu.memory_space<hbm>>) target(%arg9 : memref<128x128xf32, #tpu.memory_space<vmem>>) offsets(%dma_start3A_65 : memref<128xi32, #tpu.memory_space<vmem>>) semaphore(%arg12 : memref<!tpu.dma_semaphore, #tpu.memory_space<semaphore_mem>>)
      %dma_wait3A_69 = arith.constant 0 : i32
      %dma_wait3A_70 = tpu.memref_slice %arg7[%add3A_62, %dma_wait3A_69] : memref<40x128xi32, #tpu.memory_space<vmem>> -> memref<1x128xi32, #tpu.memory_space<vmem>>
      %dma_wait3A_71 = tpu.memref_squeeze %dma_wait3A_70 : memref<1x128xi32, #tpu.memory_space<vmem>> -> memref<128xi32, #tpu.memory_space<vmem>>
      %dma_wait3A_72 = arith.constant 0 : i32
      %dma_wait3A_73 = arith.constant 0 : i32
      %dma_wait3A_74 = tpu.memref_slice %arg2[%dma_wait3A_72, %dma_wait3A_73] : memref<10000x128xf32, #tpu.memory_space<hbm>> -> memref<10000x128xf32, #tpu.memory_space<hbm>>
      tpu.wait_indirect_dma semaphore(%arg12 : memref<!tpu.dma_semaphore, #tpu.memory_space<semaphore_mem>>) src(%dma_wait3A_74 : memref<10000x128xf32, #tpu.memory_space<hbm>>) dst(%arg9 : memref<128x128xf32, #tpu.memory_space<vmem>>)
      %dma_wait3A_75 = arith.constant 0 : i32
      %dma_wait3A_76 = tpu.memref_slice %arg8[%add3A_54, %dma_wait3A_75] : memref<40x128xi32, #tpu.memory_space<vmem>> -> memref<1x128xi32, #tpu.memory_space<vmem>>
      %dma_wait3A_77 = tpu.memref_squeeze %dma_wait3A_76 : memref<1x128xi32, #tpu.memory_space<vmem>> -> memref<128xi32, #tpu.memory_space<vmem>>
      %dma_wait3A_78 = arith.constant 0 : i32
      %dma_wait3A_79 = arith.constant 0 : i32
      %dma_wait3A_80 = tpu.memref_slice %arg11[%dma_wait3A_78, %dma_wait3A_79] : memref<10240x128xf32, #tpu.memory_space<vmem_shared>> -> memref<10240x128xf32, #tpu.memory_space<vmem_shared>>
      tpu.wait_indirect_dma semaphore(%arg13 : memref<!tpu.dma_semaphore, #tpu.memory_space<semaphore_mem>>) src(%arg10 : memref<128x128xf32, #tpu.memory_space<vmem>>) dst(%dma_wait3A_80 : memref<10240x128xf32, #tpu.memory_space<vmem_shared>>)
      %add3A_81 = arith.constant 2 : i32
      %add3A_82 = arith.addi %mul3A_13, %add3A_81 : i32
      %dma_start3A_83 = arith.constant 0 : i32
      %dma_start3A_84 = tpu.memref_slice %arg8[%add3A_82, %dma_start3A_83] : memref<40x128xi32, #tpu.memory_space<vmem>> -> memref<1x128xi32, #tpu.memory_space<vmem>>
      %dma_start3A_85 = tpu.memref_squeeze %dma_start3A_84 : memref<1x128xi32, #tpu.memory_space<vmem>> -> memref<128xi32, #tpu.memory_space<vmem>>
      %dma_start3A_86 = arith.constant 0 : i32
      %dma_start3A_87 = arith.constant 0 : i32
      %dma_start3A_88 = tpu.memref_slice %arg11[%dma_start3A_86, %dma_start3A_87] : memref<10240x128xf32, #tpu.memory_space<vmem_shared>> -> memref<10240x128xf32, #tpu.memory_space<vmem_shared>>
      tpu.enqueue_indirect_dma source(%arg9 : memref<128x128xf32, #tpu.memory_space<vmem>>) target(%dma_start3A_88 : memref<10240x128xf32, #tpu.memory_space<vmem_shared>>) offsets(%dma_start3A_85 : memref<128xi32, #tpu.memory_space<vmem>>) semaphore(%arg13 : memref<!tpu.dma_semaphore, #tpu.memory_space<semaphore_mem>>) {add = true}
      %add3A_89 = arith.constant 3 : i32
      %add3A_90 = arith.addi %mul3A_13, %add3A_89 : i32
      %dma_start3A_91 = arith.constant 0 : i32
      %dma_start3A_92 = tpu.memref_slice %arg7[%add3A_90, %dma_start3A_91] : memref<40x128xi32, #tpu.memory_space<vmem>> -> memref<1x128xi32, #tpu.memory_space<vmem>>
      %dma_start3A_93 = tpu.memref_squeeze %dma_start3A_92 : memref<1x128xi32, #tpu.memory_space<vmem>> -> memref<128xi32, #tpu.memory_space<vmem>>
      %dma_start3A_94 = arith.constant 0 : i32
      %dma_start3A_95 = arith.constant 0 : i32
      %dma_start3A_96 = tpu.memref_slice %arg2[%dma_start3A_94, %dma_start3A_95] : memref<10000x128xf32, #tpu.memory_space<hbm>> -> memref<10000x128xf32, #tpu.memory_space<hbm>>
      tpu.enqueue_indirect_dma source(%dma_start3A_96 : memref<10000x128xf32, #tpu.memory_space<hbm>>) target(%arg10 : memref<128x128xf32, #tpu.memory_space<vmem>>) offsets(%dma_start3A_93 : memref<128xi32, #tpu.memory_space<vmem>>) semaphore(%arg12 : memref<!tpu.dma_semaphore, #tpu.memory_space<semaphore_mem>>)
      %dma_wait3A_97 = arith.constant 0 : i32
      %dma_wait3A_98 = tpu.memref_slice %arg7[%add3A_90, %dma_wait3A_97] : memref<40x128xi32, #tpu.memory_space<vmem>> -> memref<1x128xi32, #tpu.memory_space<vmem>>
      %dma_wait3A_99 = tpu.memref_squeeze %dma_wait3A_98 : memref<1x128xi32, #tpu.memory_space<vmem>> -> memref<128xi32, #tpu.memory_space<vmem>>
      %dma_wait3A_100 = arith.constant 0 : i32
      %dma_wait3A_101 = arith.constant 0 : i32
      %dma_wait3A_102 = tpu.memref_slice %arg2[%dma_wait3A_100, %dma_wait3A_101] : memref<10000x128xf32, #tpu.memory_space<hbm>> -> memref<10000x128xf32, #tpu.memory_space<hbm>>
      tpu.wait_indirect_dma semaphore(%arg12 : memref<!tpu.dma_semaphore, #tpu.memory_space<semaphore_mem>>) src(%dma_wait3A_102 : memref<10000x128xf32, #tpu.memory_space<hbm>>) dst(%arg10 : memref<128x128xf32, #tpu.memory_space<vmem>>)
      %dma_wait3A_103 = arith.constant 0 : i32
      %dma_wait3A_104 = tpu.memref_slice %arg8[%add3A_82, %dma_wait3A_103] : memref<40x128xi32, #tpu.memory_space<vmem>> -> memref<1x128xi32, #tpu.memory_space<vmem>>
      %dma_wait3A_105 = tpu.memref_squeeze %dma_wait3A_104 : memref<1x128xi32, #tpu.memory_space<vmem>> -> memref<128xi32, #tpu.memory_space<vmem>>
      %dma_wait3A_106 = arith.constant 0 : i32
      %dma_wait3A_107 = arith.constant 0 : i32
      %dma_wait3A_108 = tpu.memref_slice %arg11[%dma_wait3A_106, %dma_wait3A_107] : memref<10240x128xf32, #tpu.memory_space<vmem_shared>> -> memref<10240x128xf32, #tpu.memory_space<vmem_shared>>
      tpu.wait_indirect_dma semaphore(%arg13 : memref<!tpu.dma_semaphore, #tpu.memory_space<semaphore_mem>>) src(%arg9 : memref<128x128xf32, #tpu.memory_space<vmem>>) dst(%dma_wait3A_108 : memref<10240x128xf32, #tpu.memory_space<vmem_shared>>)
      %add3A_109 = arith.constant 3 : i32
      %add3A_110 = arith.addi %mul3A_13, %add3A_109 : i32
      %dma_start3A_111 = arith.constant 0 : i32
      %dma_start3A_112 = tpu.memref_slice %arg8[%add3A_110, %dma_start3A_111] : memref<40x128xi32, #tpu.memory_space<vmem>> -> memref<1x128xi32, #tpu.memory_space<vmem>>
      %dma_start3A_113 = tpu.memref_squeeze %dma_start3A_112 : memref<1x128xi32, #tpu.memory_space<vmem>> -> memref<128xi32, #tpu.memory_space<vmem>>
      %dma_start3A_114 = arith.constant 0 : i32
      %dma_start3A_115 = arith.constant 0 : i32
      %dma_start3A_116 = tpu.memref_slice %arg11[%dma_start3A_114, %dma_start3A_115] : memref<10240x128xf32, #tpu.memory_space<vmem_shared>> -> memref<10240x128xf32, #tpu.memory_space<vmem_shared>>
      tpu.enqueue_indirect_dma source(%arg10 : memref<128x128xf32, #tpu.memory_space<vmem>>) target(%dma_start3A_116 : memref<10240x128xf32, #tpu.memory_space<vmem_shared>>) offsets(%dma_start3A_113 : memref<128xi32, #tpu.memory_space<vmem>>) semaphore(%arg13 : memref<!tpu.dma_semaphore, #tpu.memory_space<semaphore_mem>>) {add = true}
      %add3A_117 = arith.constant 4 : i32
      %add3A_118 = arith.addi %mul3A_13, %add3A_117 : i32
      %dma_start3A_119 = arith.constant 0 : i32
      %dma_start3A_120 = tpu.memref_slice %arg7[%add3A_118, %dma_start3A_119] : memref<40x128xi32, #tpu.memory_space<vmem>> -> memref<1x128xi32, #tpu.memory_space<vmem>>
      %dma_start3A_121 = tpu.memref_squeeze %dma_start3A_120 : memref<1x128xi32, #tpu.memory_space<vmem>> -> memref<128xi32, #tpu.memory_space<vmem>>
      %dma_start3A_122 = arith.constant 0 : i32
      %dma_start3A_123 = arith.constant 0 : i32
      %dma_start3A_124 = tpu.memref_slice %arg2[%dma_start3A_122, %dma_start3A_123] : memref<10000x128xf32, #tpu.memory_space<hbm>> -> memref<10000x128xf32, #tpu.memory_space<hbm>>
      tpu.enqueue_indirect_dma source(%dma_start3A_124 : memref<10000x128xf32, #tpu.memory_space<hbm>>) target(%arg9 : memref<128x128xf32, #tpu.memory_space<vmem>>) offsets(%dma_start3A_121 : memref<128xi32, #tpu.memory_space<vmem>>) semaphore(%arg12 : memref<!tpu.dma_semaphore, #tpu.memory_space<semaphore_mem>>)
      %dma_wait3A_125 = arith.constant 0 : i32
      %dma_wait3A_126 = tpu.memref_slice %arg7[%add3A_118, %dma_wait3A_125] : memref<40x128xi32, #tpu.memory_space<vmem>> -> memref<1x128xi32, #tpu.memory_space<vmem>>
      %dma_wait3A_127 = tpu.memref_squeeze %dma_wait3A_126 : memref<1x128xi32, #tpu.memory_space<vmem>> -> memref<128xi32, #tpu.memory_space<vmem>>
      %dma_wait3A_128 = arith.constant 0 : i32
      %dma_wait3A_129 = arith.constant 0 : i32
      %dma_wait3A_130 = tpu.memref_slice %arg2[%dma_wait3A_128, %dma_wait3A_129] : memref<10000x128xf32, #tpu.memory_space<hbm>> -> memref<10000x128xf32, #tpu.memory_space<hbm>>
      tpu.wait_indirect_dma semaphore(%arg12 : memref<!tpu.dma_semaphore, #tpu.memory_space<semaphore_mem>>) src(%dma_wait3A_130 : memref<10000x128xf32, #tpu.memory_space<hbm>>) dst(%arg9 : memref<128x128xf32, #tpu.memory_space<vmem>>)
      %dma_wait3A_131 = arith.constant 0 : i32
      %dma_wait3A_132 = tpu.memref_slice %arg8[%add3A_110, %dma_wait3A_131] : memref<40x128xi32, #tpu.memory_space<vmem>> -> memref<1x128xi32, #tpu.memory_space<vmem>>
      %dma_wait3A_133 = tpu.memref_squeeze %dma_wait3A_132 : memref<1x128xi32, #tpu.memory_space<vmem>> -> memref<128xi32, #tpu.memory_space<vmem>>
      %dma_wait3A_134 = arith.constant 0 : i32
      %dma_wait3A_135 = arith.constant 0 : i32
      %dma_wait3A_136 = tpu.memref_slice %arg11[%dma_wait3A_134, %dma_wait3A_135] : memref<10240x128xf32, #tpu.memory_space<vmem_shared>> -> memref<10240x128xf32, #tpu.memory_space<vmem_shared>>
      tpu.wait_indirect_dma semaphore(%arg13 : memref<!tpu.dma_semaphore, #tpu.memory_space<semaphore_mem>>) src(%arg10 : memref<128x128xf32, #tpu.memory_space<vmem>>) dst(%dma_wait3A_136 : memref<10240x128xf32, #tpu.memory_space<vmem_shared>>)
      %add3A_137 = arith.constant 4 : i32
      %add3A_138 = arith.addi %mul3A_13, %add3A_137 : i32
      %dma_start3A_139 = arith.constant 0 : i32
      %dma_start3A_140 = tpu.memref_slice %arg8[%add3A_138, %dma_start3A_139] : memref<40x128xi32, #tpu.memory_space<vmem>> -> memref<1x128xi32, #tpu.memory_space<vmem>>
      %dma_start3A_141 = tpu.memref_squeeze %dma_start3A_140 : memref<1x128xi32, #tpu.memory_space<vmem>> -> memref<128xi32, #tpu.memory_space<vmem>>
      %dma_start3A_142 = arith.constant 0 : i32
      %dma_start3A_143 = arith.constant 0 : i32
      %dma_start3A_144 = tpu.memref_slice %arg11[%dma_start3A_142, %dma_start3A_143] : memref<10240x128xf32, #tpu.memory_space<vmem_shared>> -> memref<10240x128xf32, #tpu.memory_space<vmem_shared>>
      tpu.enqueue_indirect_dma source(%arg9 : memref<128x128xf32, #tpu.memory_space<vmem>>) target(%dma_start3A_144 : memref<10240x128xf32, #tpu.memory_space<vmem_shared>>) offsets(%dma_start3A_141 : memref<128xi32, #tpu.memory_space<vmem>>) semaphore(%arg13 : memref<!tpu.dma_semaphore, #tpu.memory_space<semaphore_mem>>) {add = true}
      %add3A_145 = arith.constant 5 : i32
      %add3A_146 = arith.addi %mul3A_13, %add3A_145 : i32
      %dma_start3A_147 = arith.constant 0 : i32
      %dma_start3A_148 = tpu.memref_slice %arg7[%add3A_146, %dma_start3A_147] : memref<40x128xi32, #tpu.memory_space<vmem>> -> memref<1x128xi32, #tpu.memory_space<vmem>>
      %dma_start3A_149 = tpu.memref_squeeze %dma_start3A_148 : memref<1x128xi32, #tpu.memory_space<vmem>> -> memref<128xi32, #tpu.memory_space<vmem>>
      %dma_start3A_150 = arith.constant 0 : i32
      %dma_start3A_151 = arith.constant 0 : i32
      %dma_start3A_152 = tpu.memref_slice %arg2[%dma_start3A_150, %dma_start3A_151] : memref<10000x128xf32, #tpu.memory_space<hbm>> -> memref<10000x128xf32, #tpu.memory_space<hbm>>
      tpu.enqueue_indirect_dma source(%dma_start3A_152 : memref<10000x128xf32, #tpu.memory_space<hbm>>) target(%arg10 : memref<128x128xf32, #tpu.memory_space<vmem>>) offsets(%dma_start3A_149 : memref<128xi32, #tpu.memory_space<vmem>>) semaphore(%arg12 : memref<!tpu.dma_semaphore, #tpu.memory_space<semaphore_mem>>)
      %dma_wait3A_153 = arith.constant 0 : i32
      %dma_wait3A_154 = tpu.memref_slice %arg7[%add3A_146, %dma_wait3A_153] : memref<40x128xi32, #tpu.memory_space<vmem>> -> memref<1x128xi32, #tpu.memory_space<vmem>>
      %dma_wait3A_155 = tpu.memref_squeeze %dma_wait3A_154 : memref<1x128xi32, #tpu.memory_space<vmem>> -> memref<128xi32, #tpu.memory_space<vmem>>
      %dma_wait3A_156 = arith.constant 0 : i32
      %dma_wait3A_157 = arith.constant 0 : i32
      %dma_wait3A_158 = tpu.memref_slice %arg2[%dma_wait3A_156, %dma_wait3A_157] : memref<10000x128xf32, #tpu.memory_space<hbm>> -> memref<10000x128xf32, #tpu.memory_space<hbm>>
      tpu.wait_indirect_dma semaphore(%arg12 : memref<!tpu.dma_semaphore, #tpu.memory_space<semaphore_mem>>) src(%dma_wait3A_158 : memref<10000x128xf32, #tpu.memory_space<hbm>>) dst(%arg10 : memref<128x128xf32, #tpu.memory_space<vmem>>)
      %dma_wait3A_159 = arith.constant 0 : i32
      %dma_wait3A_160 = tpu.memref_slice %arg8[%add3A_138, %dma_wait3A_159] : memref<40x128xi32, #tpu.memory_space<vmem>> -> memref<1x128xi32, #tpu.memory_space<vmem>>
      %dma_wait3A_161 = tpu.memref_squeeze %dma_wait3A_160 : memref<1x128xi32, #tpu.memory_space<vmem>> -> memref<128xi32, #tpu.memory_space<vmem>>
      %dma_wait3A_162 = arith.constant 0 : i32
      %dma_wait3A_163 = arith.constant 0 : i32
      %dma_wait3A_164 = tpu.memref_slice %arg11[%dma_wait3A_162, %dma_wait3A_163] : memref<10240x128xf32, #tpu.memory_space<vmem_shared>> -> memref<10240x128xf32, #tpu.memory_space<vmem_shared>>
      tpu.wait_indirect_dma semaphore(%arg13 : memref<!tpu.dma_semaphore, #tpu.memory_space<semaphore_mem>>) src(%arg9 : memref<128x128xf32, #tpu.memory_space<vmem>>) dst(%dma_wait3A_164 : memref<10240x128xf32, #tpu.memory_space<vmem_shared>>)
      %add3A_165 = arith.constant 5 : i32
      %add3A_166 = arith.addi %mul3A_13, %add3A_165 : i32
      %dma_start3A_167 = arith.constant 0 : i32
      %dma_start3A_168 = tpu.memref_slice %arg8[%add3A_166, %dma_start3A_167] : memref<40x128xi32, #tpu.memory_space<vmem>> -> memref<1x128xi32, #tpu.memory_space<vmem>>
      %dma_start3A_169 = tpu.memref_squeeze %dma_start3A_168 : memref<1x128xi32, #tpu.memory_space<vmem>> -> memref<128xi32, #tpu.memory_space<vmem>>
      %dma_start3A_170 = arith.constant 0 : i32
      %dma_start3A_171 = arith.constant 0 : i32
      %dma_start3A_172 = tpu.memref_slice %arg11[%dma_start3A_170, %dma_start3A_171] : memref<10240x128xf32, #tpu.memory_space<vmem_shared>> -> memref<10240x128xf32, #tpu.memory_space<vmem_shared>>
      tpu.enqueue_indirect_dma source(%arg10 : memref<128x128xf32, #tpu.memory_space<vmem>>) target(%dma_start3A_172 : memref<10240x128xf32, #tpu.memory_space<vmem_shared>>) offsets(%dma_start3A_169 : memref<128xi32, #tpu.memory_space<vmem>>) semaphore(%arg13 : memref<!tpu.dma_semaphore, #tpu.memory_space<semaphore_mem>>) {add = true}
      %add3A_173 = arith.constant 6 : i32
      %add3A_174 = arith.addi %mul3A_13, %add3A_173 : i32
      %dma_start3A_175 = arith.constant 0 : i32
      %dma_start3A_176 = tpu.memref_slice %arg7[%add3A_174, %dma_start3A_175] : memref<40x128xi32, #tpu.memory_space<vmem>> -> memref<1x128xi32, #tpu.memory_space<vmem>>
      %dma_start3A_177 = tpu.memref_squeeze %dma_start3A_176 : memref<1x128xi32, #tpu.memory_space<vmem>> -> memref<128xi32, #tpu.memory_space<vmem>>
      %dma_start3A_178 = arith.constant 0 : i32
      %dma_start3A_179 = arith.constant 0 : i32
      %dma_start3A_180 = tpu.memref_slice %arg2[%dma_start3A_178, %dma_start3A_179] : memref<10000x128xf32, #tpu.memory_space<hbm>> -> memref<10000x128xf32, #tpu.memory_space<hbm>>
      tpu.enqueue_indirect_dma source(%dma_start3A_180 : memref<10000x128xf32, #tpu.memory_space<hbm>>) target(%arg9 : memref<128x128xf32, #tpu.memory_space<vmem>>) offsets(%dma_start3A_177 : memref<128xi32, #tpu.memory_space<vmem>>) semaphore(%arg12 : memref<!tpu.dma_semaphore, #tpu.memory_space<semaphore_mem>>)
      %dma_wait3A_181 = arith.constant 0 : i32
      %dma_wait3A_182 = tpu.memref_slice %arg7[%add3A_174, %dma_wait3A_181] : memref<40x128xi32, #tpu.memory_space<vmem>> -> memref<1x128xi32, #tpu.memory_space<vmem>>
      %dma_wait3A_183 = tpu.memref_squeeze %dma_wait3A_182 : memref<1x128xi32, #tpu.memory_space<vmem>> -> memref<128xi32, #tpu.memory_space<vmem>>
      %dma_wait3A_184 = arith.constant 0 : i32
      %dma_wait3A_185 = arith.constant 0 : i32
      %dma_wait3A_186 = tpu.memref_slice %arg2[%dma_wait3A_184, %dma_wait3A_185] : memref<10000x128xf32, #tpu.memory_space<hbm>> -> memref<10000x128xf32, #tpu.memory_space<hbm>>
      tpu.wait_indirect_dma semaphore(%arg12 : memref<!tpu.dma_semaphore, #tpu.memory_space<semaphore_mem>>) src(%dma_wait3A_186 : memref<10000x128xf32, #tpu.memory_space<hbm>>) dst(%arg9 : memref<128x128xf32, #tpu.memory_space<vmem>>)
      %dma_wait3A_187 = arith.constant 0 : i32
      %dma_wait3A_188 = tpu.memref_slice %arg8[%add3A_166, %dma_wait3A_187] : memref<40x128xi32, #tpu.memory_space<vmem>> -> memref<1x128xi32, #tpu.memory_space<vmem>>
      %dma_wait3A_189 = tpu.memref_squeeze %dma_wait3A_188 : memref<1x128xi32, #tpu.memory_space<vmem>> -> memref<128xi32, #tpu.memory_space<vmem>>
      %dma_wait3A_190 = arith.constant 0 : i32
      %dma_wait3A_191 = arith.constant 0 : i32
      %dma_wait3A_192 = tpu.memref_slice %arg11[%dma_wait3A_190, %dma_wait3A_191] : memref<10240x128xf32, #tpu.memory_space<vmem_shared>> -> memref<10240x128xf32, #tpu.memory_space<vmem_shared>>
      tpu.wait_indirect_dma semaphore(%arg13 : memref<!tpu.dma_semaphore, #tpu.memory_space<semaphore_mem>>) src(%arg10 : memref<128x128xf32, #tpu.memory_space<vmem>>) dst(%dma_wait3A_192 : memref<10240x128xf32, #tpu.memory_space<vmem_shared>>)
      %add3A_193 = arith.constant 6 : i32
      %add3A_194 = arith.addi %mul3A_13, %add3A_193 : i32
      %dma_start3A_195 = arith.constant 0 : i32
      %dma_start3A_196 = tpu.memref_slice %arg8[%add3A_194, %dma_start3A_195] : memref<40x128xi32, #tpu.memory_space<vmem>> -> memref<1x128xi32, #tpu.memory_space<vmem>>
      %dma_start3A_197 = tpu.memref_squeeze %dma_start3A_196 : memref<1x128xi32, #tpu.memory_space<vmem>> -> memref<128xi32, #tpu.memory_space<vmem>>
      %dma_start3A_198 = arith.constant 0 : i32
      %dma_start3A_199 = arith.constant 0 : i32
      %dma_start3A_200 = tpu.memref_slice %arg11[%dma_start3A_198, %dma_start3A_199] : memref<10240x128xf32, #tpu.memory_space<vmem_shared>> -> memref<10240x128xf32, #tpu.memory_space<vmem_shared>>
      tpu.enqueue_indirect_dma source(%arg9 : memref<128x128xf32, #tpu.memory_space<vmem>>) target(%dma_start3A_200 : memref<10240x128xf32, #tpu.memory_space<vmem_shared>>) offsets(%dma_start3A_197 : memref<128xi32, #tpu.memory_space<vmem>>) semaphore(%arg13 : memref<!tpu.dma_semaphore, #tpu.memory_space<semaphore_mem>>) {add = true}
      %add3A_201 = arith.constant 7 : i32
      %add3A_202 = arith.addi %mul3A_13, %add3A_201 : i32
      %dma_start3A_203 = arith.constant 0 : i32
      %dma_start3A_204 = tpu.memref_slice %arg7[%add3A_202, %dma_start3A_203] : memref<40x128xi32, #tpu.memory_space<vmem>> -> memref<1x128xi32, #tpu.memory_space<vmem>>
      %dma_start3A_205 = tpu.memref_squeeze %dma_start3A_204 : memref<1x128xi32, #tpu.memory_space<vmem>> -> memref<128xi32, #tpu.memory_space<vmem>>
      %dma_start3A_206 = arith.constant 0 : i32
      %dma_start3A_207 = arith.constant 0 : i32
      %dma_start3A_208 = tpu.memref_slice %arg2[%dma_start3A_206, %dma_start3A_207] : memref<10000x128xf32, #tpu.memory_space<hbm>> -> memref<10000x128xf32, #tpu.memory_space<hbm>>
      tpu.enqueue_indirect_dma source(%dma_start3A_208 : memref<10000x128xf32, #tpu.memory_space<hbm>>) target(%arg10 : memref<128x128xf32, #tpu.memory_space<vmem>>) offsets(%dma_start3A_205 : memref<128xi32, #tpu.memory_space<vmem>>) semaphore(%arg12 : memref<!tpu.dma_semaphore, #tpu.memory_space<semaphore_mem>>)
      %dma_wait3A_209 = arith.constant 0 : i32
      %dma_wait3A_210 = tpu.memref_slice %arg7[%add3A_202, %dma_wait3A_209] : memref<40x128xi32, #tpu.memory_space<vmem>> -> memref<1x128xi32, #tpu.memory_space<vmem>>
      %dma_wait3A_211 = tpu.memref_squeeze %dma_wait3A_210 : memref<1x128xi32, #tpu.memory_space<vmem>> -> memref<128xi32, #tpu.memory_space<vmem>>
      %dma_wait3A_212 = arith.constant 0 : i32
      %dma_wait3A_213 = arith.constant 0 : i32
      %dma_wait3A_214 = tpu.memref_slice %arg2[%dma_wait3A_212, %dma_wait3A_213] : memref<10000x128xf32, #tpu.memory_space<hbm>> -> memref<10000x128xf32, #tpu.memory_space<hbm>>
      tpu.wait_indirect_dma semaphore(%arg12 : memref<!tpu.dma_semaphore, #tpu.memory_space<semaphore_mem>>) src(%dma_wait3A_214 : memref<10000x128xf32, #tpu.memory_space<hbm>>) dst(%arg10 : memref<128x128xf32, #tpu.memory_space<vmem>>)
      %dma_wait3A_215 = arith.constant 0 : i32
      %dma_wait3A_216 = tpu.memref_slice %arg8[%add3A_194, %dma_wait3A_215] : memref<40x128xi32, #tpu.memory_space<vmem>> -> memref<1x128xi32, #tpu.memory_space<vmem>>
      %dma_wait3A_217 = tpu.memref_squeeze %dma_wait3A_216 : memref<1x128xi32, #tpu.memory_space<vmem>> -> memref<128xi32, #tpu.memory_space<vmem>>
      %dma_wait3A_218 = arith.constant 0 : i32
      %dma_wait3A_219 = arith.constant 0 : i32
      %dma_wait3A_220 = tpu.memref_slice %arg11[%dma_wait3A_218, %dma_wait3A_219] : memref<10240x128xf32, #tpu.memory_space<vmem_shared>> -> memref<10240x128xf32, #tpu.memory_space<vmem_shared>>
      tpu.wait_indirect_dma semaphore(%arg13 : memref<!tpu.dma_semaphore, #tpu.memory_space<semaphore_mem>>) src(%arg9 : memref<128x128xf32, #tpu.memory_space<vmem>>) dst(%dma_wait3A_220 : memref<10240x128xf32, #tpu.memory_space<vmem_shared>>)
      %add3A_221 = arith.constant 7 : i32
      %add3A_222 = arith.addi %mul3A_13, %add3A_221 : i32
      %dma_start3A_223 = arith.constant 0 : i32
      %dma_start3A_224 = tpu.memref_slice %arg8[%add3A_222, %dma_start3A_223] : memref<40x128xi32, #tpu.memory_space<vmem>> -> memref<1x128xi32, #tpu.memory_space<vmem>>
      %dma_start3A_225 = tpu.memref_squeeze %dma_start3A_224 : memref<1x128xi32, #tpu.memory_space<vmem>> -> memref<128xi32, #tpu.memory_space<vmem>>
      %dma_start3A_226 = arith.constant 0 : i32
      %dma_start3A_227 = arith.constant 0 : i32
      %dma_start3A_228 = tpu.memref_slice %arg11[%dma_start3A_226, %dma_start3A_227] : memref<10240x128xf32, #tpu.memory_space<vmem_shared>> -> memref<10240x128xf32, #tpu.memory_space<vmem_shared>>
      tpu.enqueue_indirect_dma source(%arg10 : memref<128x128xf32, #tpu.memory_space<vmem>>) target(%dma_start3A_228 : memref<10240x128xf32, #tpu.memory_space<vmem_shared>>) offsets(%dma_start3A_225 : memref<128xi32, #tpu.memory_space<vmem>>) semaphore(%arg13 : memref<!tpu.dma_semaphore, #tpu.memory_space<semaphore_mem>>) {add = true}
      %dma_wait3A_229 = arith.constant 0 : i32
      %dma_wait3A_230 = tpu.memref_slice %arg8[%add3A_222, %dma_wait3A_229] : memref<40x128xi32, #tpu.memory_space<vmem>> -> memref<1x128xi32, #tpu.memory_space<vmem>>
      %dma_wait3A_231 = tpu.memref_squeeze %dma_wait3A_230 : memref<1x128xi32, #tpu.memory_space<vmem>> -> memref<128xi32, #tpu.memory_space<vmem>>
      %dma_wait3A_232 = arith.constant 0 : i32
      %dma_wait3A_233 = arith.constant 0 : i32
      %dma_wait3A_234 = tpu.memref_slice %arg11[%dma_wait3A_232, %dma_wait3A_233] : memref<10240x128xf32, #tpu.memory_space<vmem_shared>> -> memref<10240x128xf32, #tpu.memory_space<vmem_shared>>
      tpu.wait_indirect_dma semaphore(%arg13 : memref<!tpu.dma_semaphore, #tpu.memory_space<semaphore_mem>>) src(%arg10 : memref<128x128xf32, #tpu.memory_space<vmem>>) dst(%dma_wait3A_234 : memref<10240x128xf32, #tpu.memory_space<vmem_shared>>)
    }
    %scan3A_5 = arith.constant 5 : i32
    %barrier3A_6 = arith.constant 0 : index
    tpu.barrier barrier_id(%barrier3A_6)
    %mul3A_7 = arith.constant 640 : i32
    %mul3A_8 = arith.muli %arg1, %mul3A_7 : i32
    %mul3A_9 = arith.constant 640 : i32
    %mul3A_10 = arith.muli %arg1, %mul3A_9 : i32
    "tpu.region"() ({
      %run_scoped3A = tpu.sem_alloc : memref<!tpu.dma_semaphore, #tpu.memory_space<semaphore_mem>>
      %dma_start3A = arith.constant 0 : i32
      %dma_start3A_11 = tpu.memref_slice %arg6[%arg0, %mul3A_10, %dma_start3A] : memref<2x10240x128xf32, #tpu.memory_space<hbm>> -> memref<1x640x128xf32, #tpu.memory_space<hbm>>
      %dma_start3A_12 = tpu.memref_squeeze %dma_start3A_11 : memref<1x640x128xf32, #tpu.memory_space<hbm>> -> memref<640x128xf32, #tpu.memory_space<hbm>>
      %dma_start3A_13 = arith.constant 0 : i32
      %dma_start3A_14 = tpu.memref_slice %arg11[%mul3A_8, %dma_start3A_13] : memref<10240x128xf32, #tpu.memory_space<vmem_shared>> -> memref<640x128xf32, #tpu.memory_space<vmem_shared>>
      tpu.enqueue_dma source(%dma_start3A_14 : memref<640x128xf32, #tpu.memory_space<vmem_shared>>) target(%dma_start3A_12 : memref<640x128xf32, #tpu.memory_space<hbm>>) target_semaphore(%run_scoped3A : memref<!tpu.dma_semaphore, #tpu.memory_space<semaphore_mem>>)
      %dma_wait3A = arith.constant 0 : i32
      %dma_wait3A_15 = tpu.memref_slice %arg6[%arg0, %mul3A_10, %dma_wait3A] : memref<2x10240x128xf32, #tpu.memory_space<hbm>> -> memref<1x640x128xf32, #tpu.memory_space<hbm>>
      %dma_wait3A_16 = tpu.memref_squeeze %dma_wait3A_15 : memref<1x640x128xf32, #tpu.memory_space<hbm>> -> memref<640x128xf32, #tpu.memory_space<hbm>>
      %dma_wait3A_17 = arith.constant 0 : i32
      %dma_wait3A_18 = tpu.memref_slice %arg11[%mul3A_8, %dma_wait3A_17] : memref<10240x128xf32, #tpu.memory_space<vmem_shared>> -> memref<640x128xf32, #tpu.memory_space<vmem_shared>>
      tpu.wait_dma2 semaphore(%run_scoped3A : memref<!tpu.dma_semaphore, #tpu.memory_space<semaphore_mem>>) src(%dma_wait3A_18 : memref<640x128xf32, #tpu.memory_space<vmem_shared>>) dst(%dma_wait3A_16 : memref<640x128xf32, #tpu.memory_space<hbm>>)
      tpu.yield
    }) : () -> ()
    return
  }
}

module attributes {stable_mosaic.version = 14 : i64} {
  func.func @_pre_body(%arg0: i32, %arg1: memref<1000x128xf32, #tpu.memory_space<vmem>>, %arg2: memref<128x128xf32, #tpu.memory_space<vmem>>, %arg3: memref<2x1000x16xf32, #tpu.memory_space<vmem>>, %arg4: memref<1000x128xf32, #tpu.memory_space<vmem>>) attributes {dimension_semantics = [#tpu.dimension_semantics<arbitrary>], iteration_bounds = array<i64: 10>, scalar_prefetch = 0 : i64, scratch_operands = 0 : i64, tpu.core_type = #tpu.core_type<tc>, window_params = [{transform_indices = @transform_0, window_bounds = array<i64: 1000, 128>}, {pipeline_mode = #tpu.pipeline_mode<synchronous>, transform_indices = @transform_1, window_bounds = array<i64: 128, 128>}, {transform_indices = @transform_2, window_bounds = array<i64: 2, 1000, 16>}, {transform_indices = @transform_3, window_bounds = array<i64: 1000, 128>}]} {
    %get3A = arith.constant 0 : index
    %get3A_0 = arith.constant 0 : index
    %get3A_1 = vector.load %arg1[%get3A, %get3A_0] : memref<1000x128xf32, #tpu.memory_space<vmem>>, vector<1000x128xf32>
    %get3A_2 = arith.constant 0 : index
    %get3A_3 = arith.constant 0 : index
    %get3A_4 = vector.load %arg2[%get3A_2, %get3A_3] : memref<128x128xf32, #tpu.memory_space<vmem>>, vector<128x128xf32>
    %dot_general3A = arith.constant dense<0.000000e+00> : vector<1000x128xf32>
    %dot_general3A_5 = tpu.matmul %get3A_1, %get3A_4, %dot_general3A {dimension_numbers = #tpu.dot_dimension_numbers<[1], [0], [0], [1], [0, 0, 1, 1], [], []>, transpose_lhs_hint = false} : vector<1000x128xf32>, vector<128x128xf32>, vector<1000x128xf32> -> vector<1000x128xf32>
    %get3A_6 = arith.constant 0 : index
    %get3A_7 = arith.constant 0 : index
    %get3A_8 = arith.constant 0 : index
    %get3A_9 = vector.load %arg3[%get3A_6, %get3A_7, %get3A_8] : memref<2x1000x16xf32, #tpu.memory_space<vmem>>, vector<1x1000x1xf32>
    %get3A_10 = vector.shape_cast %get3A_9 : vector<1x1000x1xf32> to vector<1000x1xf32>
    %get3A_11 = arith.constant 1 : index
    %get3A_12 = arith.constant 0 : index
    %get3A_13 = arith.constant 0 : index
    %get3A_14 = vector.load %arg3[%get3A_11, %get3A_12, %get3A_13] : memref<2x1000x16xf32, #tpu.memory_space<vmem>>, vector<1x1000x1xf32>
    %get3A_15 = vector.shape_cast %get3A_14 : vector<1x1000x1xf32> to vector<1000x1xf32>
    %add3A = arith.addf %get3A_10, %get3A_15 : vector<1000x1xf32>
    %add3A_16 = arith.constant 1.000000e+00 : f32
    %add3A_17 = vector.broadcast %add3A_16 : f32 to vector<1000x1xf32>
    %add3A_18 = arith.addf %add3A, %add3A_17 : vector<1000x1xf32>
    %rsqrt3A = math.rsqrt %add3A_18 : vector<1000x1xf32>
    %mul3A = vector.broadcast %rsqrt3A : vector<1000x1xf32> to vector<1000x128xf32>
    %mul3A_19 = arith.mulf %mul3A, %dot_general3A_5 : vector<1000x128xf32>
    %swap3A = arith.constant 0 : index
    %swap3A_20 = arith.constant 0 : index
    %swap3A_21 = vector.load %arg4[%swap3A, %swap3A_20] : memref<1000x128xf32, #tpu.memory_space<vmem>>, vector<1000x128xf32>
    tpu.vector_store %arg4[%swap3A, %swap3A_20], %mul3A_19 {strides = array<i32>} : memref<1000x128xf32, #tpu.memory_space<vmem>>, vector<1000x128xf32>,
    return
  }
  func.func @transform_0(%arg0: i32) -> (i32, i32) {
    %c0_i32 = arith.constant 0 : i32
    %c0_i32_0 = arith.constant 0 : i32
    return %arg0, %c0_i32 : i32, i32
  }
  func.func @transform_1(%arg0: i32) -> (i32, i32) {
    %c0_i32 = arith.constant 0 : i32
    %c0_i32_0 = arith.constant 0 : i32
    %c0_i32_1 = arith.constant 0 : i32
    return %c0_i32, %c0_i32_0 : i32, i32
  }
  func.func @transform_2(%arg0: i32) -> (i32, i32, i32) {
    %c0_i32 = arith.constant 0 : i32
    %c0_i32_0 = arith.constant 0 : i32
    %c0_i32_1 = arith.constant 0 : i32
    return %c0_i32, %arg0, %c0_i32_0 : i32, i32, i32
  }
  func.func @transform_3(%arg0: i32) -> (i32, i32) {
    %c0_i32 = arith.constant 0 : i32
    %c0_i32_0 = arith.constant 0 : i32
    return %arg0, %c0_i32 : i32, i32
  }
}

module attributes {stable_mosaic.version = 14 : i64} {
  func.func @_post_body(%arg0: i32, %arg1: memref<2x1000x128xf32, #tpu.memory_space<vmem>>, %arg2: memref<1000x128xf32, #tpu.memory_space<vmem>>, %arg3: memref<1x128xf32, #tpu.memory_space<vmem>>, %arg4: memref<2x1000x16xf32, #tpu.memory_space<vmem>>, %arg5: memref<1000x128xf32, #tpu.memory_space<vmem>>) attributes {dimension_semantics = [#tpu.dimension_semantics<arbitrary>], iteration_bounds = array<i64: 10>, scalar_prefetch = 0 : i64, scratch_operands = 0 : i64, tpu.core_type = #tpu.core_type<tc>, window_params = [{transform_indices = @transform_0, window_bounds = array<i64: 2, 1000, 128>}, {transform_indices = @transform_1, window_bounds = array<i64: 1000, 128>}, {pipeline_mode = #tpu.pipeline_mode<synchronous>, transform_indices = @transform_2, window_bounds = array<i64: 1, 128>}, {transform_indices = @transform_3, window_bounds = array<i64: 2, 1000, 16>}, {transform_indices = @transform_4, window_bounds = array<i64: 1000, 128>}]} {
    %get3A = arith.constant 0 : index
    %get3A_0 = arith.constant 0 : index
    %get3A_1 = arith.constant 0 : index
    %get3A_2 = vector.load %arg4[%get3A, %get3A_0, %get3A_1] : memref<2x1000x16xf32, #tpu.memory_space<vmem>>, vector<1x1000x1xf32>
    %get3A_3 = vector.shape_cast %get3A_2 : vector<1x1000x1xf32> to vector<1000x1xf32>
    %get3A_4 = arith.constant 1 : index
    %get3A_5 = arith.constant 0 : index
    %get3A_6 = arith.constant 0 : index
    %get3A_7 = vector.load %arg4[%get3A_4, %get3A_5, %get3A_6] : memref<2x1000x16xf32, #tpu.memory_space<vmem>>, vector<1x1000x1xf32>
    %get3A_8 = vector.shape_cast %get3A_7 : vector<1x1000x1xf32> to vector<1000x1xf32>
    %add3A = arith.addf %get3A_3, %get3A_8 : vector<1000x1xf32>
    %add3A_9 = arith.constant 1.000000e+00 : f32
    %add3A_10 = vector.broadcast %add3A_9 : f32 to vector<1000x1xf32>
    %add3A_11 = arith.addf %add3A, %add3A_10 : vector<1000x1xf32>
    %rsqrt3A = math.rsqrt %add3A_11 : vector<1000x1xf32>
    %get3A_12 = arith.constant 0 : index
    %get3A_13 = arith.constant 0 : index
    %get3A_14 = arith.constant 0 : index
    %get3A_15 = vector.load %arg1[%get3A_12, %get3A_13, %get3A_14] : memref<2x1000x128xf32, #tpu.memory_space<vmem>>, vector<1x1000x128xf32>
    %get3A_16 = vector.shape_cast %get3A_15 : vector<1x1000x128xf32> to vector<1000x128xf32>
    %get3A_17 = arith.constant 1 : index
    %get3A_18 = arith.constant 0 : index
    %get3A_19 = arith.constant 0 : index
    %get3A_20 = vector.load %arg1[%get3A_17, %get3A_18, %get3A_19] : memref<2x1000x128xf32, #tpu.memory_space<vmem>>, vector<1x1000x128xf32>
    %get3A_21 = vector.shape_cast %get3A_20 : vector<1x1000x128xf32> to vector<1000x128xf32>
    %add3A_22 = arith.addf %get3A_16, %get3A_21 : vector<1000x128xf32>
    %get3A_23 = arith.constant 0 : index
    %get3A_24 = arith.constant 0 : index
    %get3A_25 = vector.load %arg2[%get3A_23, %get3A_24] : memref<1000x128xf32, #tpu.memory_space<vmem>>, vector<1000x128xf32>
    %add3A_26 = arith.addf %add3A_22, %get3A_25 : vector<1000x128xf32>
    %mul3A = vector.broadcast %rsqrt3A : vector<1000x1xf32> to vector<1000x128xf32>
    %mul3A_27 = arith.mulf %mul3A, %add3A_26 : vector<1000x128xf32>
    %get3A_28 = arith.constant 0 : index
    %get3A_29 = arith.constant 0 : index
    %get3A_30 = vector.load %arg3[%get3A_28, %get3A_29] : memref<1x128xf32, #tpu.memory_space<vmem>>, vector<1x128xf32>
    %add3A_31 = vector.broadcast %get3A_30 : vector<1x128xf32> to vector<1000x128xf32>
    %add3A_32 = arith.addf %mul3A_27, %add3A_31 : vector<1000x128xf32>
    %swap3A = arith.constant 0 : index
    %swap3A_33 = arith.constant 0 : index
    %swap3A_34 = vector.load %arg5[%swap3A, %swap3A_33] : memref<1000x128xf32, #tpu.memory_space<vmem>>, vector<1000x128xf32>
    tpu.vector_store %arg5[%swap3A, %swap3A_33], %add3A_32 {strides = array<i32>} : memref<1000x128xf32, #tpu.memory_space<vmem>>, vector<1000x128xf32>,
    return
  }
  func.func @transform_0(%arg0: i32) -> (i32, i32, i32) {
    %c0_i32 = arith.constant 0 : i32
    %c0_i32_0 = arith.constant 0 : i32
    %c0_i32_1 = arith.constant 0 : i32
    return %c0_i32, %arg0, %c0_i32_0 : i32, i32, i32
  }
  func.func @transform_1(%arg0: i32) -> (i32, i32) {
    %c0_i32 = arith.constant 0 : i32
    %c0_i32_0 = arith.constant 0 : i32
    return %arg0, %c0_i32 : i32, i32
  }
  func.func @transform_2(%arg0: i32) -> (i32, i32) {
    %c0_i32 = arith.constant 0 : i32
    %c0_i32_0 = arith.constant 0 : i32
    %c0_i32_1 = arith.constant 0 : i32
    return %c0_i32, %c0_i32_0 : i32, i32
  }
  func.func @transform_3(%arg0: i32) -> (i32, i32, i32) {
    %c0_i32 = arith.constant 0 : i32
    %c0_i32_0 = arith.constant 0 : i32
    %c0_i32_1 = arith.constant 0 : i32
    return %c0_i32, %arg0, %c0_i32_0 : i32, i32, i32
  }
  func.func @transform_4(%arg0: i32) -> (i32, i32) {
    %c0_i32 = arith.constant 0 : i32
    %c0_i32_0 = arith.constant 0 : i32
    return %arg0, %c0_i32 : i32, i32
  }
}

module attributes {stable_mosaic.version = 14 : i64} {
  func.func @_post_body(%arg0: i32, %arg1: memref<2x1000x128xf32, #tpu.memory_space<vmem>>, %arg2: memref<1000x128xf32, #tpu.memory_space<vmem>>, %arg3: memref<1x128xf32, #tpu.memory_space<vmem>>, %arg4: memref<2x1000x16xf32, #tpu.memory_space<vmem>>, %arg5: memref<1000x128xf32, #tpu.memory_space<vmem>>) attributes {dimension_semantics = [#tpu.dimension_semantics<arbitrary>], iteration_bounds = array<i64: 10>, scalar_prefetch = 0 : i64, scratch_operands = 0 : i64, tpu.core_type = #tpu.core_type<tc>, window_params = [{transform_indices = @transform_0, window_bounds = array<i64: 2, 1000, 128>}, {transform_indices = @transform_1, window_bounds = array<i64: 1000, 128>}, {pipeline_mode = #tpu.pipeline_mode<synchronous>, transform_indices = @transform_2, window_bounds = array<i64: 1, 128>}, {transform_indices = @transform_3, window_bounds = array<i64: 2, 1000, 16>}, {transform_indices = @transform_4, window_bounds = array<i64: 1000, 128>}]} {
    %get3A = arith.constant 0 : index
    %get3A_0 = arith.constant 0 : index
    %get3A_1 = arith.constant 0 : index
    %get3A_2 = vector.load %arg4[%get3A, %get3A_0, %get3A_1] : memref<2x1000x16xf32, #tpu.memory_space<vmem>>, vector<1x1000x1xf32>
    %get3A_3 = vector.shape_cast %get3A_2 : vector<1x1000x1xf32> to vector<1000x1xf32>
    %get3A_4 = arith.constant 1 : index
    %get3A_5 = arith.constant 0 : index
    %get3A_6 = arith.constant 0 : index
    %get3A_7 = vector.load %arg4[%get3A_4, %get3A_5, %get3A_6] : memref<2x1000x16xf32, #tpu.memory_space<vmem>>, vector<1x1000x1xf32>
    %get3A_8 = vector.shape_cast %get3A_7 : vector<1x1000x1xf32> to vector<1000x1xf32>
    %add3A = arith.addf %get3A_3, %get3A_8 : vector<1000x1xf32>
    %add3A_9 = arith.constant 1.000000e+00 : f32
    %add3A_10 = vector.broadcast %add3A_9 : f32 to vector<1000x1xf32>
    %add3A_11 = arith.addf %add3A, %add3A_10 : vector<1000x1xf32>
    %rsqrt3A = math.rsqrt %add3A_11 : vector<1000x1xf32>
    %get3A_12 = arith.constant 0 : index
    %get3A_13 = arith.constant 0 : index
    %get3A_14 = arith.constant 0 : index
    %get3A_15 = vector.load %arg1[%get3A_12, %get3A_13, %get3A_14] : memref<2x1000x128xf32, #tpu.memory_space<vmem>>, vector<1x1000x128xf32>
    %get3A_16 = vector.shape_cast %get3A_15 : vector<1x1000x128xf32> to vector<1000x128xf32>
    %get3A_17 = arith.constant 1 : index
    %get3A_18 = arith.constant 0 : index
    %get3A_19 = arith.constant 0 : index
    %get3A_20 = vector.load %arg1[%get3A_17, %get3A_18, %get3A_19] : memref<2x1000x128xf32, #tpu.memory_space<vmem>>, vector<1x1000x128xf32>
    %get3A_21 = vector.shape_cast %get3A_20 : vector<1x1000x128xf32> to vector<1000x128xf32>
    %add3A_22 = arith.addf %get3A_16, %get3A_21 : vector<1000x128xf32>
    %get3A_23 = arith.constant 0 : index
    %get3A_24 = arith.constant 0 : index
    %get3A_25 = vector.load %arg2[%get3A_23, %get3A_24] : memref<1000x128xf32, #tpu.memory_space<vmem>>, vector<1000x128xf32>
    %add3A_26 = arith.addf %add3A_22, %get3A_25 : vector<1000x128xf32>
    %mul3A = vector.broadcast %rsqrt3A : vector<1000x1xf32> to vector<1000x128xf32>
    %mul3A_27 = arith.mulf %mul3A, %add3A_26 : vector<1000x128xf32>
    %get3A_28 = arith.constant 0 : index
    %get3A_29 = arith.constant 0 : index
    %get3A_30 = vector.load %arg3[%get3A_28, %get3A_29] : memref<1x128xf32, #tpu.memory_space<vmem>>, vector<1x128xf32>
    %add3A_31 = vector.broadcast %get3A_30 : vector<1x128xf32> to vector<1000x128xf32>
    %add3A_32 = arith.addf %mul3A_27, %add3A_31 : vector<1000x128xf32>
    %max3A = arith.constant 0.000000e+00 : f32
    %max3A_33 = vector.broadcast %max3A : f32 to vector<1000x128xf32>
    %max3A_34 = arith.maximumf %add3A_32, %max3A_33 : vector<1000x128xf32>
    %swap3A = arith.constant 0 : index
    %swap3A_35 = arith.constant 0 : index
    %swap3A_36 = vector.load %arg5[%swap3A, %swap3A_35] : memref<1000x128xf32, #tpu.memory_space<vmem>>, vector<1000x128xf32>
    tpu.vector_store %arg5[%swap3A, %swap3A_35], %max3A_34 {strides = array<i32>} : memref<1000x128xf32, #tpu.memory_space<vmem>>, vector<1000x128xf32>,
    return
  }
  func.func @transform_0(%arg0: i32) -> (i32, i32, i32) {
    %c0_i32 = arith.constant 0 : i32
    %c0_i32_0 = arith.constant 0 : i32
    %c0_i32_1 = arith.constant 0 : i32
    return %c0_i32, %arg0, %c0_i32_0 : i32, i32, i32
  }
  func.func @transform_1(%arg0: i32) -> (i32, i32) {
    %c0_i32 = arith.constant 0 : i32
    %c0_i32_0 = arith.constant 0 : i32
    return %arg0, %c0_i32 : i32, i32
  }
  func.func @transform_2(%arg0: i32) -> (i32, i32) {
    %c0_i32 = arith.constant 0 : i32
    %c0_i32_0 = arith.constant 0 : i32
    %c0_i32_1 = arith.constant 0 : i32
    return %c0_i32, %c0_i32_0 : i32, i32
  }
  func.func @transform_3(%arg0: i32) -> (i32, i32, i32) {
    %c0_i32 = arith.constant 0 : i32
    %c0_i32_0 = arith.constant 0 : i32
    %c0_i32_1 = arith.constant 0 : i32
    return %c0_i32, %arg0, %c0_i32_0 : i32, i32, i32
  }
  func.func @transform_4(%arg0: i32) -> (i32, i32) {
    %c0_i32 = arith.constant 0 : i32
    %c0_i32_0 = arith.constant 0 : i32
    return %arg0, %c0_i32 : i32, i32
  }
}

module attributes {stable_mosaic.version = 14 : i64} {
  func.func @_acca_body(%arg0: i32, %arg1: memref<1000x128xf32, #tpu.memory_space<vmem>>, %arg2: memref<1000x128xf32, #tpu.memory_space<vmem>>, %arg3: memref<128x128xf32, #tpu.memory_space<vmem>>) attributes {dimension_semantics = [#tpu.dimension_semantics<arbitrary>], iteration_bounds = array<i64: 10>, scalar_prefetch = 0 : i64, scratch_operands = 0 : i64, tpu.core_type = #tpu.core_type<tc>, window_params = [{transform_indices = @transform_0, window_bounds = array<i64: 1000, 128>}, {transform_indices = @transform_1, window_bounds = array<i64: 1000, 128>}, {pipeline_mode = #tpu.pipeline_mode<synchronous>, transform_indices = @transform_2, window_bounds = array<i64: 128, 128>}]} {
    %eq3A = arith.constant 0 : i32
    %eq3A_0 = arith.cmpi eq, %arg0, %eq3A : i32
    %convert_element_type3A = arith.extui %eq3A_0 : i1 to i32
    %cond3A = arith.constant 0 : i32
    %cond3A_1 = arith.cmpi ne, %convert_element_type3A, %cond3A : i32
    scf.if %cond3A_1 {
      %broadcast_in_dim3A = arith.constant 0.000000e+00 : f32
      %broadcast_in_dim3A_13 = vector.broadcast %broadcast_in_dim3A : f32 to vector<128x128xf32>
      %swap3A_14 = arith.constant 0 : index
      %swap3A_15 = arith.constant 0 : index
      %swap3A_16 = vector.load %arg3[%swap3A_14, %swap3A_15] : memref<128x128xf32, #tpu.memory_space<vmem>>, vector<128x128xf32>
      tpu.vector_store %arg3[%swap3A_14, %swap3A_15], %broadcast_in_dim3A_13 {strides = array<i32>} : memref<128x128xf32, #tpu.memory_space<vmem>>, vector<128x128xf32>,
    } else {
    }
    %get3A = arith.constant 0 : index
    %get3A_2 = arith.constant 0 : index
    %get3A_3 = vector.load %arg3[%get3A, %get3A_2] : memref<128x128xf32, #tpu.memory_space<vmem>>, vector<128x128xf32>
    %get3A_4 = arith.constant 0 : index
    %get3A_5 = arith.constant 0 : index
    %get3A_6 = vector.load %arg1[%get3A_4, %get3A_5] : memref<1000x128xf32, #tpu.memory_space<vmem>>, vector<1000x128xf32>
    %get3A_7 = arith.constant 0 : index
    %get3A_8 = arith.constant 0 : index
    %get3A_9 = vector.load %arg2[%get3A_7, %get3A_8] : memref<1000x128xf32, #tpu.memory_space<vmem>>, vector<1000x128xf32>
    %dot_general3A = arith.constant dense<0.000000e+00> : vector<128x128xf32>
    %dot_general3A_10 = tpu.matmul %get3A_6, %get3A_9, %dot_general3A {dimension_numbers = #tpu.dot_dimension_numbers<[0], [0], [1], [1], [0, 1, 1, 1], [], []>, transpose_lhs_hint = false} : vector<1000x128xf32>, vector<1000x128xf32>, vector<128x128xf32> -> vector<128x128xf32>
    %add3A = arith.addf %get3A_3, %dot_general3A_10 : vector<128x128xf32>
    %swap3A = arith.constant 0 : index
    %swap3A_11 = arith.constant 0 : index
    %swap3A_12 = vector.load %arg3[%swap3A, %swap3A_11] : memref<128x128xf32, #tpu.memory_space<vmem>>, vector<128x128xf32>
    tpu.vector_store %arg3[%swap3A, %swap3A_11], %add3A {strides = array<i32>} : memref<128x128xf32, #tpu.memory_space<vmem>>, vector<128x128xf32>,
    return
  }
  func.func @transform_0(%arg0: i32) -> (i32, i32) {
    %c0_i32 = arith.constant 0 : i32
    %c0_i32_0 = arith.constant 0 : i32
    return %arg0, %c0_i32 : i32, i32
  }
  func.func @transform_1(%arg0: i32) -> (i32, i32) {
    %c0_i32 = arith.constant 0 : i32
    %c0_i32_0 = arith.constant 0 : i32
    return %arg0, %c0_i32 : i32, i32
  }
  func.func @transform_2(%arg0: i32) -> (i32, i32) {
    %c0_i32 = arith.constant 0 : i32
    %c0_i32_0 = arith.constant 0 : i32
    %c0_i32_1 = arith.constant 0 : i32
    return %c0_i32, %c0_i32_0 : i32, i32
  }
}

module attributes {stable_mosaic.version = 14 : i64} {
  func.func @_t_body(%arg0: memref<128x128xf32, #tpu.memory_space<vmem>>, %arg1: memref<1x128xf32, #tpu.memory_space<vmem>>, %arg2: memref<128x128xf32, #tpu.memory_space<vmem>>, %arg3: memref<1x128xf32, #tpu.memory_space<vmem>>, %arg4: memref<128x128xf32, #tpu.memory_space<vmem>>) attributes {dimension_semantics = [], scalar_prefetch = 0 : i64, scratch_operands = 0 : i64, tpu.core_type = #tpu.core_type<tc>} {
    %get3A = arith.constant 0 : index
    %get3A_0 = arith.constant 0 : index
    %get3A_1 = vector.load %arg0[%get3A, %get3A_0] : memref<128x128xf32, #tpu.memory_space<vmem>>, vector<128x128xf32>
    %get3A_2 = arith.constant 0 : index
    %get3A_3 = arith.constant 0 : index
    %get3A_4 = vector.load %arg1[%get3A_2, %get3A_3] : memref<1x128xf32, #tpu.memory_space<vmem>>, vector<1x128xf32>
    %add3A = vector.broadcast %get3A_4 : vector<1x128xf32> to vector<128x128xf32>
    %add3A_5 = arith.addf %get3A_1, %add3A : vector<128x128xf32>
    %max3A = arith.constant 0.000000e+00 : f32
    %max3A_6 = vector.broadcast %max3A : f32 to vector<128x128xf32>
    %max3A_7 = arith.maximumf %add3A_5, %max3A_6 : vector<128x128xf32>
    %get3A_8 = arith.constant 0 : index
    %get3A_9 = arith.constant 0 : index
    %get3A_10 = vector.load %arg2[%get3A_8, %get3A_9] : memref<128x128xf32, #tpu.memory_space<vmem>>, vector<128x128xf32>
    %dot_general3A = arith.constant dense<0.000000e+00> : vector<128x128xf32>
    %dot_general3A_11 = tpu.matmul %max3A_7, %get3A_10, %dot_general3A {dimension_numbers = #tpu.dot_dimension_numbers<[1], [0], [0], [1], [0, 0, 1, 1], [], []>, transpose_lhs_hint = false} : vector<128x128xf32>, vector<128x128xf32>, vector<128x128xf32> -> vector<128x128xf32>
    %get3A_12 = arith.constant 0 : index
    %get3A_13 = arith.constant 0 : index
    %get3A_14 = vector.load %arg3[%get3A_12, %get3A_13] : memref<1x128xf32, #tpu.memory_space<vmem>>, vector<1x128xf32>
    %add3A_15 = vector.broadcast %get3A_14 : vector<1x128xf32> to vector<128x128xf32>
    %add3A_16 = arith.addf %dot_general3A_11, %add3A_15 : vector<128x128xf32>
    %swap3A = arith.constant 0 : index
    %swap3A_17 = arith.constant 0 : index
    %swap3A_18 = vector.load %arg4[%swap3A, %swap3A_17] : memref<128x128xf32, #tpu.memory_space<vmem>>, vector<128x128xf32>
    tpu.vector_store %arg4[%swap3A, %swap3A_17], %add3A_16 {strides = array<i32>} : memref<128x128xf32, #tpu.memory_space<vmem>>, vector<128x128xf32>,
    return
  }
}

module attributes {stable_mosaic.version = 14 : i64} {
  func.func @_x_body(%arg0: i32, %arg1: memref<1000x128xf32, #tpu.memory_space<vmem>>, %arg2: memref<128x128xf32, #tpu.memory_space<vmem>>, %arg3: memref<1000x128xf32, #tpu.memory_space<vmem>>) attributes {dimension_semantics = [#tpu.dimension_semantics<arbitrary>], iteration_bounds = array<i64: 10>, scalar_prefetch = 0 : i64, scratch_operands = 0 : i64, tpu.core_type = #tpu.core_type<tc>, window_params = [{transform_indices = @transform_0, window_bounds = array<i64: 1000, 128>}, {pipeline_mode = #tpu.pipeline_mode<synchronous>, transform_indices = @transform_1, window_bounds = array<i64: 128, 128>}, {transform_indices = @transform_2, window_bounds = array<i64: 1000, 128>}]} {
    %get3A = arith.constant 0 : index
    %get3A_0 = arith.constant 0 : index
    %get3A_1 = vector.load %arg1[%get3A, %get3A_0] : memref<1000x128xf32, #tpu.memory_space<vmem>>, vector<1000x128xf32>
    %get3A_2 = arith.constant 0 : index
    %get3A_3 = arith.constant 0 : index
    %get3A_4 = vector.load %arg2[%get3A_2, %get3A_3] : memref<128x128xf32, #tpu.memory_space<vmem>>, vector<128x128xf32>
    %dot_general3A = arith.constant dense<0.000000e+00> : vector<1000x128xf32>
    %dot_general3A_5 = tpu.matmul %get3A_1, %get3A_4, %dot_general3A {dimension_numbers = #tpu.dot_dimension_numbers<[1], [0], [0], [1], [0, 0, 1, 1], [], []>, transpose_lhs_hint = false} : vector<1000x128xf32>, vector<128x128xf32>, vector<1000x128xf32> -> vector<1000x128xf32>
    %swap3A = arith.constant 0 : index
    %swap3A_6 = arith.constant 0 : index
    %swap3A_7 = vector.load %arg3[%swap3A, %swap3A_6] : memref<1000x128xf32, #tpu.memory_space<vmem>>, vector<1000x128xf32>
    tpu.vector_store %arg3[%swap3A, %swap3A_6], %dot_general3A_5 {strides = array<i32>} : memref<1000x128xf32, #tpu.memory_space<vmem>>, vector<1000x128xf32>,
    return
  }
  func.func @transform_0(%arg0: i32) -> (i32, i32) {
    %c0_i32 = arith.constant 0 : i32
    %c0_i32_0 = arith.constant 0 : i32
    return %arg0, %c0_i32 : i32, i32
  }
  func.func @transform_1(%arg0: i32) -> (i32, i32) {
    %c0_i32 = arith.constant 0 : i32
    %c0_i32_0 = arith.constant 0 : i32
    %c0_i32_1 = arith.constant 0 : i32
    return %c0_i32, %c0_i32_0 : i32, i32
  }
  func.func @transform_2(%arg0: i32) -> (i32, i32) {
    %c0_i32 = arith.constant 0 : i32
    %c0_i32_0 = arith.constant 0 : i32
    return %arg0, %c0_i32 : i32, i32
  }
}

module attributes {stable_mosaic.version = 14 : i64} {
  func.func @_s_body(%arg0: i32, %arg1: i32, %arg2: memref<1000x128xf32, #tpu.memory_space<vmem>>, %arg3: memref<1024x128xf32, #tpu.memory_space<vmem>>, %arg4: memref<1000x1024xf32, #tpu.memory_space<vmem>>) attributes {dimension_semantics = [#tpu.dimension_semantics<arbitrary>, #tpu.dimension_semantics<arbitrary>], iteration_bounds = array<i64: 10, 10>, scalar_prefetch = 0 : i64, scratch_operands = 0 : i64, tpu.core_type = #tpu.core_type<tc>, window_params = [{transform_indices = @transform_0, window_bounds = array<i64: 1000, 128>}, {transform_indices = @transform_1, window_bounds = array<i64: 1024, 128>}, {transform_indices = @transform_2, window_bounds = array<i64: 1000, 1024>}]} {
    %get3A = arith.constant 0 : index
    %get3A_0 = arith.constant 0 : index
    %get3A_1 = vector.load %arg2[%get3A, %get3A_0] : memref<1000x128xf32, #tpu.memory_space<vmem>>, vector<1000x128xf32>
    %get3A_2 = arith.constant 0 : index
    %get3A_3 = arith.constant 0 : index
    %get3A_4 = vector.load %arg3[%get3A_2, %get3A_3] : memref<1024x128xf32, #tpu.memory_space<vmem>>, vector<1024x128xf32>
    %dot_general3A = arith.constant dense<0.000000e+00> : vector<1000x1024xf32>
    %dot_general3A_5 = tpu.matmul %get3A_1, %get3A_4, %dot_general3A {dimension_numbers = #tpu.dot_dimension_numbers<[1], [1], [0], [0], [0, 0, 1, 0], [], []>, transpose_lhs_hint = false} : vector<1000x128xf32>, vector<1024x128xf32>, vector<1000x1024xf32> -> vector<1000x1024xf32>
    %logistic3A = arith.negf %dot_general3A_5 : vector<1000x1024xf32>
    %logistic3A_6 = math.exp %logistic3A : vector<1000x1024xf32>
    %logistic3A_7 = arith.constant 1.000000e+00 : f32
    %logistic3A_8 = vector.broadcast %logistic3A_7 : f32 to vector<1000x1024xf32>
    %logistic3A_9 = arith.addf %logistic3A_8, %logistic3A_6 : vector<1000x1024xf32>
    %logistic3A_10 = arith.divf %logistic3A_8, %logistic3A_9 : vector<1000x1024xf32>
    %swap3A = arith.constant 0 : index
    %swap3A_11 = arith.constant 0 : index
    %swap3A_12 = vector.load %arg4[%swap3A, %swap3A_11] : memref<1000x1024xf32, #tpu.memory_space<vmem>>, vector<1000x1024xf32>
    tpu.vector_store %arg4[%swap3A, %swap3A_11], %logistic3A_10 {strides = array<i32>} : memref<1000x1024xf32, #tpu.memory_space<vmem>>, vector<1000x1024xf32>,
    return
  }
  func.func @transform_0(%arg0: i32, %arg1: i32) -> (i32, i32) {
    %c0_i32 = arith.constant 0 : i32
    %c0_i32_0 = arith.constant 0 : i32
    return %arg0, %c0_i32 : i32, i32
  }
  func.func @transform_1(%arg0: i32, %arg1: i32) -> (i32, i32) {
    %c0_i32 = arith.constant 0 : i32
    %c0_i32_0 = arith.constant 0 : i32
    return %arg1, %c0_i32 : i32, i32
  }
  func.func @transform_2(%arg0: i32, %arg1: i32) -> (i32, i32) {
    %c0_i32 = arith.constant 0 : i32
    return %arg0, %arg1 : i32, i32
  }
}

</mosaic_0001>

<sc_bundles>
// kernel: kernel.19.cloned.1.call-start
scs
__scs_entry_jumppad:
0x0: {  	(pc) =	sbr.rel $0x88, $3  }
0x1: {  	(tag) =	ssettag $0x0;
	lr =	simm.s32 $0x1  }
0x2: {  	[smem:$0x3F93] =	sst lr;
	_ =	strace $0xD0000000  }
0x3: {  	_ = 	snop  }
0x4: {  	_ = 	snop  }
0x5: {  	_ = 	snop  }
0x6: {  	_ = 	snop  }
0x7: {  	_ = 	snop  }
__scs_overlays_trampoline_lowered:
0x8: {  	[smem:$0x3FA2] =	sst s0  }
0x9: {  	[smem:$0x3FA3] =	sst s1  }
0xa: {  	[smem:$0x3FA4] =	sst s2  }
0xb: {  	[smem:$0x3FA5] =	sst s3  }
0xc: {  	[smem:$0x3FA6] =	sst s4  }
0xd: {  	[smem:$0x3FA7] =	sst s5  }
0xe: {  	[smem:$0x3FA8] =	sst s6  }
0xf: {  	[smem:$0x3FA9] =	sst s7  }
0x10: {  	[smem:$0x3FAA] =	sst s8  }
0x11: {  	[smem:$0x3FAB] =	sst s9;
	s0 =	simm.s32 @!p0 $0x0  }
0x12: {  	s1 =	sld [smem:$0x3F91];
	s0 =	simm.s32 @p0 $0x1  }
0x13: {  	[smem:$0x3FAC] =	sst s0;
	s0 =	simm.s32 @!p1 $0x0  }
0x14: {  	s2 =	sld [smem:$0x3F90];
	s0 =	simm.s32 @p1 $0x1  }
0x15: {  	[smem:$0x3FAD] =	sst s0;
	s0 =	simm.s32 @!p2 $0x0  }
0x16: {  	s3 =	sld [smem:$0x3FDB];
	s0 =	simm.s32 @p2 $0x1  }
0x17: {  	s4 =	simm.s32 $0x1BF5;
	[smem:$0x3FAF] =	sst s0  }
0x18: {  	s0 =	sld [smem:$0x3F92];
	_ =	swait.ge [sflag:s4], $0x0  }
0x19: {  	s7 =	sld [smem:$0x3F93]  }
0x1a: {  	s8 =	sadd.s32 $0xFFFFE003, lr  }
0x1b: {  	s9 =	sadd.s32 $0xFFFFFEF7, lr;
	s5 =	simm.s32 $0xFFFFFFFF;
	p2 =	slt.u32 s8, $0xFFFFF086  }
0x1c: {  	p1 =	slt.u32 s9, $0xF7A;
	s5 =	simm.s32 @!p2 $0x0  }
0x1d: {  	s5 =	simm.s32 @p1 $0x1;
	p0 =	seq.s32 s7, s2  }
0x1e: {  	s7 =	smul.u32 @!p0 $0xF7A, s2;
	p2 =	seq.s32 @!p0 s5, $0x0  }
0x1f: {  	s9 =	smul.u32 $0xF7A, s1;
	s8 =	simm.s32 @!p0 $0x1BF5;
	p2 =	por !p2, p0  }
0x20: {  	[sflag:s8] =	ssyncset.s32 @!p0 $0xFFFFF086;
	s6 =	sadd.s32 @!p0 s3, s7;
	s7 =	simm.s32 @!p0 $0x108  }
0x21: {  	s3 =	sadd.s32 s3, s9;
	s6 =	sadd.s32 @!p0 $0x88, s6;
	s7 =	simm.s32 @p2 $0x1082  }
0x22: {  	[simem:s7], [sflag:s8] =	dma.local @!p0 [hbm:s6], $0xF7A  }
0x23: {  	s9 =	sor.u32 $0xD0000000, s2;
	s6 =	simm.s32 $0x108;
	_ =	swait.ge @!p0 [sflag:s8], $0x0  }
0x24: {  	s3 =	sadd.s32 $0x88, s3;
	s6 =	simm.s32 @!p1 $0x1082;
	[sflag:s4] =	ssyncset.s32 $0xFFFFF086  }
0x25: {  	[simem:s6], [sflag:s4] =	dma.local [hbm:s3], $0xF7A  }
0x26: {  	[smem:$0x3F93] =	sst s1;
	(tag) =	ssettag s2;
	_ =	strace s9  }
0x27: {  	s1 =	sld [smem:$0x3FA3]  }
0x28: {  	s2 =	sld [smem:$0x3FA4]  }
0x29: {  	s4 =	sld [smem:$0x3FA6]  }
0x2a: {  	p0 =	seq.s32 s5, $0x0;
	s5 =	sld [smem:$0x3FA7]  }
0x2b: {  	s6 =	sld [smem:$0x3FA8]  }
0x2c: {  	s7 =	sld [smem:$0x3FA9]  }
0x2d: {  	s3 =	simm.s32 $0x108;
	s8 =	sld [smem:$0x3FAA]  }
0x2e: {  	s3 =	simm.s32 @!p0 $0x1082;
	s9 =	sld [smem:$0x3FAB]  }
0x2f: {  	lr =	sadd.s32 s0, s3;
	s0 =	sld [smem:$0x3FA2]  }
0x30: {  	s3 =	sld [smem:$0x3FA5]  }
0x31: {  	[smem:$0x3FAE] =	sst s10  }
0x32: {  	s10 =	sld [smem:$0x3FAC];
	_ =	sdelay $0x3  }
0x33: {  	p0 =	seq.s32 s10, $0x1;
	s10 =	sld [smem:$0x3FAE];
	_ =	sdelay $0x3  }
0x34: {  	[smem:$0x3FAE] =	sst s10  }
0x35: {  	s10 =	sld [smem:$0x3FAD];
	_ =	sdelay $0x3  }
0x36: {  	p1 =	seq.s32 s10, $0x1;
	s10 =	sld [smem:$0x3FAE];
	_ =	sdelay $0x3  }
0x37: {  	[smem:$0x3FAE] =	sst s10  }
0x38: {  	s10 =	sld [smem:$0x3FAF]  }
0x39: {  	_ = 	snop;
	(pc) =	sbr.ind lr, $3  }
0x3a: {  	_ = 	snop  }
0x3b: {  	_ = 	snop  }
0x3c: {  	p2 =	seq.s32 s10, $0x1;
	s10 =	sld [smem:$0x3FAE]  }
0x3d: {  	_ =	shalt  }
0x3e: {  	_ =	shalt  }
0x3f: {  	_ =	shalt  }
0x40: {  	_ =	shalt  }
0x41: {  	_ =	shalt  }
0x42: {  	_ =	shalt  }
0x43: {  	_ =	shalt  }
0x44: {  	_ =	shalt  }
0x45: {  	_ =	shalt  }
0x46: {  	_ =	shalt  }
0x47: {  	_ =	shalt  }
0x48: {  	_ =	shalt  }
0x49: {  	_ =	shalt  }
0x4a: {  	_ =	shalt  }
0x4b: {  	_ =	shalt  }
0x4c: {  	_ =	shalt  }
0x4d: {  	_ =	shalt  }
0x4e: {  	_ =	shalt  }
0x4f: {  	_ =	shalt  }
0x50: {  	_ =	shalt  }
0x51: {  	_ =	shalt  }
0x52: {  	_ =	shalt  }
0x53: {  	_ =	shalt  }
0x54: {  	_ =	shalt  }
0x55: {  	_ =	shalt  }
0x56: {  	_ =	shalt  }
0x57: {  	_ =	shalt  }
0x58: {  	_ =	shalt  }
0x59: {  	_ =	shalt  }
0x5a: {  	_ =	shalt  }
0x5b: {  	_ =	shalt  }
0x5c: {  	_ =	shalt  }
0x5d: {  	_ =	shalt  }
0x5e: {  	_ =	shalt  }
0x5f: {  	_ =	shalt  }
0x60: {  	_ =	shalt  }
0x61: {  	_ =	shalt  }
0x62: {  	_ =	shalt  }
0x63: {  	_ =	shalt  }
0x64: {  	_ =	shalt  }
0x65: {  	_ =	shalt  }
0x66: {  	_ =	shalt  }
0x67: {  	_ =	shalt  }
0x68: {  	_ =	shalt  }
0x69: {  	_ =	shalt  }
0x6a: {  	_ =	shalt  }
0x6b: {  	_ =	shalt  }
0x6c: {  	_ =	shalt  }
0x6d: {  	_ =	shalt  }
0x6e: {  	_ =	shalt  }
0x6f: {  	_ =	shalt  }
0x70: {  	_ =	shalt  }
0x71: {  	_ =	shalt  }
0x72: {  	_ =	shalt  }
0x73: {  	_ =	shalt  }
0x74: {  	_ =	shalt  }
0x75: {  	_ =	shalt  }
0x76: {  	_ =	shalt  }
0x77: {  	_ =	shalt  }
0x78: {  	_ =	shalt  }
0x79: {  	_ =	shalt  }
0x7a: {  	_ =	shalt  }
0x7b: {  	_ =	shalt  }
0x7c: {  	_ =	shalt  }
0x7d: {  	_ =	shalt  }
0x7e: {  	_ =	shalt  }
0x7f: {  	_ =	shalt  }
0x80: {  	_ =	shalt  }
0x81: {  	_ =	shalt  }
0x82: {  	_ =	shalt  }
0x83: {  	_ =	shalt  }
0x84: {  	_ =	shalt  }
0x85: {  	_ =	shalt  }
0x86: {  	_ =	shalt  }
0x87: {  	_ =	shalt  }
.Lfunc_end0:
.L_simem_size_0:
called_computation_lowered:
.L_overlay_start_0:
0x88: {  	s2 =	sld [smem:$0x3FD9]  }
0x89: {  	s3 =	sld [smem:$0x3FFE];
	_ =	sdelay $0x1  }
0x8a: {  	s1 =	srdreg.scid  }
0x8b: {  	s0 =	sand.u32 $0x1, s1  }
0x8c: {  	s14 =	sshll.u32 s0, $0xA;
	s2 =	sadd.s32 s3, s2  }
0x8d: {  	s2 =	sadd.s32 s2, s14  }
0x8e: {  	[smem:$0x3FBA] =	sst s2  }
0x8f: {  	_ = 	snop  }
0x90: {  	s2 =	sld [smem:$0x3FD0];
	_ =	sdelay $0x2  }
0x91: {  	s15 =	simm.s32 $0xA;
	s4 =	simm.s32 $0x10  }
0x92: {  	[smem:s4], [sflag:s15] =	dma.local [hbm:s2], $0x1  }
0x93: {  	_ =	swait.eq [sflag:s15], $0x1  }
0x94: {  	[sflag:s15] =	ssyncset.done $0x0  }
0x95: {  	s16 =	sld [smem:$0x10];
	[sflag:s15] =	ssyncadd.s32 $0xFFFFFFFF  }
0x96: {  	s17 =	sld [smem:$0x11];
	(tm) =	ssettm $0x1  }
0x97: {  	s18 =	sld [smem:$0x3FFB];
	_ =	sdelay $0x3  }
0x98: {  	_ =	strace s18  }
0x99: {  	s4 =	sld [smem:$0x3FFC];
	_ =	sdelay $0x3  }
0x9a: {  	_ =	strace s4  }
0x9b: {  	s4 =	sld [smem:$0x3FFD];
	_ =	sdelay $0x3  }
0x9c: {  	_ =	strace s4  }
0x9d: {  	_ =	strace $0x8FFFFFFF  }
0x9e: {  	s19 =	sld [smem:$0x3FDB];
	_ =	sdelay $0x1  }
0x9f: {  	s5 =	simm.s32 $_scs_section_size  }
0xa0: {  	s6 =	simm.s32 $_size__tile_overlayer_lowered;
	s7 =	simm.s32 $_tile_overlayer_lowered  }
0xa1: {  	s22 =	simm.s32 $0x1BFF;
	s21 =	sshll.u32 s7, $0x1;
	s4 =	sadd.s32 s5, s19  }
0xa2: {  	s8 =	simm.s32 $0x0;
	s20 =	sshll.u32 s6, $0x1;
	s6 =	sadd.s32 s21, s4  }
0xa3: {  	[timem:s8], [sflag:s22] =	dma.local [hbm:s6], s20  }
0xa4: {  	_ =	swait.ge [sflag:s22], s20  }
0xa5: {  	s5 =	ssub.s32 $0x0, s20;
	[sflag:s22] =	ssyncset.done $0x0  }
0xa6: {  	[sflag:s22] =	ssyncadd.s32 s5;
	_ =	sdelay $0x1  }
0xa7: {  	s23 =	simm.s32 $0x1B8B  }
0xa8: {  	_ =	swait.ge [sflag:s23], $0x1  }
0xa9: {  	[sflag:s23] =	ssyncset.done $0x0  }
0xaa: {  	s25 =	simm.s32 $0x1B8E;
	s24 =	sld [smem:$0x3FFE];
	[sflag:s23] =	ssyncadd.s32 $0xFFFFFFFF  }
0xab: {  	s26 =	simm.s32 $execute0_lowered;
	[smem:$0x3FD2] =	sst s25  }
0xac: {  	s6 =	sshll.u32 s26, $0x1;
	_ =	strace $0x80000046;
	[dreg:$0x1] =	wrdreg $0xFFFFFFFF  }
0xad: {  	s28 =	simm.s32 $_size_execute0_lowered;
	s4 =	sadd.s32 s4, s6;
	[dreg:$0x0] =	wrdreg $0x0  }
0xae: {  	s6 =	sshll.u32 s28, $0x1;
	[dreg:$0x2] =	wrdreg s4  }
0xaf: {  	[dreg:$0x3] =	wrdreg s6  }
0xb0: {  	[dreg:$0x4] =	wrdreg $0xC0  }
0xb1: {  	_ =	task [dreg:s8], $0x5FFFF  }
0xb2: {  	[dreg:$0x1] =	wrdreg $0xFFFFFFFF  }
0xb3: {  	[dreg:$0x0] =	wrdreg $0x60  }
0xb4: {  	[dreg:$0x2] =	wrdreg s24  }
0xb5: {  	[dreg:$0x3] =	wrdreg s17  }
0xb6: {  	[dreg:$0x4] =	wrdreg s16  }
0xb7: {  	[dreg:$0x5] =	wrdreg $0x54000  }
0xb8: {  	[dreg:$0x6] =	wrdreg $0x9  }
0xb9: {  	_ =	task.clear_ibuf [dreg:s8], $0x7FFFF;
	_ =	strace $0x90000046  }
0xba: {  	s29 =	simm.s32 $0x9;
	_ =	strace $0x80000048  }
0xbb: {  	_ =	swait.ge [sflag:s29], $0x1  }
0xbc: {  	[sflag:s29] =	ssyncadd.s32 $0xFFFFFFFF  }
0xbd: {  	_ =	strace $0x90000048  }
0xbe: {  	_ =	sfence  }
0xbf: {  	s30 =	sld [smem:$0x0];
	_ =	sdelay $0x2  }
0xc0: {  	s31 =	sshll.u32 s1, $0xD;
	s1 =	sshrl.u32 s1, $0x2  }
0xc1: {  	s3 =	sand.u32 $0x4000, s31;
	s1 =	sadd.s32 s1, s30  }
0xc2: {  	s0 =	sor.u32 s3, s0;
	s1 =	sshll.u32 s1, $0x11  }
0xc3: {  	s0 =	sor.u32 s1, s0  }
0xc4: {  	s0 =	sadd.s32 $0x8F2B, s0  }
0xc5: {  	[sflag:s0] =	ssyncadd.remote.s32 $0x1  }
0xc6: {  	_ =	sfence.sel $0xFFFF  }
0xc7: {  	[dreg:$0x0] =	wrdreg $0xFFFFFFFF;
	(pc) =	sbr.abs _section_cstart, $3  }
0xc8: {  	[dreg:$0x1] =	wrdreg $0xFFFFFFFF  }
0xc9: {  	_ =	task.clear_ibuf [dreg:s8], $0x2FFFF;
	_ =	strace $0x9FFFFFFF  }
0xca: {  	(tm) =	ssettm $0x7FFFFFFF  }
0xcb: {  	_ =	shalt  }
tec
execute0_lowered:
.L_overlay_start_1:
0x0: {  	(tag) =	ssettag $0x1  }
0x1: {  	s6 =	rddreg [dreg:$0x0]  }
0x2: {  	s1 =	rddreg [dreg:$0x1]  }
0x3: {  	s0 =	srdreg.scid;
	s3 =	rddreg [dreg:$0x2]  }
0x4: {  	s4 =	rddreg [dreg:$0x3];
	s7 =	sand.u32 $0x1, s0  }
0x5: {  	s0 =	stileid.u32;
	s8 =	smul.u32 $0x14000, s7  }
0x6: {  	s2 =	rddreg [dreg:$0x4];
	s9 =	smul.u32 $0x1400, s0  }
0x7: {  	s5 =	simm.s32 $0x0;
	s12 =	simm.s32 $0x1400;
	s10 =	smul.u32 $0x140000, s7  }
0x8: {  	s13 =	simm.s32 $0x80;
	s14 =	simm.s32 $0x0;
	s11 =	smul.u32 $0x14000, s0  }
0x9: {  	[smem:$0x7FF] =	sst s5;
	s28 =	smul.u32 $0x50000, s0;
	s7 =	ssub.s32 $0x2, s7  }
0xa: {  	_ =	strace $0x80000047;
	s31 =	sshll.u32 s0, $0x6;
	s29 =	sshrl.u32 s7, $0x1  }
0xb: {  	s8 =	sadd.s32 s9, s8;
	s26 =	sadd.s32 s11, s10;
	s10 =	sshrl.u32 s28, $0x2  }
0xc: {  	s30 =	ssub.s32 s7, s29;
	s11 =	simm.s32 $0x1;
	s8 =	sshrl.u32 s8, $0x3  }
0xd: {  	s9 =	sshrl.u32 s26, $0x3;
	s10 =	sadd.s32 s10, s4;
	s8 =	sadd.s32 s8, s6  }
0xe: {  	s9 =	sadd.s32 s9, s6;
	s6 =	sor.u32 $0x1C01, s31;
	s10 =	sshrl.u32 s10, $0x3  }
0xf: {  	s7 =	sadd.s32 $0x8A00, s8;
	s8 =	sadd.s32 $0xDA00, s9;
	s9 =	smax.u32 s30, $0x1  }
.LBB2_1:
0x10: {  	[spmem:s10], [sflag:s6] =	dma.local [hbm:s3], $0x2800  }
0x11: {  	_ =	swait.ge [sflag:s11], $0x2800  }
0x12: {  	[sflag:s11] =	ssyncset.done $0x0  }
0x13: {  	[sflag:s11] =	ssyncadd.s32 $0xFFFFD800  }
0x14: {  	[tilespmem:s12], [sflag:$0x1] =	stream.linear.gather [hbm4b:s1+s5], $0x4000, $0x38;
	[tilespmem:$0x7C00] =	vst v63  }
0x15: {  	_ =	swait.ge [sflag:s11], $0x4000  }
0x16: {  	[sflag:s11] =	ssyncset.done $0x0  }
0x17: {  	[sflag:s11] =	ssyncadd.s32 $0xFFFFC000  }
0x18: {  	[tilespmem:s5], [sflag:$0x1] =	stream.linear.gather [hbm4b:s7+s5], $0x1400, $0x38;
	[tilespmem:$0x7C00] =	vst v63  }
0x19: {  	_ =	swait.ge [sflag:s11], $0x1400  }
0x1a: {  	[sflag:s11] =	ssyncset.done $0x0  }
0x1b: {  	[sflag:s11] =	ssyncadd.s32 $0xFFFFEC00  }
0x1c: {  	s15 =	simm.s32 $0x0;
	[bflag:$0x0] =	sbarrier.arrive $0xFFFF  }
0x1d: {  	[spmem:s4] =	stream.indirect.scatter.add.f32 [tilespmem:s12], [sflag:$0x1], $0x10, s15, s13, $0xb8;
	[tilespmem:$0x7C00] =	vst v63  }
0x1e: {  	_ =	swait.ge [sflag:s11], $0x800  }
0x1f: {  	s15 =	simm.s32 $0x200;
	[sflag:s11] =	ssyncset.done $0x0  }
.LBB2_2:
0x20: {  	s16 =	sshra.s32 s15, $0x2;
	[sflag:s11] =	ssyncadd.s32 $0xFFFFF800;
	p0 =	sne.s32 s15, $0x4E00  }
0x21: {  	[spmem:s4] =	stream.indirect.scatter.add.f32 [tilespmem:s12], [sflag:$0x1], $0x10, s16, s13, $0xb8;
	[tilespmem:$0x7C00] =	vst v63  }
.Ltmp0:
0x22: {  	_ = 	snop;
	(pc) =	sbr.rel @p0 .LBB2_2-.Ltmp0, $4  }
0x23: {  	_ = 	snop  }
0x24: {  	s15 =	sadd.s32 $0x200, s15  }
0x25: {  	_ =	swait.ge [sflag:s11], $0x800  }
0x26: {  	[sflag:s11] =	ssyncset.done $0x0  }
0x27: {  	s14 =	sadd.s32 $0x1, s14  }
0x28: {  	[sflag:s11] =	ssyncadd.s32 $0xFFFFF800;
	p0 =	sne.s32 s14, s9  }
.Ltmp1:
0x29: {  	[bflag:$0x0] =	sbarrier.arrive $0xFFFF;
	(pc) =	sbr.rel @p0 .LBB2_1-.Ltmp1, $4  }
0x2a: {  	[hbm:s8], [sflag:s6] =	dma.local [spmem:s10], $0x2800  }
0x2b: {  	_ =	swait.ge [sflag:s11], $0x2800  }
0x2c: {  	[sflag:s11] =	ssyncset.done $0x0  }
0x2d: {  	[sflag:s11] =	ssyncadd.s32 $0xFFFFD800  }
0x2e: {  	_ =	sfence.sel $0x180000  }
0x2f: {  	[bflag:$0x0] =	sbarrier.arrive $0xFFFF  }
0x30: {  	p0 =	sne.s32 s0, $0x0;
	_ =	strace $0x90000047  }
0x31: {  	s0 =	sadd.s32 @!p0 $0x100000, s2;
	[bflag:$0x2] =	sbarrier.arrive $0xFFFF  }
0x32: {  	[sflag:s0] =	ssyncadd.tile.s32 @!p0 $0x1;
	_ =	shalt  }
.Lfunc_end2:
_tile_overlayer_lowered:
.L_overlay_start_2:
0x33: {  	(tag) =	ssettag $0x2  }
0x34: {  	s0 =	rddreg [dreg:$0x0];
	s2 =	stileid.u32  }
0x35: {  	s1 =	rddreg [dreg:$0x1];
	p0 =	sne.s32 s2, $0x0  }
0x36: {  	s3 =	rddreg [dreg:$0x2];
	[bflag:$0x3] =	sbarrier.arrive $0xFFFF;
	s2 =	simm.s32 @!p0 $0x1C01  }
0x37: {  	[timem:s3], [sflag:s2] =	dma.local @!p0 [hbm:s0], s1  }
0x38: {  	s0 =	simm.s32 @!p0 $0x1  }
0x39: {  	_ =	swait.ge @!p0 [sflag:s0], s1  }
0x3a: {  	s1 =	ssub.s32 @!p0 $0x0, s1;
	[sflag:s0] =	ssyncset.done @!p0 $0x0  }
0x3b: {  	[sflag:s0] =	ssyncadd.s32 @!p0 s1  }
0x3c: {  	[bflag:$0x3] =	sbarrier.arrive $0xFFFF  }
0x3d: {  	_ =	shalt  }

// kernel: kernel.22.cloned.1.call-start
scs
__scs_entry_jumppad:
0x0: {  	(pc) =	sbr.rel $0x88, $3  }
0x1: {  	(tag) =	ssettag $0x0;
	lr =	simm.s32 $0x1  }
0x2: {  	[smem:$0x3F93] =	sst lr;
	_ =	strace $0xD0000000  }
0x3: {  	_ = 	snop  }
0x4: {  	_ = 	snop  }
0x5: {  	_ = 	snop  }
0x6: {  	_ = 	snop  }
0x7: {  	_ = 	snop  }
__scs_overlays_trampoline_lowered:
0x8: {  	[smem:$0x3FA2] =	sst s0  }
0x9: {  	[smem:$0x3FA3] =	sst s1  }
0xa: {  	[smem:$0x3FA4] =	sst s2  }
0xb: {  	[smem:$0x3FA5] =	sst s3  }
0xc: {  	[smem:$0x3FA6] =	sst s4  }
0xd: {  	[smem:$0x3FA7] =	sst s5  }
0xe: {  	[smem:$0x3FA8] =	sst s6  }
0xf: {  	[smem:$0x3FA9] =	sst s7  }
0x10: {  	[smem:$0x3FAA] =	sst s8  }
0x11: {  	[smem:$0x3FAB] =	sst s9;
	s0 =	simm.s32 @!p0 $0x0  }
0x12: {  	s1 =	sld [smem:$0x3F91];
	s0 =	simm.s32 @p0 $0x1  }
0x13: {  	[smem:$0x3FAC] =	sst s0;
	s0 =	simm.s32 @!p1 $0x0  }
0x14: {  	s2 =	sld [smem:$0x3F90];
	s0 =	simm.s32 @p1 $0x1  }
0x15: {  	[smem:$0x3FAD] =	sst s0;
	s0 =	simm.s32 @!p2 $0x0  }
0x16: {  	s3 =	sld [smem:$0x3FDB];
	s0 =	simm.s32 @p2 $0x1  }
0x17: {  	s4 =	simm.s32 $0x1BF5;
	[smem:$0x3FAF] =	sst s0  }
0x18: {  	s0 =	sld [smem:$0x3F92];
	_ =	swait.ge [sflag:s4], $0x0  }
0x19: {  	s7 =	sld [smem:$0x3F93]  }
0x1a: {  	s8 =	sadd.s32 $0xFFFFE003, lr  }
0x1b: {  	s9 =	sadd.s32 $0xFFFFFEF7, lr;
	s5 =	simm.s32 $0xFFFFFFFF;
	p2 =	slt.u32 s8, $0xFFFFF086  }
0x1c: {  	p1 =	slt.u32 s9, $0xF7A;
	s5 =	simm.s32 @!p2 $0x0  }
0x1d: {  	s5 =	simm.s32 @p1 $0x1;
	p0 =	seq.s32 s7, s2  }
0x1e: {  	s7 =	smul.u32 @!p0 $0xF7A, s2;
	p2 =	seq.s32 @!p0 s5, $0x0  }
0x1f: {  	s9 =	smul.u32 $0xF7A, s1;
	s8 =	simm.s32 @!p0 $0x1BF5;
	p2 =	por !p2, p0  }
0x20: {  	[sflag:s8] =	ssyncset.s32 @!p0 $0xFFFFF086;
	s6 =	sadd.s32 @!p0 s3, s7;
	s7 =	simm.s32 @!p0 $0x108  }
0x21: {  	s3 =	sadd.s32 s3, s9;
	s6 =	sadd.s32 @!p0 $0x88, s6;
	s7 =	simm.s32 @p2 $0x1082  }
0x22: {  	[simem:s7], [sflag:s8] =	dma.local @!p0 [hbm:s6], $0xF7A  }
0x23: {  	s9 =	sor.u32 $0xD0000000, s2;
	s6 =	simm.s32 $0x108;
	_ =	swait.ge @!p0 [sflag:s8], $0x0  }
0x24: {  	s3 =	sadd.s32 $0x88, s3;
	s6 =	simm.s32 @!p1 $0x1082;
	[sflag:s4] =	ssyncset.s32 $0xFFFFF086  }
0x25: {  	[simem:s6], [sflag:s4] =	dma.local [hbm:s3], $0xF7A  }
0x26: {  	[smem:$0x3F93] =	sst s1;
	(tag) =	ssettag s2;
	_ =	strace s9  }
0x27: {  	s1 =	sld [smem:$0x3FA3]  }
0x28: {  	s2 =	sld [smem:$0x3FA4]  }
0x29: {  	s4 =	sld [smem:$0x3FA6]  }
0x2a: {  	p0 =	seq.s32 s5, $0x0;
	s5 =	sld [smem:$0x3FA7]  }
0x2b: {  	s6 =	sld [smem:$0x3FA8]  }
0x2c: {  	s7 =	sld [smem:$0x3FA9]  }
0x2d: {  	s3 =	simm.s32 $0x108;
	s8 =	sld [smem:$0x3FAA]  }
0x2e: {  	s3 =	simm.s32 @!p0 $0x1082;
	s9 =	sld [smem:$0x3FAB]  }
0x2f: {  	lr =	sadd.s32 s0, s3;
	s0 =	sld [smem:$0x3FA2]  }
0x30: {  	s3 =	sld [smem:$0x3FA5]  }
0x31: {  	[smem:$0x3FAE] =	sst s10  }
0x32: {  	s10 =	sld [smem:$0x3FAC];
	_ =	sdelay $0x3  }
0x33: {  	p0 =	seq.s32 s10, $0x1;
	s10 =	sld [smem:$0x3FAE];
	_ =	sdelay $0x3  }
0x34: {  	[smem:$0x3FAE] =	sst s10  }
0x35: {  	s10 =	sld [smem:$0x3FAD];
	_ =	sdelay $0x3  }
0x36: {  	p1 =	seq.s32 s10, $0x1;
	s10 =	sld [smem:$0x3FAE];
	_ =	sdelay $0x3  }
0x37: {  	[smem:$0x3FAE] =	sst s10  }
0x38: {  	s10 =	sld [smem:$0x3FAF]  }
0x39: {  	_ = 	snop;
	(pc) =	sbr.ind lr, $3  }
0x3a: {  	_ = 	snop  }
0x3b: {  	_ = 	snop  }
0x3c: {  	p2 =	seq.s32 s10, $0x1;
	s10 =	sld [smem:$0x3FAE]  }
0x3d: {  	_ =	shalt  }
0x3e: {  	_ =	shalt  }
0x3f: {  	_ =	shalt  }
0x40: {  	_ =	shalt  }
0x41: {  	_ =	shalt  }
0x42: {  	_ =	shalt  }
0x43: {  	_ =	shalt  }
0x44: {  	_ =	shalt  }
0x45: {  	_ =	shalt  }
0x46: {  	_ =	shalt  }
0x47: {  	_ =	shalt  }
0x48: {  	_ =	shalt  }
0x49: {  	_ =	shalt  }
0x4a: {  	_ =	shalt  }
0x4b: {  	_ =	shalt  }
0x4c: {  	_ =	shalt  }
0x4d: {  	_ =	shalt  }
0x4e: {  	_ =	shalt  }
0x4f: {  	_ =	shalt  }
0x50: {  	_ =	shalt  }
0x51: {  	_ =	shalt  }
0x52: {  	_ =	shalt  }
0x53: {  	_ =	shalt  }
0x54: {  	_ =	shalt  }
0x55: {  	_ =	shalt  }
0x56: {  	_ =	shalt  }
0x57: {  	_ =	shalt  }
0x58: {  	_ =	shalt  }
0x59: {  	_ =	shalt  }
0x5a: {  	_ =	shalt  }
0x5b: {  	_ =	shalt  }
0x5c: {  	_ =	shalt  }
0x5d: {  	_ =	shalt  }
0x5e: {  	_ =	shalt  }
0x5f: {  	_ =	shalt  }
0x60: {  	_ =	shalt  }
0x61: {  	_ =	shalt  }
0x62: {  	_ =	shalt  }
0x63: {  	_ =	shalt  }
0x64: {  	_ =	shalt  }
0x65: {  	_ =	shalt  }
0x66: {  	_ =	shalt  }
0x67: {  	_ =	shalt  }
0x68: {  	_ =	shalt  }
0x69: {  	_ =	shalt  }
0x6a: {  	_ =	shalt  }
0x6b: {  	_ =	shalt  }
0x6c: {  	_ =	shalt  }
0x6d: {  	_ =	shalt  }
0x6e: {  	_ =	shalt  }
0x6f: {  	_ =	shalt  }
0x70: {  	_ =	shalt  }
0x71: {  	_ =	shalt  }
0x72: {  	_ =	shalt  }
0x73: {  	_ =	shalt  }
0x74: {  	_ =	shalt  }
0x75: {  	_ =	shalt  }
0x76: {  	_ =	shalt  }
0x77: {  	_ =	shalt  }
0x78: {  	_ =	shalt  }
0x79: {  	_ =	shalt  }
0x7a: {  	_ =	shalt  }
0x7b: {  	_ =	shalt  }
0x7c: {  	_ =	shalt  }
0x7d: {  	_ =	shalt  }
0x7e: {  	_ =	shalt  }
0x7f: {  	_ =	shalt  }
0x80: {  	_ =	shalt  }
0x81: {  	_ =	shalt  }
0x82: {  	_ =	shalt  }
0x83: {  	_ =	shalt  }
0x84: {  	_ =	shalt  }
0x85: {  	_ =	shalt  }
0x86: {  	_ =	shalt  }
0x87: {  	_ =	shalt  }
.Lfunc_end0:
.L_simem_size_0:
called_computation.1_lowered:
.L_overlay_start_0:
0x88: {  	s2 =	sld [smem:$0x3FD9]  }
0x89: {  	s3 =	sld [smem:$0x3FFE];
	_ =	sdelay $0x1  }
0x8a: {  	s1 =	srdreg.scid  }
0x8b: {  	s0 =	sand.u32 $0x1, s1  }
0x8c: {  	s14 =	sshll.u32 s0, $0xA;
	s2 =	sadd.s32 s3, s2  }
0x8d: {  	s2 =	sadd.s32 s2, s14  }
0x8e: {  	[smem:$0x3FBA] =	sst s2  }
0x8f: {  	_ = 	snop  }
0x90: {  	s2 =	sld [smem:$0x3FD0];
	_ =	sdelay $0x2  }
0x91: {  	s15 =	simm.s32 $0xA;
	s4 =	simm.s32 $0x10  }
0x92: {  	[smem:s4], [sflag:s15] =	dma.local [hbm:s2], $0x1  }
0x93: {  	_ =	swait.eq [sflag:s15], $0x1  }
0x94: {  	[sflag:s15] =	ssyncset.done $0x0  }
0x95: {  	s16 =	sld [smem:$0x10];
	[sflag:s15] =	ssyncadd.s32 $0xFFFFFFFF  }
0x96: {  	s17 =	sld [smem:$0x11];
	(tm) =	ssettm $0x1  }
0x97: {  	s18 =	sld [smem:$0x3FFB];
	_ =	sdelay $0x3  }
0x98: {  	_ =	strace s18  }
0x99: {  	s4 =	sld [smem:$0x3FFC];
	_ =	sdelay $0x3  }
0x9a: {  	_ =	strace s4  }
0x9b: {  	s4 =	sld [smem:$0x3FFD];
	_ =	sdelay $0x3  }
0x9c: {  	_ =	strace s4  }
0x9d: {  	_ =	strace $0x8FFFFFFF  }
0x9e: {  	s19 =	sld [smem:$0x3FDB];
	_ =	sdelay $0x1  }
0x9f: {  	s5 =	simm.s32 $_scs_section_size  }
0xa0: {  	s6 =	simm.s32 $_size__tile_overlayer_lowered;
	s7 =	simm.s32 $_tile_overlayer_lowered  }
0xa1: {  	s22 =	simm.s32 $0x1BFF;
	s21 =	sshll.u32 s7, $0x1;
	s4 =	sadd.s32 s5, s19  }
0xa2: {  	s8 =	simm.s32 $0x0;
	s20 =	sshll.u32 s6, $0x1;
	s6 =	sadd.s32 s21, s4  }
0xa3: {  	[timem:s8], [sflag:s22] =	dma.local [hbm:s6], s20  }
0xa4: {  	_ =	swait.ge [sflag:s22], s20  }
0xa5: {  	s5 =	ssub.s32 $0x0, s20;
	[sflag:s22] =	ssyncset.done $0x0  }
0xa6: {  	[sflag:s22] =	ssyncadd.s32 s5;
	_ =	sdelay $0x1  }
0xa7: {  	s23 =	simm.s32 $0x1B8B  }
0xa8: {  	_ =	swait.ge [sflag:s23], $0x1  }
0xa9: {  	[sflag:s23] =	ssyncset.done $0x0  }
0xaa: {  	s25 =	simm.s32 $0x1B8E;
	s24 =	sld [smem:$0x3FFE];
	[sflag:s23] =	ssyncadd.s32 $0xFFFFFFFF  }
0xab: {  	s26 =	simm.s32 $execute0_lowered;
	[smem:$0x3FD2] =	sst s25  }
0xac: {  	s6 =	sshll.u32 s26, $0x1;
	_ =	strace $0x80000049;
	[dreg:$0x1] =	wrdreg $0xFFFFFFFF  }
0xad: {  	s28 =	simm.s32 $_size_execute0_lowered;
	s4 =	sadd.s32 s4, s6;
	[dreg:$0x0] =	wrdreg $0x0  }
0xae: {  	s6 =	sshll.u32 s28, $0x1;
	[dreg:$0x2] =	wrdreg s4  }
0xaf: {  	[dreg:$0x3] =	wrdreg s6  }
0xb0: {  	[dreg:$0x4] =	wrdreg $0xC0  }
0xb1: {  	_ =	task [dreg:s8], $0x5FFFF  }
0xb2: {  	[dreg:$0x1] =	wrdreg $0xFFFFFFFF  }
0xb3: {  	[dreg:$0x0] =	wrdreg $0x60  }
0xb4: {  	[dreg:$0x2] =	wrdreg s16  }
0xb5: {  	[dreg:$0x3] =	wrdreg s24  }
0xb6: {  	[dreg:$0x4] =	wrdreg s17  }
0xb7: {  	[dreg:$0x5] =	wrdreg $0xA8000  }
0xb8: {  	[dreg:$0x6] =	wrdreg $0x9  }
0xb9: {  	_ =	task.clear_ibuf [dreg:s8], $0x7FFFF;
	_ =	strace $0x90000049  }
0xba: {  	s29 =	simm.s32 $0x9;
	_ =	strace $0x8000004B  }
0xbb: {  	_ =	swait.ge [sflag:s29], $0x1  }
0xbc: {  	[sflag:s29] =	ssyncadd.s32 $0xFFFFFFFF  }
0xbd: {  	_ =	strace $0x9000004B  }
0xbe: {  	_ =	sfence  }
0xbf: {  	s30 =	sld [smem:$0x0];
	_ =	sdelay $0x2  }
0xc0: {  	s31 =	sshll.u32 s1, $0xD;
	s1 =	sshrl.u32 s1, $0x2  }
0xc1: {  	s3 =	sand.u32 $0x4000, s31;
	s1 =	sadd.s32 s1, s30  }
0xc2: {  	s0 =	sor.u32 s3, s0;
	s1 =	sshll.u32 s1, $0x11  }
0xc3: {  	s0 =	sor.u32 s1, s0  }
0xc4: {  	s0 =	sadd.s32 $0x8F2B, s0  }
0xc5: {  	[sflag:s0] =	ssyncadd.remote.s32 $0x1  }
0xc6: {  	_ =	sfence.sel $0xFFFF  }
0xc7: {  	[dreg:$0x0] =	wrdreg $0xFFFFFFFF;
	(pc) =	sbr.abs _section_cstart, $3  }
0xc8: {  	[dreg:$0x1] =	wrdreg $0xFFFFFFFF  }
0xc9: {  	_ =	task.clear_ibuf [dreg:s8], $0x2FFFF;
	_ =	strace $0x9FFFFFFF  }
0xca: {  	(tm) =	ssettm $0x7FFFFFFF  }
0xcb: {  	_ =	shalt  }
tec
execute0_lowered:
.L_overlay_start_1:
0x0: {  	(tag) =	ssettag $0x1  }
0x1: {  	s0 =	rddreg [dreg:$0x0]  }
0x2: {  	s5 =	rddreg [dreg:$0x1]  }
0x3: {  	s9 =	rddreg [dreg:$0x2];
	s1 =	srdreg.scid  }
0x4: {  	s3 =	rddreg [dreg:$0x3];
	s2 =	stileid.u32  }
0x5: {  	s4 =	simm.s32 $0x0;
	s14 =	simm.s32 $0x80;
	s15 =	simm.s32 $0x2800  }
0x6: {  	s16 =	simm.s32 $0x1;
	s17 =	simm.s32 $0x6800;
	s8 =	smul.u32 $0x1400, s2  }
0x7: {  	s18 =	simm.s32 $0x2;
	s19 =	simm.s32 $0x0;
	s26 =	smul.u32 $0x50000, s2  }
0x8: {  	s6 =	sand.u32 $0x1, s1;
	s1 =	rddreg [dreg:$0x4];
	s12 =	smul.u32 $0x14000, s2  }
0x9: {  	[smem:$0x7FF] =	sst s4;
	s30 =	sshll.u32 s2, $0x6;
	s7 =	smul.u32 $0x14000, s6  }
0xa: {  	_ =	strace $0x8000004A;
	s10 =	ssub.s32 $0x2, s6;
	s6 =	smul.u32 $0x140000, s6  }
0xb: {  	s28 =	sshrl.u32 s10, $0x1;
	s29 =	sshrl.u32 s26, $0x2;
	s7 =	sadd.s32 s8, s7  }
0xc: {  	s10 =	ssub.s32 s10, s28;
	s13 =	sadd.s32 s29, s3;
	s31 =	sadd.s32 s12, s6  }
0xd: {  	s6 =	sor.u32 $0x1C03, s30;
	s7 =	sshrl.u32 s7, $0x3;
	s12 =	sshrl.u32 s31, $0x3  }
0xe: {  	s10 =	smax.u32 s10, $0x1;
	s11 =	sadd.s32 s7, s5;
	s5 =	sadd.s32 $0x62A00, s5  }
0xf: {  	s9 =	sadd.s32 s9, s12;
	s12 =	simm.s32 $0x3;
	s7 =	sadd.s32 $0x5DA00, s11  }
0x10: {  	s8 =	sadd.s32 $0x8A00, s11;
	s11 =	sshrl.u32 s13, $0x3;
	s13 =	simm.s32 $0x1400  }
.LBB2_1:
0x11: {  	[spmem:s11], [sflag:s6] =	dma.local [hbm:s5], $0x2800  }
0x12: {  	_ =	swait.ge [sflag:s12], $0x2800  }
0x13: {  	[sflag:s12] =	ssyncset.done $0x0  }
0x14: {  	[sflag:s12] =	ssyncadd.s32 $0xFFFFD800  }
0x15: {  	[tilespmem:s4], [sflag:$0x3] =	stream.linear.gather [hbm4b:s7+s4], $0x1400, $0x38;
	[tilespmem:$0x1E800] =	vst v63  }
0x16: {  	_ =	swait.ge [sflag:s12], $0x1400  }
0x17: {  	[sflag:s12] =	ssyncset.done $0x0  }
0x18: {  	[sflag:s12] =	ssyncadd.s32 $0xFFFFEC00  }
0x19: {  	[tilespmem:s13], [sflag:$0x3] =	stream.linear.gather [hbm4b:s8+s4], $0x1400, $0x38;
	[tilespmem:$0x1E800] =	vst v63  }
0x1a: {  	_ =	swait.ge [sflag:s12], $0x1400  }
0x1b: {  	[sflag:s12] =	ssyncset.done $0x0  }
0x1c: {  	[sflag:s12] =	ssyncadd.s32 $0xFFFFEC00  }
0x1d: {  	s20 =	simm.s32 $0x0;
	[bflag:$0x0] =	sbarrier.arrive $0xFFFF  }
0x1e: {  	[tilespmem:s15], [sflag:$0x1] =	stream.indirect.gather [hbm4b:s0+s14], $0x80, s20, s14, $0xb8;
	[tilespmem:$0x1E800] =	vst v63  }
0x1f: {  	_ =	swait.ge [sflag:s16], $0x4000  }
0x20: {  	[sflag:s16] =	ssyncset.done $0x0  }
0x21: {  	s26 =	simm.s32 $0x1400;
	[sflag:s16] =	ssyncadd.s32 $0xFFFFC000  }
0x22: {  	[spmem:s3] =	stream.indirect.scatter.add.f32 [tilespmem:s15], [sflag:$0x2], $0x80, s26, s14, $0xb8;
	[tilespmem:$0x1E800] =	vst v63  }
0x23: {  	s28 =	simm.s32 $0x80  }
0x24: {  	[tilespmem:s17], [sflag:$0x1] =	stream.indirect.gather [hbm4b:s0+s14], $0x80, s28, s14, $0xb8;
	[tilespmem:$0x1E800] =	vst v63  }
0x25: {  	_ =	swait.ge [sflag:s16], $0x4000  }
0x26: {  	[sflag:s16] =	ssyncset.done $0x0  }
0x27: {  	[sflag:s16] =	ssyncadd.s32 $0xFFFFC000  }
0x28: {  	_ =	swait.ge [sflag:s18], $0x4000  }
0x29: {  	[sflag:s18] =	ssyncset.done $0x0  }
0x2a: {  	s29 =	simm.s32 $0x1480;
	[sflag:s18] =	ssyncadd.s32 $0xFFFFC000  }
0x2b: {  	[spmem:s3] =	stream.indirect.scatter.add.f32 [tilespmem:s17], [sflag:$0x2], $0x80, s29, s14, $0xb8;
	[tilespmem:$0x1E800] =	vst v63  }
0x2c: {  	s30 =	simm.s32 $0x100  }
0x2d: {  	[tilespmem:s15], [sflag:$0x1] =	stream.indirect.gather [hbm4b:s0+s14], $0x80, s30, s14, $0xb8;
	[tilespmem:$0x1E800] =	vst v63  }
0x2e: {  	_ =	swait.ge [sflag:s16], $0x4000  }
0x2f: {  	[sflag:s16] =	ssyncset.done $0x0  }
0x30: {  	[sflag:s16] =	ssyncadd.s32 $0xFFFFC000  }
0x31: {  	_ =	swait.ge [sflag:s18], $0x4000  }
0x32: {  	[sflag:s18] =	ssyncset.done $0x0  }
0x33: {  	s31 =	simm.s32 $0x1500;
	[sflag:s18] =	ssyncadd.s32 $0xFFFFC000  }
0x34: {  	[spmem:s3] =	stream.indirect.scatter.add.f32 [tilespmem:s15], [sflag:$0x2], $0x80, s31, s14, $0xb8;
	[tilespmem:$0x1E800] =	vst v63  }
0x35: {  	s21 =	simm.s32 $0x180  }
0x36: {  	[tilespmem:s17], [sflag:$0x1] =	stream.indirect.gather [hbm4b:s0+s14], $0x80, s21, s14, $0xb8;
	[tilespmem:$0x1E800] =	vst v63  }
0x37: {  	_ =	swait.ge [sflag:s16], $0x4000  }
0x38: {  	[sflag:s16] =	ssyncset.done $0x0  }
0x39: {  	[sflag:s16] =	ssyncadd.s32 $0xFFFFC000  }
0x3a: {  	_ =	swait.ge [sflag:s18], $0x4000  }
0x3b: {  	[sflag:s18] =	ssyncset.done $0x0  }
0x3c: {  	s22 =	simm.s32 $0x1580;
	[sflag:s18] =	ssyncadd.s32 $0xFFFFC000  }
0x3d: {  	[spmem:s3] =	stream.indirect.scatter.add.f32 [tilespmem:s17], [sflag:$0x2], $0x80, s22, s14, $0xb8;
	[tilespmem:$0x1E800] =	vst v63  }
0x3e: {  	s23 =	simm.s32 $0x200  }
0x3f: {  	[tilespmem:s15], [sflag:$0x1] =	stream.indirect.gather [hbm4b:s0+s14], $0x80, s23, s14, $0xb8;
	[tilespmem:$0x1E800] =	vst v63  }
0x40: {  	_ =	swait.ge [sflag:s16], $0x4000  }
0x41: {  	[sflag:s16] =	ssyncset.done $0x0  }
0x42: {  	[sflag:s16] =	ssyncadd.s32 $0xFFFFC000  }
0x43: {  	_ =	swait.ge [sflag:s18], $0x4000  }
0x44: {  	[sflag:s18] =	ssyncset.done $0x0  }
0x45: {  	s24 =	simm.s32 $0x1600;
	[sflag:s18] =	ssyncadd.s32 $0xFFFFC000  }
0x46: {  	[spmem:s3] =	stream.indirect.scatter.add.f32 [tilespmem:s15], [sflag:$0x2], $0x80, s24, s14, $0xb8;
	[tilespmem:$0x1E800] =	vst v63  }
0x47: {  	s25 =	simm.s32 $0x280  }
0x48: {  	[tilespmem:s17], [sflag:$0x1] =	stream.indirect.gather [hbm4b:s0+s14], $0x80, s25, s14, $0xb8;
	[tilespmem:$0x1E800] =	vst v63  }
0x49: {  	_ =	swait.ge [sflag:s16], $0x4000  }
0x4a: {  	[sflag:s16] =	ssyncset.done $0x0  }
0x4b: {  	[sflag:s16] =	ssyncadd.s32 $0xFFFFC000  }
0x4c: {  	_ =	swait.ge [sflag:s18], $0x4000  }
0x4d: {  	[sflag:s18] =	ssyncset.done $0x0  }
0x4e: {  	s26 =	simm.s32 $0x1680;
	[sflag:s18] =	ssyncadd.s32 $0xFFFFC000  }
0x4f: {  	[spmem:s3] =	stream.indirect.scatter.add.f32 [tilespmem:s17], [sflag:$0x2], $0x80, s26, s14, $0xb8;
	[tilespmem:$0x1E800] =	vst v63  }
0x50: {  	s28 =	simm.s32 $0x300  }
0x51: {  	[tilespmem:s15], [sflag:$0x1] =	stream.indirect.gather [hbm4b:s0+s14], $0x80, s28, s14, $0xb8;
	[tilespmem:$0x1E800] =	vst v63  }
0x52: {  	_ =	swait.ge [sflag:s16], $0x4000  }
0x53: {  	[sflag:s16] =	ssyncset.done $0x0  }
0x54: {  	[sflag:s16] =	ssyncadd.s32 $0xFFFFC000  }
0x55: {  	_ =	swait.ge [sflag:s18], $0x4000  }
0x56: {  	[sflag:s18] =	ssyncset.done $0x0  }
0x57: {  	s29 =	simm.s32 $0x1700;
	[sflag:s18] =	ssyncadd.s32 $0xFFFFC000  }
0x58: {  	[spmem:s3] =	stream.indirect.scatter.add.f32 [tilespmem:s15], [sflag:$0x2], $0x80, s29, s14, $0xb8;
	[tilespmem:$0x1E800] =	vst v63  }
0x59: {  	s30 =	simm.s32 $0x380  }
0x5a: {  	[tilespmem:s17], [sflag:$0x1] =	stream.indirect.gather [hbm4b:s0+s14], $0x80, s30, s14, $0xb8;
	[tilespmem:$0x1E800] =	vst v63  }
0x5b: {  	_ =	swait.ge [sflag:s16], $0x4000  }
0x5c: {  	[sflag:s16] =	ssyncset.done $0x0  }
0x5d: {  	[sflag:s16] =	ssyncadd.s32 $0xFFFFC000  }
0x5e: {  	_ =	swait.ge [sflag:s18], $0x4000  }
0x5f: {  	[sflag:s18] =	ssyncset.done $0x0  }
0x60: {  	s31 =	simm.s32 $0x1780;
	[sflag:s18] =	ssyncadd.s32 $0xFFFFC000  }
0x61: {  	[spmem:s3] =	stream.indirect.scatter.add.f32 [tilespmem:s17], [sflag:$0x2], $0x80, s31, s14, $0xb8;
	[tilespmem:$0x1E800] =	vst v63  }
0x62: {  	_ =	swait.ge [sflag:s18], $0x4000  }
0x63: {  	s20 =	simm.s32 $0x1000;
	s23 =	simm.s32 $0x2000;
	[sflag:s18] =	ssyncset.done $0x0  }
.LBB2_2:
0x64: {  	s22 =	sshra.s32 s20, $0x2  }
0x65: {  	[sflag:s18] =	ssyncadd.s32 $0xFFFFC000;
	s20 =	smov.u32 s23;
	s21 =	sadd.s32 $0x1000, s23  }
0x66: {  	[tilespmem:s15], [sflag:$0x1] =	stream.indirect.gather [hbm4b:s0+s14], $0x80, s22, s14, $0xb8;
	[tilespmem:$0x1E800] =	vst v63  }
0x67: {  	p0 =	sne.s32 s23, $0x4000;
	_ =	swait.ge [sflag:s16], $0x4000  }
0x68: {  	[sflag:s16] =	ssyncset.done $0x0  }
0x69: {  	s23 =	sadd.s32 $0x1400, s22;
	[sflag:s16] =	ssyncadd.s32 $0xFFFFC000  }
0x6a: {  	[spmem:s3] =	stream.indirect.scatter.add.f32 [tilespmem:s15], [sflag:$0x2], $0x80, s23, s14, $0xb8;
	[tilespmem:$0x1E800] =	vst v63  }
0x6b: {  	s23 =	sadd.s32 $0x80, s22  }
0x6c: {  	[tilespmem:s17], [sflag:$0x1] =	stream.indirect.gather [hbm4b:s0+s14], $0x80, s23, s14, $0xb8;
	[tilespmem:$0x1E800] =	vst v63  }
0x6d: {  	_ =	swait.ge [sflag:s16], $0x4000  }
0x6e: {  	[sflag:s16] =	ssyncset.done $0x0  }
0x6f: {  	[sflag:s16] =	ssyncadd.s32 $0xFFFFC000  }
0x70: {  	_ =	swait.ge [sflag:s18], $0x4000  }
0x71: {  	[sflag:s18] =	ssyncset.done $0x0  }
0x72: {  	s23 =	sadd.s32 $0x1480, s22;
	[sflag:s18] =	ssyncadd.s32 $0xFFFFC000  }
0x73: {  	[spmem:s3] =	stream.indirect.scatter.add.f32 [tilespmem:s17], [sflag:$0x2], $0x80, s23, s14, $0xb8;
	[tilespmem:$0x1E800] =	vst v63  }
0x74: {  	s23 =	sadd.s32 $0x100, s22  }
0x75: {  	[tilespmem:s15], [sflag:$0x1] =	stream.indirect.gather [hbm4b:s0+s14], $0x80, s23, s14, $0xb8;
	[tilespmem:$0x1E800] =	vst v63  }
0x76: {  	_ =	swait.ge [sflag:s16], $0x4000  }
0x77: {  	[sflag:s16] =	ssyncset.done $0x0  }
0x78: {  	[sflag:s16] =	ssyncadd.s32 $0xFFFFC000  }
0x79: {  	_ =	swait.ge [sflag:s18], $0x4000  }
0x7a: {  	[sflag:s18] =	ssyncset.done $0x0  }
0x7b: {  	s23 =	sadd.s32 $0x1500, s22;
	[sflag:s18] =	ssyncadd.s32 $0xFFFFC000  }
0x7c: {  	[spmem:s3] =	stream.indirect.scatter.add.f32 [tilespmem:s15], [sflag:$0x2], $0x80, s23, s14, $0xb8;
	[tilespmem:$0x1E800] =	vst v63  }
0x7d: {  	s23 =	sadd.s32 $0x180, s22  }
0x7e: {  	[tilespmem:s17], [sflag:$0x1] =	stream.indirect.gather [hbm4b:s0+s14], $0x80, s23, s14, $0xb8;
	[tilespmem:$0x1E800] =	vst v63  }
0x7f: {  	_ =	swait.ge [sflag:s16], $0x4000  }
0x80: {  	[sflag:s16] =	ssyncset.done $0x0  }
0x81: {  	[sflag:s16] =	ssyncadd.s32 $0xFFFFC000  }
0x82: {  	_ =	swait.ge [sflag:s18], $0x4000  }
0x83: {  	[sflag:s18] =	ssyncset.done $0x0  }
0x84: {  	s23 =	sadd.s32 $0x1580, s22;
	[sflag:s18] =	ssyncadd.s32 $0xFFFFC000  }
0x85: {  	[spmem:s3] =	stream.indirect.scatter.add.f32 [tilespmem:s17], [sflag:$0x2], $0x80, s23, s14, $0xb8;
	[tilespmem:$0x1E800] =	vst v63  }
0x86: {  	s23 =	sadd.s32 $0x200, s22  }
0x87: {  	[tilespmem:s15], [sflag:$0x1] =	stream.indirect.gather [hbm4b:s0+s14], $0x80, s23, s14, $0xb8;
	[tilespmem:$0x1E800] =	vst v63  }
0x88: {  	_ =	swait.ge [sflag:s16], $0x4000  }
0x89: {  	[sflag:s16] =	ssyncset.done $0x0  }
0x8a: {  	[sflag:s16] =	ssyncadd.s32 $0xFFFFC000  }
0x8b: {  	_ =	swait.ge [sflag:s18], $0x4000  }
0x8c: {  	[sflag:s18] =	ssyncset.done $0x0  }
0x8d: {  	s23 =	sadd.s32 $0x1600, s22;
	[sflag:s18] =	ssyncadd.s32 $0xFFFFC000  }
0x8e: {  	[spmem:s3] =	stream.indirect.scatter.add.f32 [tilespmem:s15], [sflag:$0x2], $0x80, s23, s14, $0xb8;
	[tilespmem:$0x1E800] =	vst v63  }
0x8f: {  	s23 =	sadd.s32 $0x280, s22  }
0x90: {  	[tilespmem:s17], [sflag:$0x1] =	stream.indirect.gather [hbm4b:s0+s14], $0x80, s23, s14, $0xb8;
	[tilespmem:$0x1E800] =	vst v63  }
0x91: {  	_ =	swait.ge [sflag:s16], $0x4000  }
0x92: {  	[sflag:s16] =	ssyncset.done $0x0  }
0x93: {  	[sflag:s16] =	ssyncadd.s32 $0xFFFFC000  }
0x94: {  	_ =	swait.ge [sflag:s18], $0x4000  }
0x95: {  	[sflag:s18] =	ssyncset.done $0x0  }
0x96: {  	s23 =	sadd.s32 $0x1680, s22;
	[sflag:s18] =	ssyncadd.s32 $0xFFFFC000  }
0x97: {  	[spmem:s3] =	stream.indirect.scatter.add.f32 [tilespmem:s17], [sflag:$0x2], $0x80, s23, s14, $0xb8;
	[tilespmem:$0x1E800] =	vst v63  }
0x98: {  	s23 =	sadd.s32 $0x300, s22  }
0x99: {  	[tilespmem:s15], [sflag:$0x1] =	stream.indirect.gather [hbm4b:s0+s14], $0x80, s23, s14, $0xb8;
	[tilespmem:$0x1E800] =	vst v63  }
0x9a: {  	_ =	swait.ge [sflag:s16], $0x4000  }
0x9b: {  	[sflag:s16] =	ssyncset.done $0x0  }
0x9c: {  	[sflag:s16] =	ssyncadd.s32 $0xFFFFC000  }
0x9d: {  	_ =	swait.ge [sflag:s18], $0x4000  }
0x9e: {  	[sflag:s18] =	ssyncset.done $0x0  }
0x9f: {  	s23 =	sadd.s32 $0x1700, s22;
	[sflag:s18] =	ssyncadd.s32 $0xFFFFC000  }
0xa0: {  	[spmem:s3] =	stream.indirect.scatter.add.f32 [tilespmem:s15], [sflag:$0x2], $0x80, s23, s14, $0xb8;
	[tilespmem:$0x1E800] =	vst v63  }
0xa1: {  	s23 =	sadd.s32 $0x380, s22  }
0xa2: {  	[tilespmem:s17], [sflag:$0x1] =	stream.indirect.gather [hbm4b:s0+s14], $0x80, s23, s14, $0xb8;
	[tilespmem:$0x1E800] =	vst v63  }
0xa3: {  	_ =	swait.ge [sflag:s16], $0x4000  }
0xa4: {  	[sflag:s16] =	ssyncset.done $0x0  }
0xa5: {  	[sflag:s16] =	ssyncadd.s32 $0xFFFFC000  }
0xa6: {  	_ =	swait.ge [sflag:s18], $0x4000  }
.Ltmp0:
0xa7: {  	[sflag:s18] =	ssyncset.done $0x0;
	(pc) =	sbr.rel @p0 .LBB2_2-.Ltmp0, $4  }
0xa8: {  	s22 =	sadd.s32 $0x1780, s22;
	[sflag:s18] =	ssyncadd.s32 $0xFFFFC000  }
0xa9: {  	[spmem:s3] =	stream.indirect.scatter.add.f32 [tilespmem:s17], [sflag:$0x2], $0x80, s22, s14, $0xb8;
	[tilespmem:$0x1E800] =	vst v63  }
0xaa: {  	_ =	swait.ge [sflag:s18], $0x4000  }
0xab: {  	s23 =	smov.u32 s21;
	[sflag:s18] =	ssyncset.done $0x0  }
0xac: {  	s20 =	sshra.s32 s20, $0x2;
	[sflag:s18] =	ssyncadd.s32 $0xFFFFC000  }
0xad: {  	[tilespmem:s15], [sflag:$0x1] =	stream.indirect.gather [hbm4b:s0+s14], $0x80, s20, s14, $0xb8;
	[tilespmem:$0x1E800] =	vst v63  }
0xae: {  	_ =	swait.ge [sflag:s16], $0x4000  }
0xaf: {  	[sflag:s16] =	ssyncset.done $0x0  }
0xb0: {  	s21 =	sadd.s32 $0x1400, s20;
	[sflag:s16] =	ssyncadd.s32 $0xFFFFC000  }
0xb1: {  	[spmem:s3] =	stream.indirect.scatter.add.f32 [tilespmem:s15], [sflag:$0x2], $0x80, s21, s14, $0xb8;
	[tilespmem:$0x1E800] =	vst v63  }
0xb2: {  	s28 =	sadd.s32 $0x80, s20  }
0xb3: {  	[tilespmem:s17], [sflag:$0x1] =	stream.indirect.gather [hbm4b:s0+s14], $0x80, s28, s14, $0xb8;
	[tilespmem:$0x1E800] =	vst v63  }
0xb4: {  	_ =	swait.ge [sflag:s16], $0x4000  }
0xb5: {  	[sflag:s16] =	ssyncset.done $0x0  }
0xb6: {  	[sflag:s16] =	ssyncadd.s32 $0xFFFFC000  }
0xb7: {  	_ =	swait.ge [sflag:s18], $0x4000  }
0xb8: {  	[sflag:s18] =	ssyncset.done $0x0  }
0xb9: {  	s29 =	sadd.s32 $0x1480, s20;
	[sflag:s18] =	ssyncadd.s32 $0xFFFFC000  }
0xba: {  	[spmem:s3] =	stream.indirect.scatter.add.f32 [tilespmem:s17], [sflag:$0x2], $0x80, s29, s14, $0xb8;
	[tilespmem:$0x1E800] =	vst v63  }
0xbb: {  	s30 =	sadd.s32 $0x100, s20  }
0xbc: {  	[tilespmem:s15], [sflag:$0x1] =	stream.indirect.gather [hbm4b:s0+s14], $0x80, s30, s14, $0xb8;
	[tilespmem:$0x1E800] =	vst v63  }
0xbd: {  	_ =	swait.ge [sflag:s16], $0x4000  }
0xbe: {  	[sflag:s16] =	ssyncset.done $0x0  }
0xbf: {  	[sflag:s16] =	ssyncadd.s32 $0xFFFFC000  }
0xc0: {  	_ =	swait.ge [sflag:s18], $0x4000  }
0xc1: {  	[sflag:s18] =	ssyncset.done $0x0  }
0xc2: {  	s31 =	sadd.s32 $0x1500, s20;
	[sflag:s18] =	ssyncadd.s32 $0xFFFFC000  }
0xc3: {  	[spmem:s3] =	stream.indirect.scatter.add.f32 [tilespmem:s15], [sflag:$0x2], $0x80, s31, s14, $0xb8;
	[tilespmem:$0x1E800] =	vst v63  }
0xc4: {  	s22 =	sadd.s32 $0x180, s20  }
0xc5: {  	[tilespmem:s17], [sflag:$0x1] =	stream.indirect.gather [hbm4b:s0+s14], $0x80, s22, s14, $0xb8;
	[tilespmem:$0x1E800] =	vst v63  }
0xc6: {  	_ =	swait.ge [sflag:s16], $0x4000  }
0xc7: {  	[sflag:s16] =	ssyncset.done $0x0  }
0xc8: {  	[sflag:s16] =	ssyncadd.s32 $0xFFFFC000  }
0xc9: {  	_ =	swait.ge [sflag:s18], $0x4000  }
0xca: {  	[sflag:s18] =	ssyncset.done $0x0  }
0xcb: {  	s23 =	sadd.s32 $0x1580, s20;
	[sflag:s18] =	ssyncadd.s32 $0xFFFFC000  }
0xcc: {  	[spmem:s3] =	stream.indirect.scatter.add.f32 [tilespmem:s17], [sflag:$0x2], $0x80, s23, s14, $0xb8;
	[tilespmem:$0x1E800] =	vst v63  }
0xcd: {  	s24 =	sadd.s32 $0x200, s20  }
0xce: {  	[tilespmem:s15], [sflag:$0x1] =	stream.indirect.gather [hbm4b:s0+s14], $0x80, s24, s14, $0xb8;
	[tilespmem:$0x1E800] =	vst v63  }
0xcf: {  	_ =	swait.ge [sflag:s16], $0x4000  }
0xd0: {  	[sflag:s16] =	ssyncset.done $0x0  }
0xd1: {  	[sflag:s16] =	ssyncadd.s32 $0xFFFFC000  }
0xd2: {  	_ =	swait.ge [sflag:s18], $0x4000  }
0xd3: {  	[sflag:s18] =	ssyncset.done $0x0  }
0xd4: {  	s25 =	sadd.s32 $0x1600, s20;
	[sflag:s18] =	ssyncadd.s32 $0xFFFFC000  }
0xd5: {  	[spmem:s3] =	stream.indirect.scatter.add.f32 [tilespmem:s15], [sflag:$0x2], $0x80, s25, s14, $0xb8;
	[tilespmem:$0x1E800] =	vst v63  }
0xd6: {  	s26 =	sadd.s32 $0x280, s20  }
0xd7: {  	[tilespmem:s17], [sflag:$0x1] =	stream.indirect.gather [hbm4b:s0+s14], $0x80, s26, s14, $0xb8;
	[tilespmem:$0x1E800] =	vst v63  }
0xd8: {  	_ =	swait.ge [sflag:s16], $0x4000  }
0xd9: {  	[sflag:s16] =	ssyncset.done $0x0  }
0xda: {  	[sflag:s16] =	ssyncadd.s32 $0xFFFFC000  }
0xdb: {  	_ =	swait.ge [sflag:s18], $0x4000  }
0xdc: {  	[sflag:s18] =	ssyncset.done $0x0  }
0xdd: {  	s28 =	sadd.s32 $0x1680, s20;
	[sflag:s18] =	ssyncadd.s32 $0xFFFFC000  }
0xde: {  	[spmem:s3] =	stream.indirect.scatter.add.f32 [tilespmem:s17], [sflag:$0x2], $0x80, s28, s14, $0xb8;
	[tilespmem:$0x1E800] =	vst v63  }
0xdf: {  	s29 =	sadd.s32 $0x300, s20  }
0xe0: {  	[tilespmem:s15], [sflag:$0x1] =	stream.indirect.gather [hbm4b:s0+s14], $0x80, s29, s14, $0xb8;
	[tilespmem:$0x1E800] =	vst v63  }
0xe1: {  	_ =	swait.ge [sflag:s16], $0x4000  }
0xe2: {  	[sflag:s16] =	ssyncset.done $0x0  }
0xe3: {  	[sflag:s16] =	ssyncadd.s32 $0xFFFFC000  }
0xe4: {  	_ =	swait.ge [sflag:s18], $0x4000  }
0xe5: {  	[sflag:s18] =	ssyncset.done $0x0  }
0xe6: {  	s30 =	sadd.s32 $0x1700, s20;
	[sflag:s18] =	ssyncadd.s32 $0xFFFFC000  }
0xe7: {  	[spmem:s3] =	stream.indirect.scatter.add.f32 [tilespmem:s15], [sflag:$0x2], $0x80, s30, s14, $0xb8;
	[tilespmem:$0x1E800] =	vst v63  }
0xe8: {  	s31 =	sadd.s32 $0x380, s20  }
0xe9: {  	[tilespmem:s17], [sflag:$0x1] =	stream.indirect.gather [hbm4b:s0+s14], $0x80, s31, s14, $0xb8;
	[tilespmem:$0x1E800] =	vst v63  }
0xea: {  	_ =	swait.ge [sflag:s16], $0x4000  }
0xeb: {  	[sflag:s16] =	ssyncset.done $0x0  }
0xec: {  	[sflag:s16] =	ssyncadd.s32 $0xFFFFC000  }
0xed: {  	_ =	swait.ge [sflag:s18], $0x4000  }
0xee: {  	[sflag:s18] =	ssyncset.done $0x0  }
0xef: {  	s20 =	sadd.s32 $0x1780, s20;
	[sflag:s18] =	ssyncadd.s32 $0xFFFFC000  }
0xf0: {  	[spmem:s3] =	stream.indirect.scatter.add.f32 [tilespmem:s17], [sflag:$0x2], $0x80, s20, s14, $0xb8;
	[tilespmem:$0x1E800] =	vst v63  }
0xf1: {  	_ =	swait.ge [sflag:s18], $0x4000  }
0xf2: {  	s19 =	sadd.s32 $0x1, s19;
	[sflag:s18] =	ssyncset.done $0x0  }
0xf3: {  	p0 =	sne.s32 s19, s10;
	[sflag:s18] =	ssyncadd.s32 $0xFFFFC000  }
.Ltmp1:
0xf4: {  	[bflag:$0x0] =	sbarrier.arrive $0xFFFF;
	(pc) =	sbr.rel @p0 .LBB2_1-.Ltmp1, $4  }
0xf5: {  	[hbm:s9], [sflag:s6] =	dma.local [spmem:s11], $0x2800  }
0xf6: {  	_ =	swait.ge [sflag:s12], $0x2800  }
0xf7: {  	[sflag:s12] =	ssyncset.done $0x0  }
0xf8: {  	[sflag:s12] =	ssyncadd.s32 $0xFFFFD800  }
0xf9: {  	_ =	sfence.sel $0x180000  }
0xfa: {  	[bflag:$0x0] =	sbarrier.arrive $0xFFFF  }
0xfb: {  	p0 =	sne.s32 s2, $0x0;
	_ =	strace $0x9000004A  }
0xfc: {  	s0 =	sadd.s32 @!p0 $0x100000, s1;
	[bflag:$0x2] =	sbarrier.arrive $0xFFFF  }
0xfd: {  	[sflag:s0] =	ssyncadd.tile.s32 @!p0 $0x1;
	_ =	shalt  }
.Lfunc_end2:
_tile_overlayer_lowered:
.L_overlay_start_2:
0xfe: {  	(tag) =	ssettag $0x2  }
0xff: {  	s0 =	rddreg [dreg:$0x0];
	s2 =	stileid.u32  }
0x100: {  	s1 =	rddreg [dreg:$0x1];
	p0 =	sne.s32 s2, $0x0  }
0x101: {  	s3 =	rddreg [dreg:$0x2];
	[bflag:$0x3] =	sbarrier.arrive $0xFFFF;
	s2 =	simm.s32 @!p0 $0x1C03  }
0x102: {  	[timem:s3], [sflag:s2] =	dma.local @!p0 [hbm:s0], s1  }
0x103: {  	s0 =	simm.s32 @!p0 $0x3  }
0x104: {  	_ =	swait.ge @!p0 [sflag:s0], s1  }
0x105: {  	s1 =	ssub.s32 @!p0 $0x0, s1;
	[sflag:s0] =	ssyncset.done @!p0 $0x0  }
0x106: {  	[sflag:s0] =	ssyncadd.s32 @!p0 s1  }
0x107: {  	[bflag:$0x3] =	sbarrier.arrive $0xFFFF  }
0x108: {  	_ =	shalt  }

// kernel: kernel.25.cloned.1.call-start
scs
__scs_entry_jumppad:
0x0: {  	(pc) =	sbr.rel $0x88, $3  }
0x1: {  	(tag) =	ssettag $0x0;
	lr =	simm.s32 $0x1  }
0x2: {  	[smem:$0x3F93] =	sst lr;
	_ =	strace $0xD0000000  }
0x3: {  	_ = 	snop  }
0x4: {  	_ = 	snop  }
0x5: {  	_ = 	snop  }
0x6: {  	_ = 	snop  }
0x7: {  	_ = 	snop  }
__scs_overlays_trampoline_lowered:
0x8: {  	[smem:$0x3FA2] =	sst s0  }
0x9: {  	[smem:$0x3FA3] =	sst s1  }
0xa: {  	[smem:$0x3FA4] =	sst s2  }
0xb: {  	[smem:$0x3FA5] =	sst s3  }
0xc: {  	[smem:$0x3FA6] =	sst s4  }
0xd: {  	[smem:$0x3FA7] =	sst s5  }
0xe: {  	[smem:$0x3FA8] =	sst s6  }
0xf: {  	[smem:$0x3FA9] =	sst s7  }
0x10: {  	[smem:$0x3FAA] =	sst s8  }
0x11: {  	[smem:$0x3FAB] =	sst s9;
	s0 =	simm.s32 @!p0 $0x0  }
0x12: {  	s1 =	sld [smem:$0x3F91];
	s0 =	simm.s32 @p0 $0x1  }
0x13: {  	[smem:$0x3FAC] =	sst s0;
	s0 =	simm.s32 @!p1 $0x0  }
0x14: {  	s2 =	sld [smem:$0x3F90];
	s0 =	simm.s32 @p1 $0x1  }
0x15: {  	[smem:$0x3FAD] =	sst s0;
	s0 =	simm.s32 @!p2 $0x0  }
0x16: {  	s3 =	sld [smem:$0x3FDB];
	s0 =	simm.s32 @p2 $0x1  }
0x17: {  	s4 =	simm.s32 $0x1BF5;
	[smem:$0x3FAF] =	sst s0  }
0x18: {  	s0 =	sld [smem:$0x3F92];
	_ =	swait.ge [sflag:s4], $0x0  }
0x19: {  	s7 =	sld [smem:$0x3F93]  }
0x1a: {  	s8 =	sadd.s32 $0xFFFFE003, lr  }
0x1b: {  	s9 =	sadd.s32 $0xFFFFFEF7, lr;
	s5 =	simm.s32 $0xFFFFFFFF;
	p2 =	slt.u32 s8, $0xFFFFF086  }
0x1c: {  	p1 =	slt.u32 s9, $0xF7A;
	s5 =	simm.s32 @!p2 $0x0  }
0x1d: {  	s5 =	simm.s32 @p1 $0x1;
	p0 =	seq.s32 s7, s2  }
0x1e: {  	s7 =	smul.u32 @!p0 $0xF7A, s2;
	p2 =	seq.s32 @!p0 s5, $0x0  }
0x1f: {  	s9 =	smul.u32 $0xF7A, s1;
	s8 =	simm.s32 @!p0 $0x1BF5;
	p2 =	por !p2, p0  }
0x20: {  	[sflag:s8] =	ssyncset.s32 @!p0 $0xFFFFF086;
	s6 =	sadd.s32 @!p0 s3, s7;
	s7 =	simm.s32 @!p0 $0x108  }
0x21: {  	s3 =	sadd.s32 s3, s9;
	s6 =	sadd.s32 @!p0 $0x88, s6;
	s7 =	simm.s32 @p2 $0x1082  }
0x22: {  	[simem:s7], [sflag:s8] =	dma.local @!p0 [hbm:s6], $0xF7A  }
0x23: {  	s9 =	sor.u32 $0xD0000000, s2;
	s6 =	simm.s32 $0x108;
	_ =	swait.ge @!p0 [sflag:s8], $0x0  }
0x24: {  	s3 =	sadd.s32 $0x88, s3;
	s6 =	simm.s32 @!p1 $0x1082;
	[sflag:s4] =	ssyncset.s32 $0xFFFFF086  }
0x25: {  	[simem:s6], [sflag:s4] =	dma.local [hbm:s3], $0xF7A  }
0x26: {  	[smem:$0x3F93] =	sst s1;
	(tag) =	ssettag s2;
	_ =	strace s9  }
0x27: {  	s1 =	sld [smem:$0x3FA3]  }
0x28: {  	s2 =	sld [smem:$0x3FA4]  }
0x29: {  	s4 =	sld [smem:$0x3FA6]  }
0x2a: {  	p0 =	seq.s32 s5, $0x0;
	s5 =	sld [smem:$0x3FA7]  }
0x2b: {  	s6 =	sld [smem:$0x3FA8]  }
0x2c: {  	s7 =	sld [smem:$0x3FA9]  }
0x2d: {  	s3 =	simm.s32 $0x108;
	s8 =	sld [smem:$0x3FAA]  }
0x2e: {  	s3 =	simm.s32 @!p0 $0x1082;
	s9 =	sld [smem:$0x3FAB]  }
0x2f: {  	lr =	sadd.s32 s0, s3;
	s0 =	sld [smem:$0x3FA2]  }
0x30: {  	s3 =	sld [smem:$0x3FA5]  }
0x31: {  	[smem:$0x3FAE] =	sst s10  }
0x32: {  	s10 =	sld [smem:$0x3FAC];
	_ =	sdelay $0x3  }
0x33: {  	p0 =	seq.s32 s10, $0x1;
	s10 =	sld [smem:$0x3FAE];
	_ =	sdelay $0x3  }
0x34: {  	[smem:$0x3FAE] =	sst s10  }
0x35: {  	s10 =	sld [smem:$0x3FAD];
	_ =	sdelay $0x3  }
0x36: {  	p1 =	seq.s32 s10, $0x1;
	s10 =	sld [smem:$0x3FAE];
	_ =	sdelay $0x3  }
0x37: {  	[smem:$0x3FAE] =	sst s10  }
0x38: {  	s10 =	sld [smem:$0x3FAF]  }
0x39: {  	_ = 	snop;
	(pc) =	sbr.ind lr, $3  }
0x3a: {  	_ = 	snop  }
0x3b: {  	_ = 	snop  }
0x3c: {  	p2 =	seq.s32 s10, $0x1;
	s10 =	sld [smem:$0x3FAE]  }
0x3d: {  	_ =	shalt  }
0x3e: {  	_ =	shalt  }
0x3f: {  	_ =	shalt  }
0x40: {  	_ =	shalt  }
0x41: {  	_ =	shalt  }
0x42: {  	_ =	shalt  }
0x43: {  	_ =	shalt  }
0x44: {  	_ =	shalt  }
0x45: {  	_ =	shalt  }
0x46: {  	_ =	shalt  }
0x47: {  	_ =	shalt  }
0x48: {  	_ =	shalt  }
0x49: {  	_ =	shalt  }
0x4a: {  	_ =	shalt  }
0x4b: {  	_ =	shalt  }
0x4c: {  	_ =	shalt  }
0x4d: {  	_ =	shalt  }
0x4e: {  	_ =	shalt  }
0x4f: {  	_ =	shalt  }
0x50: {  	_ =	shalt  }
0x51: {  	_ =	shalt  }
0x52: {  	_ =	shalt  }
0x53: {  	_ =	shalt  }
0x54: {  	_ =	shalt  }
0x55: {  	_ =	shalt  }
0x56: {  	_ =	shalt  }
0x57: {  	_ =	shalt  }
0x58: {  	_ =	shalt  }
0x59: {  	_ =	shalt  }
0x5a: {  	_ =	shalt  }
0x5b: {  	_ =	shalt  }
0x5c: {  	_ =	shalt  }
0x5d: {  	_ =	shalt  }
0x5e: {  	_ =	shalt  }
0x5f: {  	_ =	shalt  }
0x60: {  	_ =	shalt  }
0x61: {  	_ =	shalt  }
0x62: {  	_ =	shalt  }
0x63: {  	_ =	shalt  }
0x64: {  	_ =	shalt  }
0x65: {  	_ =	shalt  }
0x66: {  	_ =	shalt  }
0x67: {  	_ =	shalt  }
0x68: {  	_ =	shalt  }
0x69: {  	_ =	shalt  }
0x6a: {  	_ =	shalt  }
0x6b: {  	_ =	shalt  }
0x6c: {  	_ =	shalt  }
0x6d: {  	_ =	shalt  }
0x6e: {  	_ =	shalt  }
0x6f: {  	_ =	shalt  }
0x70: {  	_ =	shalt  }
0x71: {  	_ =	shalt  }
0x72: {  	_ =	shalt  }
0x73: {  	_ =	shalt  }
0x74: {  	_ =	shalt  }
0x75: {  	_ =	shalt  }
0x76: {  	_ =	shalt  }
0x77: {  	_ =	shalt  }
0x78: {  	_ =	shalt  }
0x79: {  	_ =	shalt  }
0x7a: {  	_ =	shalt  }
0x7b: {  	_ =	shalt  }
0x7c: {  	_ =	shalt  }
0x7d: {  	_ =	shalt  }
0x7e: {  	_ =	shalt  }
0x7f: {  	_ =	shalt  }
0x80: {  	_ =	shalt  }
0x81: {  	_ =	shalt  }
0x82: {  	_ =	shalt  }
0x83: {  	_ =	shalt  }
0x84: {  	_ =	shalt  }
0x85: {  	_ =	shalt  }
0x86: {  	_ =	shalt  }
0x87: {  	_ =	shalt  }
.Lfunc_end0:
.L_simem_size_0:
called_computation.2_lowered:
.L_overlay_start_0:
0x88: {  	s2 =	sld [smem:$0x3FD9]  }
0x89: {  	s3 =	sld [smem:$0x3FFE];
	_ =	sdelay $0x1  }
0x8a: {  	s1 =	srdreg.scid  }
0x8b: {  	s0 =	sand.u32 $0x1, s1  }
0x8c: {  	s14 =	sshll.u32 s0, $0xA;
	s2 =	sadd.s32 s3, s2  }
0x8d: {  	s2 =	sadd.s32 s2, s14  }
0x8e: {  	[smem:$0x3FBA] =	sst s2  }
0x8f: {  	_ = 	snop  }
0x90: {  	s2 =	sld [smem:$0x3FD0];
	_ =	sdelay $0x2  }
0x91: {  	s15 =	simm.s32 $0xA;
	s4 =	simm.s32 $0x10  }
0x92: {  	[smem:s4], [sflag:s15] =	dma.local [hbm:s2], $0x1  }
0x93: {  	_ =	swait.eq [sflag:s15], $0x1  }
0x94: {  	[sflag:s15] =	ssyncset.done $0x0  }
0x95: {  	s16 =	sld [smem:$0x10];
	[sflag:s15] =	ssyncadd.s32 $0xFFFFFFFF  }
0x96: {  	s17 =	sld [smem:$0x11];
	(tm) =	ssettm $0x1  }
0x97: {  	s18 =	sld [smem:$0x3FFB];
	_ =	sdelay $0x3  }
0x98: {  	_ =	strace s18  }
0x99: {  	s4 =	sld [smem:$0x3FFC];
	_ =	sdelay $0x3  }
0x9a: {  	_ =	strace s4  }
0x9b: {  	s4 =	sld [smem:$0x3FFD];
	_ =	sdelay $0x3  }
0x9c: {  	_ =	strace s4  }
0x9d: {  	_ =	strace $0x8FFFFFFF  }
0x9e: {  	s19 =	sld [smem:$0x3FDB];
	_ =	sdelay $0x1  }
0x9f: {  	s5 =	simm.s32 $_scs_section_size  }
0xa0: {  	s6 =	simm.s32 $_size__tile_overlayer_lowered;
	s7 =	simm.s32 $_tile_overlayer_lowered  }
0xa1: {  	s22 =	simm.s32 $0x1BFF;
	s21 =	sshll.u32 s7, $0x1;
	s4 =	sadd.s32 s5, s19  }
0xa2: {  	s8 =	simm.s32 $0x0;
	s20 =	sshll.u32 s6, $0x1;
	s6 =	sadd.s32 s21, s4  }
0xa3: {  	[timem:s8], [sflag:s22] =	dma.local [hbm:s6], s20  }
0xa4: {  	_ =	swait.ge [sflag:s22], s20  }
0xa5: {  	s5 =	ssub.s32 $0x0, s20;
	[sflag:s22] =	ssyncset.done $0x0  }
0xa6: {  	[sflag:s22] =	ssyncadd.s32 s5;
	_ =	sdelay $0x1  }
0xa7: {  	s23 =	simm.s32 $0x1B8B  }
0xa8: {  	_ =	swait.ge [sflag:s23], $0x1  }
0xa9: {  	[sflag:s23] =	ssyncset.done $0x0  }
0xaa: {  	s25 =	simm.s32 $0x1B8E;
	s24 =	sld [smem:$0x3FFE];
	[sflag:s23] =	ssyncadd.s32 $0xFFFFFFFF  }
0xab: {  	s26 =	simm.s32 $execute0_lowered;
	[smem:$0x3FD2] =	sst s25  }
0xac: {  	s6 =	sshll.u32 s26, $0x1;
	_ =	strace $0x8000004C;
	[dreg:$0x1] =	wrdreg $0xFFFFFFFF  }
0xad: {  	s28 =	simm.s32 $_size_execute0_lowered;
	s4 =	sadd.s32 s4, s6;
	[dreg:$0x0] =	wrdreg $0x0  }
0xae: {  	s6 =	sshll.u32 s28, $0x1;
	[dreg:$0x2] =	wrdreg s4  }
0xaf: {  	[dreg:$0x3] =	wrdreg s6  }
0xb0: {  	[dreg:$0x4] =	wrdreg $0xC0  }
0xb1: {  	_ =	task [dreg:s8], $0x5FFFF  }
0xb2: {  	[dreg:$0x1] =	wrdreg $0xFFFFFFFF  }
0xb3: {  	[dreg:$0x0] =	wrdreg $0x60  }
0xb4: {  	[dreg:$0x2] =	wrdreg s16  }
0xb5: {  	[dreg:$0x3] =	wrdreg s24  }
0xb6: {  	[dreg:$0x4] =	wrdreg s17  }
0xb7: {  	[dreg:$0x5] =	wrdreg $0xA8000  }
0xb8: {  	[dreg:$0x6] =	wrdreg $0x9  }
0xb9: {  	_ =	task.clear_ibuf [dreg:s8], $0x7FFFF;
	_ =	strace $0x9000004C  }
0xba: {  	s29 =	simm.s32 $0x9;
	_ =	strace $0x8000004E  }
0xbb: {  	_ =	swait.ge [sflag:s29], $0x1  }
0xbc: {  	[sflag:s29] =	ssyncadd.s32 $0xFFFFFFFF  }
0xbd: {  	_ =	strace $0x9000004E  }
0xbe: {  	_ =	sfence  }
0xbf: {  	s30 =	sld [smem:$0x0];
	_ =	sdelay $0x2  }
0xc0: {  	s31 =	sshll.u32 s1, $0xD;
	s1 =	sshrl.u32 s1, $0x2  }
0xc1: {  	s3 =	sand.u32 $0x4000, s31;
	s1 =	sadd.s32 s1, s30  }
0xc2: {  	s0 =	sor.u32 s3, s0;
	s1 =	sshll.u32 s1, $0x11  }
0xc3: {  	s0 =	sor.u32 s1, s0  }
0xc4: {  	s0 =	sadd.s32 $0x8F2B, s0  }
0xc5: {  	[sflag:s0] =	ssyncadd.remote.s32 $0x1  }
0xc6: {  	_ =	sfence.sel $0xFFFF  }
0xc7: {  	[dreg:$0x0] =	wrdreg $0xFFFFFFFF;
	(pc) =	sbr.abs _section_cstart, $3  }
0xc8: {  	[dreg:$0x1] =	wrdreg $0xFFFFFFFF  }
0xc9: {  	_ =	task.clear_ibuf [dreg:s8], $0x2FFFF;
	_ =	strace $0x9FFFFFFF  }
0xca: {  	(tm) =	ssettm $0x7FFFFFFF  }
0xcb: {  	_ =	shalt  }
tec
execute0_lowered:
.L_overlay_start_1:
0x0: {  	(tag) =	ssettag $0x1  }
0x1: {  	s0 =	rddreg [dreg:$0x0]  }
0x2: {  	s5 =	rddreg [dreg:$0x1]  }
0x3: {  	s9 =	rddreg [dreg:$0x2];
	s1 =	srdreg.scid  }
0x4: {  	s3 =	rddreg [dreg:$0x3];
	s2 =	stileid.u32  }
0x5: {  	s4 =	simm.s32 $0x0;
	s14 =	simm.s32 $0x80;
	s15 =	simm.s32 $0x2800  }
0x6: {  	s16 =	simm.s32 $0x1;
	s17 =	simm.s32 $0x6800;
	s8 =	smul.u32 $0x1400, s2  }
0x7: {  	s18 =	simm.s32 $0x2;
	s19 =	simm.s32 $0x0;
	s26 =	smul.u32 $0x50000, s2  }
0x8: {  	s6 =	sand.u32 $0x1, s1;
	s1 =	rddreg [dreg:$0x4];
	s12 =	smul.u32 $0x14000, s2  }
0x9: {  	[smem:$0x7FF] =	sst s4;
	s30 =	sshll.u32 s2, $0x6;
	s7 =	smul.u32 $0x14000, s6  }
0xa: {  	_ =	strace $0x8000004D;
	s10 =	ssub.s32 $0x2, s6;
	s6 =	smul.u32 $0x140000, s6  }
0xb: {  	s28 =	sshrl.u32 s10, $0x1;
	s29 =	sshrl.u32 s26, $0x2;
	s7 =	sadd.s32 s8, s7  }
0xc: {  	s10 =	ssub.s32 s10, s28;
	s13 =	sadd.s32 s29, s3;
	s31 =	sadd.s32 s12, s6  }
0xd: {  	s6 =	sor.u32 $0x1C03, s30;
	s7 =	sshrl.u32 s7, $0x3;
	s12 =	sshrl.u32 s31, $0x3  }
0xe: {  	s10 =	smax.u32 s10, $0x1;
	s11 =	sadd.s32 s7, s5;
	s5 =	sadd.s32 $0x62A00, s5  }
0xf: {  	s9 =	sadd.s32 s9, s12;
	s12 =	simm.s32 $0x3;
	s7 =	sadd.s32 $0x5DA00, s11  }
0x10: {  	s8 =	sadd.s32 $0x8A00, s11;
	s11 =	sshrl.u32 s13, $0x3;
	s13 =	simm.s32 $0x1400  }
.LBB2_1:
0x11: {  	[spmem:s11], [sflag:s6] =	dma.local [hbm:s5], $0x2800  }
0x12: {  	_ =	swait.ge [sflag:s12], $0x2800  }
0x13: {  	[sflag:s12] =	ssyncset.done $0x0  }
0x14: {  	[sflag:s12] =	ssyncadd.s32 $0xFFFFD800  }
0x15: {  	[tilespmem:s4], [sflag:$0x3] =	stream.linear.gather [hbm4b:s7+s4], $0x1400, $0x38;
	[tilespmem:$0x1E800] =	vst v63  }
0x16: {  	_ =	swait.ge [sflag:s12], $0x1400  }
0x17: {  	[sflag:s12] =	ssyncset.done $0x0  }
0x18: {  	[sflag:s12] =	ssyncadd.s32 $0xFFFFEC00  }
0x19: {  	[tilespmem:s13], [sflag:$0x3] =	stream.linear.gather [hbm4b:s8+s4], $0x1400, $0x38;
	[tilespmem:$0x1E800] =	vst v63  }
0x1a: {  	_ =	swait.ge [sflag:s12], $0x1400  }
0x1b: {  	[sflag:s12] =	ssyncset.done $0x0  }
0x1c: {  	[sflag:s12] =	ssyncadd.s32 $0xFFFFEC00  }
0x1d: {  	s20 =	simm.s32 $0x0;
	[bflag:$0x0] =	sbarrier.arrive $0xFFFF  }
0x1e: {  	[tilespmem:s15], [sflag:$0x1] =	stream.indirect.gather [hbm4b:s0+s14], $0x80, s20, s14, $0xb8;
	[tilespmem:$0x1E800] =	vst v63  }
0x1f: {  	_ =	swait.ge [sflag:s16], $0x4000  }
0x20: {  	[sflag:s16] =	ssyncset.done $0x0  }
0x21: {  	s26 =	simm.s32 $0x1400;
	[sflag:s16] =	ssyncadd.s32 $0xFFFFC000  }
0x22: {  	[spmem:s3] =	stream.indirect.scatter.add.f32 [tilespmem:s15], [sflag:$0x2], $0x80, s26, s14, $0xb8;
	[tilespmem:$0x1E800] =	vst v63  }
0x23: {  	s28 =	simm.s32 $0x80  }
0x24: {  	[tilespmem:s17], [sflag:$0x1] =	stream.indirect.gather [hbm4b:s0+s14], $0x80, s28, s14, $0xb8;
	[tilespmem:$0x1E800] =	vst v63  }
0x25: {  	_ =	swait.ge [sflag:s16], $0x4000  }
0x26: {  	[sflag:s16] =	ssyncset.done $0x0  }
0x27: {  	[sflag:s16] =	ssyncadd.s32 $0xFFFFC000  }
0x28: {  	_ =	swait.ge [sflag:s18], $0x4000  }
0x29: {  	[sflag:s18] =	ssyncset.done $0x0  }
0x2a: {  	s29 =	simm.s32 $0x1480;
	[sflag:s18] =	ssyncadd.s32 $0xFFFFC000  }
0x2b: {  	[spmem:s3] =	stream.indirect.scatter.add.f32 [tilespmem:s17], [sflag:$0x2], $0x80, s29, s14, $0xb8;
	[tilespmem:$0x1E800] =	vst v63  }
0x2c: {  	s30 =	simm.s32 $0x100  }
0x2d: {  	[tilespmem:s15], [sflag:$0x1] =	stream.indirect.gather [hbm4b:s0+s14], $0x80, s30, s14, $0xb8;
	[tilespmem:$0x1E800] =	vst v63  }
0x2e: {  	_ =	swait.ge [sflag:s16], $0x4000  }
0x2f: {  	[sflag:s16] =	ssyncset.done $0x0  }
0x30: {  	[sflag:s16] =	ssyncadd.s32 $0xFFFFC000  }
0x31: {  	_ =	swait.ge [sflag:s18], $0x4000  }
0x32: {  	[sflag:s18] =	ssyncset.done $0x0  }
0x33: {  	s31 =	simm.s32 $0x1500;
	[sflag:s18] =	ssyncadd.s32 $0xFFFFC000  }
0x34: {  	[spmem:s3] =	stream.indirect.scatter.add.f32 [tilespmem:s15], [sflag:$0x2], $0x80, s31, s14, $0xb8;
	[tilespmem:$0x1E800] =	vst v63  }
0x35: {  	s21 =	simm.s32 $0x180  }
0x36: {  	[tilespmem:s17], [sflag:$0x1] =	stream.indirect.gather [hbm4b:s0+s14], $0x80, s21, s14, $0xb8;
	[tilespmem:$0x1E800] =	vst v63  }
0x37: {  	_ =	swait.ge [sflag:s16], $0x4000  }
0x38: {  	[sflag:s16] =	ssyncset.done $0x0  }
0x39: {  	[sflag:s16] =	ssyncadd.s32 $0xFFFFC000  }
0x3a: {  	_ =	swait.ge [sflag:s18], $0x4000  }
0x3b: {  	[sflag:s18] =	ssyncset.done $0x0  }
0x3c: {  	s22 =	simm.s32 $0x1580;
	[sflag:s18] =	ssyncadd.s32 $0xFFFFC000  }
0x3d: {  	[spmem:s3] =	stream.indirect.scatter.add.f32 [tilespmem:s17], [sflag:$0x2], $0x80, s22, s14, $0xb8;
	[tilespmem:$0x1E800] =	vst v63  }
0x3e: {  	s23 =	simm.s32 $0x200  }
0x3f: {  	[tilespmem:s15], [sflag:$0x1] =	stream.indirect.gather [hbm4b:s0+s14], $0x80, s23, s14, $0xb8;
	[tilespmem:$0x1E800] =	vst v63  }
0x40: {  	_ =	swait.ge [sflag:s16], $0x4000  }
0x41: {  	[sflag:s16] =	ssyncset.done $0x0  }
0x42: {  	[sflag:s16] =	ssyncadd.s32 $0xFFFFC000  }
0x43: {  	_ =	swait.ge [sflag:s18], $0x4000  }
0x44: {  	[sflag:s18] =	ssyncset.done $0x0  }
0x45: {  	s24 =	simm.s32 $0x1600;
	[sflag:s18] =	ssyncadd.s32 $0xFFFFC000  }
0x46: {  	[spmem:s3] =	stream.indirect.scatter.add.f32 [tilespmem:s15], [sflag:$0x2], $0x80, s24, s14, $0xb8;
	[tilespmem:$0x1E800] =	vst v63  }
0x47: {  	s25 =	simm.s32 $0x280  }
0x48: {  	[tilespmem:s17], [sflag:$0x1] =	stream.indirect.gather [hbm4b:s0+s14], $0x80, s25, s14, $0xb8;
	[tilespmem:$0x1E800] =	vst v63  }
0x49: {  	_ =	swait.ge [sflag:s16], $0x4000  }
0x4a: {  	[sflag:s16] =	ssyncset.done $0x0  }
0x4b: {  	[sflag:s16] =	ssyncadd.s32 $0xFFFFC000  }
0x4c: {  	_ =	swait.ge [sflag:s18], $0x4000  }
0x4d: {  	[sflag:s18] =	ssyncset.done $0x0  }
0x4e: {  	s26 =	simm.s32 $0x1680;
	[sflag:s18] =	ssyncadd.s32 $0xFFFFC000  }
0x4f: {  	[spmem:s3] =	stream.indirect.scatter.add.f32 [tilespmem:s17], [sflag:$0x2], $0x80, s26, s14, $0xb8;
	[tilespmem:$0x1E800] =	vst v63  }
0x50: {  	s28 =	simm.s32 $0x300  }
0x51: {  	[tilespmem:s15], [sflag:$0x1] =	stream.indirect.gather [hbm4b:s0+s14], $0x80, s28, s14, $0xb8;
	[tilespmem:$0x1E800] =	vst v63  }
0x52: {  	_ =	swait.ge [sflag:s16], $0x4000  }
0x53: {  	[sflag:s16] =	ssyncset.done $0x0  }
0x54: {  	[sflag:s16] =	ssyncadd.s32 $0xFFFFC000  }
0x55: {  	_ =	swait.ge [sflag:s18], $0x4000  }
0x56: {  	[sflag:s18] =	ssyncset.done $0x0  }
0x57: {  	s29 =	simm.s32 $0x1700;
	[sflag:s18] =	ssyncadd.s32 $0xFFFFC000  }
0x58: {  	[spmem:s3] =	stream.indirect.scatter.add.f32 [tilespmem:s15], [sflag:$0x2], $0x80, s29, s14, $0xb8;
	[tilespmem:$0x1E800] =	vst v63  }
0x59: {  	s30 =	simm.s32 $0x380  }
0x5a: {  	[tilespmem:s17], [sflag:$0x1] =	stream.indirect.gather [hbm4b:s0+s14], $0x80, s30, s14, $0xb8;
	[tilespmem:$0x1E800] =	vst v63  }
0x5b: {  	_ =	swait.ge [sflag:s16], $0x4000  }
0x5c: {  	[sflag:s16] =	ssyncset.done $0x0  }
0x5d: {  	[sflag:s16] =	ssyncadd.s32 $0xFFFFC000  }
0x5e: {  	_ =	swait.ge [sflag:s18], $0x4000  }
0x5f: {  	[sflag:s18] =	ssyncset.done $0x0  }
0x60: {  	s31 =	simm.s32 $0x1780;
	[sflag:s18] =	ssyncadd.s32 $0xFFFFC000  }
0x61: {  	[spmem:s3] =	stream.indirect.scatter.add.f32 [tilespmem:s17], [sflag:$0x2], $0x80, s31, s14, $0xb8;
	[tilespmem:$0x1E800] =	vst v63  }
0x62: {  	_ =	swait.ge [sflag:s18], $0x4000  }
0x63: {  	s20 =	simm.s32 $0x1000;
	s23 =	simm.s32 $0x2000;
	[sflag:s18] =	ssyncset.done $0x0  }
.LBB2_2:
0x64: {  	s22 =	sshra.s32 s20, $0x2  }
0x65: {  	[sflag:s18] =	ssyncadd.s32 $0xFFFFC000;
	s20 =	smov.u32 s23;
	s21 =	sadd.s32 $0x1000, s23  }
0x66: {  	[tilespmem:s15], [sflag:$0x1] =	stream.indirect.gather [hbm4b:s0+s14], $0x80, s22, s14, $0xb8;
	[tilespmem:$0x1E800] =	vst v63  }
0x67: {  	p0 =	sne.s32 s23, $0x4000;
	_ =	swait.ge [sflag:s16], $0x4000  }
0x68: {  	[sflag:s16] =	ssyncset.done $0x0  }
0x69: {  	s23 =	sadd.s32 $0x1400, s22;
	[sflag:s16] =	ssyncadd.s32 $0xFFFFC000  }
0x6a: {  	[spmem:s3] =	stream.indirect.scatter.add.f32 [tilespmem:s15], [sflag:$0x2], $0x80, s23, s14, $0xb8;
	[tilespmem:$0x1E800] =	vst v63  }
0x6b: {  	s23 =	sadd.s32 $0x80, s22  }
0x6c: {  	[tilespmem:s17], [sflag:$0x1] =	stream.indirect.gather [hbm4b:s0+s14], $0x80, s23, s14, $0xb8;
	[tilespmem:$0x1E800] =	vst v63  }
0x6d: {  	_ =	swait.ge [sflag:s16], $0x4000  }
0x6e: {  	[sflag:s16] =	ssyncset.done $0x0  }
0x6f: {  	[sflag:s16] =	ssyncadd.s32 $0xFFFFC000  }
0x70: {  	_ =	swait.ge [sflag:s18], $0x4000  }
0x71: {  	[sflag:s18] =	ssyncset.done $0x0  }
0x72: {  	s23 =	sadd.s32 $0x1480, s22;
	[sflag:s18] =	ssyncadd.s32 $0xFFFFC000  }
0x73: {  	[spmem:s3] =	stream.indirect.scatter.add.f32 [tilespmem:s17], [sflag:$0x2], $0x80, s23, s14, $0xb8;
	[tilespmem:$0x1E800] =	vst v63  }
0x74: {  	s23 =	sadd.s32 $0x100, s22  }
0x75: {  	[tilespmem:s15], [sflag:$0x1] =	stream.indirect.gather [hbm4b:s0+s14], $0x80, s23, s14, $0xb8;
	[tilespmem:$0x1E800] =	vst v63  }
0x76: {  	_ =	swait.ge [sflag:s16], $0x4000  }
0x77: {  	[sflag:s16] =	ssyncset.done $0x0  }
0x78: {  	[sflag:s16] =	ssyncadd.s32 $0xFFFFC000  }
0x79: {  	_ =	swait.ge [sflag:s18], $0x4000  }
0x7a: {  	[sflag:s18] =	ssyncset.done $0x0  }
0x7b: {  	s23 =	sadd.s32 $0x1500, s22;
	[sflag:s18] =	ssyncadd.s32 $0xFFFFC000  }
0x7c: {  	[spmem:s3] =	stream.indirect.scatter.add.f32 [tilespmem:s15], [sflag:$0x2], $0x80, s23, s14, $0xb8;
	[tilespmem:$0x1E800] =	vst v63  }
0x7d: {  	s23 =	sadd.s32 $0x180, s22  }
0x7e: {  	[tilespmem:s17], [sflag:$0x1] =	stream.indirect.gather [hbm4b:s0+s14], $0x80, s23, s14, $0xb8;
	[tilespmem:$0x1E800] =	vst v63  }
0x7f: {  	_ =	swait.ge [sflag:s16], $0x4000  }
0x80: {  	[sflag:s16] =	ssyncset.done $0x0  }
0x81: {  	[sflag:s16] =	ssyncadd.s32 $0xFFFFC000  }
0x82: {  	_ =	swait.ge [sflag:s18], $0x4000  }
0x83: {  	[sflag:s18] =	ssyncset.done $0x0  }
0x84: {  	s23 =	sadd.s32 $0x1580, s22;
	[sflag:s18] =	ssyncadd.s32 $0xFFFFC000  }
0x85: {  	[spmem:s3] =	stream.indirect.scatter.add.f32 [tilespmem:s17], [sflag:$0x2], $0x80, s23, s14, $0xb8;
	[tilespmem:$0x1E800] =	vst v63  }
0x86: {  	s23 =	sadd.s32 $0x200, s22  }
0x87: {  	[tilespmem:s15], [sflag:$0x1] =	stream.indirect.gather [hbm4b:s0+s14], $0x80, s23, s14, $0xb8;
	[tilespmem:$0x1E800] =	vst v63  }
0x88: {  	_ =	swait.ge [sflag:s16], $0x4000  }
0x89: {  	[sflag:s16] =	ssyncset.done $0x0  }
0x8a: {  	[sflag:s16] =	ssyncadd.s32 $0xFFFFC000  }
0x8b: {  	_ =	swait.ge [sflag:s18], $0x4000  }
0x8c: {  	[sflag:s18] =	ssyncset.done $0x0  }
0x8d: {  	s23 =	sadd.s32 $0x1600, s22;
	[sflag:s18] =	ssyncadd.s32 $0xFFFFC000  }
0x8e: {  	[spmem:s3] =	stream.indirect.scatter.add.f32 [tilespmem:s15], [sflag:$0x2], $0x80, s23, s14, $0xb8;
	[tilespmem:$0x1E800] =	vst v63  }
0x8f: {  	s23 =	sadd.s32 $0x280, s22  }
0x90: {  	[tilespmem:s17], [sflag:$0x1] =	stream.indirect.gather [hbm4b:s0+s14], $0x80, s23, s14, $0xb8;
	[tilespmem:$0x1E800] =	vst v63  }
0x91: {  	_ =	swait.ge [sflag:s16], $0x4000  }
0x92: {  	[sflag:s16] =	ssyncset.done $0x0  }
0x93: {  	[sflag:s16] =	ssyncadd.s32 $0xFFFFC000  }
0x94: {  	_ =	swait.ge [sflag:s18], $0x4000  }
0x95: {  	[sflag:s18] =	ssyncset.done $0x0  }
0x96: {  	s23 =	sadd.s32 $0x1680, s22;
	[sflag:s18] =	ssyncadd.s32 $0xFFFFC000  }
0x97: {  	[spmem:s3] =	stream.indirect.scatter.add.f32 [tilespmem:s17], [sflag:$0x2], $0x80, s23, s14, $0xb8;
	[tilespmem:$0x1E800] =	vst v63  }
0x98: {  	s23 =	sadd.s32 $0x300, s22  }
0x99: {  	[tilespmem:s15], [sflag:$0x1] =	stream.indirect.gather [hbm4b:s0+s14], $0x80, s23, s14, $0xb8;
	[tilespmem:$0x1E800] =	vst v63  }
0x9a: {  	_ =	swait.ge [sflag:s16], $0x4000  }
0x9b: {  	[sflag:s16] =	ssyncset.done $0x0  }
0x9c: {  	[sflag:s16] =	ssyncadd.s32 $0xFFFFC000  }
0x9d: {  	_ =	swait.ge [sflag:s18], $0x4000  }
0x9e: {  	[sflag:s18] =	ssyncset.done $0x0  }
0x9f: {  	s23 =	sadd.s32 $0x1700, s22;
	[sflag:s18] =	ssyncadd.s32 $0xFFFFC000  }
0xa0: {  	[spmem:s3] =	stream.indirect.scatter.add.f32 [tilespmem:s15], [sflag:$0x2], $0x80, s23, s14, $0xb8;
	[tilespmem:$0x1E800] =	vst v63  }
0xa1: {  	s23 =	sadd.s32 $0x380, s22  }
0xa2: {  	[tilespmem:s17], [sflag:$0x1] =	stream.indirect.gather [hbm4b:s0+s14], $0x80, s23, s14, $0xb8;
	[tilespmem:$0x1E800] =	vst v63  }
0xa3: {  	_ =	swait.ge [sflag:s16], $0x4000  }
0xa4: {  	[sflag:s16] =	ssyncset.done $0x0  }
0xa5: {  	[sflag:s16] =	ssyncadd.s32 $0xFFFFC000  }
0xa6: {  	_ =	swait.ge [sflag:s18], $0x4000  }
.Ltmp0:
0xa7: {  	[sflag:s18] =	ssyncset.done $0x0;
	(pc) =	sbr.rel @p0 .LBB2_2-.Ltmp0, $4  }
0xa8: {  	s22 =	sadd.s32 $0x1780, s22;
	[sflag:s18] =	ssyncadd.s32 $0xFFFFC000  }
0xa9: {  	[spmem:s3] =	stream.indirect.scatter.add.f32 [tilespmem:s17], [sflag:$0x2], $0x80, s22, s14, $0xb8;
	[tilespmem:$0x1E800] =	vst v63  }
0xaa: {  	_ =	swait.ge [sflag:s18], $0x4000  }
0xab: {  	s23 =	smov.u32 s21;
	[sflag:s18] =	ssyncset.done $0x0  }
0xac: {  	s20 =	sshra.s32 s20, $0x2;
	[sflag:s18] =	ssyncadd.s32 $0xFFFFC000  }
0xad: {  	[tilespmem:s15], [sflag:$0x1] =	stream.indirect.gather [hbm4b:s0+s14], $0x80, s20, s14, $0xb8;
	[tilespmem:$0x1E800] =	vst v63  }
0xae: {  	_ =	swait.ge [sflag:s16], $0x4000  }
0xaf: {  	[sflag:s16] =	ssyncset.done $0x0  }
0xb0: {  	s21 =	sadd.s32 $0x1400, s20;
	[sflag:s16] =	ssyncadd.s32 $0xFFFFC000  }
0xb1: {  	[spmem:s3] =	stream.indirect.scatter.add.f32 [tilespmem:s15], [sflag:$0x2], $0x80, s21, s14, $0xb8;
	[tilespmem:$0x1E800] =	vst v63  }
0xb2: {  	s28 =	sadd.s32 $0x80, s20  }
0xb3: {  	[tilespmem:s17], [sflag:$0x1] =	stream.indirect.gather [hbm4b:s0+s14], $0x80, s28, s14, $0xb8;
	[tilespmem:$0x1E800] =	vst v63  }
0xb4: {  	_ =	swait.ge [sflag:s16], $0x4000  }
0xb5: {  	[sflag:s16] =	ssyncset.done $0x0  }
0xb6: {  	[sflag:s16] =	ssyncadd.s32 $0xFFFFC000  }
0xb7: {  	_ =	swait.ge [sflag:s18], $0x4000  }
0xb8: {  	[sflag:s18] =	ssyncset.done $0x0  }
0xb9: {  	s29 =	sadd.s32 $0x1480, s20;
	[sflag:s18] =	ssyncadd.s32 $0xFFFFC000  }
0xba: {  	[spmem:s3] =	stream.indirect.scatter.add.f32 [tilespmem:s17], [sflag:$0x2], $0x80, s29, s14, $0xb8;
	[tilespmem:$0x1E800] =	vst v63  }
0xbb: {  	s30 =	sadd.s32 $0x100, s20  }
0xbc: {  	[tilespmem:s15], [sflag:$0x1] =	stream.indirect.gather [hbm4b:s0+s14], $0x80, s30, s14, $0xb8;
	[tilespmem:$0x1E800] =	vst v63  }
0xbd: {  	_ =	swait.ge [sflag:s16], $0x4000  }
0xbe: {  	[sflag:s16] =	ssyncset.done $0x0  }
0xbf: {  	[sflag:s16] =	ssyncadd.s32 $0xFFFFC000  }
0xc0: {  	_ =	swait.ge [sflag:s18], $0x4000  }
0xc1: {  	[sflag:s18] =	ssyncset.done $0x0  }
0xc2: {  	s31 =	sadd.s32 $0x1500, s20;
	[sflag:s18] =	ssyncadd.s32 $0xFFFFC000  }
0xc3: {  	[spmem:s3] =	stream.indirect.scatter.add.f32 [tilespmem:s15], [sflag:$0x2], $0x80, s31, s14, $0xb8;
	[tilespmem:$0x1E800] =	vst v63  }
0xc4: {  	s22 =	sadd.s32 $0x180, s20  }
0xc5: {  	[tilespmem:s17], [sflag:$0x1] =	stream.indirect.gather [hbm4b:s0+s14], $0x80, s22, s14, $0xb8;
	[tilespmem:$0x1E800] =	vst v63  }
0xc6: {  	_ =	swait.ge [sflag:s16], $0x4000  }
0xc7: {  	[sflag:s16] =	ssyncset.done $0x0  }
0xc8: {  	[sflag:s16] =	ssyncadd.s32 $0xFFFFC000  }
0xc9: {  	_ =	swait.ge [sflag:s18], $0x4000  }
0xca: {  	[sflag:s18] =	ssyncset.done $0x0  }
0xcb: {  	s23 =	sadd.s32 $0x1580, s20;
	[sflag:s18] =	ssyncadd.s32 $0xFFFFC000  }
0xcc: {  	[spmem:s3] =	stream.indirect.scatter.add.f32 [tilespmem:s17], [sflag:$0x2], $0x80, s23, s14, $0xb8;
	[tilespmem:$0x1E800] =	vst v63  }
0xcd: {  	s24 =	sadd.s32 $0x200, s20  }
0xce: {  	[tilespmem:s15], [sflag:$0x1] =	stream.indirect.gather [hbm4b:s0+s14], $0x80, s24, s14, $0xb8;
	[tilespmem:$0x1E800] =	vst v63  }
0xcf: {  	_ =	swait.ge [sflag:s16], $0x4000  }
0xd0: {  	[sflag:s16] =	ssyncset.done $0x0  }
0xd1: {  	[sflag:s16] =	ssyncadd.s32 $0xFFFFC000  }
0xd2: {  	_ =	swait.ge [sflag:s18], $0x4000  }
0xd3: {  	[sflag:s18] =	ssyncset.done $0x0  }
0xd4: {  	s25 =	sadd.s32 $0x1600, s20;
	[sflag:s18] =	ssyncadd.s32 $0xFFFFC000  }
0xd5: {  	[spmem:s3] =	stream.indirect.scatter.add.f32 [tilespmem:s15], [sflag:$0x2], $0x80, s25, s14, $0xb8;
	[tilespmem:$0x1E800] =	vst v63  }
0xd6: {  	s26 =	sadd.s32 $0x280, s20  }
0xd7: {  	[tilespmem:s17], [sflag:$0x1] =	stream.indirect.gather [hbm4b:s0+s14], $0x80, s26, s14, $0xb8;
	[tilespmem:$0x1E800] =	vst v63  }
0xd8: {  	_ =	swait.ge [sflag:s16], $0x4000  }
0xd9: {  	[sflag:s16] =	ssyncset.done $0x0  }
0xda: {  	[sflag:s16] =	ssyncadd.s32 $0xFFFFC000  }
0xdb: {  	_ =	swait.ge [sflag:s18], $0x4000  }
0xdc: {  	[sflag:s18] =	ssyncset.done $0x0  }
0xdd: {  	s28 =	sadd.s32 $0x1680, s20;
	[sflag:s18] =	ssyncadd.s32 $0xFFFFC000  }
0xde: {  	[spmem:s3] =	stream.indirect.scatter.add.f32 [tilespmem:s17], [sflag:$0x2], $0x80, s28, s14, $0xb8;
	[tilespmem:$0x1E800] =	vst v63  }
0xdf: {  	s29 =	sadd.s32 $0x300, s20  }
0xe0: {  	[tilespmem:s15], [sflag:$0x1] =	stream.indirect.gather [hbm4b:s0+s14], $0x80, s29, s14, $0xb8;
	[tilespmem:$0x1E800] =	vst v63  }
0xe1: {  	_ =	swait.ge [sflag:s16], $0x4000  }
0xe2: {  	[sflag:s16] =	ssyncset.done $0x0  }
0xe3: {  	[sflag:s16] =	ssyncadd.s32 $0xFFFFC000  }
0xe4: {  	_ =	swait.ge [sflag:s18], $0x4000  }
0xe5: {  	[sflag:s18] =	ssyncset.done $0x0  }
0xe6: {  	s30 =	sadd.s32 $0x1700, s20;
	[sflag:s18] =	ssyncadd.s32 $0xFFFFC000  }
0xe7: {  	[spmem:s3] =	stream.indirect.scatter.add.f32 [tilespmem:s15], [sflag:$0x2], $0x80, s30, s14, $0xb8;
	[tilespmem:$0x1E800] =	vst v63  }
0xe8: {  	s31 =	sadd.s32 $0x380, s20  }
0xe9: {  	[tilespmem:s17], [sflag:$0x1] =	stream.indirect.gather [hbm4b:s0+s14], $0x80, s31, s14, $0xb8;
	[tilespmem:$0x1E800] =	vst v63  }
0xea: {  	_ =	swait.ge [sflag:s16], $0x4000  }
0xeb: {  	[sflag:s16] =	ssyncset.done $0x0  }
0xec: {  	[sflag:s16] =	ssyncadd.s32 $0xFFFFC000  }
0xed: {  	_ =	swait.ge [sflag:s18], $0x4000  }
0xee: {  	[sflag:s18] =	ssyncset.done $0x0  }
0xef: {  	s20 =	sadd.s32 $0x1780, s20;
	[sflag:s18] =	ssyncadd.s32 $0xFFFFC000  }
0xf0: {  	[spmem:s3] =	stream.indirect.scatter.add.f32 [tilespmem:s17], [sflag:$0x2], $0x80, s20, s14, $0xb8;
	[tilespmem:$0x1E800] =	vst v63  }
0xf1: {  	_ =	swait.ge [sflag:s18], $0x4000  }
0xf2: {  	s19 =	sadd.s32 $0x1, s19;
	[sflag:s18] =	ssyncset.done $0x0  }
0xf3: {  	p0 =	sne.s32 s19, s10;
	[sflag:s18] =	ssyncadd.s32 $0xFFFFC000  }
.Ltmp1:
0xf4: {  	[bflag:$0x0] =	sbarrier.arrive $0xFFFF;
	(pc) =	sbr.rel @p0 .LBB2_1-.Ltmp1, $4  }
0xf5: {  	[hbm:s9], [sflag:s6] =	dma.local [spmem:s11], $0x2800  }
0xf6: {  	_ =	swait.ge [sflag:s12], $0x2800  }
0xf7: {  	[sflag:s12] =	ssyncset.done $0x0  }
0xf8: {  	[sflag:s12] =	ssyncadd.s32 $0xFFFFD800  }
0xf9: {  	_ =	sfence.sel $0x180000  }
0xfa: {  	[bflag:$0x0] =	sbarrier.arrive $0xFFFF  }
0xfb: {  	p0 =	sne.s32 s2, $0x0;
	_ =	strace $0x9000004D  }
0xfc: {  	s0 =	sadd.s32 @!p0 $0x100000, s1;
	[bflag:$0x2] =	sbarrier.arrive $0xFFFF  }
0xfd: {  	[sflag:s0] =	ssyncadd.tile.s32 @!p0 $0x1;
	_ =	shalt  }
.Lfunc_end2:
_tile_overlayer_lowered:
.L_overlay_start_2:
0xfe: {  	(tag) =	ssettag $0x2  }
0xff: {  	s0 =	rddreg [dreg:$0x0];
	s2 =	stileid.u32  }
0x100: {  	s1 =	rddreg [dreg:$0x1];
	p0 =	sne.s32 s2, $0x0  }
0x101: {  	s3 =	rddreg [dreg:$0x2];
	[bflag:$0x3] =	sbarrier.arrive $0xFFFF;
	s2 =	simm.s32 @!p0 $0x1C03  }
0x102: {  	[timem:s3], [sflag:s2] =	dma.local @!p0 [hbm:s0], s1  }
0x103: {  	s0 =	simm.s32 @!p0 $0x3  }
0x104: {  	_ =	swait.ge @!p0 [sflag:s0], s1  }
0x105: {  	s1 =	ssub.s32 @!p0 $0x0, s1;
	[sflag:s0] =	ssyncset.done @!p0 $0x0  }
0x106: {  	[sflag:s0] =	ssyncadd.s32 @!p0 s1  }
0x107: {  	[bflag:$0x3] =	sbarrier.arrive $0xFFFF  }
0x108: {  	_ =	shalt  }

// kernel: kernel.28.cloned.1.call-start
scs
__scs_entry_jumppad:
0x0: {  	(pc) =	sbr.rel $0x88, $3  }
0x1: {  	(tag) =	ssettag $0x0;
	lr =	simm.s32 $0x1  }
0x2: {  	[smem:$0x3F93] =	sst lr;
	_ =	strace $0xD0000000  }
0x3: {  	_ = 	snop  }
0x4: {  	_ = 	snop  }
0x5: {  	_ = 	snop  }
0x6: {  	_ = 	snop  }
0x7: {  	_ = 	snop  }
__scs_overlays_trampoline_lowered:
0x8: {  	[smem:$0x3FA2] =	sst s0  }
0x9: {  	[smem:$0x3FA3] =	sst s1  }
0xa: {  	[smem:$0x3FA4] =	sst s2  }
0xb: {  	[smem:$0x3FA5] =	sst s3  }
0xc: {  	[smem:$0x3FA6] =	sst s4  }
0xd: {  	[smem:$0x3FA7] =	sst s5  }
0xe: {  	[smem:$0x3FA8] =	sst s6  }
0xf: {  	[smem:$0x3FA9] =	sst s7  }
0x10: {  	[smem:$0x3FAA] =	sst s8  }
0x11: {  	[smem:$0x3FAB] =	sst s9;
	s0 =	simm.s32 @!p0 $0x0  }
0x12: {  	s1 =	sld [smem:$0x3F91];
	s0 =	simm.s32 @p0 $0x1  }
0x13: {  	[smem:$0x3FAC] =	sst s0;
	s0 =	simm.s32 @!p1 $0x0  }
0x14: {  	s2 =	sld [smem:$0x3F90];
	s0 =	simm.s32 @p1 $0x1  }
0x15: {  	[smem:$0x3FAD] =	sst s0;
	s0 =	simm.s32 @!p2 $0x0  }
0x16: {  	s3 =	sld [smem:$0x3FDB];
	s0 =	simm.s32 @p2 $0x1  }
0x17: {  	s4 =	simm.s32 $0x1BF5;
	[smem:$0x3FAF] =	sst s0  }
0x18: {  	s0 =	sld [smem:$0x3F92];
	_ =	swait.ge [sflag:s4], $0x0  }
0x19: {  	s7 =	sld [smem:$0x3F93]  }
0x1a: {  	s8 =	sadd.s32 $0xFFFFE003, lr  }
0x1b: {  	s9 =	sadd.s32 $0xFFFFFEF7, lr;
	s5 =	simm.s32 $0xFFFFFFFF;
	p2 =	slt.u32 s8, $0xFFFFF086  }
0x1c: {  	p1 =	slt.u32 s9, $0xF7A;
	s5 =	simm.s32 @!p2 $0x0  }
0x1d: {  	s5 =	simm.s32 @p1 $0x1;
	p0 =	seq.s32 s7, s2  }
0x1e: {  	s7 =	smul.u32 @!p0 $0xF7A, s2;
	p2 =	seq.s32 @!p0 s5, $0x0  }
0x1f: {  	s9 =	smul.u32 $0xF7A, s1;
	s8 =	simm.s32 @!p0 $0x1BF5;
	p2 =	por !p2, p0  }
0x20: {  	[sflag:s8] =	ssyncset.s32 @!p0 $0xFFFFF086;
	s6 =	sadd.s32 @!p0 s3, s7;
	s7 =	simm.s32 @!p0 $0x108  }
0x21: {  	s3 =	sadd.s32 s3, s9;
	s6 =	sadd.s32 @!p0 $0x88, s6;
	s7 =	simm.s32 @p2 $0x1082  }
0x22: {  	[simem:s7], [sflag:s8] =	dma.local @!p0 [hbm:s6], $0xF7A  }
0x23: {  	s9 =	sor.u32 $0xD0000000, s2;
	s6 =	simm.s32 $0x108;
	_ =	swait.ge @!p0 [sflag:s8], $0x0  }
0x24: {  	s3 =	sadd.s32 $0x88, s3;
	s6 =	simm.s32 @!p1 $0x1082;
	[sflag:s4] =	ssyncset.s32 $0xFFFFF086  }
0x25: {  	[simem:s6], [sflag:s4] =	dma.local [hbm:s3], $0xF7A  }
0x26: {  	[smem:$0x3F93] =	sst s1;
	(tag) =	ssettag s2;
	_ =	strace s9  }
0x27: {  	s1 =	sld [smem:$0x3FA3]  }
0x28: {  	s2 =	sld [smem:$0x3FA4]  }
0x29: {  	s4 =	sld [smem:$0x3FA6]  }
0x2a: {  	p0 =	seq.s32 s5, $0x0;
	s5 =	sld [smem:$0x3FA7]  }
0x2b: {  	s6 =	sld [smem:$0x3FA8]  }
0x2c: {  	s7 =	sld [smem:$0x3FA9]  }
0x2d: {  	s3 =	simm.s32 $0x108;
	s8 =	sld [smem:$0x3FAA]  }
0x2e: {  	s3 =	simm.s32 @!p0 $0x1082;
	s9 =	sld [smem:$0x3FAB]  }
0x2f: {  	lr =	sadd.s32 s0, s3;
	s0 =	sld [smem:$0x3FA2]  }
0x30: {  	s3 =	sld [smem:$0x3FA5]  }
0x31: {  	[smem:$0x3FAE] =	sst s10  }
0x32: {  	s10 =	sld [smem:$0x3FAC];
	_ =	sdelay $0x3  }
0x33: {  	p0 =	seq.s32 s10, $0x1;
	s10 =	sld [smem:$0x3FAE];
	_ =	sdelay $0x3  }
0x34: {  	[smem:$0x3FAE] =	sst s10  }
0x35: {  	s10 =	sld [smem:$0x3FAD];
	_ =	sdelay $0x3  }
0x36: {  	p1 =	seq.s32 s10, $0x1;
	s10 =	sld [smem:$0x3FAE];
	_ =	sdelay $0x3  }
0x37: {  	[smem:$0x3FAE] =	sst s10  }
0x38: {  	s10 =	sld [smem:$0x3FAF]  }
0x39: {  	_ = 	snop;
	(pc) =	sbr.ind lr, $3  }
0x3a: {  	_ = 	snop  }
0x3b: {  	_ = 	snop  }
0x3c: {  	p2 =	seq.s32 s10, $0x1;
	s10 =	sld [smem:$0x3FAE]  }
0x3d: {  	_ =	shalt  }
0x3e: {  	_ =	shalt  }
0x3f: {  	_ =	shalt  }
0x40: {  	_ =	shalt  }
0x41: {  	_ =	shalt  }
0x42: {  	_ =	shalt  }
0x43: {  	_ =	shalt  }
0x44: {  	_ =	shalt  }
0x45: {  	_ =	shalt  }
0x46: {  	_ =	shalt  }
0x47: {  	_ =	shalt  }
0x48: {  	_ =	shalt  }
0x49: {  	_ =	shalt  }
0x4a: {  	_ =	shalt  }
0x4b: {  	_ =	shalt  }
0x4c: {  	_ =	shalt  }
0x4d: {  	_ =	shalt  }
0x4e: {  	_ =	shalt  }
0x4f: {  	_ =	shalt  }
0x50: {  	_ =	shalt  }
0x51: {  	_ =	shalt  }
0x52: {  	_ =	shalt  }
0x53: {  	_ =	shalt  }
0x54: {  	_ =	shalt  }
0x55: {  	_ =	shalt  }
0x56: {  	_ =	shalt  }
0x57: {  	_ =	shalt  }
0x58: {  	_ =	shalt  }
0x59: {  	_ =	shalt  }
0x5a: {  	_ =	shalt  }
0x5b: {  	_ =	shalt  }
0x5c: {  	_ =	shalt  }
0x5d: {  	_ =	shalt  }
0x5e: {  	_ =	shalt  }
0x5f: {  	_ =	shalt  }
0x60: {  	_ =	shalt  }
0x61: {  	_ =	shalt  }
0x62: {  	_ =	shalt  }
0x63: {  	_ =	shalt  }
0x64: {  	_ =	shalt  }
0x65: {  	_ =	shalt  }
0x66: {  	_ =	shalt  }
0x67: {  	_ =	shalt  }
0x68: {  	_ =	shalt  }
0x69: {  	_ =	shalt  }
0x6a: {  	_ =	shalt  }
0x6b: {  	_ =	shalt  }
0x6c: {  	_ =	shalt  }
0x6d: {  	_ =	shalt  }
0x6e: {  	_ =	shalt  }
0x6f: {  	_ =	shalt  }
0x70: {  	_ =	shalt  }
0x71: {  	_ =	shalt  }
0x72: {  	_ =	shalt  }
0x73: {  	_ =	shalt  }
0x74: {  	_ =	shalt  }
0x75: {  	_ =	shalt  }
0x76: {  	_ =	shalt  }
0x77: {  	_ =	shalt  }
0x78: {  	_ =	shalt  }
0x79: {  	_ =	shalt  }
0x7a: {  	_ =	shalt  }
0x7b: {  	_ =	shalt  }
0x7c: {  	_ =	shalt  }
0x7d: {  	_ =	shalt  }
0x7e: {  	_ =	shalt  }
0x7f: {  	_ =	shalt  }
0x80: {  	_ =	shalt  }
0x81: {  	_ =	shalt  }
0x82: {  	_ =	shalt  }
0x83: {  	_ =	shalt  }
0x84: {  	_ =	shalt  }
0x85: {  	_ =	shalt  }
0x86: {  	_ =	shalt  }
0x87: {  	_ =	shalt  }
.Lfunc_end0:
.L_simem_size_0:
called_computation.3_lowered:
.L_overlay_start_0:
0x88: {  	s2 =	sld [smem:$0x3FD9]  }
0x89: {  	s3 =	sld [smem:$0x3FFE];
	_ =	sdelay $0x1  }
0x8a: {  	s1 =	srdreg.scid  }
0x8b: {  	s0 =	sand.u32 $0x1, s1  }
0x8c: {  	s14 =	sshll.u32 s0, $0xA;
	s2 =	sadd.s32 s3, s2  }
0x8d: {  	s2 =	sadd.s32 s2, s14  }
0x8e: {  	[smem:$0x3FBA] =	sst s2  }
0x8f: {  	_ = 	snop  }
0x90: {  	s2 =	sld [smem:$0x3FD0];
	_ =	sdelay $0x2  }
0x91: {  	s15 =	simm.s32 $0xA;
	s4 =	simm.s32 $0x10  }
0x92: {  	[smem:s4], [sflag:s15] =	dma.local [hbm:s2], $0x1  }
0x93: {  	_ =	swait.eq [sflag:s15], $0x1  }
0x94: {  	[sflag:s15] =	ssyncset.done $0x0  }
0x95: {  	[sflag:s15] =	ssyncadd.s32 $0xFFFFFFFF  }
0x96: {  	s16 =	sld [smem:$0x11];
	(tm) =	ssettm $0x1  }
0x97: {  	s17 =	sld [smem:$0x3FFB];
	_ =	sdelay $0x3  }
0x98: {  	_ =	strace s17  }
0x99: {  	s3 =	sld [smem:$0x3FFC];
	_ =	sdelay $0x3  }
0x9a: {  	_ =	strace s3  }
0x9b: {  	s3 =	sld [smem:$0x3FFD];
	_ =	sdelay $0x3  }
0x9c: {  	_ =	strace s3  }
0x9d: {  	_ =	strace $0x8FFFFFFF  }
0x9e: {  	s18 =	sld [smem:$0x3FDB];
	_ =	sdelay $0x1  }
0x9f: {  	s19 =	simm.s32 $_scs_section_size  }
0xa0: {  	s5 =	simm.s32 $_size__tile_overlayer_lowered;
	s6 =	simm.s32 $_tile_overlayer_lowered  }
0xa1: {  	s22 =	simm.s32 $0x1BFF;
	s21 =	sshll.u32 s6, $0x1;
	s3 =	sadd.s32 s19, s18  }
0xa2: {  	s7 =	simm.s32 $0x0;
	s20 =	sshll.u32 s5, $0x1;
	s5 =	sadd.s32 s21, s3  }
0xa3: {  	[timem:s7], [sflag:s22] =	dma.local [hbm:s5], s20  }
0xa4: {  	_ =	swait.ge [sflag:s22], s20  }
0xa5: {  	s4 =	ssub.s32 $0x0, s20;
	[sflag:s22] =	ssyncset.done $0x0  }
0xa6: {  	[sflag:s22] =	ssyncadd.s32 s4;
	_ =	sdelay $0x1  }
0xa7: {  	s23 =	simm.s32 $0x1B8B  }
0xa8: {  	_ =	swait.ge [sflag:s23], $0x1  }
0xa9: {  	[sflag:s23] =	ssyncset.done $0x0  }
0xaa: {  	s25 =	simm.s32 $0x1B8E;
	s24 =	sld [smem:$0x3FFE];
	[sflag:s23] =	ssyncadd.s32 $0xFFFFFFFF  }
0xab: {  	s26 =	simm.s32 $execute0_lowered;
	[smem:$0x3FD2] =	sst s25  }
0xac: {  	s5 =	sshll.u32 s26, $0x1;
	_ =	strace $0x8000004F;
	[dreg:$0x1] =	wrdreg $0xFFFFFFFF  }
0xad: {  	s28 =	simm.s32 $_size_execute0_lowered;
	s3 =	sadd.s32 s3, s5;
	[dreg:$0x0] =	wrdreg $0x0  }
0xae: {  	s5 =	sshll.u32 s28, $0x1;
	[dreg:$0x2] =	wrdreg s3  }
0xaf: {  	[dreg:$0x3] =	wrdreg s5  }
0xb0: {  	[dreg:$0x4] =	wrdreg $0xC0  }
0xb1: {  	_ =	task [dreg:s7], $0x5FFFF  }
0xb2: {  	[dreg:$0x1] =	wrdreg $0xFFFFFFFF  }
0xb3: {  	[dreg:$0x0] =	wrdreg $0x60  }
0xb4: {  	[dreg:$0x2] =	wrdreg s24  }
0xb5: {  	[dreg:$0x3] =	wrdreg s16  }
0xb6: {  	[dreg:$0x4] =	wrdreg $0xA8000  }
0xb7: {  	[dreg:$0x5] =	wrdreg $0x9  }
0xb8: {  	_ =	task.clear_ibuf [dreg:s7], $0x6FFFF;
	_ =	strace $0x9000004F  }
0xb9: {  	s29 =	simm.s32 $0x9;
	_ =	strace $0x80000051  }
0xba: {  	_ =	swait.ge [sflag:s29], $0x1  }
0xbb: {  	[sflag:s29] =	ssyncadd.s32 $0xFFFFFFFF  }
0xbc: {  	_ =	strace $0x90000051  }
0xbd: {  	_ =	sfence  }
0xbe: {  	s30 =	sld [smem:$0x0];
	_ =	sdelay $0x2  }
0xbf: {  	s31 =	sshll.u32 s1, $0xD;
	s1 =	sshrl.u32 s1, $0x2  }
0xc0: {  	s3 =	sand.u32 $0x4000, s31;
	s1 =	sadd.s32 s1, s30  }
0xc1: {  	s0 =	sor.u32 s3, s0;
	s1 =	sshll.u32 s1, $0x11  }
0xc2: {  	s0 =	sor.u32 s1, s0  }
0xc3: {  	s0 =	sadd.s32 $0x8F2B, s0  }
0xc4: {  	[sflag:s0] =	ssyncadd.remote.s32 $0x1  }
0xc5: {  	_ =	sfence.sel $0xFFFF  }
0xc6: {  	[dreg:$0x0] =	wrdreg $0xFFFFFFFF;
	(pc) =	sbr.abs _section_cstart, $3  }
0xc7: {  	[dreg:$0x1] =	wrdreg $0xFFFFFFFF  }
0xc8: {  	_ =	task.clear_ibuf [dreg:s7], $0x2FFFF;
	_ =	strace $0x9FFFFFFF  }
0xc9: {  	(tm) =	ssettm $0x7FFFFFFF  }
tec
execute0_lowered:
.L_overlay_start_1:
0x0: {  	(tag) =	ssettag $0x1  }
0x1: {  	s5 =	rddreg [dreg:$0x0]  }
0x2: {  	s9 =	rddreg [dreg:$0x1]  }
0x3: {  	s1 =	rddreg [dreg:$0x2]  }
0x4: {  	s2 =	srdreg.scid;
	s0 =	rddreg [dreg:$0x3];
	s3 =	simm.s32 $0x0  }
0x5: {  	s14 =	simm.s32 $0x80;
	s15 =	simm.s32 $0x2800;
	s6 =	sand.u32 $0x1, s2  }
0x6: {  	s16 =	simm.s32 $0x1;
	s2 =	stileid.u32;
	s7 =	smul.u32 $0x14000, s6  }
0x7: {  	s17 =	simm.s32 $0x6800;
	s18 =	simm.s32 $0x2;
	s8 =	smul.u32 $0x1400, s2  }
0x8: {  	s19 =	simm.s32 $0x0;
	[smem:$0x7FF] =	sst s3;
	s26 =	smul.u32 $0x50000, s2  }
0x9: {  	s4 =	sadd.s32 $0x65200, s5;
	s10 =	ssub.s32 $0x2, s6;
	s6 =	smul.u32 $0x140000, s6  }
0xa: {  	_ =	strace $0x80000050;
	s12 =	smul.u32 $0x14000, s2;
	s28 =	sshrl.u32 s10, $0x1  }
0xb: {  	s30 =	sshll.u32 s2, $0x6;
	s7 =	sadd.s32 s8, s7;
	s10 =	ssub.s32 s10, s28  }
0xc: {  	s29 =	sshrl.u32 s26, $0x2;
	s31 =	sadd.s32 s12, s6;
	s6 =	sor.u32 $0x1C03, s30  }
0xd: {  	s7 =	sshrl.u32 s7, $0x3;
	s13 =	sadd.s32 s29, s1;
	s12 =	sshrl.u32 s31, $0x3  }
0xe: {  	s10 =	smax.u32 s10, $0x1;
	s11 =	sadd.s32 s7, s5;
	s5 =	sadd.s32 $0x62A00, s5  }
0xf: {  	s9 =	sadd.s32 s9, s12;
	s12 =	simm.s32 $0x3;
	s7 =	sadd.s32 $0x5DA00, s11  }
0x10: {  	s8 =	sadd.s32 $0x8A00, s11;
	s11 =	sshrl.u32 s13, $0x3;
	s13 =	simm.s32 $0x1400  }
.LBB2_1:
0x11: {  	[spmem:s11], [sflag:s6] =	dma.local [hbm:s5], $0x2800  }
0x12: {  	_ =	swait.ge [sflag:s12], $0x2800  }
0x13: {  	[sflag:s12] =	ssyncset.done $0x0  }
0x14: {  	[sflag:s12] =	ssyncadd.s32 $0xFFFFD800  }
0x15: {  	[tilespmem:s3], [sflag:$0x3] =	stream.linear.gather [hbm4b:s7+s3], $0x1400, $0x38;
	[tilespmem:$0x1E800] =	vst v63  }
0x16: {  	_ =	swait.ge [sflag:s12], $0x1400  }
0x17: {  	[sflag:s12] =	ssyncset.done $0x0  }
0x18: {  	[sflag:s12] =	ssyncadd.s32 $0xFFFFEC00  }
0x19: {  	[tilespmem:s13], [sflag:$0x3] =	stream.linear.gather [hbm4b:s8+s3], $0x1400, $0x38;
	[tilespmem:$0x1E800] =	vst v63  }
0x1a: {  	_ =	swait.ge [sflag:s12], $0x1400  }
0x1b: {  	[sflag:s12] =	ssyncset.done $0x0  }
0x1c: {  	[sflag:s12] =	ssyncadd.s32 $0xFFFFEC00  }
0x1d: {  	s20 =	simm.s32 $0x0;
	[bflag:$0x0] =	sbarrier.arrive $0xFFFF  }
0x1e: {  	[tilespmem:s15], [sflag:$0x1] =	stream.indirect.gather [hbm4b:s4+s14], $0x80, s20, s14, $0xb8;
	[tilespmem:$0x1E800] =	vst v63  }
0x1f: {  	_ =	swait.ge [sflag:s16], $0x4000  }
0x20: {  	[sflag:s16] =	ssyncset.done $0x0  }
0x21: {  	s26 =	simm.s32 $0x1400;
	[sflag:s16] =	ssyncadd.s32 $0xFFFFC000  }
0x22: {  	[spmem:s1] =	stream.indirect.scatter.add.f32 [tilespmem:s15], [sflag:$0x2], $0x80, s26, s14, $0xb8;
	[tilespmem:$0x1E800] =	vst v63  }
0x23: {  	s28 =	simm.s32 $0x80  }
0x24: {  	[tilespmem:s17], [sflag:$0x1] =	stream.indirect.gather [hbm4b:s4+s14], $0x80, s28, s14, $0xb8;
	[tilespmem:$0x1E800] =	vst v63  }
0x25: {  	_ =	swait.ge [sflag:s16], $0x4000  }
0x26: {  	[sflag:s16] =	ssyncset.done $0x0  }
0x27: {  	[sflag:s16] =	ssyncadd.s32 $0xFFFFC000  }
0x28: {  	_ =	swait.ge [sflag:s18], $0x4000  }
0x29: {  	[sflag:s18] =	ssyncset.done $0x0  }
0x2a: {  	s29 =	simm.s32 $0x1480;
	[sflag:s18] =	ssyncadd.s32 $0xFFFFC000  }
0x2b: {  	[spmem:s1] =	stream.indirect.scatter.add.f32 [tilespmem:s17], [sflag:$0x2], $0x80, s29, s14, $0xb8;
	[tilespmem:$0x1E800] =	vst v63  }
0x2c: {  	s30 =	simm.s32 $0x100  }
0x2d: {  	[tilespmem:s15], [sflag:$0x1] =	stream.indirect.gather [hbm4b:s4+s14], $0x80, s30, s14, $0xb8;
	[tilespmem:$0x1E800] =	vst v63  }
0x2e: {  	_ =	swait.ge [sflag:s16], $0x4000  }
0x2f: {  	[sflag:s16] =	ssyncset.done $0x0  }
0x30: {  	[sflag:s16] =	ssyncadd.s32 $0xFFFFC000  }
0x31: {  	_ =	swait.ge [sflag:s18], $0x4000  }
0x32: {  	[sflag:s18] =	ssyncset.done $0x0  }
0x33: {  	s31 =	simm.s32 $0x1500;
	[sflag:s18] =	ssyncadd.s32 $0xFFFFC000  }
0x34: {  	[spmem:s1] =	stream.indirect.scatter.add.f32 [tilespmem:s15], [sflag:$0x2], $0x80, s31, s14, $0xb8;
	[tilespmem:$0x1E800] =	vst v63  }
0x35: {  	s21 =	simm.s32 $0x180  }
0x36: {  	[tilespmem:s17], [sflag:$0x1] =	stream.indirect.gather [hbm4b:s4+s14], $0x80, s21, s14, $0xb8;
	[tilespmem:$0x1E800] =	vst v63  }
0x37: {  	_ =	swait.ge [sflag:s16], $0x4000  }
0x38: {  	[sflag:s16] =	ssyncset.done $0x0  }
0x39: {  	[sflag:s16] =	ssyncadd.s32 $0xFFFFC000  }
0x3a: {  	_ =	swait.ge [sflag:s18], $0x4000  }
0x3b: {  	[sflag:s18] =	ssyncset.done $0x0  }
0x3c: {  	s22 =	simm.s32 $0x1580;
	[sflag:s18] =	ssyncadd.s32 $0xFFFFC000  }
0x3d: {  	[spmem:s1] =	stream.indirect.scatter.add.f32 [tilespmem:s17], [sflag:$0x2], $0x80, s22, s14, $0xb8;
	[tilespmem:$0x1E800] =	vst v63  }
0x3e: {  	s23 =	simm.s32 $0x200  }
0x3f: {  	[tilespmem:s15], [sflag:$0x1] =	stream.indirect.gather [hbm4b:s4+s14], $0x80, s23, s14, $0xb8;
	[tilespmem:$0x1E800] =	vst v63  }
0x40: {  	_ =	swait.ge [sflag:s16], $0x4000  }
0x41: {  	[sflag:s16] =	ssyncset.done $0x0  }
0x42: {  	[sflag:s16] =	ssyncadd.s32 $0xFFFFC000  }
0x43: {  	_ =	swait.ge [sflag:s18], $0x4000  }
0x44: {  	[sflag:s18] =	ssyncset.done $0x0  }
0x45: {  	s24 =	simm.s32 $0x1600;
	[sflag:s18] =	ssyncadd.s32 $0xFFFFC000  }
0x46: {  	[spmem:s1] =	stream.indirect.scatter.add.f32 [tilespmem:s15], [sflag:$0x2], $0x80, s24, s14, $0xb8;
	[tilespmem:$0x1E800] =	vst v63  }
0x47: {  	s25 =	simm.s32 $0x280  }
0x48: {  	[tilespmem:s17], [sflag:$0x1] =	stream.indirect.gather [hbm4b:s4+s14], $0x80, s25, s14, $0xb8;
	[tilespmem:$0x1E800] =	vst v63  }
0x49: {  	_ =	swait.ge [sflag:s16], $0x4000  }
0x4a: {  	[sflag:s16] =	ssyncset.done $0x0  }
0x4b: {  	[sflag:s16] =	ssyncadd.s32 $0xFFFFC000  }
0x4c: {  	_ =	swait.ge [sflag:s18], $0x4000  }
0x4d: {  	[sflag:s18] =	ssyncset.done $0x0  }
0x4e: {  	s26 =	simm.s32 $0x1680;
	[sflag:s18] =	ssyncadd.s32 $0xFFFFC000  }
0x4f: {  	[spmem:s1] =	stream.indirect.scatter.add.f32 [tilespmem:s17], [sflag:$0x2], $0x80, s26, s14, $0xb8;
	[tilespmem:$0x1E800] =	vst v63  }
0x50: {  	s28 =	simm.s32 $0x300  }
0x51: {  	[tilespmem:s15], [sflag:$0x1] =	stream.indirect.gather [hbm4b:s4+s14], $0x80, s28, s14, $0xb8;
	[tilespmem:$0x1E800] =	vst v63  }
0x52: {  	_ =	swait.ge [sflag:s16], $0x4000  }
0x53: {  	[sflag:s16] =	ssyncset.done $0x0  }
0x54: {  	[sflag:s16] =	ssyncadd.s32 $0xFFFFC000  }
0x55: {  	_ =	swait.ge [sflag:s18], $0x4000  }
0x56: {  	[sflag:s18] =	ssyncset.done $0x0  }
0x57: {  	s29 =	simm.s32 $0x1700;
	[sflag:s18] =	ssyncadd.s32 $0xFFFFC000  }
0x58: {  	[spmem:s1] =	stream.indirect.scatter.add.f32 [tilespmem:s15], [sflag:$0x2], $0x80, s29, s14, $0xb8;
	[tilespmem:$0x1E800] =	vst v63  }
0x59: {  	s30 =	simm.s32 $0x380  }
0x5a: {  	[tilespmem:s17], [sflag:$0x1] =	stream.indirect.gather [hbm4b:s4+s14], $0x80, s30, s14, $0xb8;
	[tilespmem:$0x1E800] =	vst v63  }
0x5b: {  	_ =	swait.ge [sflag:s16], $0x4000  }
0x5c: {  	[sflag:s16] =	ssyncset.done $0x0  }
0x5d: {  	[sflag:s16] =	ssyncadd.s32 $0xFFFFC000  }
0x5e: {  	_ =	swait.ge [sflag:s18], $0x4000  }
0x5f: {  	[sflag:s18] =	ssyncset.done $0x0  }
0x60: {  	s31 =	simm.s32 $0x1780;
	[sflag:s18] =	ssyncadd.s32 $0xFFFFC000  }
0x61: {  	[spmem:s1] =	stream.indirect.scatter.add.f32 [tilespmem:s17], [sflag:$0x2], $0x80, s31, s14, $0xb8;
	[tilespmem:$0x1E800] =	vst v63  }
0x62: {  	_ =	swait.ge [sflag:s18], $0x4000  }
0x63: {  	s20 =	simm.s32 $0x1000;
	s23 =	simm.s32 $0x2000;
	[sflag:s18] =	ssyncset.done $0x0  }
.LBB2_2:
0x64: {  	s22 =	sshra.s32 s20, $0x2  }
0x65: {  	[sflag:s18] =	ssyncadd.s32 $0xFFFFC000;
	s20 =	smov.u32 s23;
	s21 =	sadd.s32 $0x1000, s23  }
0x66: {  	[tilespmem:s15], [sflag:$0x1] =	stream.indirect.gather [hbm4b:s4+s14], $0x80, s22, s14, $0xb8;
	[tilespmem:$0x1E800] =	vst v63  }
0x67: {  	p0 =	sne.s32 s23, $0x4000;
	_ =	swait.ge [sflag:s16], $0x4000  }
0x68: {  	[sflag:s16] =	ssyncset.done $0x0  }
0x69: {  	s23 =	sadd.s32 $0x1400, s22;
	[sflag:s16] =	ssyncadd.s32 $0xFFFFC000  }
0x6a: {  	[spmem:s1] =	stream.indirect.scatter.add.f32 [tilespmem:s15], [sflag:$0x2], $0x80, s23, s14, $0xb8;
	[tilespmem:$0x1E800] =	vst v63  }
0x6b: {  	s23 =	sadd.s32 $0x80, s22  }
0x6c: {  	[tilespmem:s17], [sflag:$0x1] =	stream.indirect.gather [hbm4b:s4+s14], $0x80, s23, s14, $0xb8;
	[tilespmem:$0x1E800] =	vst v63  }
0x6d: {  	_ =	swait.ge [sflag:s16], $0x4000  }
0x6e: {  	[sflag:s16] =	ssyncset.done $0x0  }
0x6f: {  	[sflag:s16] =	ssyncadd.s32 $0xFFFFC000  }
0x70: {  	_ =	swait.ge [sflag:s18], $0x4000  }
0x71: {  	[sflag:s18] =	ssyncset.done $0x0  }
0x72: {  	s23 =	sadd.s32 $0x1480, s22;
	[sflag:s18] =	ssyncadd.s32 $0xFFFFC000  }
0x73: {  	[spmem:s1] =	stream.indirect.scatter.add.f32 [tilespmem:s17], [sflag:$0x2], $0x80, s23, s14, $0xb8;
	[tilespmem:$0x1E800] =	vst v63  }
0x74: {  	s23 =	sadd.s32 $0x100, s22  }
0x75: {  	[tilespmem:s15], [sflag:$0x1] =	stream.indirect.gather [hbm4b:s4+s14], $0x80, s23, s14, $0xb8;
	[tilespmem:$0x1E800] =	vst v63  }
0x76: {  	_ =	swait.ge [sflag:s16], $0x4000  }
0x77: {  	[sflag:s16] =	ssyncset.done $0x0  }
0x78: {  	[sflag:s16] =	ssyncadd.s32 $0xFFFFC000  }
0x79: {  	_ =	swait.ge [sflag:s18], $0x4000  }
0x7a: {  	[sflag:s18] =	ssyncset.done $0x0  }
0x7b: {  	s23 =	sadd.s32 $0x1500, s22;
	[sflag:s18] =	ssyncadd.s32 $0xFFFFC000  }
0x7c: {  	[spmem:s1] =	stream.indirect.scatter.add.f32 [tilespmem:s15], [sflag:$0x2], $0x80, s23, s14, $0xb8;
	[tilespmem:$0x1E800] =	vst v63  }
0x7d: {  	s23 =	sadd.s32 $0x180, s22  }
0x7e: {  	[tilespmem:s17], [sflag:$0x1] =	stream.indirect.gather [hbm4b:s4+s14], $0x80, s23, s14, $0xb8;
	[tilespmem:$0x1E800] =	vst v63  }
0x7f: {  	_ =	swait.ge [sflag:s16], $0x4000  }
0x80: {  	[sflag:s16] =	ssyncset.done $0x0  }
0x81: {  	[sflag:s16] =	ssyncadd.s32 $0xFFFFC000  }
0x82: {  	_ =	swait.ge [sflag:s18], $0x4000  }
0x83: {  	[sflag:s18] =	ssyncset.done $0x0  }
0x84: {  	s23 =	sadd.s32 $0x1580, s22;
	[sflag:s18] =	ssyncadd.s32 $0xFFFFC000  }
0x85: {  	[spmem:s1] =	stream.indirect.scatter.add.f32 [tilespmem:s17], [sflag:$0x2], $0x80, s23, s14, $0xb8;
	[tilespmem:$0x1E800] =	vst v63  }
0x86: {  	s23 =	sadd.s32 $0x200, s22  }
0x87: {  	[tilespmem:s15], [sflag:$0x1] =	stream.indirect.gather [hbm4b:s4+s14], $0x80, s23, s14, $0xb8;
	[tilespmem:$0x1E800] =	vst v63  }
0x88: {  	_ =	swait.ge [sflag:s16], $0x4000  }
0x89: {  	[sflag:s16] =	ssyncset.done $0x0  }
0x8a: {  	[sflag:s16] =	ssyncadd.s32 $0xFFFFC000  }
0x8b: {  	_ =	swait.ge [sflag:s18], $0x4000  }
0x8c: {  	[sflag:s18] =	ssyncset.done $0x0  }
0x8d: {  	s23 =	sadd.s32 $0x1600, s22;
	[sflag:s18] =	ssyncadd.s32 $0xFFFFC000  }
0x8e: {  	[spmem:s1] =	stream.indirect.scatter.add.f32 [tilespmem:s15], [sflag:$0x2], $0x80, s23, s14, $0xb8;
	[tilespmem:$0x1E800] =	vst v63  }
0x8f: {  	s23 =	sadd.s32 $0x280, s22  }
0x90: {  	[tilespmem:s17], [sflag:$0x1] =	stream.indirect.gather [hbm4b:s4+s14], $0x80, s23, s14, $0xb8;
	[tilespmem:$0x1E800] =	vst v63  }
0x91: {  	_ =	swait.ge [sflag:s16], $0x4000  }
0x92: {  	[sflag:s16] =	ssyncset.done $0x0  }
0x93: {  	[sflag:s16] =	ssyncadd.s32 $0xFFFFC000  }
0x94: {  	_ =	swait.ge [sflag:s18], $0x4000  }
0x95: {  	[sflag:s18] =	ssyncset.done $0x0  }
0x96: {  	s23 =	sadd.s32 $0x1680, s22;
	[sflag:s18] =	ssyncadd.s32 $0xFFFFC000  }
0x97: {  	[spmem:s1] =	stream.indirect.scatter.add.f32 [tilespmem:s17], [sflag:$0x2], $0x80, s23, s14, $0xb8;
	[tilespmem:$0x1E800] =	vst v63  }
0x98: {  	s23 =	sadd.s32 $0x300, s22  }
0x99: {  	[tilespmem:s15], [sflag:$0x1] =	stream.indirect.gather [hbm4b:s4+s14], $0x80, s23, s14, $0xb8;
	[tilespmem:$0x1E800] =	vst v63  }
0x9a: {  	_ =	swait.ge [sflag:s16], $0x4000  }
0x9b: {  	[sflag:s16] =	ssyncset.done $0x0  }
0x9c: {  	[sflag:s16] =	ssyncadd.s32 $0xFFFFC000  }
0x9d: {  	_ =	swait.ge [sflag:s18], $0x4000  }
0x9e: {  	[sflag:s18] =	ssyncset.done $0x0  }
0x9f: {  	s23 =	sadd.s32 $0x1700, s22;
	[sflag:s18] =	ssyncadd.s32 $0xFFFFC000  }
0xa0: {  	[spmem:s1] =	stream.indirect.scatter.add.f32 [tilespmem:s15], [sflag:$0x2], $0x80, s23, s14, $0xb8;
	[tilespmem:$0x1E800] =	vst v63  }
0xa1: {  	s23 =	sadd.s32 $0x380, s22  }
0xa2: {  	[tilespmem:s17], [sflag:$0x1] =	stream.indirect.gather [hbm4b:s4+s14], $0x80, s23, s14, $0xb8;
	[tilespmem:$0x1E800] =	vst v63  }
0xa3: {  	_ =	swait.ge [sflag:s16], $0x4000  }
0xa4: {  	[sflag:s16] =	ssyncset.done $0x0  }
0xa5: {  	[sflag:s16] =	ssyncadd.s32 $0xFFFFC000  }
0xa6: {  	_ =	swait.ge [sflag:s18], $0x4000  }
.Ltmp0:
0xa7: {  	[sflag:s18] =	ssyncset.done $0x0;
	(pc) =	sbr.rel @p0 .LBB2_2-.Ltmp0, $4  }
0xa8: {  	s22 =	sadd.s32 $0x1780, s22;
	[sflag:s18] =	ssyncadd.s32 $0xFFFFC000  }
0xa9: {  	[spmem:s1] =	stream.indirect.scatter.add.f32 [tilespmem:s17], [sflag:$0x2], $0x80, s22, s14, $0xb8;
	[tilespmem:$0x1E800] =	vst v63  }
0xaa: {  	_ =	swait.ge [sflag:s18], $0x4000  }
0xab: {  	s23 =	smov.u32 s21;
	[sflag:s18] =	ssyncset.done $0x0  }
0xac: {  	s20 =	sshra.s32 s20, $0x2;
	[sflag:s18] =	ssyncadd.s32 $0xFFFFC000  }
0xad: {  	[tilespmem:s15], [sflag:$0x1] =	stream.indirect.gather [hbm4b:s4+s14], $0x80, s20, s14, $0xb8;
	[tilespmem:$0x1E800] =	vst v63  }
0xae: {  	_ =	swait.ge [sflag:s16], $0x4000  }
0xaf: {  	[sflag:s16] =	ssyncset.done $0x0  }
0xb0: {  	s21 =	sadd.s32 $0x1400, s20;
	[sflag:s16] =	ssyncadd.s32 $0xFFFFC000  }
0xb1: {  	[spmem:s1] =	stream.indirect.scatter.add.f32 [tilespmem:s15], [sflag:$0x2], $0x80, s21, s14, $0xb8;
	[tilespmem:$0x1E800] =	vst v63  }
0xb2: {  	s28 =	sadd.s32 $0x80, s20  }
0xb3: {  	[tilespmem:s17], [sflag:$0x1] =	stream.indirect.gather [hbm4b:s4+s14], $0x80, s28, s14, $0xb8;
	[tilespmem:$0x1E800] =	vst v63  }
0xb4: {  	_ =	swait.ge [sflag:s16], $0x4000  }
0xb5: {  	[sflag:s16] =	ssyncset.done $0x0  }
0xb6: {  	[sflag:s16] =	ssyncadd.s32 $0xFFFFC000  }
0xb7: {  	_ =	swait.ge [sflag:s18], $0x4000  }
0xb8: {  	[sflag:s18] =	ssyncset.done $0x0  }
0xb9: {  	s29 =	sadd.s32 $0x1480, s20;
	[sflag:s18] =	ssyncadd.s32 $0xFFFFC000  }
0xba: {  	[spmem:s1] =	stream.indirect.scatter.add.f32 [tilespmem:s17], [sflag:$0x2], $0x80, s29, s14, $0xb8;
	[tilespmem:$0x1E800] =	vst v63  }
0xbb: {  	s30 =	sadd.s32 $0x100, s20  }
0xbc: {  	[tilespmem:s15], [sflag:$0x1] =	stream.indirect.gather [hbm4b:s4+s14], $0x80, s30, s14, $0xb8;
	[tilespmem:$0x1E800] =	vst v63  }
0xbd: {  	_ =	swait.ge [sflag:s16], $0x4000  }
0xbe: {  	[sflag:s16] =	ssyncset.done $0x0  }
0xbf: {  	[sflag:s16] =	ssyncadd.s32 $0xFFFFC000  }
0xc0: {  	_ =	swait.ge [sflag:s18], $0x4000  }
0xc1: {  	[sflag:s18] =	ssyncset.done $0x0  }
0xc2: {  	s31 =	sadd.s32 $0x1500, s20;
	[sflag:s18] =	ssyncadd.s32 $0xFFFFC000  }
0xc3: {  	[spmem:s1] =	stream.indirect.scatter.add.f32 [tilespmem:s15], [sflag:$0x2], $0x80, s31, s14, $0xb8;
	[tilespmem:$0x1E800] =	vst v63  }
0xc4: {  	s22 =	sadd.s32 $0x180, s20  }
0xc5: {  	[tilespmem:s17], [sflag:$0x1] =	stream.indirect.gather [hbm4b:s4+s14], $0x80, s22, s14, $0xb8;
	[tilespmem:$0x1E800] =	vst v63  }
0xc6: {  	_ =	swait.ge [sflag:s16], $0x4000  }
0xc7: {  	[sflag:s16] =	ssyncset.done $0x0  }
0xc8: {  	[sflag:s16] =	ssyncadd.s32 $0xFFFFC000  }
0xc9: {  	_ =	swait.ge [sflag:s18], $0x4000  }
0xca: {  	[sflag:s18] =	ssyncset.done $0x0  }
0xcb: {  	s23 =	sadd.s32 $0x1580, s20;
	[sflag:s18] =	ssyncadd.s32 $0xFFFFC000  }
0xcc: {  	[spmem:s1] =	stream.indirect.scatter.add.f32 [tilespmem:s17], [sflag:$0x2], $0x80, s23, s14, $0xb8;
	[tilespmem:$0x1E800] =	vst v63  }
0xcd: {  	s24 =	sadd.s32 $0x200, s20  }
0xce: {  	[tilespmem:s15], [sflag:$0x1] =	stream.indirect.gather [hbm4b:s4+s14], $0x80, s24, s14, $0xb8;
	[tilespmem:$0x1E800] =	vst v63  }
0xcf: {  	_ =	swait.ge [sflag:s16], $0x4000  }
0xd0: {  	[sflag:s16] =	ssyncset.done $0x0  }
0xd1: {  	[sflag:s16] =	ssyncadd.s32 $0xFFFFC000  }
0xd2: {  	_ =	swait.ge [sflag:s18], $0x4000  }
0xd3: {  	[sflag:s18] =	ssyncset.done $0x0  }
0xd4: {  	s25 =	sadd.s32 $0x1600, s20;
	[sflag:s18] =	ssyncadd.s32 $0xFFFFC000  }
0xd5: {  	[spmem:s1] =	stream.indirect.scatter.add.f32 [tilespmem:s15], [sflag:$0x2], $0x80, s25, s14, $0xb8;
	[tilespmem:$0x1E800] =	vst v63  }
0xd6: {  	s26 =	sadd.s32 $0x280, s20  }
0xd7: {  	[tilespmem:s17], [sflag:$0x1] =	stream.indirect.gather [hbm4b:s4+s14], $0x80, s26, s14, $0xb8;
	[tilespmem:$0x1E800] =	vst v63  }
0xd8: {  	_ =	swait.ge [sflag:s16], $0x4000  }
0xd9: {  	[sflag:s16] =	ssyncset.done $0x0  }
0xda: {  	[sflag:s16] =	ssyncadd.s32 $0xFFFFC000  }
0xdb: {  	_ =	swait.ge [sflag:s18], $0x4000  }
0xdc: {  	[sflag:s18] =	ssyncset.done $0x0  }
0xdd: {  	s28 =	sadd.s32 $0x1680, s20;
	[sflag:s18] =	ssyncadd.s32 $0xFFFFC000  }
0xde: {  	[spmem:s1] =	stream.indirect.scatter.add.f32 [tilespmem:s17], [sflag:$0x2], $0x80, s28, s14, $0xb8;
	[tilespmem:$0x1E800] =	vst v63  }
0xdf: {  	s29 =	sadd.s32 $0x300, s20  }
0xe0: {  	[tilespmem:s15], [sflag:$0x1] =	stream.indirect.gather [hbm4b:s4+s14], $0x80, s29, s14, $0xb8;
	[tilespmem:$0x1E800] =	vst v63  }
0xe1: {  	_ =	swait.ge [sflag:s16], $0x4000  }
0xe2: {  	[sflag:s16] =	ssyncset.done $0x0  }
0xe3: {  	[sflag:s16] =	ssyncadd.s32 $0xFFFFC000  }
0xe4: {  	_ =	swait.ge [sflag:s18], $0x4000  }
0xe5: {  	[sflag:s18] =	ssyncset.done $0x0  }
0xe6: {  	s30 =	sadd.s32 $0x1700, s20;
	[sflag:s18] =	ssyncadd.s32 $0xFFFFC000  }
0xe7: {  	[spmem:s1] =	stream.indirect.scatter.add.f32 [tilespmem:s15], [sflag:$0x2], $0x80, s30, s14, $0xb8;
	[tilespmem:$0x1E800] =	vst v63  }
0xe8: {  	s31 =	sadd.s32 $0x380, s20  }
0xe9: {  	[tilespmem:s17], [sflag:$0x1] =	stream.indirect.gather [hbm4b:s4+s14], $0x80, s31, s14, $0xb8;
	[tilespmem:$0x1E800] =	vst v63  }
0xea: {  	_ =	swait.ge [sflag:s16], $0x4000  }
0xeb: {  	[sflag:s16] =	ssyncset.done $0x0  }
0xec: {  	[sflag:s16] =	ssyncadd.s32 $0xFFFFC000  }
0xed: {  	_ =	swait.ge [sflag:s18], $0x4000  }
0xee: {  	[sflag:s18] =	ssyncset.done $0x0  }
0xef: {  	s20 =	sadd.s32 $0x1780, s20;
	[sflag:s18] =	ssyncadd.s32 $0xFFFFC000  }
0xf0: {  	[spmem:s1] =	stream.indirect.scatter.add.f32 [tilespmem:s17], [sflag:$0x2], $0x80, s20, s14, $0xb8;
	[tilespmem:$0x1E800] =	vst v63  }
0xf1: {  	_ =	swait.ge [sflag:s18], $0x4000  }
0xf2: {  	s19 =	sadd.s32 $0x1, s19;
	[sflag:s18] =	ssyncset.done $0x0  }
0xf3: {  	p0 =	sne.s32 s19, s10;
	[sflag:s18] =	ssyncadd.s32 $0xFFFFC000  }
.Ltmp1:
0xf4: {  	[bflag:$0x0] =	sbarrier.arrive $0xFFFF;
	(pc) =	sbr.rel @p0 .LBB2_1-.Ltmp1, $4  }
0xf5: {  	[hbm:s9], [sflag:s6] =	dma.local [spmem:s11], $0x2800  }
0xf6: {  	_ =	swait.ge [sflag:s12], $0x2800  }
0xf7: {  	[sflag:s12] =	ssyncset.done $0x0  }
0xf8: {  	[sflag:s12] =	ssyncadd.s32 $0xFFFFD800  }
0xf9: {  	_ =	sfence.sel $0x180000  }
0xfa: {  	[bflag:$0x0] =	sbarrier.arrive $0xFFFF  }
0xfb: {  	p0 =	sne.s32 s2, $0x0;
	_ =	strace $0x90000050  }
0xfc: {  	s0 =	sadd.s32 @!p0 $0x100000, s0;
	[bflag:$0x2] =	sbarrier.arrive $0xFFFF  }
0xfd: {  	[sflag:s0] =	ssyncadd.tile.s32 @!p0 $0x1;
	_ =	shalt  }
.Lfunc_end2:
_tile_overlayer_lowered:
.L_overlay_start_2:
0xfe: {  	(tag) =	ssettag $0x2  }
0xff: {  	s0 =	rddreg [dreg:$0x0];
	s2 =	stileid.u32  }
0x100: {  	s1 =	rddreg [dreg:$0x1];
	p0 =	sne.s32 s2, $0x0  }
0x101: {  	s3 =	rddreg [dreg:$0x2];
	[bflag:$0x3] =	sbarrier.arrive $0xFFFF;
	s2 =	simm.s32 @!p0 $0x1C03  }
0x102: {  	[timem:s3], [sflag:s2] =	dma.local @!p0 [hbm:s0], s1  }
0x103: {  	s0 =	simm.s32 @!p0 $0x3  }
0x104: {  	_ =	swait.ge @!p0 [sflag:s0], s1  }
0x105: {  	s1 =	ssub.s32 @!p0 $0x0, s1;
	[sflag:s0] =	ssyncset.done @!p0 $0x0  }
0x106: {  	[sflag:s0] =	ssyncadd.s32 @!p0 s1  }
0x107: {  	[bflag:$0x3] =	sbarrier.arrive $0xFFFF  }
0x108: {  	_ =	shalt  }

// kernel: kernel.31.cloned.1.call-start
scs
__scs_entry_jumppad:
0x0: {  	(pc) =	sbr.rel $0x88, $3  }
0x1: {  	(tag) =	ssettag $0x0;
	lr =	simm.s32 $0x1  }
0x2: {  	[smem:$0x3F93] =	sst lr;
	_ =	strace $0xD0000000  }
0x3: {  	_ = 	snop  }
0x4: {  	_ = 	snop  }
0x5: {  	_ = 	snop  }
0x6: {  	_ = 	snop  }
0x7: {  	_ = 	snop  }
__scs_overlays_trampoline_lowered:
0x8: {  	[smem:$0x3FA2] =	sst s0  }
0x9: {  	[smem:$0x3FA3] =	sst s1  }
0xa: {  	[smem:$0x3FA4] =	sst s2  }
0xb: {  	[smem:$0x3FA5] =	sst s3  }
0xc: {  	[smem:$0x3FA6] =	sst s4  }
0xd: {  	[smem:$0x3FA7] =	sst s5  }
0xe: {  	[smem:$0x3FA8] =	sst s6  }
0xf: {  	[smem:$0x3FA9] =	sst s7  }
0x10: {  	[smem:$0x3FAA] =	sst s8  }
0x11: {  	[smem:$0x3FAB] =	sst s9;
	s0 =	simm.s32 @!p0 $0x0  }
0x12: {  	s1 =	sld [smem:$0x3F91];
	s0 =	simm.s32 @p0 $0x1  }
0x13: {  	[smem:$0x3FAC] =	sst s0;
	s0 =	simm.s32 @!p1 $0x0  }
0x14: {  	s2 =	sld [smem:$0x3F90];
	s0 =	simm.s32 @p1 $0x1  }
0x15: {  	[smem:$0x3FAD] =	sst s0;
	s0 =	simm.s32 @!p2 $0x0  }
0x16: {  	s3 =	sld [smem:$0x3FDB];
	s0 =	simm.s32 @p2 $0x1  }
0x17: {  	s4 =	simm.s32 $0x1BF5;
	[smem:$0x3FAF] =	sst s0  }
0x18: {  	s0 =	sld [smem:$0x3F92];
	_ =	swait.ge [sflag:s4], $0x0  }
0x19: {  	s7 =	sld [smem:$0x3F93]  }
0x1a: {  	s8 =	sadd.s32 $0xFFFFE003, lr  }
0x1b: {  	s9 =	sadd.s32 $0xFFFFFEF7, lr;
	s5 =	simm.s32 $0xFFFFFFFF;
	p2 =	slt.u32 s8, $0xFFFFF086  }
0x1c: {  	p1 =	slt.u32 s9, $0xF7A;
	s5 =	simm.s32 @!p2 $0x0  }
0x1d: {  	s5 =	simm.s32 @p1 $0x1;
	p0 =	seq.s32 s7, s2  }
0x1e: {  	s7 =	smul.u32 @!p0 $0xF7A, s2;
	p2 =	seq.s32 @!p0 s5, $0x0  }
0x1f: {  	s9 =	smul.u32 $0xF7A, s1;
	s8 =	simm.s32 @!p0 $0x1BF5;
	p2 =	por !p2, p0  }
0x20: {  	[sflag:s8] =	ssyncset.s32 @!p0 $0xFFFFF086;
	s6 =	sadd.s32 @!p0 s3, s7;
	s7 =	simm.s32 @!p0 $0x108  }
0x21: {  	s3 =	sadd.s32 s3, s9;
	s6 =	sadd.s32 @!p0 $0x88, s6;
	s7 =	simm.s32 @p2 $0x1082  }
0x22: {  	[simem:s7], [sflag:s8] =	dma.local @!p0 [hbm:s6], $0xF7A  }
0x23: {  	s9 =	sor.u32 $0xD0000000, s2;
	s6 =	simm.s32 $0x108;
	_ =	swait.ge @!p0 [sflag:s8], $0x0  }
0x24: {  	s3 =	sadd.s32 $0x88, s3;
	s6 =	simm.s32 @!p1 $0x1082;
	[sflag:s4] =	ssyncset.s32 $0xFFFFF086  }
0x25: {  	[simem:s6], [sflag:s4] =	dma.local [hbm:s3], $0xF7A  }
0x26: {  	[smem:$0x3F93] =	sst s1;
	(tag) =	ssettag s2;
	_ =	strace s9  }
0x27: {  	s1 =	sld [smem:$0x3FA3]  }
0x28: {  	s2 =	sld [smem:$0x3FA4]  }
0x29: {  	s4 =	sld [smem:$0x3FA6]  }
0x2a: {  	p0 =	seq.s32 s5, $0x0;
	s5 =	sld [smem:$0x3FA7]  }
0x2b: {  	s6 =	sld [smem:$0x3FA8]  }
0x2c: {  	s7 =	sld [smem:$0x3FA9]  }
0x2d: {  	s3 =	simm.s32 $0x108;
	s8 =	sld [smem:$0x3FAA]  }
0x2e: {  	s3 =	simm.s32 @!p0 $0x1082;
	s9 =	sld [smem:$0x3FAB]  }
0x2f: {  	lr =	sadd.s32 s0, s3;
	s0 =	sld [smem:$0x3FA2]  }
0x30: {  	s3 =	sld [smem:$0x3FA5]  }
0x31: {  	[smem:$0x3FAE] =	sst s10  }
0x32: {  	s10 =	sld [smem:$0x3FAC];
	_ =	sdelay $0x3  }
0x33: {  	p0 =	seq.s32 s10, $0x1;
	s10 =	sld [smem:$0x3FAE];
	_ =	sdelay $0x3  }
0x34: {  	[smem:$0x3FAE] =	sst s10  }
0x35: {  	s10 =	sld [smem:$0x3FAD];
	_ =	sdelay $0x3  }
0x36: {  	p1 =	seq.s32 s10, $0x1;
	s10 =	sld [smem:$0x3FAE];
	_ =	sdelay $0x3  }
0x37: {  	[smem:$0x3FAE] =	sst s10  }
0x38: {  	s10 =	sld [smem:$0x3FAF]  }
0x39: {  	_ = 	snop;
	(pc) =	sbr.ind lr, $3  }
0x3a: {  	_ = 	snop  }
0x3b: {  	_ = 	snop  }
0x3c: {  	p2 =	seq.s32 s10, $0x1;
	s10 =	sld [smem:$0x3FAE]  }
0x3d: {  	_ =	shalt  }
0x3e: {  	_ =	shalt  }
0x3f: {  	_ =	shalt  }
0x40: {  	_ =	shalt  }
0x41: {  	_ =	shalt  }
0x42: {  	_ =	shalt  }
0x43: {  	_ =	shalt  }
0x44: {  	_ =	shalt  }
0x45: {  	_ =	shalt  }
0x46: {  	_ =	shalt  }
0x47: {  	_ =	shalt  }
0x48: {  	_ =	shalt  }
0x49: {  	_ =	shalt  }
0x4a: {  	_ =	shalt  }
0x4b: {  	_ =	shalt  }
0x4c: {  	_ =	shalt  }
0x4d: {  	_ =	shalt  }
0x4e: {  	_ =	shalt  }
0x4f: {  	_ =	shalt  }
0x50: {  	_ =	shalt  }
0x51: {  	_ =	shalt  }
0x52: {  	_ =	shalt  }
0x53: {  	_ =	shalt  }
0x54: {  	_ =	shalt  }
0x55: {  	_ =	shalt  }
0x56: {  	_ =	shalt  }
0x57: {  	_ =	shalt  }
0x58: {  	_ =	shalt  }
0x59: {  	_ =	shalt  }
0x5a: {  	_ =	shalt  }
0x5b: {  	_ =	shalt  }
0x5c: {  	_ =	shalt  }
0x5d: {  	_ =	shalt  }
0x5e: {  	_ =	shalt  }
0x5f: {  	_ =	shalt  }
0x60: {  	_ =	shalt  }
0x61: {  	_ =	shalt  }
0x62: {  	_ =	shalt  }
0x63: {  	_ =	shalt  }
0x64: {  	_ =	shalt  }
0x65: {  	_ =	shalt  }
0x66: {  	_ =	shalt  }
0x67: {  	_ =	shalt  }
0x68: {  	_ =	shalt  }
0x69: {  	_ =	shalt  }
0x6a: {  	_ =	shalt  }
0x6b: {  	_ =	shalt  }
0x6c: {  	_ =	shalt  }
0x6d: {  	_ =	shalt  }
0x6e: {  	_ =	shalt  }
0x6f: {  	_ =	shalt  }
0x70: {  	_ =	shalt  }
0x71: {  	_ =	shalt  }
0x72: {  	_ =	shalt  }
0x73: {  	_ =	shalt  }
0x74: {  	_ =	shalt  }
0x75: {  	_ =	shalt  }
0x76: {  	_ =	shalt  }
0x77: {  	_ =	shalt  }
0x78: {  	_ =	shalt  }
0x79: {  	_ =	shalt  }
0x7a: {  	_ =	shalt  }
0x7b: {  	_ =	shalt  }
0x7c: {  	_ =	shalt  }
0x7d: {  	_ =	shalt  }
0x7e: {  	_ =	shalt  }
0x7f: {  	_ =	shalt  }
0x80: {  	_ =	shalt  }
0x81: {  	_ =	shalt  }
0x82: {  	_ =	shalt  }
0x83: {  	_ =	shalt  }
0x84: {  	_ =	shalt  }
0x85: {  	_ =	shalt  }
0x86: {  	_ =	shalt  }
0x87: {  	_ =	shalt  }
.Lfunc_end0:
.L_simem_size_0:
called_computation.4_lowered:
.L_overlay_start_0:
0x88: {  	s2 =	sld [smem:$0x3FD9]  }
0x89: {  	s3 =	sld [smem:$0x3FFE];
	_ =	sdelay $0x1  }
0x8a: {  	s1 =	srdreg.scid  }
0x8b: {  	s0 =	sand.u32 $0x1, s1  }
0x8c: {  	s14 =	sshll.u32 s0, $0xA;
	s2 =	sadd.s32 s3, s2  }
0x8d: {  	s2 =	sadd.s32 s2, s14  }
0x8e: {  	[smem:$0x3FBA] =	sst s2  }
0x8f: {  	_ = 	snop  }
0x90: {  	s2 =	sld [smem:$0x3FD0];
	_ =	sdelay $0x2  }
0x91: {  	s15 =	simm.s32 $0xA;
	s4 =	simm.s32 $0x10  }
0x92: {  	[smem:s4], [sflag:s15] =	dma.local [hbm:s2], $0x1  }
0x93: {  	_ =	swait.eq [sflag:s15], $0x1  }
0x94: {  	[sflag:s15] =	ssyncset.done $0x0  }
0x95: {  	[sflag:s15] =	ssyncadd.s32 $0xFFFFFFFF  }
0x96: {  	s16 =	sld [smem:$0x11];
	(tm) =	ssettm $0x1  }
0x97: {  	s17 =	sld [smem:$0x3FFB];
	_ =	sdelay $0x3  }
0x98: {  	_ =	strace s17  }
0x99: {  	s3 =	sld [smem:$0x3FFC];
	_ =	sdelay $0x3  }
0x9a: {  	_ =	strace s3  }
0x9b: {  	s3 =	sld [smem:$0x3FFD];
	_ =	sdelay $0x3  }
0x9c: {  	_ =	strace s3  }
0x9d: {  	_ =	strace $0x8FFFFFFF  }
0x9e: {  	s18 =	sld [smem:$0x3FDB];
	_ =	sdelay $0x1  }
0x9f: {  	s19 =	simm.s32 $_scs_section_size  }
0xa0: {  	s5 =	simm.s32 $_size__tile_overlayer_lowered;
	s6 =	simm.s32 $_tile_overlayer_lowered  }
0xa1: {  	s22 =	simm.s32 $0x1BFF;
	s21 =	sshll.u32 s6, $0x1;
	s3 =	sadd.s32 s19, s18  }
0xa2: {  	s7 =	simm.s32 $0x0;
	s20 =	sshll.u32 s5, $0x1;
	s5 =	sadd.s32 s21, s3  }
0xa3: {  	[timem:s7], [sflag:s22] =	dma.local [hbm:s5], s20  }
0xa4: {  	_ =	swait.ge [sflag:s22], s20  }
0xa5: {  	s4 =	ssub.s32 $0x0, s20;
	[sflag:s22] =	ssyncset.done $0x0  }
0xa6: {  	[sflag:s22] =	ssyncadd.s32 s4;
	_ =	sdelay $0x1  }
0xa7: {  	s23 =	simm.s32 $0x1B8B  }
0xa8: {  	_ =	swait.ge [sflag:s23], $0x1  }
0xa9: {  	[sflag:s23] =	ssyncset.done $0x0  }
0xaa: {  	s25 =	simm.s32 $0x1B8E;
	s24 =	sld [smem:$0x3FFE];
	[sflag:s23] =	ssyncadd.s32 $0xFFFFFFFF  }
0xab: {  	s26 =	simm.s32 $execute0_lowered;
	[smem:$0x3FD2] =	sst s25  }
0xac: {  	s5 =	sshll.u32 s26, $0x1;
	_ =	strace $0x80000052;
	[dreg:$0x1] =	wrdreg $0xFFFFFFFF  }
0xad: {  	s28 =	simm.s32 $_size_execute0_lowered;
	s3 =	sadd.s32 s3, s5;
	[dreg:$0x0] =	wrdreg $0x0  }
0xae: {  	s5 =	sshll.u32 s28, $0x1;
	[dreg:$0x2] =	wrdreg s3  }
0xaf: {  	[dreg:$0x3] =	wrdreg s5  }
0xb0: {  	[dreg:$0x4] =	wrdreg $0xC0  }
0xb1: {  	_ =	task [dreg:s7], $0x5FFFF  }
0xb2: {  	[dreg:$0x1] =	wrdreg $0xFFFFFFFF  }
0xb3: {  	[dreg:$0x0] =	wrdreg $0x60  }
0xb4: {  	[dreg:$0x2] =	wrdreg s24  }
0xb5: {  	[dreg:$0x3] =	wrdreg s16  }
0xb6: {  	[dreg:$0x4] =	wrdreg $0xA8000  }
0xb7: {  	[dreg:$0x5] =	wrdreg $0x9  }
0xb8: {  	_ =	task.clear_ibuf [dreg:s7], $0x6FFFF;
	_ =	strace $0x90000052  }
0xb9: {  	s29 =	simm.s32 $0x9;
	_ =	strace $0x80000054  }
0xba: {  	_ =	swait.ge [sflag:s29], $0x1  }
0xbb: {  	[sflag:s29] =	ssyncadd.s32 $0xFFFFFFFF  }
0xbc: {  	_ =	strace $0x90000054  }
0xbd: {  	_ =	sfence  }
0xbe: {  	s30 =	sld [smem:$0x0];
	_ =	sdelay $0x2  }
0xbf: {  	s31 =	sshll.u32 s1, $0xD;
	s1 =	sshrl.u32 s1, $0x2  }
0xc0: {  	s3 =	sand.u32 $0x4000, s31;
	s1 =	sadd.s32 s1, s30  }
0xc1: {  	s0 =	sor.u32 s3, s0;
	s1 =	sshll.u32 s1, $0x11  }
0xc2: {  	s0 =	sor.u32 s1, s0  }
0xc3: {  	s0 =	sadd.s32 $0x8F2B, s0  }
0xc4: {  	[sflag:s0] =	ssyncadd.remote.s32 $0x1  }
0xc5: {  	_ =	sfence.sel $0xFFFF  }
0xc6: {  	[dreg:$0x0] =	wrdreg $0xFFFFFFFF;
	(pc) =	sbr.abs _section_cstart, $3  }
0xc7: {  	[dreg:$0x1] =	wrdreg $0xFFFFFFFF  }
0xc8: {  	_ =	task.clear_ibuf [dreg:s7], $0x2FFFF;
	_ =	strace $0x9FFFFFFF  }
0xc9: {  	(tm) =	ssettm $0x7FFFFFFF  }
tec
execute0_lowered:
.L_overlay_start_1:
0x0: {  	(tag) =	ssettag $0x1  }
0x1: {  	s5 =	rddreg [dreg:$0x0]  }
0x2: {  	s9 =	rddreg [dreg:$0x1]  }
0x3: {  	s1 =	rddreg [dreg:$0x2]  }
0x4: {  	s2 =	srdreg.scid;
	s0 =	rddreg [dreg:$0x3];
	s3 =	simm.s32 $0x0  }
0x5: {  	s14 =	simm.s32 $0x80;
	s15 =	simm.s32 $0x2800;
	s6 =	sand.u32 $0x1, s2  }
0x6: {  	s16 =	simm.s32 $0x1;
	s2 =	stileid.u32;
	s7 =	smul.u32 $0x14000, s6  }
0x7: {  	s17 =	simm.s32 $0x6800;
	s18 =	simm.s32 $0x2;
	s8 =	smul.u32 $0x1400, s2  }
0x8: {  	s19 =	simm.s32 $0x0;
	[smem:$0x7FF] =	sst s3;
	s26 =	smul.u32 $0x50000, s2  }
0x9: {  	s4 =	sadd.s32 $0x65200, s5;
	s10 =	ssub.s32 $0x2, s6;
	s6 =	smul.u32 $0x140000, s6  }
0xa: {  	_ =	strace $0x80000053;
	s12 =	smul.u32 $0x14000, s2;
	s28 =	sshrl.u32 s10, $0x1  }
0xb: {  	s30 =	sshll.u32 s2, $0x6;
	s7 =	sadd.s32 s8, s7;
	s10 =	ssub.s32 s10, s28  }
0xc: {  	s29 =	sshrl.u32 s26, $0x2;
	s31 =	sadd.s32 s12, s6;
	s6 =	sor.u32 $0x1C03, s30  }
0xd: {  	s7 =	sshrl.u32 s7, $0x3;
	s13 =	sadd.s32 s29, s1;
	s12 =	sshrl.u32 s31, $0x3  }
0xe: {  	s10 =	smax.u32 s10, $0x1;
	s11 =	sadd.s32 s7, s5;
	s5 =	sadd.s32 $0x62A00, s5  }
0xf: {  	s9 =	sadd.s32 s9, s12;
	s12 =	simm.s32 $0x3;
	s7 =	sadd.s32 $0x5DA00, s11  }
0x10: {  	s8 =	sadd.s32 $0x8A00, s11;
	s11 =	sshrl.u32 s13, $0x3;
	s13 =	simm.s32 $0x1400  }
.LBB2_1:
0x11: {  	[spmem:s11], [sflag:s6] =	dma.local [hbm:s5], $0x2800  }
0x12: {  	_ =	swait.ge [sflag:s12], $0x2800  }
0x13: {  	[sflag:s12] =	ssyncset.done $0x0  }
0x14: {  	[sflag:s12] =	ssyncadd.s32 $0xFFFFD800  }
0x15: {  	[tilespmem:s3], [sflag:$0x3] =	stream.linear.gather [hbm4b:s7+s3], $0x1400, $0x38;
	[tilespmem:$0x1E800] =	vst v63  }
0x16: {  	_ =	swait.ge [sflag:s12], $0x1400  }
0x17: {  	[sflag:s12] =	ssyncset.done $0x0  }
0x18: {  	[sflag:s12] =	ssyncadd.s32 $0xFFFFEC00  }
0x19: {  	[tilespmem:s13], [sflag:$0x3] =	stream.linear.gather [hbm4b:s8+s3], $0x1400, $0x38;
	[tilespmem:$0x1E800] =	vst v63  }
0x1a: {  	_ =	swait.ge [sflag:s12], $0x1400  }
0x1b: {  	[sflag:s12] =	ssyncset.done $0x0  }
0x1c: {  	[sflag:s12] =	ssyncadd.s32 $0xFFFFEC00  }
0x1d: {  	s20 =	simm.s32 $0x0;
	[bflag:$0x0] =	sbarrier.arrive $0xFFFF  }
0x1e: {  	[tilespmem:s15], [sflag:$0x1] =	stream.indirect.gather [hbm4b:s4+s14], $0x80, s20, s14, $0xb8;
	[tilespmem:$0x1E800] =	vst v63  }
0x1f: {  	_ =	swait.ge [sflag:s16], $0x4000  }
0x20: {  	[sflag:s16] =	ssyncset.done $0x0  }
0x21: {  	s26 =	simm.s32 $0x1400;
	[sflag:s16] =	ssyncadd.s32 $0xFFFFC000  }
0x22: {  	[spmem:s1] =	stream.indirect.scatter.add.f32 [tilespmem:s15], [sflag:$0x2], $0x80, s26, s14, $0xb8;
	[tilespmem:$0x1E800] =	vst v63  }
0x23: {  	s28 =	simm.s32 $0x80  }
0x24: {  	[tilespmem:s17], [sflag:$0x1] =	stream.indirect.gather [hbm4b:s4+s14], $0x80, s28, s14, $0xb8;
	[tilespmem:$0x1E800] =	vst v63  }
0x25: {  	_ =	swait.ge [sflag:s16], $0x4000  }
0x26: {  	[sflag:s16] =	ssyncset.done $0x0  }
0x27: {  	[sflag:s16] =	ssyncadd.s32 $0xFFFFC000  }
0x28: {  	_ =	swait.ge [sflag:s18], $0x4000  }
0x29: {  	[sflag:s18] =	ssyncset.done $0x0  }
0x2a: {  	s29 =	simm.s32 $0x1480;
	[sflag:s18] =	ssyncadd.s32 $0xFFFFC000  }
0x2b: {  	[spmem:s1] =	stream.indirect.scatter.add.f32 [tilespmem:s17], [sflag:$0x2], $0x80, s29, s14, $0xb8;
	[tilespmem:$0x1E800] =	vst v63  }
0x2c: {  	s30 =	simm.s32 $0x100  }
0x2d: {  	[tilespmem:s15], [sflag:$0x1] =	stream.indirect.gather [hbm4b:s4+s14], $0x80, s30, s14, $0xb8;
	[tilespmem:$0x1E800] =	vst v63  }
0x2e: {  	_ =	swait.ge [sflag:s16], $0x4000  }
0x2f: {  	[sflag:s16] =	ssyncset.done $0x0  }
0x30: {  	[sflag:s16] =	ssyncadd.s32 $0xFFFFC000  }
0x31: {  	_ =	swait.ge [sflag:s18], $0x4000  }
0x32: {  	[sflag:s18] =	ssyncset.done $0x0  }
0x33: {  	s31 =	simm.s32 $0x1500;
	[sflag:s18] =	ssyncadd.s32 $0xFFFFC000  }
0x34: {  	[spmem:s1] =	stream.indirect.scatter.add.f32 [tilespmem:s15], [sflag:$0x2], $0x80, s31, s14, $0xb8;
	[tilespmem:$0x1E800] =	vst v63  }
0x35: {  	s21 =	simm.s32 $0x180  }
0x36: {  	[tilespmem:s17], [sflag:$0x1] =	stream.indirect.gather [hbm4b:s4+s14], $0x80, s21, s14, $0xb8;
	[tilespmem:$0x1E800] =	vst v63  }
0x37: {  	_ =	swait.ge [sflag:s16], $0x4000  }
0x38: {  	[sflag:s16] =	ssyncset.done $0x0  }
0x39: {  	[sflag:s16] =	ssyncadd.s32 $0xFFFFC000  }
0x3a: {  	_ =	swait.ge [sflag:s18], $0x4000  }
0x3b: {  	[sflag:s18] =	ssyncset.done $0x0  }
0x3c: {  	s22 =	simm.s32 $0x1580;
	[sflag:s18] =	ssyncadd.s32 $0xFFFFC000  }
0x3d: {  	[spmem:s1] =	stream.indirect.scatter.add.f32 [tilespmem:s17], [sflag:$0x2], $0x80, s22, s14, $0xb8;
	[tilespmem:$0x1E800] =	vst v63  }
0x3e: {  	s23 =	simm.s32 $0x200  }
0x3f: {  	[tilespmem:s15], [sflag:$0x1] =	stream.indirect.gather [hbm4b:s4+s14], $0x80, s23, s14, $0xb8;
	[tilespmem:$0x1E800] =	vst v63  }
0x40: {  	_ =	swait.ge [sflag:s16], $0x4000  }
0x41: {  	[sflag:s16] =	ssyncset.done $0x0  }
0x42: {  	[sflag:s16] =	ssyncadd.s32 $0xFFFFC000  }
0x43: {  	_ =	swait.ge [sflag:s18], $0x4000  }
0x44: {  	[sflag:s18] =	ssyncset.done $0x0  }
0x45: {  	s24 =	simm.s32 $0x1600;
	[sflag:s18] =	ssyncadd.s32 $0xFFFFC000  }
0x46: {  	[spmem:s1] =	stream.indirect.scatter.add.f32 [tilespmem:s15], [sflag:$0x2], $0x80, s24, s14, $0xb8;
	[tilespmem:$0x1E800] =	vst v63  }
0x47: {  	s25 =	simm.s32 $0x280  }
0x48: {  	[tilespmem:s17], [sflag:$0x1] =	stream.indirect.gather [hbm4b:s4+s14], $0x80, s25, s14, $0xb8;
	[tilespmem:$0x1E800] =	vst v63  }
0x49: {  	_ =	swait.ge [sflag:s16], $0x4000  }
0x4a: {  	[sflag:s16] =	ssyncset.done $0x0  }
0x4b: {  	[sflag:s16] =	ssyncadd.s32 $0xFFFFC000  }
0x4c: {  	_ =	swait.ge [sflag:s18], $0x4000  }
0x4d: {  	[sflag:s18] =	ssyncset.done $0x0  }
0x4e: {  	s26 =	simm.s32 $0x1680;
	[sflag:s18] =	ssyncadd.s32 $0xFFFFC000  }
0x4f: {  	[spmem:s1] =	stream.indirect.scatter.add.f32 [tilespmem:s17], [sflag:$0x2], $0x80, s26, s14, $0xb8;
	[tilespmem:$0x1E800] =	vst v63  }
0x50: {  	s28 =	simm.s32 $0x300  }
0x51: {  	[tilespmem:s15], [sflag:$0x1] =	stream.indirect.gather [hbm4b:s4+s14], $0x80, s28, s14, $0xb8;
	[tilespmem:$0x1E800] =	vst v63  }
0x52: {  	_ =	swait.ge [sflag:s16], $0x4000  }
0x53: {  	[sflag:s16] =	ssyncset.done $0x0  }
0x54: {  	[sflag:s16] =	ssyncadd.s32 $0xFFFFC000  }
0x55: {  	_ =	swait.ge [sflag:s18], $0x4000  }
0x56: {  	[sflag:s18] =	ssyncset.done $0x0  }
0x57: {  	s29 =	simm.s32 $0x1700;
	[sflag:s18] =	ssyncadd.s32 $0xFFFFC000  }
0x58: {  	[spmem:s1] =	stream.indirect.scatter.add.f32 [tilespmem:s15], [sflag:$0x2], $0x80, s29, s14, $0xb8;
	[tilespmem:$0x1E800] =	vst v63  }
0x59: {  	s30 =	simm.s32 $0x380  }
0x5a: {  	[tilespmem:s17], [sflag:$0x1] =	stream.indirect.gather [hbm4b:s4+s14], $0x80, s30, s14, $0xb8;
	[tilespmem:$0x1E800] =	vst v63  }
0x5b: {  	_ =	swait.ge [sflag:s16], $0x4000  }
0x5c: {  	[sflag:s16] =	ssyncset.done $0x0  }
0x5d: {  	[sflag:s16] =	ssyncadd.s32 $0xFFFFC000  }
0x5e: {  	_ =	swait.ge [sflag:s18], $0x4000  }
0x5f: {  	[sflag:s18] =	ssyncset.done $0x0  }
0x60: {  	s31 =	simm.s32 $0x1780;
	[sflag:s18] =	ssyncadd.s32 $0xFFFFC000  }
0x61: {  	[spmem:s1] =	stream.indirect.scatter.add.f32 [tilespmem:s17], [sflag:$0x2], $0x80, s31, s14, $0xb8;
	[tilespmem:$0x1E800] =	vst v63  }
0x62: {  	_ =	swait.ge [sflag:s18], $0x4000  }
0x63: {  	s20 =	simm.s32 $0x1000;
	s23 =	simm.s32 $0x2000;
	[sflag:s18] =	ssyncset.done $0x0  }
.LBB2_2:
0x64: {  	s22 =	sshra.s32 s20, $0x2  }
0x65: {  	[sflag:s18] =	ssyncadd.s32 $0xFFFFC000;
	s20 =	smov.u32 s23;
	s21 =	sadd.s32 $0x1000, s23  }
0x66: {  	[tilespmem:s15], [sflag:$0x1] =	stream.indirect.gather [hbm4b:s4+s14], $0x80, s22, s14, $0xb8;
	[tilespmem:$0x1E800] =	vst v63  }
0x67: {  	p0 =	sne.s32 s23, $0x4000;
	_ =	swait.ge [sflag:s16], $0x4000  }
0x68: {  	[sflag:s16] =	ssyncset.done $0x0  }
0x69: {  	s23 =	sadd.s32 $0x1400, s22;
	[sflag:s16] =	ssyncadd.s32 $0xFFFFC000  }
0x6a: {  	[spmem:s1] =	stream.indirect.scatter.add.f32 [tilespmem:s15], [sflag:$0x2], $0x80, s23, s14, $0xb8;
	[tilespmem:$0x1E800] =	vst v63  }
0x6b: {  	s23 =	sadd.s32 $0x80, s22  }
0x6c: {  	[tilespmem:s17], [sflag:$0x1] =	stream.indirect.gather [hbm4b:s4+s14], $0x80, s23, s14, $0xb8;
	[tilespmem:$0x1E800] =	vst v63  }
0x6d: {  	_ =	swait.ge [sflag:s16], $0x4000  }
0x6e: {  	[sflag:s16] =	ssyncset.done $0x0  }
0x6f: {  	[sflag:s16] =	ssyncadd.s32 $0xFFFFC000  }
0x70: {  	_ =	swait.ge [sflag:s18], $0x4000  }
0x71: {  	[sflag:s18] =	ssyncset.done $0x0  }
0x72: {  	s23 =	sadd.s32 $0x1480, s22;
	[sflag:s18] =	ssyncadd.s32 $0xFFFFC000  }
0x73: {  	[spmem:s1] =	stream.indirect.scatter.add.f32 [tilespmem:s17], [sflag:$0x2], $0x80, s23, s14, $0xb8;
	[tilespmem:$0x1E800] =	vst v63  }
0x74: {  	s23 =	sadd.s32 $0x100, s22  }
0x75: {  	[tilespmem:s15], [sflag:$0x1] =	stream.indirect.gather [hbm4b:s4+s14], $0x80, s23, s14, $0xb8;
	[tilespmem:$0x1E800] =	vst v63  }
0x76: {  	_ =	swait.ge [sflag:s16], $0x4000  }
0x77: {  	[sflag:s16] =	ssyncset.done $0x0  }
0x78: {  	[sflag:s16] =	ssyncadd.s32 $0xFFFFC000  }
0x79: {  	_ =	swait.ge [sflag:s18], $0x4000  }
0x7a: {  	[sflag:s18] =	ssyncset.done $0x0  }
0x7b: {  	s23 =	sadd.s32 $0x1500, s22;
	[sflag:s18] =	ssyncadd.s32 $0xFFFFC000  }
0x7c: {  	[spmem:s1] =	stream.indirect.scatter.add.f32 [tilespmem:s15], [sflag:$0x2], $0x80, s23, s14, $0xb8;
	[tilespmem:$0x1E800] =	vst v63  }
0x7d: {  	s23 =	sadd.s32 $0x180, s22  }
0x7e: {  	[tilespmem:s17], [sflag:$0x1] =	stream.indirect.gather [hbm4b:s4+s14], $0x80, s23, s14, $0xb8;
	[tilespmem:$0x1E800] =	vst v63  }
0x7f: {  	_ =	swait.ge [sflag:s16], $0x4000  }
0x80: {  	[sflag:s16] =	ssyncset.done $0x0  }
0x81: {  	[sflag:s16] =	ssyncadd.s32 $0xFFFFC000  }
0x82: {  	_ =	swait.ge [sflag:s18], $0x4000  }
0x83: {  	[sflag:s18] =	ssyncset.done $0x0  }
0x84: {  	s23 =	sadd.s32 $0x1580, s22;
	[sflag:s18] =	ssyncadd.s32 $0xFFFFC000  }
0x85: {  	[spmem:s1] =	stream.indirect.scatter.add.f32 [tilespmem:s17], [sflag:$0x2], $0x80, s23, s14, $0xb8;
	[tilespmem:$0x1E800] =	vst v63  }
0x86: {  	s23 =	sadd.s32 $0x200, s22  }
0x87: {  	[tilespmem:s15], [sflag:$0x1] =	stream.indirect.gather [hbm4b:s4+s14], $0x80, s23, s14, $0xb8;
	[tilespmem:$0x1E800] =	vst v63  }
0x88: {  	_ =	swait.ge [sflag:s16], $0x4000  }
0x89: {  	[sflag:s16] =	ssyncset.done $0x0  }
0x8a: {  	[sflag:s16] =	ssyncadd.s32 $0xFFFFC000  }
0x8b: {  	_ =	swait.ge [sflag:s18], $0x4000  }
0x8c: {  	[sflag:s18] =	ssyncset.done $0x0  }
0x8d: {  	s23 =	sadd.s32 $0x1600, s22;
	[sflag:s18] =	ssyncadd.s32 $0xFFFFC000  }
0x8e: {  	[spmem:s1] =	stream.indirect.scatter.add.f32 [tilespmem:s15], [sflag:$0x2], $0x80, s23, s14, $0xb8;
	[tilespmem:$0x1E800] =	vst v63  }
0x8f: {  	s23 =	sadd.s32 $0x280, s22  }
0x90: {  	[tilespmem:s17], [sflag:$0x1] =	stream.indirect.gather [hbm4b:s4+s14], $0x80, s23, s14, $0xb8;
	[tilespmem:$0x1E800] =	vst v63  }
0x91: {  	_ =	swait.ge [sflag:s16], $0x4000  }
0x92: {  	[sflag:s16] =	ssyncset.done $0x0  }
0x93: {  	[sflag:s16] =	ssyncadd.s32 $0xFFFFC000  }
0x94: {  	_ =	swait.ge [sflag:s18], $0x4000  }
0x95: {  	[sflag:s18] =	ssyncset.done $0x0  }
0x96: {  	s23 =	sadd.s32 $0x1680, s22;
	[sflag:s18] =	ssyncadd.s32 $0xFFFFC000  }
0x97: {  	[spmem:s1] =	stream.indirect.scatter.add.f32 [tilespmem:s17], [sflag:$0x2], $0x80, s23, s14, $0xb8;
	[tilespmem:$0x1E800] =	vst v63  }
0x98: {  	s23 =	sadd.s32 $0x300, s22  }
0x99: {  	[tilespmem:s15], [sflag:$0x1] =	stream.indirect.gather [hbm4b:s4+s14], $0x80, s23, s14, $0xb8;
	[tilespmem:$0x1E800] =	vst v63  }
0x9a: {  	_ =	swait.ge [sflag:s16], $0x4000  }
0x9b: {  	[sflag:s16] =	ssyncset.done $0x0  }
0x9c: {  	[sflag:s16] =	ssyncadd.s32 $0xFFFFC000  }
0x9d: {  	_ =	swait.ge [sflag:s18], $0x4000  }
0x9e: {  	[sflag:s18] =	ssyncset.done $0x0  }
0x9f: {  	s23 =	sadd.s32 $0x1700, s22;
	[sflag:s18] =	ssyncadd.s32 $0xFFFFC000  }
0xa0: {  	[spmem:s1] =	stream.indirect.scatter.add.f32 [tilespmem:s15], [sflag:$0x2], $0x80, s23, s14, $0xb8;
	[tilespmem:$0x1E800] =	vst v63  }
0xa1: {  	s23 =	sadd.s32 $0x380, s22  }
0xa2: {  	[tilespmem:s17], [sflag:$0x1] =	stream.indirect.gather [hbm4b:s4+s14], $0x80, s23, s14, $0xb8;
	[tilespmem:$0x1E800] =	vst v63  }
0xa3: {  	_ =	swait.ge [sflag:s16], $0x4000  }
0xa4: {  	[sflag:s16] =	ssyncset.done $0x0  }
0xa5: {  	[sflag:s16] =	ssyncadd.s32 $0xFFFFC000  }
0xa6: {  	_ =	swait.ge [sflag:s18], $0x4000  }
.Ltmp0:
0xa7: {  	[sflag:s18] =	ssyncset.done $0x0;
	(pc) =	sbr.rel @p0 .LBB2_2-.Ltmp0, $4  }
0xa8: {  	s22 =	sadd.s32 $0x1780, s22;
	[sflag:s18] =	ssyncadd.s32 $0xFFFFC000  }
0xa9: {  	[spmem:s1] =	stream.indirect.scatter.add.f32 [tilespmem:s17], [sflag:$0x2], $0x80, s22, s14, $0xb8;
	[tilespmem:$0x1E800] =	vst v63  }
0xaa: {  	_ =	swait.ge [sflag:s18], $0x4000  }
0xab: {  	s23 =	smov.u32 s21;
	[sflag:s18] =	ssyncset.done $0x0  }
0xac: {  	s20 =	sshra.s32 s20, $0x2;
	[sflag:s18] =	ssyncadd.s32 $0xFFFFC000  }
0xad: {  	[tilespmem:s15], [sflag:$0x1] =	stream.indirect.gather [hbm4b:s4+s14], $0x80, s20, s14, $0xb8;
	[tilespmem:$0x1E800] =	vst v63  }
0xae: {  	_ =	swait.ge [sflag:s16], $0x4000  }
0xaf: {  	[sflag:s16] =	ssyncset.done $0x0  }
0xb0: {  	s21 =	sadd.s32 $0x1400, s20;
	[sflag:s16] =	ssyncadd.s32 $0xFFFFC000  }
0xb1: {  	[spmem:s1] =	stream.indirect.scatter.add.f32 [tilespmem:s15], [sflag:$0x2], $0x80, s21, s14, $0xb8;
	[tilespmem:$0x1E800] =	vst v63  }
0xb2: {  	s28 =	sadd.s32 $0x80, s20  }
0xb3: {  	[tilespmem:s17], [sflag:$0x1] =	stream.indirect.gather [hbm4b:s4+s14], $0x80, s28, s14, $0xb8;
	[tilespmem:$0x1E800] =	vst v63  }
0xb4: {  	_ =	swait.ge [sflag:s16], $0x4000  }
0xb5: {  	[sflag:s16] =	ssyncset.done $0x0  }
0xb6: {  	[sflag:s16] =	ssyncadd.s32 $0xFFFFC000  }
0xb7: {  	_ =	swait.ge [sflag:s18], $0x4000  }
0xb8: {  	[sflag:s18] =	ssyncset.done $0x0  }
0xb9: {  	s29 =	sadd.s32 $0x1480, s20;
	[sflag:s18] =	ssyncadd.s32 $0xFFFFC000  }
0xba: {  	[spmem:s1] =	stream.indirect.scatter.add.f32 [tilespmem:s17], [sflag:$0x2], $0x80, s29, s14, $0xb8;
	[tilespmem:$0x1E800] =	vst v63  }
0xbb: {  	s30 =	sadd.s32 $0x100, s20  }
0xbc: {  	[tilespmem:s15], [sflag:$0x1] =	stream.indirect.gather [hbm4b:s4+s14], $0x80, s30, s14, $0xb8;
	[tilespmem:$0x1E800] =	vst v63  }
0xbd: {  	_ =	swait.ge [sflag:s16], $0x4000  }
0xbe: {  	[sflag:s16] =	ssyncset.done $0x0  }
0xbf: {  	[sflag:s16] =	ssyncadd.s32 $0xFFFFC000  }
0xc0: {  	_ =	swait.ge [sflag:s18], $0x4000  }
0xc1: {  	[sflag:s18] =	ssyncset.done $0x0  }
0xc2: {  	s31 =	sadd.s32 $0x1500, s20;
	[sflag:s18] =	ssyncadd.s32 $0xFFFFC000  }
0xc3: {  	[spmem:s1] =	stream.indirect.scatter.add.f32 [tilespmem:s15], [sflag:$0x2], $0x80, s31, s14, $0xb8;
	[tilespmem:$0x1E800] =	vst v63  }
0xc4: {  	s22 =	sadd.s32 $0x180, s20  }
0xc5: {  	[tilespmem:s17], [sflag:$0x1] =	stream.indirect.gather [hbm4b:s4+s14], $0x80, s22, s14, $0xb8;
	[tilespmem:$0x1E800] =	vst v63  }
0xc6: {  	_ =	swait.ge [sflag:s16], $0x4000  }
0xc7: {  	[sflag:s16] =	ssyncset.done $0x0  }
0xc8: {  	[sflag:s16] =	ssyncadd.s32 $0xFFFFC000  }
0xc9: {  	_ =	swait.ge [sflag:s18], $0x4000  }
0xca: {  	[sflag:s18] =	ssyncset.done $0x0  }
0xcb: {  	s23 =	sadd.s32 $0x1580, s20;
	[sflag:s18] =	ssyncadd.s32 $0xFFFFC000  }
0xcc: {  	[spmem:s1] =	stream.indirect.scatter.add.f32 [tilespmem:s17], [sflag:$0x2], $0x80, s23, s14, $0xb8;
	[tilespmem:$0x1E800] =	vst v63  }
0xcd: {  	s24 =	sadd.s32 $0x200, s20  }
0xce: {  	[tilespmem:s15], [sflag:$0x1] =	stream.indirect.gather [hbm4b:s4+s14], $0x80, s24, s14, $0xb8;
	[tilespmem:$0x1E800] =	vst v63  }
0xcf: {  	_ =	swait.ge [sflag:s16], $0x4000  }
0xd0: {  	[sflag:s16] =	ssyncset.done $0x0  }
0xd1: {  	[sflag:s16] =	ssyncadd.s32 $0xFFFFC000  }
0xd2: {  	_ =	swait.ge [sflag:s18], $0x4000  }
0xd3: {  	[sflag:s18] =	ssyncset.done $0x0  }
0xd4: {  	s25 =	sadd.s32 $0x1600, s20;
	[sflag:s18] =	ssyncadd.s32 $0xFFFFC000  }
0xd5: {  	[spmem:s1] =	stream.indirect.scatter.add.f32 [tilespmem:s15], [sflag:$0x2], $0x80, s25, s14, $0xb8;
	[tilespmem:$0x1E800] =	vst v63  }
0xd6: {  	s26 =	sadd.s32 $0x280, s20  }
0xd7: {  	[tilespmem:s17], [sflag:$0x1] =	stream.indirect.gather [hbm4b:s4+s14], $0x80, s26, s14, $0xb8;
	[tilespmem:$0x1E800] =	vst v63  }
0xd8: {  	_ =	swait.ge [sflag:s16], $0x4000  }
0xd9: {  	[sflag:s16] =	ssyncset.done $0x0  }
0xda: {  	[sflag:s16] =	ssyncadd.s32 $0xFFFFC000  }
0xdb: {  	_ =	swait.ge [sflag:s18], $0x4000  }
0xdc: {  	[sflag:s18] =	ssyncset.done $0x0  }
0xdd: {  	s28 =	sadd.s32 $0x1680, s20;
	[sflag:s18] =	ssyncadd.s32 $0xFFFFC000  }
0xde: {  	[spmem:s1] =	stream.indirect.scatter.add.f32 [tilespmem:s17], [sflag:$0x2], $0x80, s28, s14, $0xb8;
	[tilespmem:$0x1E800] =	vst v63  }
0xdf: {  	s29 =	sadd.s32 $0x300, s20  }
0xe0: {  	[tilespmem:s15], [sflag:$0x1] =	stream.indirect.gather [hbm4b:s4+s14], $0x80, s29, s14, $0xb8;
	[tilespmem:$0x1E800] =	vst v63  }
0xe1: {  	_ =	swait.ge [sflag:s16], $0x4000  }
0xe2: {  	[sflag:s16] =	ssyncset.done $0x0  }
0xe3: {  	[sflag:s16] =	ssyncadd.s32 $0xFFFFC000  }
0xe4: {  	_ =	swait.ge [sflag:s18], $0x4000  }
0xe5: {  	[sflag:s18] =	ssyncset.done $0x0  }
0xe6: {  	s30 =	sadd.s32 $0x1700, s20;
	[sflag:s18] =	ssyncadd.s32 $0xFFFFC000  }
0xe7: {  	[spmem:s1] =	stream.indirect.scatter.add.f32 [tilespmem:s15], [sflag:$0x2], $0x80, s30, s14, $0xb8;
	[tilespmem:$0x1E800] =	vst v63  }
0xe8: {  	s31 =	sadd.s32 $0x380, s20  }
0xe9: {  	[tilespmem:s17], [sflag:$0x1] =	stream.indirect.gather [hbm4b:s4+s14], $0x80, s31, s14, $0xb8;
	[tilespmem:$0x1E800] =	vst v63  }
0xea: {  	_ =	swait.ge [sflag:s16], $0x4000  }
0xeb: {  	[sflag:s16] =	ssyncset.done $0x0  }
0xec: {  	[sflag:s16] =	ssyncadd.s32 $0xFFFFC000  }
0xed: {  	_ =	swait.ge [sflag:s18], $0x4000  }
0xee: {  	[sflag:s18] =	ssyncset.done $0x0  }
0xef: {  	s20 =	sadd.s32 $0x1780, s20;
	[sflag:s18] =	ssyncadd.s32 $0xFFFFC000  }
0xf0: {  	[spmem:s1] =	stream.indirect.scatter.add.f32 [tilespmem:s17], [sflag:$0x2], $0x80, s20, s14, $0xb8;
	[tilespmem:$0x1E800] =	vst v63  }
0xf1: {  	_ =	swait.ge [sflag:s18], $0x4000  }
0xf2: {  	s19 =	sadd.s32 $0x1, s19;
	[sflag:s18] =	ssyncset.done $0x0  }
0xf3: {  	p0 =	sne.s32 s19, s10;
	[sflag:s18] =	ssyncadd.s32 $0xFFFFC000  }
.Ltmp1:
0xf4: {  	[bflag:$0x0] =	sbarrier.arrive $0xFFFF;
	(pc) =	sbr.rel @p0 .LBB2_1-.Ltmp1, $4  }
0xf5: {  	[hbm:s9], [sflag:s6] =	dma.local [spmem:s11], $0x2800  }
0xf6: {  	_ =	swait.ge [sflag:s12], $0x2800  }
0xf7: {  	[sflag:s12] =	ssyncset.done $0x0  }
0xf8: {  	[sflag:s12] =	ssyncadd.s32 $0xFFFFD800  }
0xf9: {  	_ =	sfence.sel $0x180000  }
0xfa: {  	[bflag:$0x0] =	sbarrier.arrive $0xFFFF  }
0xfb: {  	p0 =	sne.s32 s2, $0x0;
	_ =	strace $0x90000053  }
0xfc: {  	s0 =	sadd.s32 @!p0 $0x100000, s0;
	[bflag:$0x2] =	sbarrier.arrive $0xFFFF  }
0xfd: {  	[sflag:s0] =	ssyncadd.tile.s32 @!p0 $0x1;
	_ =	shalt  }
.Lfunc_end2:
_tile_overlayer_lowered:
.L_overlay_start_2:
0xfe: {  	(tag) =	ssettag $0x2  }
0xff: {  	s0 =	rddreg [dreg:$0x0];
	s2 =	stileid.u32  }
0x100: {  	s1 =	rddreg [dreg:$0x1];
	p0 =	sne.s32 s2, $0x0  }
0x101: {  	s3 =	rddreg [dreg:$0x2];
	[bflag:$0x3] =	sbarrier.arrive $0xFFFF;
	s2 =	simm.s32 @!p0 $0x1C03  }
0x102: {  	[timem:s3], [sflag:s2] =	dma.local @!p0 [hbm:s0], s1  }
0x103: {  	s0 =	simm.s32 @!p0 $0x3  }
0x104: {  	_ =	swait.ge @!p0 [sflag:s0], s1  }
0x105: {  	s1 =	ssub.s32 @!p0 $0x0, s1;
	[sflag:s0] =	ssyncset.done @!p0 $0x0  }
0x106: {  	[sflag:s0] =	ssyncadd.s32 @!p0 s1  }
0x107: {  	[bflag:$0x3] =	sbarrier.arrive $0xFFFF  }
0x108: {  	_ =	shalt  }

</sc_bundles>
